<compile_context>
chip_gen: v7x
topology: tpu7x:2x2x1
jax: 0.10.2.dev20260603
libtpu: 0.0.44.dev20260713+nightly
codegen_flags: <defaults>
</compile_context>

<pallas_src>
import jax
import jax.numpy as jnp
from jax import lax
from jax.experimental import pallas as pl
from jax.experimental.pallas import tpu as pltpu
from jax.experimental.pallas import tpu_sc as plsc

N = 10000
E = 320000
D = 128
H = 64
O = 6
G = 16

NC = 2
NS = 16
NW = NC * NS
CHUNK = 128

NCH = 80
CE = NCH * CHUNK
EP = NW * CE
DB = 16

NACC = 10240
RPT = NACC // NS
DUMMY = N

_mesh = plsc.VectorSubcoreMesh(core_axis_name="c", subcore_axis_name="s")
_sc_params = pltpu.CompilerParams(use_tc_tiling_on_sc=False)


def _sc_degree_body(dst2_hbm, ones_hbm, zeros_hbm, out_hbm,
                    acc_sh, didx_v, ones_v, zbuf_v, dsem):
    c = lax.axis_index("c")
    s = lax.axis_index("s")
    wid = c * NS + s
    pltpu.sync_copy(zeros_hbm, zbuf_v)
    pltpu.sync_copy(zbuf_v, acc_sh.at[pl.ds(s * RPT, RPT)])
    pltpu.sync_copy(dst2_hbm.at[pl.ds(wid * NCH, NCH)], didx_v)
    pltpu.sync_copy(ones_hbm, ones_v)
    plsc.subcore_barrier()

    def step(k, carry):
        for j in range(DB):
            pltpu.async_copy(ones_v, acc_sh.at[didx_v.at[DB * k + j]], dsem,
                             add=True)
        for j in range(DB):
            pltpu.make_async_copy(ones_v, acc_sh.at[didx_v.at[DB * k + j]],
                                  dsem).wait()
        return carry

    lax.fori_loop(0, NCH // DB, step, 0)
    plsc.subcore_barrier()
    pltpu.sync_copy(acc_sh.at[pl.ds(s * RPT, RPT)], zbuf_v)
    pltpu.sync_copy(zbuf_v, out_hbm.at[pl.ds(c * NACC + s * RPT, RPT)])


_sc_degree = pl.kernel(
    _sc_degree_body,
    out_type=jax.ShapeDtypeStruct((NC * NACC, 16), jnp.float32),
    mesh=_mesh,
    compiler_params=_sc_params,
    scratch_types=[
        pltpu.VMEM_SHARED((NACC, 16), jnp.float32),
        pltpu.VMEM((NCH, CHUNK), jnp.int32),
        pltpu.VMEM((CHUNK, 16), jnp.float32),
        pltpu.VMEM((RPT, 16), jnp.float32),
        pltpu.SemaphoreType.DMA,
    ],
)


def _sc_agg_body(hs_hbm, src2_hbm, dst2_hbm, zeros_hbm, out_hbm,
                 acc_sh, sidx_v, didx_v, rows0, rows1, rows2, rows3,
                 rows4, rows5, rows6, rows7,
                 g0, g1, g2, g3, g4, g5, g6, g7,
                 s0, s1, s2, s3, s4, s5, s6, s7):
    c = lax.axis_index("c")
    s = lax.axis_index("s")
    wid = c * NS + s
    pltpu.sync_copy(zeros_hbm, rows0)
    for i in range(RPT // CHUNK):
        pltpu.async_copy(rows0, acc_sh.at[pl.ds(s * RPT + i * CHUNK, CHUNK)],
                         g0)
    pltpu.sync_copy(src2_hbm.at[pl.ds(wid * NCH, NCH)], sidx_v)
    pltpu.sync_copy(dst2_hbm.at[pl.ds(wid * NCH, NCH)], didx_v)
    for i in range(RPT // CHUNK):
        pltpu.make_async_copy(rows0,
                              acc_sh.at[pl.ds(s * RPT + i * CHUNK, CHUNK)],
                              g0).wait()
    plsc.subcore_barrier()

    rows = (rows0, rows1, rows2, rows3, rows4, rows5, rows6, rows7)
    gsem = (g0, g1, g2, g3, g4, g5, g6, g7)
    ssem = (s0, s1, s2, s3, s4, s5, s6, s7)
    NB = 8
    HB = NB // 2

    def gather(ch, b):
        pltpu.async_copy(hs_hbm.at[sidx_v.at[ch]], rows[b], gsem[b])

    def gwait(ch, b):
        pltpu.make_async_copy(hs_hbm.at[sidx_v.at[ch]], rows[b], gsem[b]).wait()

    def scat(ch, b):
        pltpu.async_copy(rows[b], acc_sh.at[didx_v.at[ch]], ssem[b], add=True)

    def swait(ch, b):
        pltpu.make_async_copy(rows[b], acc_sh.at[didx_v.at[ch]], ssem[b]).wait()

    for j in range(HB):
        gather(j, j)
    for j in range(HB):
        gwait(j, j)
        scat(j, j)
        gather(j + HB, j + HB)

    def step(k, carry):
        for j in range(NB):
            ch = HB + NB * k + j
            b = (j + HB) % NB
            b2 = j % NB
            gwait(ch, b)
            scat(ch, b)
            swait(ch - HB, b2)
            gather(ch + HB, b2)
        return carry

    lax.fori_loop(0, (NCH - 2 * HB) // NB, step, 0)
    for j in range(HB):
        ch = NCH - HB + j
        b = ch % NB
        gwait(ch, b)
        scat(ch, b)
        swait(ch - HB, (ch - HB) % NB)
    for j in range(HB):
        ch = NCH - HB + j
        swait(ch, ch % NB)
    plsc.subcore_barrier()
    NP = RPT // CHUNK
    for i in range(NP):
        b = i % 2
        if i >= 2:
            pltpu.make_async_copy(
                rows[b],
                out_hbm.at[pl.ds(c * NACC + s * RPT + (i - 2) * CHUNK, CHUNK)],
                ssem[b]).wait()
        pltpu.sync_copy(acc_sh.at[pl.ds(s * RPT + i * CHUNK, CHUNK)], rows[b])
        pltpu.async_copy(rows[b],
                         out_hbm.at[pl.ds(c * NACC + s * RPT + i * CHUNK, CHUNK)],
                         ssem[b])
    for i in range(NP - 2, NP):
        b = i % 2
        pltpu.make_async_copy(
            rows[b], out_hbm.at[pl.ds(c * NACC + s * RPT + i * CHUNK, CHUNK)],
            ssem[b]).wait()


_sc_aggregate = pl.kernel(
    _sc_agg_body,
    out_type=jax.ShapeDtypeStruct((NC * NACC, H), jnp.float32),
    mesh=_mesh,
    compiler_params=_sc_params,
    scratch_types=[
        pltpu.VMEM_SHARED((NACC, H), jnp.float32),
        pltpu.VMEM((NCH, CHUNK), jnp.int32),
        pltpu.VMEM((NCH, CHUNK), jnp.int32),
        pltpu.VMEM((CHUNK, H), jnp.float32),
        pltpu.VMEM((CHUNK, H), jnp.float32),
        pltpu.VMEM((CHUNK, H), jnp.float32),
        pltpu.VMEM((CHUNK, H), jnp.float32),
        pltpu.VMEM((CHUNK, H), jnp.float32),
        pltpu.VMEM((CHUNK, H), jnp.float32),
        pltpu.VMEM((CHUNK, H), jnp.float32),
        pltpu.VMEM((CHUNK, H), jnp.float32),
    ] + [pltpu.SemaphoreType.DMA] * 16,
)


def _dinv_from(deg_ref):
    deg = deg_ref[0:N, 0:1] + deg_ref[NACC:NACC + N, 0:1] + 1.0
    return lax.rsqrt(deg)


def _tc_scale1_body(x_ref, w1_ref, deg_ref, o_ref):
    h = jnp.dot(x_ref[...], w1_ref[...], preferred_element_type=jnp.float32)
    o_ref[...] = h * _dinv_from(deg_ref)


def _tc_mid_body(p_ref, hs_ref, deg_ref, b1_ref, w2_ref, o_ref):
    dinv = _dinv_from(deg_ref)
    agg = p_ref[0:N, :] + p_ref[NACC:NACC + N, :] + hs_ref[...]
    h1 = jnp.maximum(agg * dinv + b1_ref[...], 0.0)
    hs2 = jnp.dot(h1, w2_ref[...], preferred_element_type=jnp.float32)
    o_ref[...] = hs2 * dinv


def _tc_final_body(p_ref, hs_ref, deg_ref, b2_ref, batch_ref, wl_ref, bl_ref,
                   o_ref):
    dinv = _dinv_from(deg_ref)
    agg = p_ref[0:N, :] + p_ref[NACC:NACC + N, :] + hs_ref[...]
    h2 = agg * dinv + b2_ref[...]
    seg = lax.broadcasted_iota(jnp.int32, (G, N), 0)
    oh_t = jnp.where(batch_ref[...] == seg, 1.0, 0.0).astype(jnp.float32)
    sums = jnp.dot(oh_t, h2, preferred_element_type=jnp.float32)
    cnt = jnp.sum(oh_t, axis=1, keepdims=True)
    pooled = sums / jnp.maximum(cnt, 1.0)
    o_ref[...] = jnp.dot(pooled, wl_ref[...],
                         preferred_element_type=jnp.float32) + bl_ref[...]


_tc_scale1 = pl.pallas_call(
    _tc_scale1_body, out_shape=jax.ShapeDtypeStruct((N, H), jnp.float32))
_tc_mid = pl.pallas_call(
    _tc_mid_body, out_shape=jax.ShapeDtypeStruct((N, H), jnp.float32))
_tc_final = pl.pallas_call(
    _tc_final_body, out_shape=jax.ShapeDtypeStruct((G, O), jnp.float32))


def kernel(x, ei, batch, W1, b1, W2, b2, Wl, bl):
    pad = EP - E
    pad_i = jnp.arange(pad, dtype=jnp.int32)
    src = jnp.concatenate([ei[0], pad_i % N])
    dst = jnp.concatenate([ei[1], DUMMY + pad_i % (NACC - N)])
    src2 = src.reshape(EP // CHUNK, CHUNK)
    dst2 = dst.reshape(EP // CHUNK, CHUNK)

    zeros64 = jnp.zeros((CHUNK, H), jnp.float32)
    zeros16 = jnp.zeros((RPT, 16), jnp.float32)
    ones16 = jnp.ones((CHUNK, 16), jnp.float32)

    deg_p = _sc_degree(dst2, ones16, zeros16)
    hs1 = _tc_scale1(x, W1, deg_p)
    p1 = _sc_aggregate(hs1, src2, dst2, zeros64)
    hs2 = _tc_mid(p1, hs1, deg_p, b1.reshape(1, H), W2)
    p2 = _sc_aggregate(hs2, src2, dst2, zeros64)
    return _tc_final(p2, hs2, deg_p, b2.reshape(1, H), batch.reshape(1, N),
                     Wl, bl.reshape(1, O))

# --- scband reference (transcript-rebuilt; emitter-appended) ---
"""Pipeline reference for scband-gcn-22316650070136 (READ-ONLY COPY).

The authoritative reference and input builder live on the scoring server;
editing this copy changes nothing except your own understanding.
"""

import jax, jax.numpy as jnp
import numpy as np

N = 10000
E = 320000
D = 128
H = 64
O = 6
G = 16

def setup_inputs(seed: int = 0):
    key = jax.random.key(seed)
    ks = jax.random.split(key, 10)
    x = jax.random.normal(ks[0], (N, D), dtype=jnp.float32)
    ei = jax.random.randint(ks[1], (2, E), 0, N, dtype=jnp.int32)
    batch = jnp.sort(jax.random.randint(ks[2], (N,), 0, G, dtype=jnp.int32))
    W1 = jax.random.normal(ks[3], (D, H), dtype=jnp.float32) / np.sqrt(D)
    b1 = jnp.zeros((H,), dtype=jnp.float32)
    W2 = jax.random.normal(ks[4], (H, H), dtype=jnp.float32) / np.sqrt(H)
    b2 = jnp.zeros((H,), dtype=jnp.float32)
    Wl = jax.random.normal(ks[5], (H, O), dtype=jnp.float32) / np.sqrt(H)
    bl = jnp.zeros((O,), dtype=jnp.float32)
    return {"x": x, "ei": ei, "batch": batch, "W1": W1, "b1": b1, "W2": W2, "b2": b2, "Wl": Wl, "bl": bl}

def gcn_conv(x, src, dst, W, b, n):
    # linear transform then symmetric-normalized sum aggregation (GCNConv with self-loops already appended)
    h = x @ W
    deg = jnp.zeros((n,), dtype=x.dtype).at[dst].add(1.0)
    dinv = jnp.where(deg > 0, 1.0 / jnp.sqrt(deg), 0.0)
    norm = dinv[src] * dinv[dst]
    msgs = h[src] * norm[:, None]
    out = jnp.zeros((n, h.shape[1]), dtype=x.dtype).at[dst].add(msgs)
    return out + b

def reference(x, ei, batch, W1, b1, W2, b2, Wl, bl):
    # add self-loops once (GCNConv default add_self_loops=True)
    loops = jnp.arange(N, dtype=ei.dtype)
    src = jnp.concatenate([ei[0], loops])
    dst = jnp.concatenate([ei[1], loops])
    h = jax.nn.relu(gcn_conv(x, src, dst, W1, b1, N))
    # dropout is identity in eval mode
    h = gcn_conv(h, src, dst, W2, b2, N)
    # global_mean_pool over batch segment ids
    sums = jax.ops.segment_sum(h, batch, num_segments=G)
    cnt = jax.ops.segment_sum(jnp.ones((N,), dtype=h.dtype), batch, num_segments=G)
    pooled = sums / jnp.maximum(cnt, 1.0)[:, None]
    return pooled @ Wl + bl

if __name__ == "__main__":
    import jax
    _d = setup_inputs()
    print(jax.jit(kernel)(*tuple(_d.values())))

</pallas_src>

<mosaic_0001>
#map = affine_map<(d0, d1) -> (0, 0)>
module attributes {stable_mosaic.version = 14 : i64} {
  func.func @_sc_agg_body(%arg0: i32, %arg1: i32, %arg2: memref<10000x64xf32, #tpu.memory_space<hbm>>, %arg3: memref<2560x128xi32, #tpu.memory_space<hbm>>, %arg4: memref<2560x128xi32, #tpu.memory_space<hbm>>, %arg5: memref<128x64xf32, #tpu.memory_space<hbm>>, %arg6: memref<20480x64xf32, #tpu.memory_space<hbm>>, %arg7: memref<10240x64xf32, #tpu.memory_space<vmem_shared>>, %arg8: memref<80x128xi32, #tpu.memory_space<vmem>>, %arg9: memref<80x128xi32, #tpu.memory_space<vmem>>, %arg10: memref<128x64xf32, #tpu.memory_space<vmem>>, %arg11: memref<128x64xf32, #tpu.memory_space<vmem>>, %arg12: memref<128x64xf32, #tpu.memory_space<vmem>>, %arg13: memref<128x64xf32, #tpu.memory_space<vmem>>, %arg14: memref<128x64xf32, #tpu.memory_space<vmem>>, %arg15: memref<128x64xf32, #tpu.memory_space<vmem>>, %arg16: memref<128x64xf32, #tpu.memory_space<vmem>>, %arg17: memref<128x64xf32, #tpu.memory_space<vmem>>, %arg18: memref<!tpu.dma_semaphore, #tpu.memory_space<semaphore_mem>>, %arg19: memref<!tpu.dma_semaphore, #tpu.memory_space<semaphore_mem>>, %arg20: memref<!tpu.dma_semaphore, #tpu.memory_space<semaphore_mem>>, %arg21: memref<!tpu.dma_semaphore, #tpu.memory_space<semaphore_mem>>, %arg22: memref<!tpu.dma_semaphore, #tpu.memory_space<semaphore_mem>>, %arg23: memref<!tpu.dma_semaphore, #tpu.memory_space<semaphore_mem>>, %arg24: memref<!tpu.dma_semaphore, #tpu.memory_space<semaphore_mem>>, %arg25: memref<!tpu.dma_semaphore, #tpu.memory_space<semaphore_mem>>, %arg26: memref<!tpu.dma_semaphore, #tpu.memory_space<semaphore_mem>>, %arg27: memref<!tpu.dma_semaphore, #tpu.memory_space<semaphore_mem>>, %arg28: memref<!tpu.dma_semaphore, #tpu.memory_space<semaphore_mem>>, %arg29: memref<!tpu.dma_semaphore, #tpu.memory_space<semaphore_mem>>, %arg30: memref<!tpu.dma_semaphore, #tpu.memory_space<semaphore_mem>>, %arg31: memref<!tpu.dma_semaphore, #tpu.memory_space<semaphore_mem>>, %arg32: memref<!tpu.dma_semaphore, #tpu.memory_space<semaphore_mem>>, %arg33: memref<!tpu.dma_semaphore, #tpu.memory_space<semaphore_mem>>) attributes {dimension_semantics = [#tpu.dimension_semantics<core_parallel>, #tpu.dimension_semantics<subcore_parallel>], iteration_bounds = array<i64: 2, 16>, scalar_prefetch = 0 : i64, scratch_operands = 27 : i64, tpu.core_type = #tpu.core_type<sc_vector_subcore>, window_params = [{transform_indices = #map}, {transform_indices = #map}, {transform_indices = #map}, {transform_indices = #map}, {transform_indices = #map}]} {
    %mul3A = arith.constant 16 : i32
    %mul3A_0 = arith.muli %arg0, %mul3A : i32
    %add3A = arith.addi %mul3A_0, %arg1 : i32
    "tpu.region"() ({
      %run_scoped3A = tpu.sem_alloc : memref<!tpu.dma_semaphore, #tpu.memory_space<semaphore_mem>>
      tpu.enqueue_dma source(%arg5 : memref<128x64xf32, #tpu.memory_space<hbm>>) target(%arg10 : memref<128x64xf32, #tpu.memory_space<vmem>>) target_semaphore(%run_scoped3A : memref<!tpu.dma_semaphore, #tpu.memory_space<semaphore_mem>>)
      tpu.wait_dma2 semaphore(%run_scoped3A : memref<!tpu.dma_semaphore, #tpu.memory_space<semaphore_mem>>) src(%arg5 : memref<128x64xf32, #tpu.memory_space<hbm>>) dst(%arg10 : memref<128x64xf32, #tpu.memory_space<vmem>>)
      tpu.yield
    }) : () -> ()
    %mul3A_1 = arith.constant 640 : i32
    %mul3A_2 = arith.muli %arg1, %mul3A_1 : i32
    %add3A_3 = arith.constant 0 : i32
    %add3A_4 = arith.addi %mul3A_2, %add3A_3 : i32
    %dma_start3A = arith.constant 0 : i32
    %dma_start3A_5 = tpu.memref_slice %arg7[%add3A_4, %dma_start3A] : memref<10240x64xf32, #tpu.memory_space<vmem_shared>> -> memref<128x64xf32, #tpu.memory_space<vmem_shared>>
    %dma_start3A_6 = arith.constant 0 : i32
    %dma_start3A_7 = tpu.memref_slice %arg7[%add3A_4, %dma_start3A_6] : memref<10240x64xf32, #tpu.memory_space<vmem_shared>> -> memref<128x64xf32, #tpu.memory_space<vmem_shared>>
    tpu.enqueue_dma source(%arg10 : memref<128x64xf32, #tpu.memory_space<vmem>>) target(%dma_start3A_7 : memref<128x64xf32, #tpu.memory_space<vmem_shared>>) target_semaphore(%arg18 : memref<!tpu.dma_semaphore, #tpu.memory_space<semaphore_mem>>)
    %mul3A_8 = arith.constant 640 : i32
    %mul3A_9 = arith.muli %arg1, %mul3A_8 : i32
    %add3A_10 = arith.constant 128 : i32
    %add3A_11 = arith.addi %mul3A_9, %add3A_10 : i32
    %dma_start3A_12 = arith.constant 0 : i32
    %dma_start3A_13 = tpu.memref_slice %arg7[%add3A_11, %dma_start3A_12] : memref<10240x64xf32, #tpu.memory_space<vmem_shared>> -> memref<128x64xf32, #tpu.memory_space<vmem_shared>>
    %dma_start3A_14 = arith.constant 0 : i32
    %dma_start3A_15 = tpu.memref_slice %arg7[%add3A_11, %dma_start3A_14] : memref<10240x64xf32, #tpu.memory_space<vmem_shared>> -> memref<128x64xf32, #tpu.memory_space<vmem_shared>>
    tpu.enqueue_dma source(%arg10 : memref<128x64xf32, #tpu.memory_space<vmem>>) target(%dma_start3A_15 : memref<128x64xf32, #tpu.memory_space<vmem_shared>>) target_semaphore(%arg18 : memref<!tpu.dma_semaphore, #tpu.memory_space<semaphore_mem>>)
    %mul3A_16 = arith.constant 640 : i32
    %mul3A_17 = arith.muli %arg1, %mul3A_16 : i32
    %add3A_18 = arith.constant 256 : i32
    %add3A_19 = arith.addi %mul3A_17, %add3A_18 : i32
    %dma_start3A_20 = arith.constant 0 : i32
    %dma_start3A_21 = tpu.memref_slice %arg7[%add3A_19, %dma_start3A_20] : memref<10240x64xf32, #tpu.memory_space<vmem_shared>> -> memref<128x64xf32, #tpu.memory_space<vmem_shared>>
    %dma_start3A_22 = arith.constant 0 : i32
    %dma_start3A_23 = tpu.memref_slice %arg7[%add3A_19, %dma_start3A_22] : memref<10240x64xf32, #tpu.memory_space<vmem_shared>> -> memref<128x64xf32, #tpu.memory_space<vmem_shared>>
    tpu.enqueue_dma source(%arg10 : memref<128x64xf32, #tpu.memory_space<vmem>>) target(%dma_start3A_23 : memref<128x64xf32, #tpu.memory_space<vmem_shared>>) target_semaphore(%arg18 : memref<!tpu.dma_semaphore, #tpu.memory_space<semaphore_mem>>)
    %mul3A_24 = arith.constant 640 : i32
    %mul3A_25 = arith.muli %arg1, %mul3A_24 : i32
    %add3A_26 = arith.constant 384 : i32
    %add3A_27 = arith.addi %mul3A_25, %add3A_26 : i32
    %dma_start3A_28 = arith.constant 0 : i32
    %dma_start3A_29 = tpu.memref_slice %arg7[%add3A_27, %dma_start3A_28] : memref<10240x64xf32, #tpu.memory_space<vmem_shared>> -> memref<128x64xf32, #tpu.memory_space<vmem_shared>>
    %dma_start3A_30 = arith.constant 0 : i32
    %dma_start3A_31 = tpu.memref_slice %arg7[%add3A_27, %dma_start3A_30] : memref<10240x64xf32, #tpu.memory_space<vmem_shared>> -> memref<128x64xf32, #tpu.memory_space<vmem_shared>>
    tpu.enqueue_dma source(%arg10 : memref<128x64xf32, #tpu.memory_space<vmem>>) target(%dma_start3A_31 : memref<128x64xf32, #tpu.memory_space<vmem_shared>>) target_semaphore(%arg18 : memref<!tpu.dma_semaphore, #tpu.memory_space<semaphore_mem>>)
    %mul3A_32 = arith.constant 640 : i32
    %mul3A_33 = arith.muli %arg1, %mul3A_32 : i32
    %add3A_34 = arith.constant 512 : i32
    %add3A_35 = arith.addi %mul3A_33, %add3A_34 : i32
    %dma_start3A_36 = arith.constant 0 : i32
    %dma_start3A_37 = tpu.memref_slice %arg7[%add3A_35, %dma_start3A_36] : memref<10240x64xf32, #tpu.memory_space<vmem_shared>> -> memref<128x64xf32, #tpu.memory_space<vmem_shared>>
    %dma_start3A_38 = arith.constant 0 : i32
    %dma_start3A_39 = tpu.memref_slice %arg7[%add3A_35, %dma_start3A_38] : memref<10240x64xf32, #tpu.memory_space<vmem_shared>> -> memref<128x64xf32, #tpu.memory_space<vmem_shared>>
    tpu.enqueue_dma source(%arg10 : memref<128x64xf32, #tpu.memory_space<vmem>>) target(%dma_start3A_39 : memref<128x64xf32, #tpu.memory_space<vmem_shared>>) target_semaphore(%arg18 : memref<!tpu.dma_semaphore, #tpu.memory_space<semaphore_mem>>)
    %mul3A_40 = arith.constant 80 : i32
    %mul3A_41 = arith.muli %add3A, %mul3A_40 : i32
    "tpu.region"() ({
      %run_scoped3A = tpu.sem_alloc : memref<!tpu.dma_semaphore, #tpu.memory_space<semaphore_mem>>
      %dma_start3A_443 = arith.constant 0 : i32
      %dma_start3A_444 = tpu.memref_slice %arg3[%mul3A_41, %dma_start3A_443] : memref<2560x128xi32, #tpu.memory_space<hbm>> -> memref<80x128xi32, #tpu.memory_space<hbm>>
      %dma_start3A_445 = arith.constant 0 : i32
      %dma_start3A_446 = tpu.memref_slice %arg3[%mul3A_41, %dma_start3A_445] : memref<2560x128xi32, #tpu.memory_space<hbm>> -> memref<80x128xi32, #tpu.memory_space<hbm>>
      tpu.enqueue_dma source(%dma_start3A_446 : memref<80x128xi32, #tpu.memory_space<hbm>>) target(%arg8 : memref<80x128xi32, #tpu.memory_space<vmem>>) target_semaphore(%run_scoped3A : memref<!tpu.dma_semaphore, #tpu.memory_space<semaphore_mem>>)
      %dma_wait3A_447 = arith.constant 0 : i32
      %dma_wait3A_448 = tpu.memref_slice %arg3[%mul3A_41, %dma_wait3A_447] : memref<2560x128xi32, #tpu.memory_space<hbm>> -> memref<80x128xi32, #tpu.memory_space<hbm>>
      %dma_wait3A_449 = arith.constant 0 : i32
      %dma_wait3A_450 = tpu.memref_slice %arg3[%mul3A_41, %dma_wait3A_449] : memref<2560x128xi32, #tpu.memory_space<hbm>> -> memref<80x128xi32, #tpu.memory_space<hbm>>
      tpu.wait_dma2 semaphore(%run_scoped3A : memref<!tpu.dma_semaphore, #tpu.memory_space<semaphore_mem>>) src(%dma_wait3A_450 : memref<80x128xi32, #tpu.memory_space<hbm>>) dst(%arg8 : memref<80x128xi32, #tpu.memory_space<vmem>>)
      tpu.yield
    }) : () -> ()
    %mul3A_42 = arith.constant 80 : i32
    %mul3A_43 = arith.muli %add3A, %mul3A_42 : i32
    "tpu.region"() ({
      %run_scoped3A = tpu.sem_alloc : memref<!tpu.dma_semaphore, #tpu.memory_space<semaphore_mem>>
      %dma_start3A_443 = arith.constant 0 : i32
      %dma_start3A_444 = tpu.memref_slice %arg4[%mul3A_43, %dma_start3A_443] : memref<2560x128xi32, #tpu.memory_space<hbm>> -> memref<80x128xi32, #tpu.memory_space<hbm>>
      %dma_start3A_445 = arith.constant 0 : i32
      %dma_start3A_446 = tpu.memref_slice %arg4[%mul3A_43, %dma_start3A_445] : memref<2560x128xi32, #tpu.memory_space<hbm>> -> memref<80x128xi32, #tpu.memory_space<hbm>>
      tpu.enqueue_dma source(%dma_start3A_446 : memref<80x128xi32, #tpu.memory_space<hbm>>) target(%arg9 : memref<80x128xi32, #tpu.memory_space<vmem>>) target_semaphore(%run_scoped3A : memref<!tpu.dma_semaphore, #tpu.memory_space<semaphore_mem>>)
      %dma_wait3A_447 = arith.constant 0 : i32
      %dma_wait3A_448 = tpu.memref_slice %arg4[%mul3A_43, %dma_wait3A_447] : memref<2560x128xi32, #tpu.memory_space<hbm>> -> memref<80x128xi32, #tpu.memory_space<hbm>>
      %dma_wait3A_449 = arith.constant 0 : i32
      %dma_wait3A_450 = tpu.memref_slice %arg4[%mul3A_43, %dma_wait3A_449] : memref<2560x128xi32, #tpu.memory_space<hbm>> -> memref<80x128xi32, #tpu.memory_space<hbm>>
      tpu.wait_dma2 semaphore(%run_scoped3A : memref<!tpu.dma_semaphore, #tpu.memory_space<semaphore_mem>>) src(%dma_wait3A_450 : memref<80x128xi32, #tpu.memory_space<hbm>>) dst(%arg9 : memref<80x128xi32, #tpu.memory_space<vmem>>)
      tpu.yield
    }) : () -> ()
    %mul3A_44 = arith.constant 640 : i32
    %mul3A_45 = arith.muli %arg1, %mul3A_44 : i32
    %add3A_46 = arith.constant 0 : i32
    %add3A_47 = arith.addi %mul3A_45, %add3A_46 : i32
    %dma_wait3A = arith.constant 0 : i32
    %dma_wait3A_48 = tpu.memref_slice %arg7[%add3A_47, %dma_wait3A] : memref<10240x64xf32, #tpu.memory_space<vmem_shared>> -> memref<128x64xf32, #tpu.memory_space<vmem_shared>>
    %dma_wait3A_49 = arith.constant 0 : i32
    %dma_wait3A_50 = tpu.memref_slice %arg7[%add3A_47, %dma_wait3A_49] : memref<10240x64xf32, #tpu.memory_space<vmem_shared>> -> memref<128x64xf32, #tpu.memory_space<vmem_shared>>
    tpu.wait_dma2 semaphore(%arg18 : memref<!tpu.dma_semaphore, #tpu.memory_space<semaphore_mem>>) src(%arg10 : memref<128x64xf32, #tpu.memory_space<vmem>>) dst(%dma_wait3A_50 : memref<128x64xf32, #tpu.memory_space<vmem_shared>>)
    %mul3A_51 = arith.constant 640 : i32
    %mul3A_52 = arith.muli %arg1, %mul3A_51 : i32
    %add3A_53 = arith.constant 128 : i32
    %add3A_54 = arith.addi %mul3A_52, %add3A_53 : i32
    %dma_wait3A_55 = arith.constant 0 : i32
    %dma_wait3A_56 = tpu.memref_slice %arg7[%add3A_54, %dma_wait3A_55] : memref<10240x64xf32, #tpu.memory_space<vmem_shared>> -> memref<128x64xf32, #tpu.memory_space<vmem_shared>>
    %dma_wait3A_57 = arith.constant 0 : i32
    %dma_wait3A_58 = tpu.memref_slice %arg7[%add3A_54, %dma_wait3A_57] : memref<10240x64xf32, #tpu.memory_space<vmem_shared>> -> memref<128x64xf32, #tpu.memory_space<vmem_shared>>
    tpu.wait_dma2 semaphore(%arg18 : memref<!tpu.dma_semaphore, #tpu.memory_space<semaphore_mem>>) src(%arg10 : memref<128x64xf32, #tpu.memory_space<vmem>>) dst(%dma_wait3A_58 : memref<128x64xf32, #tpu.memory_space<vmem_shared>>)
    %mul3A_59 = arith.constant 640 : i32
    %mul3A_60 = arith.muli %arg1, %mul3A_59 : i32
    %add3A_61 = arith.constant 256 : i32
    %add3A_62 = arith.addi %mul3A_60, %add3A_61 : i32
    %dma_wait3A_63 = arith.constant 0 : i32
    %dma_wait3A_64 = tpu.memref_slice %arg7[%add3A_62, %dma_wait3A_63] : memref<10240x64xf32, #tpu.memory_space<vmem_shared>> -> memref<128x64xf32, #tpu.memory_space<vmem_shared>>
    %dma_wait3A_65 = arith.constant 0 : i32
    %dma_wait3A_66 = tpu.memref_slice %arg7[%add3A_62, %dma_wait3A_65] : memref<10240x64xf32, #tpu.memory_space<vmem_shared>> -> memref<128x64xf32, #tpu.memory_space<vmem_shared>>
    tpu.wait_dma2 semaphore(%arg18 : memref<!tpu.dma_semaphore, #tpu.memory_space<semaphore_mem>>) src(%arg10 : memref<128x64xf32, #tpu.memory_space<vmem>>) dst(%dma_wait3A_66 : memref<128x64xf32, #tpu.memory_space<vmem_shared>>)
    %mul3A_67 = arith.constant 640 : i32
    %mul3A_68 = arith.muli %arg1, %mul3A_67 : i32
    %add3A_69 = arith.constant 384 : i32
    %add3A_70 = arith.addi %mul3A_68, %add3A_69 : i32
    %dma_wait3A_71 = arith.constant 0 : i32
    %dma_wait3A_72 = tpu.memref_slice %arg7[%add3A_70, %dma_wait3A_71] : memref<10240x64xf32, #tpu.memory_space<vmem_shared>> -> memref<128x64xf32, #tpu.memory_space<vmem_shared>>
    %dma_wait3A_73 = arith.constant 0 : i32
    %dma_wait3A_74 = tpu.memref_slice %arg7[%add3A_70, %dma_wait3A_73] : memref<10240x64xf32, #tpu.memory_space<vmem_shared>> -> memref<128x64xf32, #tpu.memory_space<vmem_shared>>
    tpu.wait_dma2 semaphore(%arg18 : memref<!tpu.dma_semaphore, #tpu.memory_space<semaphore_mem>>) src(%arg10 : memref<128x64xf32, #tpu.memory_space<vmem>>) dst(%dma_wait3A_74 : memref<128x64xf32, #tpu.memory_space<vmem_shared>>)
    %mul3A_75 = arith.constant 640 : i32
    %mul3A_76 = arith.muli %arg1, %mul3A_75 : i32
    %add3A_77 = arith.constant 512 : i32
    %add3A_78 = arith.addi %mul3A_76, %add3A_77 : i32
    %dma_wait3A_79 = arith.constant 0 : i32
    %dma_wait3A_80 = tpu.memref_slice %arg7[%add3A_78, %dma_wait3A_79] : memref<10240x64xf32, #tpu.memory_space<vmem_shared>> -> memref<128x64xf32, #tpu.memory_space<vmem_shared>>
    %dma_wait3A_81 = arith.constant 0 : i32
    %dma_wait3A_82 = tpu.memref_slice %arg7[%add3A_78, %dma_wait3A_81] : memref<10240x64xf32, #tpu.memory_space<vmem_shared>> -> memref<128x64xf32, #tpu.memory_space<vmem_shared>>
    tpu.wait_dma2 semaphore(%arg18 : memref<!tpu.dma_semaphore, #tpu.memory_space<semaphore_mem>>) src(%arg10 : memref<128x64xf32, #tpu.memory_space<vmem>>) dst(%dma_wait3A_82 : memref<128x64xf32, #tpu.memory_space<vmem_shared>>)
    %barrier3A = arith.constant 0 : index
    tpu.barrier barrier_id(%barrier3A)
    %dma_start3A_83 = arith.constant 0 : i32
    %dma_start3A_84 = arith.constant 0 : i32
    %dma_start3A_85 = tpu.memref_slice %arg8[%dma_start3A_83, %dma_start3A_84] : memref<80x128xi32, #tpu.memory_space<vmem>> -> memref<1x128xi32, #tpu.memory_space<vmem>>
    %dma_start3A_86 = tpu.memref_squeeze %dma_start3A_85 : memref<1x128xi32, #tpu.memory_space<vmem>> -> memref<128xi32, #tpu.memory_space<vmem>>
    %dma_start3A_87 = arith.constant 0 : i32
    %dma_start3A_88 = arith.constant 0 : i32
    %dma_start3A_89 = tpu.memref_slice %arg2[%dma_start3A_87, %dma_start3A_88] : memref<10000x64xf32, #tpu.memory_space<hbm>> -> memref<10000x64xf32, #tpu.memory_space<hbm>>
    tpu.enqueue_indirect_dma source(%dma_start3A_89 : memref<10000x64xf32, #tpu.memory_space<hbm>>) target(%arg10 : memref<128x64xf32, #tpu.memory_space<vmem>>) offsets(%dma_start3A_86 : memref<128xi32, #tpu.memory_space<vmem>>) semaphore(%arg18 : memref<!tpu.dma_semaphore, #tpu.memory_space<semaphore_mem>>)
    %dma_start3A_90 = arith.constant 1 : i32
    %dma_start3A_91 = arith.constant 0 : i32
    %dma_start3A_92 = tpu.memref_slice %arg8[%dma_start3A_90, %dma_start3A_91] : memref<80x128xi32, #tpu.memory_space<vmem>> -> memref<1x128xi32, #tpu.memory_space<vmem>>
    %dma_start3A_93 = tpu.memref_squeeze %dma_start3A_92 : memref<1x128xi32, #tpu.memory_space<vmem>> -> memref<128xi32, #tpu.memory_space<vmem>>
    %dma_start3A_94 = arith.constant 0 : i32
    %dma_start3A_95 = arith.constant 0 : i32
    %dma_start3A_96 = tpu.memref_slice %arg2[%dma_start3A_94, %dma_start3A_95] : memref<10000x64xf32, #tpu.memory_space<hbm>> -> memref<10000x64xf32, #tpu.memory_space<hbm>>
    tpu.enqueue_indirect_dma source(%dma_start3A_96 : memref<10000x64xf32, #tpu.memory_space<hbm>>) target(%arg11 : memref<128x64xf32, #tpu.memory_space<vmem>>) offsets(%dma_start3A_93 : memref<128xi32, #tpu.memory_space<vmem>>) semaphore(%arg19 : memref<!tpu.dma_semaphore, #tpu.memory_space<semaphore_mem>>)
    %dma_start3A_97 = arith.constant 2 : i32
    %dma_start3A_98 = arith.constant 0 : i32
    %dma_start3A_99 = tpu.memref_slice %arg8[%dma_start3A_97, %dma_start3A_98] : memref<80x128xi32, #tpu.memory_space<vmem>> -> memref<1x128xi32, #tpu.memory_space<vmem>>
    %dma_start3A_100 = tpu.memref_squeeze %dma_start3A_99 : memref<1x128xi32, #tpu.memory_space<vmem>> -> memref<128xi32, #tpu.memory_space<vmem>>
    %dma_start3A_101 = arith.constant 0 : i32
    %dma_start3A_102 = arith.constant 0 : i32
    %dma_start3A_103 = tpu.memref_slice %arg2[%dma_start3A_101, %dma_start3A_102] : memref<10000x64xf32, #tpu.memory_space<hbm>> -> memref<10000x64xf32, #tpu.memory_space<hbm>>
    tpu.enqueue_indirect_dma source(%dma_start3A_103 : memref<10000x64xf32, #tpu.memory_space<hbm>>) target(%arg12 : memref<128x64xf32, #tpu.memory_space<vmem>>) offsets(%dma_start3A_100 : memref<128xi32, #tpu.memory_space<vmem>>) semaphore(%arg20 : memref<!tpu.dma_semaphore, #tpu.memory_space<semaphore_mem>>)
    %dma_start3A_104 = arith.constant 3 : i32
    %dma_start3A_105 = arith.constant 0 : i32
    %dma_start3A_106 = tpu.memref_slice %arg8[%dma_start3A_104, %dma_start3A_105] : memref<80x128xi32, #tpu.memory_space<vmem>> -> memref<1x128xi32, #tpu.memory_space<vmem>>
    %dma_start3A_107 = tpu.memref_squeeze %dma_start3A_106 : memref<1x128xi32, #tpu.memory_space<vmem>> -> memref<128xi32, #tpu.memory_space<vmem>>
    %dma_start3A_108 = arith.constant 0 : i32
    %dma_start3A_109 = arith.constant 0 : i32
    %dma_start3A_110 = tpu.memref_slice %arg2[%dma_start3A_108, %dma_start3A_109] : memref<10000x64xf32, #tpu.memory_space<hbm>> -> memref<10000x64xf32, #tpu.memory_space<hbm>>
    tpu.enqueue_indirect_dma source(%dma_start3A_110 : memref<10000x64xf32, #tpu.memory_space<hbm>>) target(%arg13 : memref<128x64xf32, #tpu.memory_space<vmem>>) offsets(%dma_start3A_107 : memref<128xi32, #tpu.memory_space<vmem>>) semaphore(%arg21 : memref<!tpu.dma_semaphore, #tpu.memory_space<semaphore_mem>>)
    %dma_wait3A_111 = arith.constant 0 : i32
    %dma_wait3A_112 = arith.constant 0 : i32
    %dma_wait3A_113 = tpu.memref_slice %arg8[%dma_wait3A_111, %dma_wait3A_112] : memref<80x128xi32, #tpu.memory_space<vmem>> -> memref<1x128xi32, #tpu.memory_space<vmem>>
    %dma_wait3A_114 = tpu.memref_squeeze %dma_wait3A_113 : memref<1x128xi32, #tpu.memory_space<vmem>> -> memref<128xi32, #tpu.memory_space<vmem>>
    %dma_wait3A_115 = arith.constant 0 : i32
    %dma_wait3A_116 = arith.constant 0 : i32
    %dma_wait3A_117 = tpu.memref_slice %arg2[%dma_wait3A_115, %dma_wait3A_116] : memref<10000x64xf32, #tpu.memory_space<hbm>> -> memref<10000x64xf32, #tpu.memory_space<hbm>>
    tpu.wait_indirect_dma semaphore(%arg18 : memref<!tpu.dma_semaphore, #tpu.memory_space<semaphore_mem>>) src(%dma_wait3A_117 : memref<10000x64xf32, #tpu.memory_space<hbm>>) dst(%arg10 : memref<128x64xf32, #tpu.memory_space<vmem>>)
    %dma_start3A_118 = arith.constant 0 : i32
    %dma_start3A_119 = arith.constant 0 : i32
    %dma_start3A_120 = tpu.memref_slice %arg9[%dma_start3A_118, %dma_start3A_119] : memref<80x128xi32, #tpu.memory_space<vmem>> -> memref<1x128xi32, #tpu.memory_space<vmem>>
    %dma_start3A_121 = tpu.memref_squeeze %dma_start3A_120 : memref<1x128xi32, #tpu.memory_space<vmem>> -> memref<128xi32, #tpu.memory_space<vmem>>
    %dma_start3A_122 = arith.constant 0 : i32
    %dma_start3A_123 = arith.constant 0 : i32
    %dma_start3A_124 = tpu.memref_slice %arg7[%dma_start3A_122, %dma_start3A_123] : memref<10240x64xf32, #tpu.memory_space<vmem_shared>> -> memref<10240x64xf32, #tpu.memory_space<vmem_shared>>
    tpu.enqueue_indirect_dma source(%arg10 : memref<128x64xf32, #tpu.memory_space<vmem>>) target(%dma_start3A_124 : memref<10240x64xf32, #tpu.memory_space<vmem_shared>>) offsets(%dma_start3A_121 : memref<128xi32, #tpu.memory_space<vmem>>) semaphore(%arg26 : memref<!tpu.dma_semaphore, #tpu.memory_space<semaphore_mem>>) {add = true}
    %dma_start3A_125 = arith.constant 4 : i32
    %dma_start3A_126 = arith.constant 0 : i32
    %dma_start3A_127 = tpu.memref_slice %arg8[%dma_start3A_125, %dma_start3A_126] : memref<80x128xi32, #tpu.memory_space<vmem>> -> memref<1x128xi32, #tpu.memory_space<vmem>>
    %dma_start3A_128 = tpu.memref_squeeze %dma_start3A_127 : memref<1x128xi32, #tpu.memory_space<vmem>> -> memref<128xi32, #tpu.memory_space<vmem>>
    %dma_start3A_129 = arith.constant 0 : i32
    %dma_start3A_130 = arith.constant 0 : i32
    %dma_start3A_131 = tpu.memref_slice %arg2[%dma_start3A_129, %dma_start3A_130] : memref<10000x64xf32, #tpu.memory_space<hbm>> -> memref<10000x64xf32, #tpu.memory_space<hbm>>
    tpu.enqueue_indirect_dma source(%dma_start3A_131 : memref<10000x64xf32, #tpu.memory_space<hbm>>) target(%arg14 : memref<128x64xf32, #tpu.memory_space<vmem>>) offsets(%dma_start3A_128 : memref<128xi32, #tpu.memory_space<vmem>>) semaphore(%arg22 : memref<!tpu.dma_semaphore, #tpu.memory_space<semaphore_mem>>)
    %dma_wait3A_132 = arith.constant 1 : i32
    %dma_wait3A_133 = arith.constant 0 : i32
    %dma_wait3A_134 = tpu.memref_slice %arg8[%dma_wait3A_132, %dma_wait3A_133] : memref<80x128xi32, #tpu.memory_space<vmem>> -> memref<1x128xi32, #tpu.memory_space<vmem>>
    %dma_wait3A_135 = tpu.memref_squeeze %dma_wait3A_134 : memref<1x128xi32, #tpu.memory_space<vmem>> -> memref<128xi32, #tpu.memory_space<vmem>>
    %dma_wait3A_136 = arith.constant 0 : i32
    %dma_wait3A_137 = arith.constant 0 : i32
    %dma_wait3A_138 = tpu.memref_slice %arg2[%dma_wait3A_136, %dma_wait3A_137] : memref<10000x64xf32, #tpu.memory_space<hbm>> -> memref<10000x64xf32, #tpu.memory_space<hbm>>
    tpu.wait_indirect_dma semaphore(%arg19 : memref<!tpu.dma_semaphore, #tpu.memory_space<semaphore_mem>>) src(%dma_wait3A_138 : memref<10000x64xf32, #tpu.memory_space<hbm>>) dst(%arg11 : memref<128x64xf32, #tpu.memory_space<vmem>>)
    %dma_start3A_139 = arith.constant 1 : i32
    %dma_start3A_140 = arith.constant 0 : i32
    %dma_start3A_141 = tpu.memref_slice %arg9[%dma_start3A_139, %dma_start3A_140] : memref<80x128xi32, #tpu.memory_space<vmem>> -> memref<1x128xi32, #tpu.memory_space<vmem>>
    %dma_start3A_142 = tpu.memref_squeeze %dma_start3A_141 : memref<1x128xi32, #tpu.memory_space<vmem>> -> memref<128xi32, #tpu.memory_space<vmem>>
    %dma_start3A_143 = arith.constant 0 : i32
    %dma_start3A_144 = arith.constant 0 : i32
    %dma_start3A_145 = tpu.memref_slice %arg7[%dma_start3A_143, %dma_start3A_144] : memref<10240x64xf32, #tpu.memory_space<vmem_shared>> -> memref<10240x64xf32, #tpu.memory_space<vmem_shared>>
    tpu.enqueue_indirect_dma source(%arg11 : memref<128x64xf32, #tpu.memory_space<vmem>>) target(%dma_start3A_145 : memref<10240x64xf32, #tpu.memory_space<vmem_shared>>) offsets(%dma_start3A_142 : memref<128xi32, #tpu.memory_space<vmem>>) semaphore(%arg27 : memref<!tpu.dma_semaphore, #tpu.memory_space<semaphore_mem>>) {add = true}
    %dma_start3A_146 = arith.constant 5 : i32
    %dma_start3A_147 = arith.constant 0 : i32
    %dma_start3A_148 = tpu.memref_slice %arg8[%dma_start3A_146, %dma_start3A_147] : memref<80x128xi32, #tpu.memory_space<vmem>> -> memref<1x128xi32, #tpu.memory_space<vmem>>
    %dma_start3A_149 = tpu.memref_squeeze %dma_start3A_148 : memref<1x128xi32, #tpu.memory_space<vmem>> -> memref<128xi32, #tpu.memory_space<vmem>>
    %dma_start3A_150 = arith.constant 0 : i32
    %dma_start3A_151 = arith.constant 0 : i32
    %dma_start3A_152 = tpu.memref_slice %arg2[%dma_start3A_150, %dma_start3A_151] : memref<10000x64xf32, #tpu.memory_space<hbm>> -> memref<10000x64xf32, #tpu.memory_space<hbm>>
    tpu.enqueue_indirect_dma source(%dma_start3A_152 : memref<10000x64xf32, #tpu.memory_space<hbm>>) target(%arg15 : memref<128x64xf32, #tpu.memory_space<vmem>>) offsets(%dma_start3A_149 : memref<128xi32, #tpu.memory_space<vmem>>) semaphore(%arg23 : memref<!tpu.dma_semaphore, #tpu.memory_space<semaphore_mem>>)
    %dma_wait3A_153 = arith.constant 2 : i32
    %dma_wait3A_154 = arith.constant 0 : i32
    %dma_wait3A_155 = tpu.memref_slice %arg8[%dma_wait3A_153, %dma_wait3A_154] : memref<80x128xi32, #tpu.memory_space<vmem>> -> memref<1x128xi32, #tpu.memory_space<vmem>>
    %dma_wait3A_156 = tpu.memref_squeeze %dma_wait3A_155 : memref<1x128xi32, #tpu.memory_space<vmem>> -> memref<128xi32, #tpu.memory_space<vmem>>
    %dma_wait3A_157 = arith.constant 0 : i32
    %dma_wait3A_158 = arith.constant 0 : i32
    %dma_wait3A_159 = tpu.memref_slice %arg2[%dma_wait3A_157, %dma_wait3A_158] : memref<10000x64xf32, #tpu.memory_space<hbm>> -> memref<10000x64xf32, #tpu.memory_space<hbm>>
    tpu.wait_indirect_dma semaphore(%arg20 : memref<!tpu.dma_semaphore, #tpu.memory_space<semaphore_mem>>) src(%dma_wait3A_159 : memref<10000x64xf32, #tpu.memory_space<hbm>>) dst(%arg12 : memref<128x64xf32, #tpu.memory_space<vmem>>)
    %dma_start3A_160 = arith.constant 2 : i32
    %dma_start3A_161 = arith.constant 0 : i32
    %dma_start3A_162 = tpu.memref_slice %arg9[%dma_start3A_160, %dma_start3A_161] : memref<80x128xi32, #tpu.memory_space<vmem>> -> memref<1x128xi32, #tpu.memory_space<vmem>>
    %dma_start3A_163 = tpu.memref_squeeze %dma_start3A_162 : memref<1x128xi32, #tpu.memory_space<vmem>> -> memref<128xi32, #tpu.memory_space<vmem>>
    %dma_start3A_164 = arith.constant 0 : i32
    %dma_start3A_165 = arith.constant 0 : i32
    %dma_start3A_166 = tpu.memref_slice %arg7[%dma_start3A_164, %dma_start3A_165] : memref<10240x64xf32, #tpu.memory_space<vmem_shared>> -> memref<10240x64xf32, #tpu.memory_space<vmem_shared>>
    tpu.enqueue_indirect_dma source(%arg12 : memref<128x64xf32, #tpu.memory_space<vmem>>) target(%dma_start3A_166 : memref<10240x64xf32, #tpu.memory_space<vmem_shared>>) offsets(%dma_start3A_163 : memref<128xi32, #tpu.memory_space<vmem>>) semaphore(%arg28 : memref<!tpu.dma_semaphore, #tpu.memory_space<semaphore_mem>>) {add = true}
    %dma_start3A_167 = arith.constant 6 : i32
    %dma_start3A_168 = arith.constant 0 : i32
    %dma_start3A_169 = tpu.memref_slice %arg8[%dma_start3A_167, %dma_start3A_168] : memref<80x128xi32, #tpu.memory_space<vmem>> -> memref<1x128xi32, #tpu.memory_space<vmem>>
    %dma_start3A_170 = tpu.memref_squeeze %dma_start3A_169 : memref<1x128xi32, #tpu.memory_space<vmem>> -> memref<128xi32, #tpu.memory_space<vmem>>
    %dma_start3A_171 = arith.constant 0 : i32
    %dma_start3A_172 = arith.constant 0 : i32
    %dma_start3A_173 = tpu.memref_slice %arg2[%dma_start3A_171, %dma_start3A_172] : memref<10000x64xf32, #tpu.memory_space<hbm>> -> memref<10000x64xf32, #tpu.memory_space<hbm>>
    tpu.enqueue_indirect_dma source(%dma_start3A_173 : memref<10000x64xf32, #tpu.memory_space<hbm>>) target(%arg16 : memref<128x64xf32, #tpu.memory_space<vmem>>) offsets(%dma_start3A_170 : memref<128xi32, #tpu.memory_space<vmem>>) semaphore(%arg24 : memref<!tpu.dma_semaphore, #tpu.memory_space<semaphore_mem>>)
    %dma_wait3A_174 = arith.constant 3 : i32
    %dma_wait3A_175 = arith.constant 0 : i32
    %dma_wait3A_176 = tpu.memref_slice %arg8[%dma_wait3A_174, %dma_wait3A_175] : memref<80x128xi32, #tpu.memory_space<vmem>> -> memref<1x128xi32, #tpu.memory_space<vmem>>
    %dma_wait3A_177 = tpu.memref_squeeze %dma_wait3A_176 : memref<1x128xi32, #tpu.memory_space<vmem>> -> memref<128xi32, #tpu.memory_space<vmem>>
    %dma_wait3A_178 = arith.constant 0 : i32
    %dma_wait3A_179 = arith.constant 0 : i32
    %dma_wait3A_180 = tpu.memref_slice %arg2[%dma_wait3A_178, %dma_wait3A_179] : memref<10000x64xf32, #tpu.memory_space<hbm>> -> memref<10000x64xf32, #tpu.memory_space<hbm>>
    tpu.wait_indirect_dma semaphore(%arg21 : memref<!tpu.dma_semaphore, #tpu.memory_space<semaphore_mem>>) src(%dma_wait3A_180 : memref<10000x64xf32, #tpu.memory_space<hbm>>) dst(%arg13 : memref<128x64xf32, #tpu.memory_space<vmem>>)
    %dma_start3A_181 = arith.constant 3 : i32
    %dma_start3A_182 = arith.constant 0 : i32
    %dma_start3A_183 = tpu.memref_slice %arg9[%dma_start3A_181, %dma_start3A_182] : memref<80x128xi32, #tpu.memory_space<vmem>> -> memref<1x128xi32, #tpu.memory_space<vmem>>
    %dma_start3A_184 = tpu.memref_squeeze %dma_start3A_183 : memref<1x128xi32, #tpu.memory_space<vmem>> -> memref<128xi32, #tpu.memory_space<vmem>>
    %dma_start3A_185 = arith.constant 0 : i32
    %dma_start3A_186 = arith.constant 0 : i32
    %dma_start3A_187 = tpu.memref_slice %arg7[%dma_start3A_185, %dma_start3A_186] : memref<10240x64xf32, #tpu.memory_space<vmem_shared>> -> memref<10240x64xf32, #tpu.memory_space<vmem_shared>>
    tpu.enqueue_indirect_dma source(%arg13 : memref<128x64xf32, #tpu.memory_space<vmem>>) target(%dma_start3A_187 : memref<10240x64xf32, #tpu.memory_space<vmem_shared>>) offsets(%dma_start3A_184 : memref<128xi32, #tpu.memory_space<vmem>>) semaphore(%arg29 : memref<!tpu.dma_semaphore, #tpu.memory_space<semaphore_mem>>) {add = true}
    %dma_start3A_188 = arith.constant 7 : i32
    %dma_start3A_189 = arith.constant 0 : i32
    %dma_start3A_190 = tpu.memref_slice %arg8[%dma_start3A_188, %dma_start3A_189] : memref<80x128xi32, #tpu.memory_space<vmem>> -> memref<1x128xi32, #tpu.memory_space<vmem>>
    %dma_start3A_191 = tpu.memref_squeeze %dma_start3A_190 : memref<1x128xi32, #tpu.memory_space<vmem>> -> memref<128xi32, #tpu.memory_space<vmem>>
    %dma_start3A_192 = arith.constant 0 : i32
    %dma_start3A_193 = arith.constant 0 : i32
    %dma_start3A_194 = tpu.memref_slice %arg2[%dma_start3A_192, %dma_start3A_193] : memref<10000x64xf32, #tpu.memory_space<hbm>> -> memref<10000x64xf32, #tpu.memory_space<hbm>>
    tpu.enqueue_indirect_dma source(%dma_start3A_194 : memref<10000x64xf32, #tpu.memory_space<hbm>>) target(%arg17 : memref<128x64xf32, #tpu.memory_space<vmem>>) offsets(%dma_start3A_191 : memref<128xi32, #tpu.memory_space<vmem>>) semaphore(%arg25 : memref<!tpu.dma_semaphore, #tpu.memory_space<semaphore_mem>>)
    %scan3A = arith.constant 0 : i32
    %scan3A_195 = arith.constant 0 : i32
    %scan3A_196 = arith.constant 9 : i32
    %scan3A_197 = arith.addi %scan3A_195, %scan3A_196 : i32
    %scan3A_198 = arith.constant 1 : i32
    scf.for %scan3A_443 = %scan3A_195 to %scan3A_197 step %scan3A_198  : i32 {
      %mul3A_444 = arith.constant 8 : i32
      %mul3A_445 = arith.muli %mul3A_444, %scan3A_443 : i32
      %add3A_446 = arith.constant 4 : i32
      %add3A_447 = arith.addi %add3A_446, %mul3A_445 : i32
      %add3A_448 = arith.constant 0 : i32
      %add3A_449 = arith.addi %add3A_447, %add3A_448 : i32
      %dma_wait3A_450 = arith.constant 0 : i32
      %dma_wait3A_451 = tpu.memref_slice %arg8[%add3A_449, %dma_wait3A_450] : memref<80x128xi32, #tpu.memory_space<vmem>> -> memref<1x128xi32, #tpu.memory_space<vmem>>
      %dma_wait3A_452 = tpu.memref_squeeze %dma_wait3A_451 : memref<1x128xi32, #tpu.memory_space<vmem>> -> memref<128xi32, #tpu.memory_space<vmem>>
      %dma_wait3A_453 = arith.constant 0 : i32
      %dma_wait3A_454 = arith.constant 0 : i32
      %dma_wait3A_455 = tpu.memref_slice %arg2[%dma_wait3A_453, %dma_wait3A_454] : memref<10000x64xf32, #tpu.memory_space<hbm>> -> memref<10000x64xf32, #tpu.memory_space<hbm>>
      tpu.wait_indirect_dma semaphore(%arg22 : memref<!tpu.dma_semaphore, #tpu.memory_space<semaphore_mem>>) src(%dma_wait3A_455 : memref<10000x64xf32, #tpu.memory_space<hbm>>) dst(%arg14 : memref<128x64xf32, #tpu.memory_space<vmem>>)
      %dma_start3A_456 = arith.constant 0 : i32
      %dma_start3A_457 = tpu.memref_slice %arg9[%add3A_449, %dma_start3A_456] : memref<80x128xi32, #tpu.memory_space<vmem>> -> memref<1x128xi32, #tpu.memory_space<vmem>>
      %dma_start3A_458 = tpu.memref_squeeze %dma_start3A_457 : memref<1x128xi32, #tpu.memory_space<vmem>> -> memref<128xi32, #tpu.memory_space<vmem>>
      %dma_start3A_459 = arith.constant 0 : i32
      %dma_start3A_460 = arith.constant 0 : i32
      %dma_start3A_461 = tpu.memref_slice %arg7[%dma_start3A_459, %dma_start3A_460] : memref<10240x64xf32, #tpu.memory_space<vmem_shared>> -> memref<10240x64xf32, #tpu.memory_space<vmem_shared>>
      tpu.enqueue_indirect_dma source(%arg14 : memref<128x64xf32, #tpu.memory_space<vmem>>) target(%dma_start3A_461 : memref<10240x64xf32, #tpu.memory_space<vmem_shared>>) offsets(%dma_start3A_458 : memref<128xi32, #tpu.memory_space<vmem>>) semaphore(%arg30 : memref<!tpu.dma_semaphore, #tpu.memory_space<semaphore_mem>>) {add = true}
      %sub3A = arith.constant 4 : i32
      %sub3A_462 = arith.subi %add3A_449, %sub3A : i32
      %dma_wait3A_463 = arith.constant 0 : i32
      %dma_wait3A_464 = tpu.memref_slice %arg9[%sub3A_462, %dma_wait3A_463] : memref<80x128xi32, #tpu.memory_space<vmem>> -> memref<1x128xi32, #tpu.memory_space<vmem>>
      %dma_wait3A_465 = tpu.memref_squeeze %dma_wait3A_464 : memref<1x128xi32, #tpu.memory_space<vmem>> -> memref<128xi32, #tpu.memory_space<vmem>>
      %dma_wait3A_466 = arith.constant 0 : i32
      %dma_wait3A_467 = arith.constant 0 : i32
      %dma_wait3A_468 = tpu.memref_slice %arg7[%dma_wait3A_466, %dma_wait3A_467] : memref<10240x64xf32, #tpu.memory_space<vmem_shared>> -> memref<10240x64xf32, #tpu.memory_space<vmem_shared>>
      tpu.wait_indirect_dma semaphore(%arg26 : memref<!tpu.dma_semaphore, #tpu.memory_space<semaphore_mem>>) src(%arg10 : memref<128x64xf32, #tpu.memory_space<vmem>>) dst(%dma_wait3A_468 : memref<10240x64xf32, #tpu.memory_space<vmem_shared>>)
      %add3A_469 = arith.constant 4 : i32
      %add3A_470 = arith.addi %add3A_449, %add3A_469 : i32
      %dma_start3A_471 = arith.constant 0 : i32
      %dma_start3A_472 = tpu.memref_slice %arg8[%add3A_470, %dma_start3A_471] : memref<80x128xi32, #tpu.memory_space<vmem>> -> memref<1x128xi32, #tpu.memory_space<vmem>>
      %dma_start3A_473 = tpu.memref_squeeze %dma_start3A_472 : memref<1x128xi32, #tpu.memory_space<vmem>> -> memref<128xi32, #tpu.memory_space<vmem>>
      %dma_start3A_474 = arith.constant 0 : i32
      %dma_start3A_475 = arith.constant 0 : i32
      %dma_start3A_476 = tpu.memref_slice %arg2[%dma_start3A_474, %dma_start3A_475] : memref<10000x64xf32, #tpu.memory_space<hbm>> -> memref<10000x64xf32, #tpu.memory_space<hbm>>
      tpu.enqueue_indirect_dma source(%dma_start3A_476 : memref<10000x64xf32, #tpu.memory_space<hbm>>) target(%arg10 : memref<128x64xf32, #tpu.memory_space<vmem>>) offsets(%dma_start3A_473 : memref<128xi32, #tpu.memory_space<vmem>>) semaphore(%arg18 : memref<!tpu.dma_semaphore, #tpu.memory_space<semaphore_mem>>)
      %mul3A_477 = arith.constant 8 : i32
      %mul3A_478 = arith.muli %mul3A_477, %scan3A_443 : i32
      %add3A_479 = arith.constant 4 : i32
      %add3A_480 = arith.addi %add3A_479, %mul3A_478 : i32
      %add3A_481 = arith.constant 1 : i32
      %add3A_482 = arith.addi %add3A_480, %add3A_481 : i32
      %dma_wait3A_483 = arith.constant 0 : i32
      %dma_wait3A_484 = tpu.memref_slice %arg8[%add3A_482, %dma_wait3A_483] : memref<80x128xi32, #tpu.memory_space<vmem>> -> memref<1x128xi32, #tpu.memory_space<vmem>>
      %dma_wait3A_485 = tpu.memref_squeeze %dma_wait3A_484 : memref<1x128xi32, #tpu.memory_space<vmem>> -> memref<128xi32, #tpu.memory_space<vmem>>
      %dma_wait3A_486 = arith.constant 0 : i32
      %dma_wait3A_487 = arith.constant 0 : i32
      %dma_wait3A_488 = tpu.memref_slice %arg2[%dma_wait3A_486, %dma_wait3A_487] : memref<10000x64xf32, #tpu.memory_space<hbm>> -> memref<10000x64xf32, #tpu.memory_space<hbm>>
      tpu.wait_indirect_dma semaphore(%arg23 : memref<!tpu.dma_semaphore, #tpu.memory_space<semaphore_mem>>) src(%dma_wait3A_488 : memref<10000x64xf32, #tpu.memory_space<hbm>>) dst(%arg15 : memref<128x64xf32, #tpu.memory_space<vmem>>)
      %dma_start3A_489 = arith.constant 0 : i32
      %dma_start3A_490 = tpu.memref_slice %arg9[%add3A_482, %dma_start3A_489] : memref<80x128xi32, #tpu.memory_space<vmem>> -> memref<1x128xi32, #tpu.memory_space<vmem>>
      %dma_start3A_491 = tpu.memref_squeeze %dma_start3A_490 : memref<1x128xi32, #tpu.memory_space<vmem>> -> memref<128xi32, #tpu.memory_space<vmem>>
      %dma_start3A_492 = arith.constant 0 : i32
      %dma_start3A_493 = arith.constant 0 : i32
      %dma_start3A_494 = tpu.memref_slice %arg7[%dma_start3A_492, %dma_start3A_493] : memref<10240x64xf32, #tpu.memory_space<vmem_shared>> -> memref<10240x64xf32, #tpu.memory_space<vmem_shared>>
      tpu.enqueue_indirect_dma source(%arg15 : memref<128x64xf32, #tpu.memory_space<vmem>>) target(%dma_start3A_494 : memref<10240x64xf32, #tpu.memory_space<vmem_shared>>) offsets(%dma_start3A_491 : memref<128xi32, #tpu.memory_space<vmem>>) semaphore(%arg31 : memref<!tpu.dma_semaphore, #tpu.memory_space<semaphore_mem>>) {add = true}
      %sub3A_495 = arith.constant 4 : i32
      %sub3A_496 = arith.subi %add3A_482, %sub3A_495 : i32
      %dma_wait3A_497 = arith.constant 0 : i32
      %dma_wait3A_498 = tpu.memref_slice %arg9[%sub3A_496, %dma_wait3A_497] : memref<80x128xi32, #tpu.memory_space<vmem>> -> memref<1x128xi32, #tpu.memory_space<vmem>>
      %dma_wait3A_499 = tpu.memref_squeeze %dma_wait3A_498 : memref<1x128xi32, #tpu.memory_space<vmem>> -> memref<128xi32, #tpu.memory_space<vmem>>
      %dma_wait3A_500 = arith.constant 0 : i32
      %dma_wait3A_501 = arith.constant 0 : i32
      %dma_wait3A_502 = tpu.memref_slice %arg7[%dma_wait3A_500, %dma_wait3A_501] : memref<10240x64xf32, #tpu.memory_space<vmem_shared>> -> memref<10240x64xf32, #tpu.memory_space<vmem_shared>>
      tpu.wait_indirect_dma semaphore(%arg27 : memref<!tpu.dma_semaphore, #tpu.memory_space<semaphore_mem>>) src(%arg11 : memref<128x64xf32, #tpu.memory_space<vmem>>) dst(%dma_wait3A_502 : memref<10240x64xf32, #tpu.memory_space<vmem_shared>>)
      %add3A_503 = arith.constant 4 : i32
      %add3A_504 = arith.addi %add3A_482, %add3A_503 : i32
      %dma_start3A_505 = arith.constant 0 : i32
      %dma_start3A_506 = tpu.memref_slice %arg8[%add3A_504, %dma_start3A_505] : memref<80x128xi32, #tpu.memory_space<vmem>> -> memref<1x128xi32, #tpu.memory_space<vmem>>
      %dma_start3A_507 = tpu.memref_squeeze %dma_start3A_506 : memref<1x128xi32, #tpu.memory_space<vmem>> -> memref<128xi32, #tpu.memory_space<vmem>>
      %dma_start3A_508 = arith.constant 0 : i32
      %dma_start3A_509 = arith.constant 0 : i32
      %dma_start3A_510 = tpu.memref_slice %arg2[%dma_start3A_508, %dma_start3A_509] : memref<10000x64xf32, #tpu.memory_space<hbm>> -> memref<10000x64xf32, #tpu.memory_space<hbm>>
      tpu.enqueue_indirect_dma source(%dma_start3A_510 : memref<10000x64xf32, #tpu.memory_space<hbm>>) target(%arg11 : memref<128x64xf32, #tpu.memory_space<vmem>>) offsets(%dma_start3A_507 : memref<128xi32, #tpu.memory_space<vmem>>) semaphore(%arg19 : memref<!tpu.dma_semaphore, #tpu.memory_space<semaphore_mem>>)
      %mul3A_511 = arith.constant 8 : i32
      %mul3A_512 = arith.muli %mul3A_511, %scan3A_443 : i32
      %add3A_513 = arith.constant 4 : i32
      %add3A_514 = arith.addi %add3A_513, %mul3A_512 : i32
      %add3A_515 = arith.constant 2 : i32
      %add3A_516 = arith.addi %add3A_514, %add3A_515 : i32
      %dma_wait3A_517 = arith.constant 0 : i32
      %dma_wait3A_518 = tpu.memref_slice %arg8[%add3A_516, %dma_wait3A_517] : memref<80x128xi32, #tpu.memory_space<vmem>> -> memref<1x128xi32, #tpu.memory_space<vmem>>
      %dma_wait3A_519 = tpu.memref_squeeze %dma_wait3A_518 : memref<1x128xi32, #tpu.memory_space<vmem>> -> memref<128xi32, #tpu.memory_space<vmem>>
      %dma_wait3A_520 = arith.constant 0 : i32
      %dma_wait3A_521 = arith.constant 0 : i32
      %dma_wait3A_522 = tpu.memref_slice %arg2[%dma_wait3A_520, %dma_wait3A_521] : memref<10000x64xf32, #tpu.memory_space<hbm>> -> memref<10000x64xf32, #tpu.memory_space<hbm>>
      tpu.wait_indirect_dma semaphore(%arg24 : memref<!tpu.dma_semaphore, #tpu.memory_space<semaphore_mem>>) src(%dma_wait3A_522 : memref<10000x64xf32, #tpu.memory_space<hbm>>) dst(%arg16 : memref<128x64xf32, #tpu.memory_space<vmem>>)
      %dma_start3A_523 = arith.constant 0 : i32
      %dma_start3A_524 = tpu.memref_slice %arg9[%add3A_516, %dma_start3A_523] : memref<80x128xi32, #tpu.memory_space<vmem>> -> memref<1x128xi32, #tpu.memory_space<vmem>>
      %dma_start3A_525 = tpu.memref_squeeze %dma_start3A_524 : memref<1x128xi32, #tpu.memory_space<vmem>> -> memref<128xi32, #tpu.memory_space<vmem>>
      %dma_start3A_526 = arith.constant 0 : i32
      %dma_start3A_527 = arith.constant 0 : i32
      %dma_start3A_528 = tpu.memref_slice %arg7[%dma_start3A_526, %dma_start3A_527] : memref<10240x64xf32, #tpu.memory_space<vmem_shared>> -> memref<10240x64xf32, #tpu.memory_space<vmem_shared>>
      tpu.enqueue_indirect_dma source(%arg16 : memref<128x64xf32, #tpu.memory_space<vmem>>) target(%dma_start3A_528 : memref<10240x64xf32, #tpu.memory_space<vmem_shared>>) offsets(%dma_start3A_525 : memref<128xi32, #tpu.memory_space<vmem>>) semaphore(%arg32 : memref<!tpu.dma_semaphore, #tpu.memory_space<semaphore_mem>>) {add = true}
      %sub3A_529 = arith.constant 4 : i32
      %sub3A_530 = arith.subi %add3A_516, %sub3A_529 : i32
      %dma_wait3A_531 = arith.constant 0 : i32
      %dma_wait3A_532 = tpu.memref_slice %arg9[%sub3A_530, %dma_wait3A_531] : memref<80x128xi32, #tpu.memory_space<vmem>> -> memref<1x128xi32, #tpu.memory_space<vmem>>
      %dma_wait3A_533 = tpu.memref_squeeze %dma_wait3A_532 : memref<1x128xi32, #tpu.memory_space<vmem>> -> memref<128xi32, #tpu.memory_space<vmem>>
      %dma_wait3A_534 = arith.constant 0 : i32
      %dma_wait3A_535 = arith.constant 0 : i32
      %dma_wait3A_536 = tpu.memref_slice %arg7[%dma_wait3A_534, %dma_wait3A_535] : memref<10240x64xf32, #tpu.memory_space<vmem_shared>> -> memref<10240x64xf32, #tpu.memory_space<vmem_shared>>
      tpu.wait_indirect_dma semaphore(%arg28 : memref<!tpu.dma_semaphore, #tpu.memory_space<semaphore_mem>>) src(%arg12 : memref<128x64xf32, #tpu.memory_space<vmem>>) dst(%dma_wait3A_536 : memref<10240x64xf32, #tpu.memory_space<vmem_shared>>)
      %add3A_537 = arith.constant 4 : i32
      %add3A_538 = arith.addi %add3A_516, %add3A_537 : i32
      %dma_start3A_539 = arith.constant 0 : i32
      %dma_start3A_540 = tpu.memref_slice %arg8[%add3A_538, %dma_start3A_539] : memref<80x128xi32, #tpu.memory_space<vmem>> -> memref<1x128xi32, #tpu.memory_space<vmem>>
      %dma_start3A_541 = tpu.memref_squeeze %dma_start3A_540 : memref<1x128xi32, #tpu.memory_space<vmem>> -> memref<128xi32, #tpu.memory_space<vmem>>
      %dma_start3A_542 = arith.constant 0 : i32
      %dma_start3A_543 = arith.constant 0 : i32
      %dma_start3A_544 = tpu.memref_slice %arg2[%dma_start3A_542, %dma_start3A_543] : memref<10000x64xf32, #tpu.memory_space<hbm>> -> memref<10000x64xf32, #tpu.memory_space<hbm>>
      tpu.enqueue_indirect_dma source(%dma_start3A_544 : memref<10000x64xf32, #tpu.memory_space<hbm>>) target(%arg12 : memref<128x64xf32, #tpu.memory_space<vmem>>) offsets(%dma_start3A_541 : memref<128xi32, #tpu.memory_space<vmem>>) semaphore(%arg20 : memref<!tpu.dma_semaphore, #tpu.memory_space<semaphore_mem>>)
      %mul3A_545 = arith.constant 8 : i32
      %mul3A_546 = arith.muli %mul3A_545, %scan3A_443 : i32
      %add3A_547 = arith.constant 4 : i32
      %add3A_548 = arith.addi %add3A_547, %mul3A_546 : i32
      %add3A_549 = arith.constant 3 : i32
      %add3A_550 = arith.addi %add3A_548, %add3A_549 : i32
      %dma_wait3A_551 = arith.constant 0 : i32
      %dma_wait3A_552 = tpu.memref_slice %arg8[%add3A_550, %dma_wait3A_551] : memref<80x128xi32, #tpu.memory_space<vmem>> -> memref<1x128xi32, #tpu.memory_space<vmem>>
      %dma_wait3A_553 = tpu.memref_squeeze %dma_wait3A_552 : memref<1x128xi32, #tpu.memory_space<vmem>> -> memref<128xi32, #tpu.memory_space<vmem>>
      %dma_wait3A_554 = arith.constant 0 : i32
      %dma_wait3A_555 = arith.constant 0 : i32
      %dma_wait3A_556 = tpu.memref_slice %arg2[%dma_wait3A_554, %dma_wait3A_555] : memref<10000x64xf32, #tpu.memory_space<hbm>> -> memref<10000x64xf32, #tpu.memory_space<hbm>>
      tpu.wait_indirect_dma semaphore(%arg25 : memref<!tpu.dma_semaphore, #tpu.memory_space<semaphore_mem>>) src(%dma_wait3A_556 : memref<10000x64xf32, #tpu.memory_space<hbm>>) dst(%arg17 : memref<128x64xf32, #tpu.memory_space<vmem>>)
      %dma_start3A_557 = arith.constant 0 : i32
      %dma_start3A_558 = tpu.memref_slice %arg9[%add3A_550, %dma_start3A_557] : memref<80x128xi32, #tpu.memory_space<vmem>> -> memref<1x128xi32, #tpu.memory_space<vmem>>
      %dma_start3A_559 = tpu.memref_squeeze %dma_start3A_558 : memref<1x128xi32, #tpu.memory_space<vmem>> -> memref<128xi32, #tpu.memory_space<vmem>>
      %dma_start3A_560 = arith.constant 0 : i32
      %dma_start3A_561 = arith.constant 0 : i32
      %dma_start3A_562 = tpu.memref_slice %arg7[%dma_start3A_560, %dma_start3A_561] : memref<10240x64xf32, #tpu.memory_space<vmem_shared>> -> memref<10240x64xf32, #tpu.memory_space<vmem_shared>>
      tpu.enqueue_indirect_dma source(%arg17 : memref<128x64xf32, #tpu.memory_space<vmem>>) target(%dma_start3A_562 : memref<10240x64xf32, #tpu.memory_space<vmem_shared>>) offsets(%dma_start3A_559 : memref<128xi32, #tpu.memory_space<vmem>>) semaphore(%arg33 : memref<!tpu.dma_semaphore, #tpu.memory_space<semaphore_mem>>) {add = true}
      %sub3A_563 = arith.constant 4 : i32
      %sub3A_564 = arith.subi %add3A_550, %sub3A_563 : i32
      %dma_wait3A_565 = arith.constant 0 : i32
      %dma_wait3A_566 = tpu.memref_slice %arg9[%sub3A_564, %dma_wait3A_565] : memref<80x128xi32, #tpu.memory_space<vmem>> -> memref<1x128xi32, #tpu.memory_space<vmem>>
      %dma_wait3A_567 = tpu.memref_squeeze %dma_wait3A_566 : memref<1x128xi32, #tpu.memory_space<vmem>> -> memref<128xi32, #tpu.memory_space<vmem>>
      %dma_wait3A_568 = arith.constant 0 : i32
      %dma_wait3A_569 = arith.constant 0 : i32
      %dma_wait3A_570 = tpu.memref_slice %arg7[%dma_wait3A_568, %dma_wait3A_569] : memref<10240x64xf32, #tpu.memory_space<vmem_shared>> -> memref<10240x64xf32, #tpu.memory_space<vmem_shared>>
      tpu.wait_indirect_dma semaphore(%arg29 : memref<!tpu.dma_semaphore, #tpu.memory_space<semaphore_mem>>) src(%arg13 : memref<128x64xf32, #tpu.memory_space<vmem>>) dst(%dma_wait3A_570 : memref<10240x64xf32, #tpu.memory_space<vmem_shared>>)
      %add3A_571 = arith.constant 4 : i32
      %add3A_572 = arith.addi %add3A_550, %add3A_571 : i32
      %dma_start3A_573 = arith.constant 0 : i32
      %dma_start3A_574 = tpu.memref_slice %arg8[%add3A_572, %dma_start3A_573] : memref<80x128xi32, #tpu.memory_space<vmem>> -> memref<1x128xi32, #tpu.memory_space<vmem>>
      %dma_start3A_575 = tpu.memref_squeeze %dma_start3A_574 : memref<1x128xi32, #tpu.memory_space<vmem>> -> memref<128xi32, #tpu.memory_space<vmem>>
      %dma_start3A_576 = arith.constant 0 : i32
      %dma_start3A_577 = arith.constant 0 : i32
      %dma_start3A_578 = tpu.memref_slice %arg2[%dma_start3A_576, %dma_start3A_577] : memref<10000x64xf32, #tpu.memory_space<hbm>> -> memref<10000x64xf32, #tpu.memory_space<hbm>>
      tpu.enqueue_indirect_dma source(%dma_start3A_578 : memref<10000x64xf32, #tpu.memory_space<hbm>>) target(%arg13 : memref<128x64xf32, #tpu.memory_space<vmem>>) offsets(%dma_start3A_575 : memref<128xi32, #tpu.memory_space<vmem>>) semaphore(%arg21 : memref<!tpu.dma_semaphore, #tpu.memory_space<semaphore_mem>>)
      %mul3A_579 = arith.constant 8 : i32
      %mul3A_580 = arith.muli %mul3A_579, %scan3A_443 : i32
      %add3A_581 = arith.constant 4 : i32
      %add3A_582 = arith.addi %add3A_581, %mul3A_580 : i32
      %add3A_583 = arith.constant 4 : i32
      %add3A_584 = arith.addi %add3A_582, %add3A_583 : i32
      %dma_wait3A_585 = arith.constant 0 : i32
      %dma_wait3A_586 = tpu.memref_slice %arg8[%add3A_584, %dma_wait3A_585] : memref<80x128xi32, #tpu.memory_space<vmem>> -> memref<1x128xi32, #tpu.memory_space<vmem>>
      %dma_wait3A_587 = tpu.memref_squeeze %dma_wait3A_586 : memref<1x128xi32, #tpu.memory_space<vmem>> -> memref<128xi32, #tpu.memory_space<vmem>>
      %dma_wait3A_588 = arith.constant 0 : i32
      %dma_wait3A_589 = arith.constant 0 : i32
      %dma_wait3A_590 = tpu.memref_slice %arg2[%dma_wait3A_588, %dma_wait3A_589] : memref<10000x64xf32, #tpu.memory_space<hbm>> -> memref<10000x64xf32, #tpu.memory_space<hbm>>
      tpu.wait_indirect_dma semaphore(%arg18 : memref<!tpu.dma_semaphore, #tpu.memory_space<semaphore_mem>>) src(%dma_wait3A_590 : memref<10000x64xf32, #tpu.memory_space<hbm>>) dst(%arg10 : memref<128x64xf32, #tpu.memory_space<vmem>>)
      %dma_start3A_591 = arith.constant 0 : i32
      %dma_start3A_592 = tpu.memref_slice %arg9[%add3A_584, %dma_start3A_591] : memref<80x128xi32, #tpu.memory_space<vmem>> -> memref<1x128xi32, #tpu.memory_space<vmem>>
      %dma_start3A_593 = tpu.memref_squeeze %dma_start3A_592 : memref<1x128xi32, #tpu.memory_space<vmem>> -> memref<128xi32, #tpu.memory_space<vmem>>
      %dma_start3A_594 = arith.constant 0 : i32
      %dma_start3A_595 = arith.constant 0 : i32
      %dma_start3A_596 = tpu.memref_slice %arg7[%dma_start3A_594, %dma_start3A_595] : memref<10240x64xf32, #tpu.memory_space<vmem_shared>> -> memref<10240x64xf32, #tpu.memory_space<vmem_shared>>
      tpu.enqueue_indirect_dma source(%arg10 : memref<128x64xf32, #tpu.memory_space<vmem>>) target(%dma_start3A_596 : memref<10240x64xf32, #tpu.memory_space<vmem_shared>>) offsets(%dma_start3A_593 : memref<128xi32, #tpu.memory_space<vmem>>) semaphore(%arg26 : memref<!tpu.dma_semaphore, #tpu.memory_space<semaphore_mem>>) {add = true}
      %sub3A_597 = arith.constant 4 : i32
      %sub3A_598 = arith.subi %add3A_584, %sub3A_597 : i32
      %dma_wait3A_599 = arith.constant 0 : i32
      %dma_wait3A_600 = tpu.memref_slice %arg9[%sub3A_598, %dma_wait3A_599] : memref<80x128xi32, #tpu.memory_space<vmem>> -> memref<1x128xi32, #tpu.memory_space<vmem>>
      %dma_wait3A_601 = tpu.memref_squeeze %dma_wait3A_600 : memref<1x128xi32, #tpu.memory_space<vmem>> -> memref<128xi32, #tpu.memory_space<vmem>>
      %dma_wait3A_602 = arith.constant 0 : i32
      %dma_wait3A_603 = arith.constant 0 : i32
      %dma_wait3A_604 = tpu.memref_slice %arg7[%dma_wait3A_602, %dma_wait3A_603] : memref<10240x64xf32, #tpu.memory_space<vmem_shared>> -> memref<10240x64xf32, #tpu.memory_space<vmem_shared>>
      tpu.wait_indirect_dma semaphore(%arg30 : memref<!tpu.dma_semaphore, #tpu.memory_space<semaphore_mem>>) src(%arg14 : memref<128x64xf32, #tpu.memory_space<vmem>>) dst(%dma_wait3A_604 : memref<10240x64xf32, #tpu.memory_space<vmem_shared>>)
      %add3A_605 = arith.constant 4 : i32
      %add3A_606 = arith.addi %add3A_584, %add3A_605 : i32
      %dma_start3A_607 = arith.constant 0 : i32
      %dma_start3A_608 = tpu.memref_slice %arg8[%add3A_606, %dma_start3A_607] : memref<80x128xi32, #tpu.memory_space<vmem>> -> memref<1x128xi32, #tpu.memory_space<vmem>>
      %dma_start3A_609 = tpu.memref_squeeze %dma_start3A_608 : memref<1x128xi32, #tpu.memory_space<vmem>> -> memref<128xi32, #tpu.memory_space<vmem>>
      %dma_start3A_610 = arith.constant 0 : i32
      %dma_start3A_611 = arith.constant 0 : i32
      %dma_start3A_612 = tpu.memref_slice %arg2[%dma_start3A_610, %dma_start3A_611] : memref<10000x64xf32, #tpu.memory_space<hbm>> -> memref<10000x64xf32, #tpu.memory_space<hbm>>
      tpu.enqueue_indirect_dma source(%dma_start3A_612 : memref<10000x64xf32, #tpu.memory_space<hbm>>) target(%arg14 : memref<128x64xf32, #tpu.memory_space<vmem>>) offsets(%dma_start3A_609 : memref<128xi32, #tpu.memory_space<vmem>>) semaphore(%arg22 : memref<!tpu.dma_semaphore, #tpu.memory_space<semaphore_mem>>)
      %mul3A_613 = arith.constant 8 : i32
      %mul3A_614 = arith.muli %mul3A_613, %scan3A_443 : i32
      %add3A_615 = arith.constant 4 : i32
      %add3A_616 = arith.addi %add3A_615, %mul3A_614 : i32
      %add3A_617 = arith.constant 5 : i32
      %add3A_618 = arith.addi %add3A_616, %add3A_617 : i32
      %dma_wait3A_619 = arith.constant 0 : i32
      %dma_wait3A_620 = tpu.memref_slice %arg8[%add3A_618, %dma_wait3A_619] : memref<80x128xi32, #tpu.memory_space<vmem>> -> memref<1x128xi32, #tpu.memory_space<vmem>>
      %dma_wait3A_621 = tpu.memref_squeeze %dma_wait3A_620 : memref<1x128xi32, #tpu.memory_space<vmem>> -> memref<128xi32, #tpu.memory_space<vmem>>
      %dma_wait3A_622 = arith.constant 0 : i32
      %dma_wait3A_623 = arith.constant 0 : i32
      %dma_wait3A_624 = tpu.memref_slice %arg2[%dma_wait3A_622, %dma_wait3A_623] : memref<10000x64xf32, #tpu.memory_space<hbm>> -> memref<10000x64xf32, #tpu.memory_space<hbm>>
      tpu.wait_indirect_dma semaphore(%arg19 : memref<!tpu.dma_semaphore, #tpu.memory_space<semaphore_mem>>) src(%dma_wait3A_624 : memref<10000x64xf32, #tpu.memory_space<hbm>>) dst(%arg11 : memref<128x64xf32, #tpu.memory_space<vmem>>)
      %dma_start3A_625 = arith.constant 0 : i32
      %dma_start3A_626 = tpu.memref_slice %arg9[%add3A_618, %dma_start3A_625] : memref<80x128xi32, #tpu.memory_space<vmem>> -> memref<1x128xi32, #tpu.memory_space<vmem>>
      %dma_start3A_627 = tpu.memref_squeeze %dma_start3A_626 : memref<1x128xi32, #tpu.memory_space<vmem>> -> memref<128xi32, #tpu.memory_space<vmem>>
      %dma_start3A_628 = arith.constant 0 : i32
      %dma_start3A_629 = arith.constant 0 : i32
      %dma_start3A_630 = tpu.memref_slice %arg7[%dma_start3A_628, %dma_start3A_629] : memref<10240x64xf32, #tpu.memory_space<vmem_shared>> -> memref<10240x64xf32, #tpu.memory_space<vmem_shared>>
      tpu.enqueue_indirect_dma source(%arg11 : memref<128x64xf32, #tpu.memory_space<vmem>>) target(%dma_start3A_630 : memref<10240x64xf32, #tpu.memory_space<vmem_shared>>) offsets(%dma_start3A_627 : memref<128xi32, #tpu.memory_space<vmem>>) semaphore(%arg27 : memref<!tpu.dma_semaphore, #tpu.memory_space<semaphore_mem>>) {add = true}
      %sub3A_631 = arith.constant 4 : i32
      %sub3A_632 = arith.subi %add3A_618, %sub3A_631 : i32
      %dma_wait3A_633 = arith.constant 0 : i32
      %dma_wait3A_634 = tpu.memref_slice %arg9[%sub3A_632, %dma_wait3A_633] : memref<80x128xi32, #tpu.memory_space<vmem>> -> memref<1x128xi32, #tpu.memory_space<vmem>>
      %dma_wait3A_635 = tpu.memref_squeeze %dma_wait3A_634 : memref<1x128xi32, #tpu.memory_space<vmem>> -> memref<128xi32, #tpu.memory_space<vmem>>
      %dma_wait3A_636 = arith.constant 0 : i32
      %dma_wait3A_637 = arith.constant 0 : i32
      %dma_wait3A_638 = tpu.memref_slice %arg7[%dma_wait3A_636, %dma_wait3A_637] : memref<10240x64xf32, #tpu.memory_space<vmem_shared>> -> memref<10240x64xf32, #tpu.memory_space<vmem_shared>>
      tpu.wait_indirect_dma semaphore(%arg31 : memref<!tpu.dma_semaphore, #tpu.memory_space<semaphore_mem>>) src(%arg15 : memref<128x64xf32, #tpu.memory_space<vmem>>) dst(%dma_wait3A_638 : memref<10240x64xf32, #tpu.memory_space<vmem_shared>>)
      %add3A_639 = arith.constant 4 : i32
      %add3A_640 = arith.addi %add3A_618, %add3A_639 : i32
      %dma_start3A_641 = arith.constant 0 : i32
      %dma_start3A_642 = tpu.memref_slice %arg8[%add3A_640, %dma_start3A_641] : memref<80x128xi32, #tpu.memory_space<vmem>> -> memref<1x128xi32, #tpu.memory_space<vmem>>
      %dma_start3A_643 = tpu.memref_squeeze %dma_start3A_642 : memref<1x128xi32, #tpu.memory_space<vmem>> -> memref<128xi32, #tpu.memory_space<vmem>>
      %dma_start3A_644 = arith.constant 0 : i32
      %dma_start3A_645 = arith.constant 0 : i32
      %dma_start3A_646 = tpu.memref_slice %arg2[%dma_start3A_644, %dma_start3A_645] : memref<10000x64xf32, #tpu.memory_space<hbm>> -> memref<10000x64xf32, #tpu.memory_space<hbm>>
      tpu.enqueue_indirect_dma source(%dma_start3A_646 : memref<10000x64xf32, #tpu.memory_space<hbm>>) target(%arg15 : memref<128x64xf32, #tpu.memory_space<vmem>>) offsets(%dma_start3A_643 : memref<128xi32, #tpu.memory_space<vmem>>) semaphore(%arg23 : memref<!tpu.dma_semaphore, #tpu.memory_space<semaphore_mem>>)
      %mul3A_647 = arith.constant 8 : i32
      %mul3A_648 = arith.muli %mul3A_647, %scan3A_443 : i32
      %add3A_649 = arith.constant 4 : i32
      %add3A_650 = arith.addi %add3A_649, %mul3A_648 : i32
      %add3A_651 = arith.constant 6 : i32
      %add3A_652 = arith.addi %add3A_650, %add3A_651 : i32
      %dma_wait3A_653 = arith.constant 0 : i32
      %dma_wait3A_654 = tpu.memref_slice %arg8[%add3A_652, %dma_wait3A_653] : memref<80x128xi32, #tpu.memory_space<vmem>> -> memref<1x128xi32, #tpu.memory_space<vmem>>
      %dma_wait3A_655 = tpu.memref_squeeze %dma_wait3A_654 : memref<1x128xi32, #tpu.memory_space<vmem>> -> memref<128xi32, #tpu.memory_space<vmem>>
      %dma_wait3A_656 = arith.constant 0 : i32
      %dma_wait3A_657 = arith.constant 0 : i32
      %dma_wait3A_658 = tpu.memref_slice %arg2[%dma_wait3A_656, %dma_wait3A_657] : memref<10000x64xf32, #tpu.memory_space<hbm>> -> memref<10000x64xf32, #tpu.memory_space<hbm>>
      tpu.wait_indirect_dma semaphore(%arg20 : memref<!tpu.dma_semaphore, #tpu.memory_space<semaphore_mem>>) src(%dma_wait3A_658 : memref<10000x64xf32, #tpu.memory_space<hbm>>) dst(%arg12 : memref<128x64xf32, #tpu.memory_space<vmem>>)
      %dma_start3A_659 = arith.constant 0 : i32
      %dma_start3A_660 = tpu.memref_slice %arg9[%add3A_652, %dma_start3A_659] : memref<80x128xi32, #tpu.memory_space<vmem>> -> memref<1x128xi32, #tpu.memory_space<vmem>>
      %dma_start3A_661 = tpu.memref_squeeze %dma_start3A_660 : memref<1x128xi32, #tpu.memory_space<vmem>> -> memref<128xi32, #tpu.memory_space<vmem>>
      %dma_start3A_662 = arith.constant 0 : i32
      %dma_start3A_663 = arith.constant 0 : i32
      %dma_start3A_664 = tpu.memref_slice %arg7[%dma_start3A_662, %dma_start3A_663] : memref<10240x64xf32, #tpu.memory_space<vmem_shared>> -> memref<10240x64xf32, #tpu.memory_space<vmem_shared>>
      tpu.enqueue_indirect_dma source(%arg12 : memref<128x64xf32, #tpu.memory_space<vmem>>) target(%dma_start3A_664 : memref<10240x64xf32, #tpu.memory_space<vmem_shared>>) offsets(%dma_start3A_661 : memref<128xi32, #tpu.memory_space<vmem>>) semaphore(%arg28 : memref<!tpu.dma_semaphore, #tpu.memory_space<semaphore_mem>>) {add = true}
      %sub3A_665 = arith.constant 4 : i32
      %sub3A_666 = arith.subi %add3A_652, %sub3A_665 : i32
      %dma_wait3A_667 = arith.constant 0 : i32
      %dma_wait3A_668 = tpu.memref_slice %arg9[%sub3A_666, %dma_wait3A_667] : memref<80x128xi32, #tpu.memory_space<vmem>> -> memref<1x128xi32, #tpu.memory_space<vmem>>
      %dma_wait3A_669 = tpu.memref_squeeze %dma_wait3A_668 : memref<1x128xi32, #tpu.memory_space<vmem>> -> memref<128xi32, #tpu.memory_space<vmem>>
      %dma_wait3A_670 = arith.constant 0 : i32
      %dma_wait3A_671 = arith.constant 0 : i32
      %dma_wait3A_672 = tpu.memref_slice %arg7[%dma_wait3A_670, %dma_wait3A_671] : memref<10240x64xf32, #tpu.memory_space<vmem_shared>> -> memref<10240x64xf32, #tpu.memory_space<vmem_shared>>
      tpu.wait_indirect_dma semaphore(%arg32 : memref<!tpu.dma_semaphore, #tpu.memory_space<semaphore_mem>>) src(%arg16 : memref<128x64xf32, #tpu.memory_space<vmem>>) dst(%dma_wait3A_672 : memref<10240x64xf32, #tpu.memory_space<vmem_shared>>)
      %add3A_673 = arith.constant 4 : i32
      %add3A_674 = arith.addi %add3A_652, %add3A_673 : i32
      %dma_start3A_675 = arith.constant 0 : i32
      %dma_start3A_676 = tpu.memref_slice %arg8[%add3A_674, %dma_start3A_675] : memref<80x128xi32, #tpu.memory_space<vmem>> -> memref<1x128xi32, #tpu.memory_space<vmem>>
      %dma_start3A_677 = tpu.memref_squeeze %dma_start3A_676 : memref<1x128xi32, #tpu.memory_space<vmem>> -> memref<128xi32, #tpu.memory_space<vmem>>
      %dma_start3A_678 = arith.constant 0 : i32
      %dma_start3A_679 = arith.constant 0 : i32
      %dma_start3A_680 = tpu.memref_slice %arg2[%dma_start3A_678, %dma_start3A_679] : memref<10000x64xf32, #tpu.memory_space<hbm>> -> memref<10000x64xf32, #tpu.memory_space<hbm>>
      tpu.enqueue_indirect_dma source(%dma_start3A_680 : memref<10000x64xf32, #tpu.memory_space<hbm>>) target(%arg16 : memref<128x64xf32, #tpu.memory_space<vmem>>) offsets(%dma_start3A_677 : memref<128xi32, #tpu.memory_space<vmem>>) semaphore(%arg24 : memref<!tpu.dma_semaphore, #tpu.memory_space<semaphore_mem>>)
      %mul3A_681 = arith.constant 8 : i32
      %mul3A_682 = arith.muli %mul3A_681, %scan3A_443 : i32
      %add3A_683 = arith.constant 4 : i32
      %add3A_684 = arith.addi %add3A_683, %mul3A_682 : i32
      %add3A_685 = arith.constant 7 : i32
      %add3A_686 = arith.addi %add3A_684, %add3A_685 : i32
      %dma_wait3A_687 = arith.constant 0 : i32
      %dma_wait3A_688 = tpu.memref_slice %arg8[%add3A_686, %dma_wait3A_687] : memref<80x128xi32, #tpu.memory_space<vmem>> -> memref<1x128xi32, #tpu.memory_space<vmem>>
      %dma_wait3A_689 = tpu.memref_squeeze %dma_wait3A_688 : memref<1x128xi32, #tpu.memory_space<vmem>> -> memref<128xi32, #tpu.memory_space<vmem>>
      %dma_wait3A_690 = arith.constant 0 : i32
      %dma_wait3A_691 = arith.constant 0 : i32
      %dma_wait3A_692 = tpu.memref_slice %arg2[%dma_wait3A_690, %dma_wait3A_691] : memref<10000x64xf32, #tpu.memory_space<hbm>> -> memref<10000x64xf32, #tpu.memory_space<hbm>>
      tpu.wait_indirect_dma semaphore(%arg21 : memref<!tpu.dma_semaphore, #tpu.memory_space<semaphore_mem>>) src(%dma_wait3A_692 : memref<10000x64xf32, #tpu.memory_space<hbm>>) dst(%arg13 : memref<128x64xf32, #tpu.memory_space<vmem>>)
      %dma_start3A_693 = arith.constant 0 : i32
      %dma_start3A_694 = tpu.memref_slice %arg9[%add3A_686, %dma_start3A_693] : memref<80x128xi32, #tpu.memory_space<vmem>> -> memref<1x128xi32, #tpu.memory_space<vmem>>
      %dma_start3A_695 = tpu.memref_squeeze %dma_start3A_694 : memref<1x128xi32, #tpu.memory_space<vmem>> -> memref<128xi32, #tpu.memory_space<vmem>>
      %dma_start3A_696 = arith.constant 0 : i32
      %dma_start3A_697 = arith.constant 0 : i32
      %dma_start3A_698 = tpu.memref_slice %arg7[%dma_start3A_696, %dma_start3A_697] : memref<10240x64xf32, #tpu.memory_space<vmem_shared>> -> memref<10240x64xf32, #tpu.memory_space<vmem_shared>>
      tpu.enqueue_indirect_dma source(%arg13 : memref<128x64xf32, #tpu.memory_space<vmem>>) target(%dma_start3A_698 : memref<10240x64xf32, #tpu.memory_space<vmem_shared>>) offsets(%dma_start3A_695 : memref<128xi32, #tpu.memory_space<vmem>>) semaphore(%arg29 : memref<!tpu.dma_semaphore, #tpu.memory_space<semaphore_mem>>) {add = true}
      %sub3A_699 = arith.constant 4 : i32
      %sub3A_700 = arith.subi %add3A_686, %sub3A_699 : i32
      %dma_wait3A_701 = arith.constant 0 : i32
      %dma_wait3A_702 = tpu.memref_slice %arg9[%sub3A_700, %dma_wait3A_701] : memref<80x128xi32, #tpu.memory_space<vmem>> -> memref<1x128xi32, #tpu.memory_space<vmem>>
      %dma_wait3A_703 = tpu.memref_squeeze %dma_wait3A_702 : memref<1x128xi32, #tpu.memory_space<vmem>> -> memref<128xi32, #tpu.memory_space<vmem>>
      %dma_wait3A_704 = arith.constant 0 : i32
      %dma_wait3A_705 = arith.constant 0 : i32
      %dma_wait3A_706 = tpu.memref_slice %arg7[%dma_wait3A_704, %dma_wait3A_705] : memref<10240x64xf32, #tpu.memory_space<vmem_shared>> -> memref<10240x64xf32, #tpu.memory_space<vmem_shared>>
      tpu.wait_indirect_dma semaphore(%arg33 : memref<!tpu.dma_semaphore, #tpu.memory_space<semaphore_mem>>) src(%arg17 : memref<128x64xf32, #tpu.memory_space<vmem>>) dst(%dma_wait3A_706 : memref<10240x64xf32, #tpu.memory_space<vmem_shared>>)
      %add3A_707 = arith.constant 4 : i32
      %add3A_708 = arith.addi %add3A_686, %add3A_707 : i32
      %dma_start3A_709 = arith.constant 0 : i32
      %dma_start3A_710 = tpu.memref_slice %arg8[%add3A_708, %dma_start3A_709] : memref<80x128xi32, #tpu.memory_space<vmem>> -> memref<1x128xi32, #tpu.memory_space<vmem>>
      %dma_start3A_711 = tpu.memref_squeeze %dma_start3A_710 : memref<1x128xi32, #tpu.memory_space<vmem>> -> memref<128xi32, #tpu.memory_space<vmem>>
      %dma_start3A_712 = arith.constant 0 : i32
      %dma_start3A_713 = arith.constant 0 : i32
      %dma_start3A_714 = tpu.memref_slice %arg2[%dma_start3A_712, %dma_start3A_713] : memref<10000x64xf32, #tpu.memory_space<hbm>> -> memref<10000x64xf32, #tpu.memory_space<hbm>>
      tpu.enqueue_indirect_dma source(%dma_start3A_714 : memref<10000x64xf32, #tpu.memory_space<hbm>>) target(%arg17 : memref<128x64xf32, #tpu.memory_space<vmem>>) offsets(%dma_start3A_711 : memref<128xi32, #tpu.memory_space<vmem>>) semaphore(%arg25 : memref<!tpu.dma_semaphore, #tpu.memory_space<semaphore_mem>>)
    }
    %scan3A_199 = arith.constant 9 : i32
    %dma_wait3A_200 = arith.constant 76 : i32
    %dma_wait3A_201 = arith.constant 0 : i32
    %dma_wait3A_202 = tpu.memref_slice %arg8[%dma_wait3A_200, %dma_wait3A_201] : memref<80x128xi32, #tpu.memory_space<vmem>> -> memref<1x128xi32, #tpu.memory_space<vmem>>
    %dma_wait3A_203 = tpu.memref_squeeze %dma_wait3A_202 : memref<1x128xi32, #tpu.memory_space<vmem>> -> memref<128xi32, #tpu.memory_space<vmem>>
    %dma_wait3A_204 = arith.constant 0 : i32
    %dma_wait3A_205 = arith.constant 0 : i32
    %dma_wait3A_206 = tpu.memref_slice %arg2[%dma_wait3A_204, %dma_wait3A_205] : memref<10000x64xf32, #tpu.memory_space<hbm>> -> memref<10000x64xf32, #tpu.memory_space<hbm>>
    tpu.wait_indirect_dma semaphore(%arg22 : memref<!tpu.dma_semaphore, #tpu.memory_space<semaphore_mem>>) src(%dma_wait3A_206 : memref<10000x64xf32, #tpu.memory_space<hbm>>) dst(%arg14 : memref<128x64xf32, #tpu.memory_space<vmem>>)
    %dma_start3A_207 = arith.constant 76 : i32
    %dma_start3A_208 = arith.constant 0 : i32
    %dma_start3A_209 = tpu.memref_slice %arg9[%dma_start3A_207, %dma_start3A_208] : memref<80x128xi32, #tpu.memory_space<vmem>> -> memref<1x128xi32, #tpu.memory_space<vmem>>
    %dma_start3A_210 = tpu.memref_squeeze %dma_start3A_209 : memref<1x128xi32, #tpu.memory_space<vmem>> -> memref<128xi32, #tpu.memory_space<vmem>>
    %dma_start3A_211 = arith.constant 0 : i32
    %dma_start3A_212 = arith.constant 0 : i32
    %dma_start3A_213 = tpu.memref_slice %arg7[%dma_start3A_211, %dma_start3A_212] : memref<10240x64xf32, #tpu.memory_space<vmem_shared>> -> memref<10240x64xf32, #tpu.memory_space<vmem_shared>>
    tpu.enqueue_indirect_dma source(%arg14 : memref<128x64xf32, #tpu.memory_space<vmem>>) target(%dma_start3A_213 : memref<10240x64xf32, #tpu.memory_space<vmem_shared>>) offsets(%dma_start3A_210 : memref<128xi32, #tpu.memory_space<vmem>>) semaphore(%arg30 : memref<!tpu.dma_semaphore, #tpu.memory_space<semaphore_mem>>) {add = true}
    %dma_wait3A_214 = arith.constant 72 : i32
    %dma_wait3A_215 = arith.constant 0 : i32
    %dma_wait3A_216 = tpu.memref_slice %arg9[%dma_wait3A_214, %dma_wait3A_215] : memref<80x128xi32, #tpu.memory_space<vmem>> -> memref<1x128xi32, #tpu.memory_space<vmem>>
    %dma_wait3A_217 = tpu.memref_squeeze %dma_wait3A_216 : memref<1x128xi32, #tpu.memory_space<vmem>> -> memref<128xi32, #tpu.memory_space<vmem>>
    %dma_wait3A_218 = arith.constant 0 : i32
    %dma_wait3A_219 = arith.constant 0 : i32
    %dma_wait3A_220 = tpu.memref_slice %arg7[%dma_wait3A_218, %dma_wait3A_219] : memref<10240x64xf32, #tpu.memory_space<vmem_shared>> -> memref<10240x64xf32, #tpu.memory_space<vmem_shared>>
    tpu.wait_indirect_dma semaphore(%arg26 : memref<!tpu.dma_semaphore, #tpu.memory_space<semaphore_mem>>) src(%arg10 : memref<128x64xf32, #tpu.memory_space<vmem>>) dst(%dma_wait3A_220 : memref<10240x64xf32, #tpu.memory_space<vmem_shared>>)
    %dma_wait3A_221 = arith.constant 77 : i32
    %dma_wait3A_222 = arith.constant 0 : i32
    %dma_wait3A_223 = tpu.memref_slice %arg8[%dma_wait3A_221, %dma_wait3A_222] : memref<80x128xi32, #tpu.memory_space<vmem>> -> memref<1x128xi32, #tpu.memory_space<vmem>>
    %dma_wait3A_224 = tpu.memref_squeeze %dma_wait3A_223 : memref<1x128xi32, #tpu.memory_space<vmem>> -> memref<128xi32, #tpu.memory_space<vmem>>
    %dma_wait3A_225 = arith.constant 0 : i32
    %dma_wait3A_226 = arith.constant 0 : i32
    %dma_wait3A_227 = tpu.memref_slice %arg2[%dma_wait3A_225, %dma_wait3A_226] : memref<10000x64xf32, #tpu.memory_space<hbm>> -> memref<10000x64xf32, #tpu.memory_space<hbm>>
    tpu.wait_indirect_dma semaphore(%arg23 : memref<!tpu.dma_semaphore, #tpu.memory_space<semaphore_mem>>) src(%dma_wait3A_227 : memref<10000x64xf32, #tpu.memory_space<hbm>>) dst(%arg15 : memref<128x64xf32, #tpu.memory_space<vmem>>)
    %dma_start3A_228 = arith.constant 77 : i32
    %dma_start3A_229 = arith.constant 0 : i32
    %dma_start3A_230 = tpu.memref_slice %arg9[%dma_start3A_228, %dma_start3A_229] : memref<80x128xi32, #tpu.memory_space<vmem>> -> memref<1x128xi32, #tpu.memory_space<vmem>>
    %dma_start3A_231 = tpu.memref_squeeze %dma_start3A_230 : memref<1x128xi32, #tpu.memory_space<vmem>> -> memref<128xi32, #tpu.memory_space<vmem>>
    %dma_start3A_232 = arith.constant 0 : i32
    %dma_start3A_233 = arith.constant 0 : i32
    %dma_start3A_234 = tpu.memref_slice %arg7[%dma_start3A_232, %dma_start3A_233] : memref<10240x64xf32, #tpu.memory_space<vmem_shared>> -> memref<10240x64xf32, #tpu.memory_space<vmem_shared>>
    tpu.enqueue_indirect_dma source(%arg15 : memref<128x64xf32, #tpu.memory_space<vmem>>) target(%dma_start3A_234 : memref<10240x64xf32, #tpu.memory_space<vmem_shared>>) offsets(%dma_start3A_231 : memref<128xi32, #tpu.memory_space<vmem>>) semaphore(%arg31 : memref<!tpu.dma_semaphore, #tpu.memory_space<semaphore_mem>>) {add = true}
    %dma_wait3A_235 = arith.constant 73 : i32
    %dma_wait3A_236 = arith.constant 0 : i32
    %dma_wait3A_237 = tpu.memref_slice %arg9[%dma_wait3A_235, %dma_wait3A_236] : memref<80x128xi32, #tpu.memory_space<vmem>> -> memref<1x128xi32, #tpu.memory_space<vmem>>
    %dma_wait3A_238 = tpu.memref_squeeze %dma_wait3A_237 : memref<1x128xi32, #tpu.memory_space<vmem>> -> memref<128xi32, #tpu.memory_space<vmem>>
    %dma_wait3A_239 = arith.constant 0 : i32
    %dma_wait3A_240 = arith.constant 0 : i32
    %dma_wait3A_241 = tpu.memref_slice %arg7[%dma_wait3A_239, %dma_wait3A_240] : memref<10240x64xf32, #tpu.memory_space<vmem_shared>> -> memref<10240x64xf32, #tpu.memory_space<vmem_shared>>
    tpu.wait_indirect_dma semaphore(%arg27 : memref<!tpu.dma_semaphore, #tpu.memory_space<semaphore_mem>>) src(%arg11 : memref<128x64xf32, #tpu.memory_space<vmem>>) dst(%dma_wait3A_241 : memref<10240x64xf32, #tpu.memory_space<vmem_shared>>)
    %dma_wait3A_242 = arith.constant 78 : i32
    %dma_wait3A_243 = arith.constant 0 : i32
    %dma_wait3A_244 = tpu.memref_slice %arg8[%dma_wait3A_242, %dma_wait3A_243] : memref<80x128xi32, #tpu.memory_space<vmem>> -> memref<1x128xi32, #tpu.memory_space<vmem>>
    %dma_wait3A_245 = tpu.memref_squeeze %dma_wait3A_244 : memref<1x128xi32, #tpu.memory_space<vmem>> -> memref<128xi32, #tpu.memory_space<vmem>>
    %dma_wait3A_246 = arith.constant 0 : i32
    %dma_wait3A_247 = arith.constant 0 : i32
    %dma_wait3A_248 = tpu.memref_slice %arg2[%dma_wait3A_246, %dma_wait3A_247] : memref<10000x64xf32, #tpu.memory_space<hbm>> -> memref<10000x64xf32, #tpu.memory_space<hbm>>
    tpu.wait_indirect_dma semaphore(%arg24 : memref<!tpu.dma_semaphore, #tpu.memory_space<semaphore_mem>>) src(%dma_wait3A_248 : memref<10000x64xf32, #tpu.memory_space<hbm>>) dst(%arg16 : memref<128x64xf32, #tpu.memory_space<vmem>>)
    %dma_start3A_249 = arith.constant 78 : i32
    %dma_start3A_250 = arith.constant 0 : i32
    %dma_start3A_251 = tpu.memref_slice %arg9[%dma_start3A_249, %dma_start3A_250] : memref<80x128xi32, #tpu.memory_space<vmem>> -> memref<1x128xi32, #tpu.memory_space<vmem>>
    %dma_start3A_252 = tpu.memref_squeeze %dma_start3A_251 : memref<1x128xi32, #tpu.memory_space<vmem>> -> memref<128xi32, #tpu.memory_space<vmem>>
    %dma_start3A_253 = arith.constant 0 : i32
    %dma_start3A_254 = arith.constant 0 : i32
    %dma_start3A_255 = tpu.memref_slice %arg7[%dma_start3A_253, %dma_start3A_254] : memref<10240x64xf32, #tpu.memory_space<vmem_shared>> -> memref<10240x64xf32, #tpu.memory_space<vmem_shared>>
    tpu.enqueue_indirect_dma source(%arg16 : memref<128x64xf32, #tpu.memory_space<vmem>>) target(%dma_start3A_255 : memref<10240x64xf32, #tpu.memory_space<vmem_shared>>) offsets(%dma_start3A_252 : memref<128xi32, #tpu.memory_space<vmem>>) semaphore(%arg32 : memref<!tpu.dma_semaphore, #tpu.memory_space<semaphore_mem>>) {add = true}
    %dma_wait3A_256 = arith.constant 74 : i32
    %dma_wait3A_257 = arith.constant 0 : i32
    %dma_wait3A_258 = tpu.memref_slice %arg9[%dma_wait3A_256, %dma_wait3A_257] : memref<80x128xi32, #tpu.memory_space<vmem>> -> memref<1x128xi32, #tpu.memory_space<vmem>>
    %dma_wait3A_259 = tpu.memref_squeeze %dma_wait3A_258 : memref<1x128xi32, #tpu.memory_space<vmem>> -> memref<128xi32, #tpu.memory_space<vmem>>
    %dma_wait3A_260 = arith.constant 0 : i32
    %dma_wait3A_261 = arith.constant 0 : i32
    %dma_wait3A_262 = tpu.memref_slice %arg7[%dma_wait3A_260, %dma_wait3A_261] : memref<10240x64xf32, #tpu.memory_space<vmem_shared>> -> memref<10240x64xf32, #tpu.memory_space<vmem_shared>>
    tpu.wait_indirect_dma semaphore(%arg28 : memref<!tpu.dma_semaphore, #tpu.memory_space<semaphore_mem>>) src(%arg12 : memref<128x64xf32, #tpu.memory_space<vmem>>) dst(%dma_wait3A_262 : memref<10240x64xf32, #tpu.memory_space<vmem_shared>>)
    %dma_wait3A_263 = arith.constant 79 : i32
    %dma_wait3A_264 = arith.constant 0 : i32
    %dma_wait3A_265 = tpu.memref_slice %arg8[%dma_wait3A_263, %dma_wait3A_264] : memref<80x128xi32, #tpu.memory_space<vmem>> -> memref<1x128xi32, #tpu.memory_space<vmem>>
    %dma_wait3A_266 = tpu.memref_squeeze %dma_wait3A_265 : memref<1x128xi32, #tpu.memory_space<vmem>> -> memref<128xi32, #tpu.memory_space<vmem>>
    %dma_wait3A_267 = arith.constant 0 : i32
    %dma_wait3A_268 = arith.constant 0 : i32
    %dma_wait3A_269 = tpu.memref_slice %arg2[%dma_wait3A_267, %dma_wait3A_268] : memref<10000x64xf32, #tpu.memory_space<hbm>> -> memref<10000x64xf32, #tpu.memory_space<hbm>>
    tpu.wait_indirect_dma semaphore(%arg25 : memref<!tpu.dma_semaphore, #tpu.memory_space<semaphore_mem>>) src(%dma_wait3A_269 : memref<10000x64xf32, #tpu.memory_space<hbm>>) dst(%arg17 : memref<128x64xf32, #tpu.memory_space<vmem>>)
    %dma_start3A_270 = arith.constant 79 : i32
    %dma_start3A_271 = arith.constant 0 : i32
    %dma_start3A_272 = tpu.memref_slice %arg9[%dma_start3A_270, %dma_start3A_271] : memref<80x128xi32, #tpu.memory_space<vmem>> -> memref<1x128xi32, #tpu.memory_space<vmem>>
    %dma_start3A_273 = tpu.memref_squeeze %dma_start3A_272 : memref<1x128xi32, #tpu.memory_space<vmem>> -> memref<128xi32, #tpu.memory_space<vmem>>
    %dma_start3A_274 = arith.constant 0 : i32
    %dma_start3A_275 = arith.constant 0 : i32
    %dma_start3A_276 = tpu.memref_slice %arg7[%dma_start3A_274, %dma_start3A_275] : memref<10240x64xf32, #tpu.memory_space<vmem_shared>> -> memref<10240x64xf32, #tpu.memory_space<vmem_shared>>
    tpu.enqueue_indirect_dma source(%arg17 : memref<128x64xf32, #tpu.memory_space<vmem>>) target(%dma_start3A_276 : memref<10240x64xf32, #tpu.memory_space<vmem_shared>>) offsets(%dma_start3A_273 : memref<128xi32, #tpu.memory_space<vmem>>) semaphore(%arg33 : memref<!tpu.dma_semaphore, #tpu.memory_space<semaphore_mem>>) {add = true}
    %dma_wait3A_277 = arith.constant 75 : i32
    %dma_wait3A_278 = arith.constant 0 : i32
    %dma_wait3A_279 = tpu.memref_slice %arg9[%dma_wait3A_277, %dma_wait3A_278] : memref<80x128xi32, #tpu.memory_space<vmem>> -> memref<1x128xi32, #tpu.memory_space<vmem>>
    %dma_wait3A_280 = tpu.memref_squeeze %dma_wait3A_279 : memref<1x128xi32, #tpu.memory_space<vmem>> -> memref<128xi32, #tpu.memory_space<vmem>>
    %dma_wait3A_281 = arith.constant 0 : i32
    %dma_wait3A_282 = arith.constant 0 : i32
    %dma_wait3A_283 = tpu.memref_slice %arg7[%dma_wait3A_281, %dma_wait3A_282] : memref<10240x64xf32, #tpu.memory_space<vmem_shared>> -> memref<10240x64xf32, #tpu.memory_space<vmem_shared>>
    tpu.wait_indirect_dma semaphore(%arg29 : memref<!tpu.dma_semaphore, #tpu.memory_space<semaphore_mem>>) src(%arg13 : memref<128x64xf32, #tpu.memory_space<vmem>>) dst(%dma_wait3A_283 : memref<10240x64xf32, #tpu.memory_space<vmem_shared>>)
    %dma_wait3A_284 = arith.constant 76 : i32
    %dma_wait3A_285 = arith.constant 0 : i32
    %dma_wait3A_286 = tpu.memref_slice %arg9[%dma_wait3A_284, %dma_wait3A_285] : memref<80x128xi32, #tpu.memory_space<vmem>> -> memref<1x128xi32, #tpu.memory_space<vmem>>
    %dma_wait3A_287 = tpu.memref_squeeze %dma_wait3A_286 : memref<1x128xi32, #tpu.memory_space<vmem>> -> memref<128xi32, #tpu.memory_space<vmem>>
    %dma_wait3A_288 = arith.constant 0 : i32
    %dma_wait3A_289 = arith.constant 0 : i32
    %dma_wait3A_290 = tpu.memref_slice %arg7[%dma_wait3A_288, %dma_wait3A_289] : memref<10240x64xf32, #tpu.memory_space<vmem_shared>> -> memref<10240x64xf32, #tpu.memory_space<vmem_shared>>
    tpu.wait_indirect_dma semaphore(%arg30 : memref<!tpu.dma_semaphore, #tpu.memory_space<semaphore_mem>>) src(%arg14 : memref<128x64xf32, #tpu.memory_space<vmem>>) dst(%dma_wait3A_290 : memref<10240x64xf32, #tpu.memory_space<vmem_shared>>)
    %dma_wait3A_291 = arith.constant 77 : i32
    %dma_wait3A_292 = arith.constant 0 : i32
    %dma_wait3A_293 = tpu.memref_slice %arg9[%dma_wait3A_291, %dma_wait3A_292] : memref<80x128xi32, #tpu.memory_space<vmem>> -> memref<1x128xi32, #tpu.memory_space<vmem>>
    %dma_wait3A_294 = tpu.memref_squeeze %dma_wait3A_293 : memref<1x128xi32, #tpu.memory_space<vmem>> -> memref<128xi32, #tpu.memory_space<vmem>>
    %dma_wait3A_295 = arith.constant 0 : i32
    %dma_wait3A_296 = arith.constant 0 : i32
    %dma_wait3A_297 = tpu.memref_slice %arg7[%dma_wait3A_295, %dma_wait3A_296] : memref<10240x64xf32, #tpu.memory_space<vmem_shared>> -> memref<10240x64xf32, #tpu.memory_space<vmem_shared>>
    tpu.wait_indirect_dma semaphore(%arg31 : memref<!tpu.dma_semaphore, #tpu.memory_space<semaphore_mem>>) src(%arg15 : memref<128x64xf32, #tpu.memory_space<vmem>>) dst(%dma_wait3A_297 : memref<10240x64xf32, #tpu.memory_space<vmem_shared>>)
    %dma_wait3A_298 = arith.constant 78 : i32
    %dma_wait3A_299 = arith.constant 0 : i32
    %dma_wait3A_300 = tpu.memref_slice %arg9[%dma_wait3A_298, %dma_wait3A_299] : memref<80x128xi32, #tpu.memory_space<vmem>> -> memref<1x128xi32, #tpu.memory_space<vmem>>
    %dma_wait3A_301 = tpu.memref_squeeze %dma_wait3A_300 : memref<1x128xi32, #tpu.memory_space<vmem>> -> memref<128xi32, #tpu.memory_space<vmem>>
    %dma_wait3A_302 = arith.constant 0 : i32
    %dma_wait3A_303 = arith.constant 0 : i32
    %dma_wait3A_304 = tpu.memref_slice %arg7[%dma_wait3A_302, %dma_wait3A_303] : memref<10240x64xf32, #tpu.memory_space<vmem_shared>> -> memref<10240x64xf32, #tpu.memory_space<vmem_shared>>
    tpu.wait_indirect_dma semaphore(%arg32 : memref<!tpu.dma_semaphore, #tpu.memory_space<semaphore_mem>>) src(%arg16 : memref<128x64xf32, #tpu.memory_space<vmem>>) dst(%dma_wait3A_304 : memref<10240x64xf32, #tpu.memory_space<vmem_shared>>)
    %dma_wait3A_305 = arith.constant 79 : i32
    %dma_wait3A_306 = arith.constant 0 : i32
    %dma_wait3A_307 = tpu.memref_slice %arg9[%dma_wait3A_305, %dma_wait3A_306] : memref<80x128xi32, #tpu.memory_space<vmem>> -> memref<1x128xi32, #tpu.memory_space<vmem>>
    %dma_wait3A_308 = tpu.memref_squeeze %dma_wait3A_307 : memref<1x128xi32, #tpu.memory_space<vmem>> -> memref<128xi32, #tpu.memory_space<vmem>>
    %dma_wait3A_309 = arith.constant 0 : i32
    %dma_wait3A_310 = arith.constant 0 : i32
    %dma_wait3A_311 = tpu.memref_slice %arg7[%dma_wait3A_309, %dma_wait3A_310] : memref<10240x64xf32, #tpu.memory_space<vmem_shared>> -> memref<10240x64xf32, #tpu.memory_space<vmem_shared>>
    tpu.wait_indirect_dma semaphore(%arg33 : memref<!tpu.dma_semaphore, #tpu.memory_space<semaphore_mem>>) src(%arg17 : memref<128x64xf32, #tpu.memory_space<vmem>>) dst(%dma_wait3A_311 : memref<10240x64xf32, #tpu.memory_space<vmem_shared>>)
    %barrier3A_312 = arith.constant 0 : index
    tpu.barrier barrier_id(%barrier3A_312)
    %mul3A_313 = arith.constant 640 : i32
    %mul3A_314 = arith.muli %arg1, %mul3A_313 : i32
    %add3A_315 = arith.constant 0 : i32
    %add3A_316 = arith.addi %mul3A_314, %add3A_315 : i32
    "tpu.region"() ({
      %run_scoped3A = tpu.sem_alloc : memref<!tpu.dma_semaphore, #tpu.memory_space<semaphore_mem>>
      %dma_start3A_443 = arith.constant 0 : i32
      %dma_start3A_444 = tpu.memref_slice %arg7[%add3A_316, %dma_start3A_443] : memref<10240x64xf32, #tpu.memory_space<vmem_shared>> -> memref<128x64xf32, #tpu.memory_space<vmem_shared>>
      %dma_start3A_445 = arith.constant 0 : i32
      %dma_start3A_446 = tpu.memref_slice %arg7[%add3A_316, %dma_start3A_445] : memref<10240x64xf32, #tpu.memory_space<vmem_shared>> -> memref<128x64xf32, #tpu.memory_space<vmem_shared>>
      tpu.enqueue_dma source(%dma_start3A_446 : memref<128x64xf32, #tpu.memory_space<vmem_shared>>) target(%arg10 : memref<128x64xf32, #tpu.memory_space<vmem>>) target_semaphore(%run_scoped3A : memref<!tpu.dma_semaphore, #tpu.memory_space<semaphore_mem>>)
      %dma_wait3A_447 = arith.constant 0 : i32
      %dma_wait3A_448 = tpu.memref_slice %arg7[%add3A_316, %dma_wait3A_447] : memref<10240x64xf32, #tpu.memory_space<vmem_shared>> -> memref<128x64xf32, #tpu.memory_space<vmem_shared>>
      %dma_wait3A_449 = arith.constant 0 : i32
      %dma_wait3A_450 = tpu.memref_slice %arg7[%add3A_316, %dma_wait3A_449] : memref<10240x64xf32, #tpu.memory_space<vmem_shared>> -> memref<128x64xf32, #tpu.memory_space<vmem_shared>>
      tpu.wait_dma2 semaphore(%run_scoped3A : memref<!tpu.dma_semaphore, #tpu.memory_space<semaphore_mem>>) src(%dma_wait3A_450 : memref<128x64xf32, #tpu.memory_space<vmem_shared>>) dst(%arg10 : memref<128x64xf32, #tpu.memory_space<vmem>>)
      tpu.yield
    }) : () -> ()
    %mul3A_317 = arith.constant 10240 : i32
    %mul3A_318 = arith.muli %arg0, %mul3A_317 : i32
    %mul3A_319 = arith.constant 640 : i32
    %mul3A_320 = arith.muli %arg1, %mul3A_319 : i32
    %add3A_321 = arith.addi %mul3A_318, %mul3A_320 : i32
    %add3A_322 = arith.constant 0 : i32
    %add3A_323 = arith.addi %add3A_321, %add3A_322 : i32
    %dma_start3A_324 = arith.constant 0 : i32
    %dma_start3A_325 = tpu.memref_slice %arg6[%add3A_323, %dma_start3A_324] : memref<20480x64xf32, #tpu.memory_space<hbm>> -> memref<128x64xf32, #tpu.memory_space<hbm>>
    %dma_start3A_326 = arith.constant 0 : i32
    %dma_start3A_327 = tpu.memref_slice %arg6[%add3A_323, %dma_start3A_326] : memref<20480x64xf32, #tpu.memory_space<hbm>> -> memref<128x64xf32, #tpu.memory_space<hbm>>
    tpu.enqueue_dma source(%arg10 : memref<128x64xf32, #tpu.memory_space<vmem>>) target(%dma_start3A_327 : memref<128x64xf32, #tpu.memory_space<hbm>>) target_semaphore(%arg26 : memref<!tpu.dma_semaphore, #tpu.memory_space<semaphore_mem>>)
    %mul3A_328 = arith.constant 640 : i32
    %mul3A_329 = arith.muli %arg1, %mul3A_328 : i32
    %add3A_330 = arith.constant 128 : i32
    %add3A_331 = arith.addi %mul3A_329, %add3A_330 : i32
    "tpu.region"() ({
      %run_scoped3A = tpu.sem_alloc : memref<!tpu.dma_semaphore, #tpu.memory_space<semaphore_mem>>
      %dma_start3A_443 = arith.constant 0 : i32
      %dma_start3A_444 = tpu.memref_slice %arg7[%add3A_331, %dma_start3A_443] : memref<10240x64xf32, #tpu.memory_space<vmem_shared>> -> memref<128x64xf32, #tpu.memory_space<vmem_shared>>
      %dma_start3A_445 = arith.constant 0 : i32
      %dma_start3A_446 = tpu.memref_slice %arg7[%add3A_331, %dma_start3A_445] : memref<10240x64xf32, #tpu.memory_space<vmem_shared>> -> memref<128x64xf32, #tpu.memory_space<vmem_shared>>
      tpu.enqueue_dma source(%dma_start3A_446 : memref<128x64xf32, #tpu.memory_space<vmem_shared>>) target(%arg11 : memref<128x64xf32, #tpu.memory_space<vmem>>) target_semaphore(%run_scoped3A : memref<!tpu.dma_semaphore, #tpu.memory_space<semaphore_mem>>)
      %dma_wait3A_447 = arith.constant 0 : i32
      %dma_wait3A_448 = tpu.memref_slice %arg7[%add3A_331, %dma_wait3A_447] : memref<10240x64xf32, #tpu.memory_space<vmem_shared>> -> memref<128x64xf32, #tpu.memory_space<vmem_shared>>
      %dma_wait3A_449 = arith.constant 0 : i32
      %dma_wait3A_450 = tpu.memref_slice %arg7[%add3A_331, %dma_wait3A_449] : memref<10240x64xf32, #tpu.memory_space<vmem_shared>> -> memref<128x64xf32, #tpu.memory_space<vmem_shared>>
      tpu.wait_dma2 semaphore(%run_scoped3A : memref<!tpu.dma_semaphore, #tpu.memory_space<semaphore_mem>>) src(%dma_wait3A_450 : memref<128x64xf32, #tpu.memory_space<vmem_shared>>) dst(%arg11 : memref<128x64xf32, #tpu.memory_space<vmem>>)
      tpu.yield
    }) : () -> ()
    %mul3A_332 = arith.constant 10240 : i32
    %mul3A_333 = arith.muli %arg0, %mul3A_332 : i32
    %mul3A_334 = arith.constant 640 : i32
    %mul3A_335 = arith.muli %arg1, %mul3A_334 : i32
    %add3A_336 = arith.addi %mul3A_333, %mul3A_335 : i32
    %add3A_337 = arith.constant 128 : i32
    %add3A_338 = arith.addi %add3A_336, %add3A_337 : i32
    %dma_start3A_339 = arith.constant 0 : i32
    %dma_start3A_340 = tpu.memref_slice %arg6[%add3A_338, %dma_start3A_339] : memref<20480x64xf32, #tpu.memory_space<hbm>> -> memref<128x64xf32, #tpu.memory_space<hbm>>
    %dma_start3A_341 = arith.constant 0 : i32
    %dma_start3A_342 = tpu.memref_slice %arg6[%add3A_338, %dma_start3A_341] : memref<20480x64xf32, #tpu.memory_space<hbm>> -> memref<128x64xf32, #tpu.memory_space<hbm>>
    tpu.enqueue_dma source(%arg11 : memref<128x64xf32, #tpu.memory_space<vmem>>) target(%dma_start3A_342 : memref<128x64xf32, #tpu.memory_space<hbm>>) target_semaphore(%arg27 : memref<!tpu.dma_semaphore, #tpu.memory_space<semaphore_mem>>)
    %mul3A_343 = arith.constant 10240 : i32
    %mul3A_344 = arith.muli %arg0, %mul3A_343 : i32
    %mul3A_345 = arith.constant 640 : i32
    %mul3A_346 = arith.muli %arg1, %mul3A_345 : i32
    %add3A_347 = arith.addi %mul3A_344, %mul3A_346 : i32
    %add3A_348 = arith.constant 0 : i32
    %add3A_349 = arith.addi %add3A_347, %add3A_348 : i32
    %dma_wait3A_350 = arith.constant 0 : i32
    %dma_wait3A_351 = tpu.memref_slice %arg6[%add3A_349, %dma_wait3A_350] : memref<20480x64xf32, #tpu.memory_space<hbm>> -> memref<128x64xf32, #tpu.memory_space<hbm>>
    %dma_wait3A_352 = arith.constant 0 : i32
    %dma_wait3A_353 = tpu.memref_slice %arg6[%add3A_349, %dma_wait3A_352] : memref<20480x64xf32, #tpu.memory_space<hbm>> -> memref<128x64xf32, #tpu.memory_space<hbm>>
    tpu.wait_dma2 semaphore(%arg26 : memref<!tpu.dma_semaphore, #tpu.memory_space<semaphore_mem>>) src(%arg10 : memref<128x64xf32, #tpu.memory_space<vmem>>) dst(%dma_wait3A_353 : memref<128x64xf32, #tpu.memory_space<hbm>>)
    %mul3A_354 = arith.constant 640 : i32
    %mul3A_355 = arith.muli %arg1, %mul3A_354 : i32
    %add3A_356 = arith.constant 256 : i32
    %add3A_357 = arith.addi %mul3A_355, %add3A_356 : i32
    "tpu.region"() ({
      %run_scoped3A = tpu.sem_alloc : memref<!tpu.dma_semaphore, #tpu.memory_space<semaphore_mem>>
      %dma_start3A_443 = arith.constant 0 : i32
      %dma_start3A_444 = tpu.memref_slice %arg7[%add3A_357, %dma_start3A_443] : memref<10240x64xf32, #tpu.memory_space<vmem_shared>> -> memref<128x64xf32, #tpu.memory_space<vmem_shared>>
      %dma_start3A_445 = arith.constant 0 : i32
      %dma_start3A_446 = tpu.memref_slice %arg7[%add3A_357, %dma_start3A_445] : memref<10240x64xf32, #tpu.memory_space<vmem_shared>> -> memref<128x64xf32, #tpu.memory_space<vmem_shared>>
      tpu.enqueue_dma source(%dma_start3A_446 : memref<128x64xf32, #tpu.memory_space<vmem_shared>>) target(%arg10 : memref<128x64xf32, #tpu.memory_space<vmem>>) target_semaphore(%run_scoped3A : memref<!tpu.dma_semaphore, #tpu.memory_space<semaphore_mem>>)
      %dma_wait3A_447 = arith.constant 0 : i32
      %dma_wait3A_448 = tpu.memref_slice %arg7[%add3A_357, %dma_wait3A_447] : memref<10240x64xf32, #tpu.memory_space<vmem_shared>> -> memref<128x64xf32, #tpu.memory_space<vmem_shared>>
      %dma_wait3A_449 = arith.constant 0 : i32
      %dma_wait3A_450 = tpu.memref_slice %arg7[%add3A_357, %dma_wait3A_449] : memref<10240x64xf32, #tpu.memory_space<vmem_shared>> -> memref<128x64xf32, #tpu.memory_space<vmem_shared>>
      tpu.wait_dma2 semaphore(%run_scoped3A : memref<!tpu.dma_semaphore, #tpu.memory_space<semaphore_mem>>) src(%dma_wait3A_450 : memref<128x64xf32, #tpu.memory_space<vmem_shared>>) dst(%arg10 : memref<128x64xf32, #tpu.memory_space<vmem>>)
      tpu.yield
    }) : () -> ()
    %mul3A_358 = arith.constant 10240 : i32
    %mul3A_359 = arith.muli %arg0, %mul3A_358 : i32
    %mul3A_360 = arith.constant 640 : i32
    %mul3A_361 = arith.muli %arg1, %mul3A_360 : i32
    %add3A_362 = arith.addi %mul3A_359, %mul3A_361 : i32
    %add3A_363 = arith.constant 256 : i32
    %add3A_364 = arith.addi %add3A_362, %add3A_363 : i32
    %dma_start3A_365 = arith.constant 0 : i32
    %dma_start3A_366 = tpu.memref_slice %arg6[%add3A_364, %dma_start3A_365] : memref<20480x64xf32, #tpu.memory_space<hbm>> -> memref<128x64xf32, #tpu.memory_space<hbm>>
    %dma_start3A_367 = arith.constant 0 : i32
    %dma_start3A_368 = tpu.memref_slice %arg6[%add3A_364, %dma_start3A_367] : memref<20480x64xf32, #tpu.memory_space<hbm>> -> memref<128x64xf32, #tpu.memory_space<hbm>>
    tpu.enqueue_dma source(%arg10 : memref<128x64xf32, #tpu.memory_space<vmem>>) target(%dma_start3A_368 : memref<128x64xf32, #tpu.memory_space<hbm>>) target_semaphore(%arg26 : memref<!tpu.dma_semaphore, #tpu.memory_space<semaphore_mem>>)
    %mul3A_369 = arith.constant 10240 : i32
    %mul3A_370 = arith.muli %arg0, %mul3A_369 : i32
    %mul3A_371 = arith.constant 640 : i32
    %mul3A_372 = arith.muli %arg1, %mul3A_371 : i32
    %add3A_373 = arith.addi %mul3A_370, %mul3A_372 : i32
    %add3A_374 = arith.constant 128 : i32
    %add3A_375 = arith.addi %add3A_373, %add3A_374 : i32
    %dma_wait3A_376 = arith.constant 0 : i32
    %dma_wait3A_377 = tpu.memref_slice %arg6[%add3A_375, %dma_wait3A_376] : memref<20480x64xf32, #tpu.memory_space<hbm>> -> memref<128x64xf32, #tpu.memory_space<hbm>>
    %dma_wait3A_378 = arith.constant 0 : i32
    %dma_wait3A_379 = tpu.memref_slice %arg6[%add3A_375, %dma_wait3A_378] : memref<20480x64xf32, #tpu.memory_space<hbm>> -> memref<128x64xf32, #tpu.memory_space<hbm>>
    tpu.wait_dma2 semaphore(%arg27 : memref<!tpu.dma_semaphore, #tpu.memory_space<semaphore_mem>>) src(%arg11 : memref<128x64xf32, #tpu.memory_space<vmem>>) dst(%dma_wait3A_379 : memref<128x64xf32, #tpu.memory_space<hbm>>)
    %mul3A_380 = arith.constant 640 : i32
    %mul3A_381 = arith.muli %arg1, %mul3A_380 : i32
    %add3A_382 = arith.constant 384 : i32
    %add3A_383 = arith.addi %mul3A_381, %add3A_382 : i32
    "tpu.region"() ({
      %run_scoped3A = tpu.sem_alloc : memref<!tpu.dma_semaphore, #tpu.memory_space<semaphore_mem>>
      %dma_start3A_443 = arith.constant 0 : i32
      %dma_start3A_444 = tpu.memref_slice %arg7[%add3A_383, %dma_start3A_443] : memref<10240x64xf32, #tpu.memory_space<vmem_shared>> -> memref<128x64xf32, #tpu.memory_space<vmem_shared>>
      %dma_start3A_445 = arith.constant 0 : i32
      %dma_start3A_446 = tpu.memref_slice %arg7[%add3A_383, %dma_start3A_445] : memref<10240x64xf32, #tpu.memory_space<vmem_shared>> -> memref<128x64xf32, #tpu.memory_space<vmem_shared>>
      tpu.enqueue_dma source(%dma_start3A_446 : memref<128x64xf32, #tpu.memory_space<vmem_shared>>) target(%arg11 : memref<128x64xf32, #tpu.memory_space<vmem>>) target_semaphore(%run_scoped3A : memref<!tpu.dma_semaphore, #tpu.memory_space<semaphore_mem>>)
      %dma_wait3A_447 = arith.constant 0 : i32
      %dma_wait3A_448 = tpu.memref_slice %arg7[%add3A_383, %dma_wait3A_447] : memref<10240x64xf32, #tpu.memory_space<vmem_shared>> -> memref<128x64xf32, #tpu.memory_space<vmem_shared>>
      %dma_wait3A_449 = arith.constant 0 : i32
      %dma_wait3A_450 = tpu.memref_slice %arg7[%add3A_383, %dma_wait3A_449] : memref<10240x64xf32, #tpu.memory_space<vmem_shared>> -> memref<128x64xf32, #tpu.memory_space<vmem_shared>>
      tpu.wait_dma2 semaphore(%run_scoped3A : memref<!tpu.dma_semaphore, #tpu.memory_space<semaphore_mem>>) src(%dma_wait3A_450 : memref<128x64xf32, #tpu.memory_space<vmem_shared>>) dst(%arg11 : memref<128x64xf32, #tpu.memory_space<vmem>>)
      tpu.yield
    }) : () -> ()
    %mul3A_384 = arith.constant 10240 : i32
    %mul3A_385 = arith.muli %arg0, %mul3A_384 : i32
    %mul3A_386 = arith.constant 640 : i32
    %mul3A_387 = arith.muli %arg1, %mul3A_386 : i32
    %add3A_388 = arith.addi %mul3A_385, %mul3A_387 : i32
    %add3A_389 = arith.constant 384 : i32
    %add3A_390 = arith.addi %add3A_388, %add3A_389 : i32
    %dma_start3A_391 = arith.constant 0 : i32
    %dma_start3A_392 = tpu.memref_slice %arg6[%add3A_390, %dma_start3A_391] : memref<20480x64xf32, #tpu.memory_space<hbm>> -> memref<128x64xf32, #tpu.memory_space<hbm>>
    %dma_start3A_393 = arith.constant 0 : i32
    %dma_start3A_394 = tpu.memref_slice %arg6[%add3A_390, %dma_start3A_393] : memref<20480x64xf32, #tpu.memory_space<hbm>> -> memref<128x64xf32, #tpu.memory_space<hbm>>
    tpu.enqueue_dma source(%arg11 : memref<128x64xf32, #tpu.memory_space<vmem>>) target(%dma_start3A_394 : memref<128x64xf32, #tpu.memory_space<hbm>>) target_semaphore(%arg27 : memref<!tpu.dma_semaphore, #tpu.memory_space<semaphore_mem>>)
    %mul3A_395 = arith.constant 10240 : i32
    %mul3A_396 = arith.muli %arg0, %mul3A_395 : i32
    %mul3A_397 = arith.constant 640 : i32
    %mul3A_398 = arith.muli %arg1, %mul3A_397 : i32
    %add3A_399 = arith.addi %mul3A_396, %mul3A_398 : i32
    %add3A_400 = arith.constant 256 : i32
    %add3A_401 = arith.addi %add3A_399, %add3A_400 : i32
    %dma_wait3A_402 = arith.constant 0 : i32
    %dma_wait3A_403 = tpu.memref_slice %arg6[%add3A_401, %dma_wait3A_402] : memref<20480x64xf32, #tpu.memory_space<hbm>> -> memref<128x64xf32, #tpu.memory_space<hbm>>
    %dma_wait3A_404 = arith.constant 0 : i32
    %dma_wait3A_405 = tpu.memref_slice %arg6[%add3A_401, %dma_wait3A_404] : memref<20480x64xf32, #tpu.memory_space<hbm>> -> memref<128x64xf32, #tpu.memory_space<hbm>>
    tpu.wait_dma2 semaphore(%arg26 : memref<!tpu.dma_semaphore, #tpu.memory_space<semaphore_mem>>) src(%arg10 : memref<128x64xf32, #tpu.memory_space<vmem>>) dst(%dma_wait3A_405 : memref<128x64xf32, #tpu.memory_space<hbm>>)
    %mul3A_406 = arith.constant 640 : i32
    %mul3A_407 = arith.muli %arg1, %mul3A_406 : i32
    %add3A_408 = arith.constant 512 : i32
    %add3A_409 = arith.addi %mul3A_407, %add3A_408 : i32
    "tpu.region"() ({
      %run_scoped3A = tpu.sem_alloc : memref<!tpu.dma_semaphore, #tpu.memory_space<semaphore_mem>>
      %dma_start3A_443 = arith.constant 0 : i32
      %dma_start3A_444 = tpu.memref_slice %arg7[%add3A_409, %dma_start3A_443] : memref<10240x64xf32, #tpu.memory_space<vmem_shared>> -> memref<128x64xf32, #tpu.memory_space<vmem_shared>>
      %dma_start3A_445 = arith.constant 0 : i32
      %dma_start3A_446 = tpu.memref_slice %arg7[%add3A_409, %dma_start3A_445] : memref<10240x64xf32, #tpu.memory_space<vmem_shared>> -> memref<128x64xf32, #tpu.memory_space<vmem_shared>>
      tpu.enqueue_dma source(%dma_start3A_446 : memref<128x64xf32, #tpu.memory_space<vmem_shared>>) target(%arg10 : memref<128x64xf32, #tpu.memory_space<vmem>>) target_semaphore(%run_scoped3A : memref<!tpu.dma_semaphore, #tpu.memory_space<semaphore_mem>>)
      %dma_wait3A_447 = arith.constant 0 : i32
      %dma_wait3A_448 = tpu.memref_slice %arg7[%add3A_409, %dma_wait3A_447] : memref<10240x64xf32, #tpu.memory_space<vmem_shared>> -> memref<128x64xf32, #tpu.memory_space<vmem_shared>>
      %dma_wait3A_449 = arith.constant 0 : i32
      %dma_wait3A_450 = tpu.memref_slice %arg7[%add3A_409, %dma_wait3A_449] : memref<10240x64xf32, #tpu.memory_space<vmem_shared>> -> memref<128x64xf32, #tpu.memory_space<vmem_shared>>
      tpu.wait_dma2 semaphore(%run_scoped3A : memref<!tpu.dma_semaphore, #tpu.memory_space<semaphore_mem>>) src(%dma_wait3A_450 : memref<128x64xf32, #tpu.memory_space<vmem_shared>>) dst(%arg10 : memref<128x64xf32, #tpu.memory_space<vmem>>)
      tpu.yield
    }) : () -> ()
    %mul3A_410 = arith.constant 10240 : i32
    %mul3A_411 = arith.muli %arg0, %mul3A_410 : i32
    %mul3A_412 = arith.constant 640 : i32
    %mul3A_413 = arith.muli %arg1, %mul3A_412 : i32
    %add3A_414 = arith.addi %mul3A_411, %mul3A_413 : i32
    %add3A_415 = arith.constant 512 : i32
    %add3A_416 = arith.addi %add3A_414, %add3A_415 : i32
    %dma_start3A_417 = arith.constant 0 : i32
    %dma_start3A_418 = tpu.memref_slice %arg6[%add3A_416, %dma_start3A_417] : memref<20480x64xf32, #tpu.memory_space<hbm>> -> memref<128x64xf32, #tpu.memory_space<hbm>>
    %dma_start3A_419 = arith.constant 0 : i32
    %dma_start3A_420 = tpu.memref_slice %arg6[%add3A_416, %dma_start3A_419] : memref<20480x64xf32, #tpu.memory_space<hbm>> -> memref<128x64xf32, #tpu.memory_space<hbm>>
    tpu.enqueue_dma source(%arg10 : memref<128x64xf32, #tpu.memory_space<vmem>>) target(%dma_start3A_420 : memref<128x64xf32, #tpu.memory_space<hbm>>) target_semaphore(%arg26 : memref<!tpu.dma_semaphore, #tpu.memory_space<semaphore_mem>>)
    %mul3A_421 = arith.constant 10240 : i32
    %mul3A_422 = arith.muli %arg0, %mul3A_421 : i32
    %mul3A_423 = arith.constant 640 : i32
    %mul3A_424 = arith.muli %arg1, %mul3A_423 : i32
    %add3A_425 = arith.addi %mul3A_422, %mul3A_424 : i32
    %add3A_426 = arith.constant 384 : i32
    %add3A_427 = arith.addi %add3A_425, %add3A_426 : i32
    %dma_wait3A_428 = arith.constant 0 : i32
    %dma_wait3A_429 = tpu.memref_slice %arg6[%add3A_427, %dma_wait3A_428] : memref<20480x64xf32, #tpu.memory_space<hbm>> -> memref<128x64xf32, #tpu.memory_space<hbm>>
    %dma_wait3A_430 = arith.constant 0 : i32
    %dma_wait3A_431 = tpu.memref_slice %arg6[%add3A_427, %dma_wait3A_430] : memref<20480x64xf32, #tpu.memory_space<hbm>> -> memref<128x64xf32, #tpu.memory_space<hbm>>
    tpu.wait_dma2 semaphore(%arg27 : memref<!tpu.dma_semaphore, #tpu.memory_space<semaphore_mem>>) src(%arg11 : memref<128x64xf32, #tpu.memory_space<vmem>>) dst(%dma_wait3A_431 : memref<128x64xf32, #tpu.memory_space<hbm>>)
    %mul3A_432 = arith.constant 10240 : i32
    %mul3A_433 = arith.muli %arg0, %mul3A_432 : i32
    %mul3A_434 = arith.constant 640 : i32
    %mul3A_435 = arith.muli %arg1, %mul3A_434 : i32
    %add3A_436 = arith.addi %mul3A_433, %mul3A_435 : i32
    %add3A_437 = arith.constant 512 : i32
    %add3A_438 = arith.addi %add3A_436, %add3A_437 : i32
    %dma_wait3A_439 = arith.constant 0 : i32
    %dma_wait3A_440 = tpu.memref_slice %arg6[%add3A_438, %dma_wait3A_439] : memref<20480x64xf32, #tpu.memory_space<hbm>> -> memref<128x64xf32, #tpu.memory_space<hbm>>
    %dma_wait3A_441 = arith.constant 0 : i32
    %dma_wait3A_442 = tpu.memref_slice %arg6[%add3A_438, %dma_wait3A_441] : memref<20480x64xf32, #tpu.memory_space<hbm>> -> memref<128x64xf32, #tpu.memory_space<hbm>>
    tpu.wait_dma2 semaphore(%arg26 : memref<!tpu.dma_semaphore, #tpu.memory_space<semaphore_mem>>) src(%arg10 : memref<128x64xf32, #tpu.memory_space<vmem>>) dst(%dma_wait3A_442 : memref<128x64xf32, #tpu.memory_space<hbm>>)
    return
  }
}

#map = affine_map<(d0, d1) -> (0, 0)>
module attributes {stable_mosaic.version = 14 : i64} {
  func.func @_sc_degree_body(%arg0: i32, %arg1: i32, %arg2: memref<2560x128xi32, #tpu.memory_space<hbm>>, %arg3: memref<128x16xf32, #tpu.memory_space<hbm>>, %arg4: memref<640x16xf32, #tpu.memory_space<hbm>>, %arg5: memref<20480x16xf32, #tpu.memory_space<hbm>>, %arg6: memref<10240x16xf32, #tpu.memory_space<vmem_shared>>, %arg7: memref<80x128xi32, #tpu.memory_space<vmem>>, %arg8: memref<128x16xf32, #tpu.memory_space<vmem>>, %arg9: memref<640x16xf32, #tpu.memory_space<vmem>>, %arg10: memref<!tpu.dma_semaphore, #tpu.memory_space<semaphore_mem>>) attributes {dimension_semantics = [#tpu.dimension_semantics<core_parallel>, #tpu.dimension_semantics<subcore_parallel>], iteration_bounds = array<i64: 2, 16>, scalar_prefetch = 0 : i64, scratch_operands = 5 : i64, tpu.core_type = #tpu.core_type<sc_vector_subcore>, window_params = [{transform_indices = #map}, {transform_indices = #map}, {transform_indices = #map}, {transform_indices = #map}]} {
    %mul3A = arith.constant 16 : i32
    %mul3A_0 = arith.muli %arg0, %mul3A : i32
    %add3A = arith.addi %mul3A_0, %arg1 : i32
    "tpu.region"() ({
      %run_scoped3A = tpu.sem_alloc : memref<!tpu.dma_semaphore, #tpu.memory_space<semaphore_mem>>
      tpu.enqueue_dma source(%arg4 : memref<640x16xf32, #tpu.memory_space<hbm>>) target(%arg9 : memref<640x16xf32, #tpu.memory_space<vmem>>) target_semaphore(%run_scoped3A : memref<!tpu.dma_semaphore, #tpu.memory_space<semaphore_mem>>)
      tpu.wait_dma2 semaphore(%run_scoped3A : memref<!tpu.dma_semaphore, #tpu.memory_space<semaphore_mem>>) src(%arg4 : memref<640x16xf32, #tpu.memory_space<hbm>>) dst(%arg9 : memref<640x16xf32, #tpu.memory_space<vmem>>)
      tpu.yield
    }) : () -> ()
    %mul3A_1 = arith.constant 640 : i32
    %mul3A_2 = arith.muli %arg1, %mul3A_1 : i32
    "tpu.region"() ({
      %run_scoped3A = tpu.sem_alloc : memref<!tpu.dma_semaphore, #tpu.memory_space<semaphore_mem>>
      %dma_start3A = arith.constant 0 : i32
      %dma_start3A_18 = tpu.memref_slice %arg6[%mul3A_2, %dma_start3A] : memref<10240x16xf32, #tpu.memory_space<vmem_shared>> -> memref<640x16xf32, #tpu.memory_space<vmem_shared>>
      %dma_start3A_19 = arith.constant 0 : i32
      %dma_start3A_20 = tpu.memref_slice %arg6[%mul3A_2, %dma_start3A_19] : memref<10240x16xf32, #tpu.memory_space<vmem_shared>> -> memref<640x16xf32, #tpu.memory_space<vmem_shared>>
      tpu.enqueue_dma source(%arg9 : memref<640x16xf32, #tpu.memory_space<vmem>>) target(%dma_start3A_20 : memref<640x16xf32, #tpu.memory_space<vmem_shared>>) target_semaphore(%run_scoped3A : memref<!tpu.dma_semaphore, #tpu.memory_space<semaphore_mem>>)
      %dma_wait3A = arith.constant 0 : i32
      %dma_wait3A_21 = tpu.memref_slice %arg6[%mul3A_2, %dma_wait3A] : memref<10240x16xf32, #tpu.memory_space<vmem_shared>> -> memref<640x16xf32, #tpu.memory_space<vmem_shared>>
      %dma_wait3A_22 = arith.constant 0 : i32
      %dma_wait3A_23 = tpu.memref_slice %arg6[%mul3A_2, %dma_wait3A_22] : memref<10240x16xf32, #tpu.memory_space<vmem_shared>> -> memref<640x16xf32, #tpu.memory_space<vmem_shared>>
      tpu.wait_dma2 semaphore(%run_scoped3A : memref<!tpu.dma_semaphore, #tpu.memory_space<semaphore_mem>>) src(%arg9 : memref<640x16xf32, #tpu.memory_space<vmem>>) dst(%dma_wait3A_23 : memref<640x16xf32, #tpu.memory_space<vmem_shared>>)
      tpu.yield
    }) : () -> ()
    %mul3A_3 = arith.constant 80 : i32
    %mul3A_4 = arith.muli %add3A, %mul3A_3 : i32
    "tpu.region"() ({
      %run_scoped3A = tpu.sem_alloc : memref<!tpu.dma_semaphore, #tpu.memory_space<semaphore_mem>>
      %dma_start3A = arith.constant 0 : i32
      %dma_start3A_18 = tpu.memref_slice %arg2[%mul3A_4, %dma_start3A] : memref<2560x128xi32, #tpu.memory_space<hbm>> -> memref<80x128xi32, #tpu.memory_space<hbm>>
      %dma_start3A_19 = arith.constant 0 : i32
      %dma_start3A_20 = tpu.memref_slice %arg2[%mul3A_4, %dma_start3A_19] : memref<2560x128xi32, #tpu.memory_space<hbm>> -> memref<80x128xi32, #tpu.memory_space<hbm>>
      tpu.enqueue_dma source(%dma_start3A_20 : memref<80x128xi32, #tpu.memory_space<hbm>>) target(%arg7 : memref<80x128xi32, #tpu.memory_space<vmem>>) target_semaphore(%run_scoped3A : memref<!tpu.dma_semaphore, #tpu.memory_space<semaphore_mem>>)
      %dma_wait3A = arith.constant 0 : i32
      %dma_wait3A_21 = tpu.memref_slice %arg2[%mul3A_4, %dma_wait3A] : memref<2560x128xi32, #tpu.memory_space<hbm>> -> memref<80x128xi32, #tpu.memory_space<hbm>>
      %dma_wait3A_22 = arith.constant 0 : i32
      %dma_wait3A_23 = tpu.memref_slice %arg2[%mul3A_4, %dma_wait3A_22] : memref<2560x128xi32, #tpu.memory_space<hbm>> -> memref<80x128xi32, #tpu.memory_space<hbm>>
      tpu.wait_dma2 semaphore(%run_scoped3A : memref<!tpu.dma_semaphore, #tpu.memory_space<semaphore_mem>>) src(%dma_wait3A_23 : memref<80x128xi32, #tpu.memory_space<hbm>>) dst(%arg7 : memref<80x128xi32, #tpu.memory_space<vmem>>)
      tpu.yield
    }) : () -> ()
    "tpu.region"() ({
      %run_scoped3A = tpu.sem_alloc : memref<!tpu.dma_semaphore, #tpu.memory_space<semaphore_mem>>
      tpu.enqueue_dma source(%arg3 : memref<128x16xf32, #tpu.memory_space<hbm>>) target(%arg8 : memref<128x16xf32, #tpu.memory_space<vmem>>) target_semaphore(%run_scoped3A : memref<!tpu.dma_semaphore, #tpu.memory_space<semaphore_mem>>)
      tpu.wait_dma2 semaphore(%run_scoped3A : memref<!tpu.dma_semaphore, #tpu.memory_space<semaphore_mem>>) src(%arg3 : memref<128x16xf32, #tpu.memory_space<hbm>>) dst(%arg8 : memref<128x16xf32, #tpu.memory_space<vmem>>)
      tpu.yield
    }) : () -> ()
    %barrier3A = arith.constant 0 : index
    tpu.barrier barrier_id(%barrier3A)
    %scan3A = arith.constant 0 : i32
    %scan3A_5 = arith.constant 0 : i32
    %scan3A_6 = arith.constant 5 : i32
    %scan3A_7 = arith.addi %scan3A_5, %scan3A_6 : i32
    %scan3A_8 = arith.constant 1 : i32
    scf.for %scan3A_18 = %scan3A_5 to %scan3A_7 step %scan3A_8  : i32 {
      %mul3A_19 = arith.constant 16 : i32
      %mul3A_20 = arith.muli %mul3A_19, %scan3A_18 : i32
      %add3A_21 = arith.constant 0 : i32
      %add3A_22 = arith.addi %mul3A_20, %add3A_21 : i32
      %dma_start3A = arith.constant 0 : i32
      %dma_start3A_23 = tpu.memref_slice %arg7[%add3A_22, %dma_start3A] : memref<80x128xi32, #tpu.memory_space<vmem>> -> memref<1x128xi32, #tpu.memory_space<vmem>>
      %dma_start3A_24 = tpu.memref_squeeze %dma_start3A_23 : memref<1x128xi32, #tpu.memory_space<vmem>> -> memref<128xi32, #tpu.memory_space<vmem>>
      %dma_start3A_25 = arith.constant 0 : i32
      %dma_start3A_26 = arith.constant 0 : i32
      %dma_start3A_27 = tpu.memref_slice %arg6[%dma_start3A_25, %dma_start3A_26] : memref<10240x16xf32, #tpu.memory_space<vmem_shared>> -> memref<10240x16xf32, #tpu.memory_space<vmem_shared>>
      tpu.enqueue_indirect_dma source(%arg8 : memref<128x16xf32, #tpu.memory_space<vmem>>) target(%dma_start3A_27 : memref<10240x16xf32, #tpu.memory_space<vmem_shared>>) offsets(%dma_start3A_24 : memref<128xi32, #tpu.memory_space<vmem>>) semaphore(%arg10 : memref<!tpu.dma_semaphore, #tpu.memory_space<semaphore_mem>>) {add = true}
      %mul3A_28 = arith.constant 16 : i32
      %mul3A_29 = arith.muli %mul3A_28, %scan3A_18 : i32
      %add3A_30 = arith.constant 1 : i32
      %add3A_31 = arith.addi %mul3A_29, %add3A_30 : i32
      %dma_start3A_32 = arith.constant 0 : i32
      %dma_start3A_33 = tpu.memref_slice %arg7[%add3A_31, %dma_start3A_32] : memref<80x128xi32, #tpu.memory_space<vmem>> -> memref<1x128xi32, #tpu.memory_space<vmem>>
      %dma_start3A_34 = tpu.memref_squeeze %dma_start3A_33 : memref<1x128xi32, #tpu.memory_space<vmem>> -> memref<128xi32, #tpu.memory_space<vmem>>
      %dma_start3A_35 = arith.constant 0 : i32
      %dma_start3A_36 = arith.constant 0 : i32
      %dma_start3A_37 = tpu.memref_slice %arg6[%dma_start3A_35, %dma_start3A_36] : memref<10240x16xf32, #tpu.memory_space<vmem_shared>> -> memref<10240x16xf32, #tpu.memory_space<vmem_shared>>
      tpu.enqueue_indirect_dma source(%arg8 : memref<128x16xf32, #tpu.memory_space<vmem>>) target(%dma_start3A_37 : memref<10240x16xf32, #tpu.memory_space<vmem_shared>>) offsets(%dma_start3A_34 : memref<128xi32, #tpu.memory_space<vmem>>) semaphore(%arg10 : memref<!tpu.dma_semaphore, #tpu.memory_space<semaphore_mem>>) {add = true}
      %mul3A_38 = arith.constant 16 : i32
      %mul3A_39 = arith.muli %mul3A_38, %scan3A_18 : i32
      %add3A_40 = arith.constant 2 : i32
      %add3A_41 = arith.addi %mul3A_39, %add3A_40 : i32
      %dma_start3A_42 = arith.constant 0 : i32
      %dma_start3A_43 = tpu.memref_slice %arg7[%add3A_41, %dma_start3A_42] : memref<80x128xi32, #tpu.memory_space<vmem>> -> memref<1x128xi32, #tpu.memory_space<vmem>>
      %dma_start3A_44 = tpu.memref_squeeze %dma_start3A_43 : memref<1x128xi32, #tpu.memory_space<vmem>> -> memref<128xi32, #tpu.memory_space<vmem>>
      %dma_start3A_45 = arith.constant 0 : i32
      %dma_start3A_46 = arith.constant 0 : i32
      %dma_start3A_47 = tpu.memref_slice %arg6[%dma_start3A_45, %dma_start3A_46] : memref<10240x16xf32, #tpu.memory_space<vmem_shared>> -> memref<10240x16xf32, #tpu.memory_space<vmem_shared>>
      tpu.enqueue_indirect_dma source(%arg8 : memref<128x16xf32, #tpu.memory_space<vmem>>) target(%dma_start3A_47 : memref<10240x16xf32, #tpu.memory_space<vmem_shared>>) offsets(%dma_start3A_44 : memref<128xi32, #tpu.memory_space<vmem>>) semaphore(%arg10 : memref<!tpu.dma_semaphore, #tpu.memory_space<semaphore_mem>>) {add = true}
      %mul3A_48 = arith.constant 16 : i32
      %mul3A_49 = arith.muli %mul3A_48, %scan3A_18 : i32
      %add3A_50 = arith.constant 3 : i32
      %add3A_51 = arith.addi %mul3A_49, %add3A_50 : i32
      %dma_start3A_52 = arith.constant 0 : i32
      %dma_start3A_53 = tpu.memref_slice %arg7[%add3A_51, %dma_start3A_52] : memref<80x128xi32, #tpu.memory_space<vmem>> -> memref<1x128xi32, #tpu.memory_space<vmem>>
      %dma_start3A_54 = tpu.memref_squeeze %dma_start3A_53 : memref<1x128xi32, #tpu.memory_space<vmem>> -> memref<128xi32, #tpu.memory_space<vmem>>
      %dma_start3A_55 = arith.constant 0 : i32
      %dma_start3A_56 = arith.constant 0 : i32
      %dma_start3A_57 = tpu.memref_slice %arg6[%dma_start3A_55, %dma_start3A_56] : memref<10240x16xf32, #tpu.memory_space<vmem_shared>> -> memref<10240x16xf32, #tpu.memory_space<vmem_shared>>
      tpu.enqueue_indirect_dma source(%arg8 : memref<128x16xf32, #tpu.memory_space<vmem>>) target(%dma_start3A_57 : memref<10240x16xf32, #tpu.memory_space<vmem_shared>>) offsets(%dma_start3A_54 : memref<128xi32, #tpu.memory_space<vmem>>) semaphore(%arg10 : memref<!tpu.dma_semaphore, #tpu.memory_space<semaphore_mem>>) {add = true}
      %mul3A_58 = arith.constant 16 : i32
      %mul3A_59 = arith.muli %mul3A_58, %scan3A_18 : i32
      %add3A_60 = arith.constant 4 : i32
      %add3A_61 = arith.addi %mul3A_59, %add3A_60 : i32
      %dma_start3A_62 = arith.constant 0 : i32
      %dma_start3A_63 = tpu.memref_slice %arg7[%add3A_61, %dma_start3A_62] : memref<80x128xi32, #tpu.memory_space<vmem>> -> memref<1x128xi32, #tpu.memory_space<vmem>>
      %dma_start3A_64 = tpu.memref_squeeze %dma_start3A_63 : memref<1x128xi32, #tpu.memory_space<vmem>> -> memref<128xi32, #tpu.memory_space<vmem>>
      %dma_start3A_65 = arith.constant 0 : i32
      %dma_start3A_66 = arith.constant 0 : i32
      %dma_start3A_67 = tpu.memref_slice %arg6[%dma_start3A_65, %dma_start3A_66] : memref<10240x16xf32, #tpu.memory_space<vmem_shared>> -> memref<10240x16xf32, #tpu.memory_space<vmem_shared>>
      tpu.enqueue_indirect_dma source(%arg8 : memref<128x16xf32, #tpu.memory_space<vmem>>) target(%dma_start3A_67 : memref<10240x16xf32, #tpu.memory_space<vmem_shared>>) offsets(%dma_start3A_64 : memref<128xi32, #tpu.memory_space<vmem>>) semaphore(%arg10 : memref<!tpu.dma_semaphore, #tpu.memory_space<semaphore_mem>>) {add = true}
      %mul3A_68 = arith.constant 16 : i32
      %mul3A_69 = arith.muli %mul3A_68, %scan3A_18 : i32
      %add3A_70 = arith.constant 5 : i32
      %add3A_71 = arith.addi %mul3A_69, %add3A_70 : i32
      %dma_start3A_72 = arith.constant 0 : i32
      %dma_start3A_73 = tpu.memref_slice %arg7[%add3A_71, %dma_start3A_72] : memref<80x128xi32, #tpu.memory_space<vmem>> -> memref<1x128xi32, #tpu.memory_space<vmem>>
      %dma_start3A_74 = tpu.memref_squeeze %dma_start3A_73 : memref<1x128xi32, #tpu.memory_space<vmem>> -> memref<128xi32, #tpu.memory_space<vmem>>
      %dma_start3A_75 = arith.constant 0 : i32
      %dma_start3A_76 = arith.constant 0 : i32
      %dma_start3A_77 = tpu.memref_slice %arg6[%dma_start3A_75, %dma_start3A_76] : memref<10240x16xf32, #tpu.memory_space<vmem_shared>> -> memref<10240x16xf32, #tpu.memory_space<vmem_shared>>
      tpu.enqueue_indirect_dma source(%arg8 : memref<128x16xf32, #tpu.memory_space<vmem>>) target(%dma_start3A_77 : memref<10240x16xf32, #tpu.memory_space<vmem_shared>>) offsets(%dma_start3A_74 : memref<128xi32, #tpu.memory_space<vmem>>) semaphore(%arg10 : memref<!tpu.dma_semaphore, #tpu.memory_space<semaphore_mem>>) {add = true}
      %mul3A_78 = arith.constant 16 : i32
      %mul3A_79 = arith.muli %mul3A_78, %scan3A_18 : i32
      %add3A_80 = arith.constant 6 : i32
      %add3A_81 = arith.addi %mul3A_79, %add3A_80 : i32
      %dma_start3A_82 = arith.constant 0 : i32
      %dma_start3A_83 = tpu.memref_slice %arg7[%add3A_81, %dma_start3A_82] : memref<80x128xi32, #tpu.memory_space<vmem>> -> memref<1x128xi32, #tpu.memory_space<vmem>>
      %dma_start3A_84 = tpu.memref_squeeze %dma_start3A_83 : memref<1x128xi32, #tpu.memory_space<vmem>> -> memref<128xi32, #tpu.memory_space<vmem>>
      %dma_start3A_85 = arith.constant 0 : i32
      %dma_start3A_86 = arith.constant 0 : i32
      %dma_start3A_87 = tpu.memref_slice %arg6[%dma_start3A_85, %dma_start3A_86] : memref<10240x16xf32, #tpu.memory_space<vmem_shared>> -> memref<10240x16xf32, #tpu.memory_space<vmem_shared>>
      tpu.enqueue_indirect_dma source(%arg8 : memref<128x16xf32, #tpu.memory_space<vmem>>) target(%dma_start3A_87 : memref<10240x16xf32, #tpu.memory_space<vmem_shared>>) offsets(%dma_start3A_84 : memref<128xi32, #tpu.memory_space<vmem>>) semaphore(%arg10 : memref<!tpu.dma_semaphore, #tpu.memory_space<semaphore_mem>>) {add = true}
      %mul3A_88 = arith.constant 16 : i32
      %mul3A_89 = arith.muli %mul3A_88, %scan3A_18 : i32
      %add3A_90 = arith.constant 7 : i32
      %add3A_91 = arith.addi %mul3A_89, %add3A_90 : i32
      %dma_start3A_92 = arith.constant 0 : i32
      %dma_start3A_93 = tpu.memref_slice %arg7[%add3A_91, %dma_start3A_92] : memref<80x128xi32, #tpu.memory_space<vmem>> -> memref<1x128xi32, #tpu.memory_space<vmem>>
      %dma_start3A_94 = tpu.memref_squeeze %dma_start3A_93 : memref<1x128xi32, #tpu.memory_space<vmem>> -> memref<128xi32, #tpu.memory_space<vmem>>
      %dma_start3A_95 = arith.constant 0 : i32
      %dma_start3A_96 = arith.constant 0 : i32
      %dma_start3A_97 = tpu.memref_slice %arg6[%dma_start3A_95, %dma_start3A_96] : memref<10240x16xf32, #tpu.memory_space<vmem_shared>> -> memref<10240x16xf32, #tpu.memory_space<vmem_shared>>
      tpu.enqueue_indirect_dma source(%arg8 : memref<128x16xf32, #tpu.memory_space<vmem>>) target(%dma_start3A_97 : memref<10240x16xf32, #tpu.memory_space<vmem_shared>>) offsets(%dma_start3A_94 : memref<128xi32, #tpu.memory_space<vmem>>) semaphore(%arg10 : memref<!tpu.dma_semaphore, #tpu.memory_space<semaphore_mem>>) {add = true}
      %mul3A_98 = arith.constant 16 : i32
      %mul3A_99 = arith.muli %mul3A_98, %scan3A_18 : i32
      %add3A_100 = arith.constant 8 : i32
      %add3A_101 = arith.addi %mul3A_99, %add3A_100 : i32
      %dma_start3A_102 = arith.constant 0 : i32
      %dma_start3A_103 = tpu.memref_slice %arg7[%add3A_101, %dma_start3A_102] : memref<80x128xi32, #tpu.memory_space<vmem>> -> memref<1x128xi32, #tpu.memory_space<vmem>>
      %dma_start3A_104 = tpu.memref_squeeze %dma_start3A_103 : memref<1x128xi32, #tpu.memory_space<vmem>> -> memref<128xi32, #tpu.memory_space<vmem>>
      %dma_start3A_105 = arith.constant 0 : i32
      %dma_start3A_106 = arith.constant 0 : i32
      %dma_start3A_107 = tpu.memref_slice %arg6[%dma_start3A_105, %dma_start3A_106] : memref<10240x16xf32, #tpu.memory_space<vmem_shared>> -> memref<10240x16xf32, #tpu.memory_space<vmem_shared>>
      tpu.enqueue_indirect_dma source(%arg8 : memref<128x16xf32, #tpu.memory_space<vmem>>) target(%dma_start3A_107 : memref<10240x16xf32, #tpu.memory_space<vmem_shared>>) offsets(%dma_start3A_104 : memref<128xi32, #tpu.memory_space<vmem>>) semaphore(%arg10 : memref<!tpu.dma_semaphore, #tpu.memory_space<semaphore_mem>>) {add = true}
      %mul3A_108 = arith.constant 16 : i32
      %mul3A_109 = arith.muli %mul3A_108, %scan3A_18 : i32
      %add3A_110 = arith.constant 9 : i32
      %add3A_111 = arith.addi %mul3A_109, %add3A_110 : i32
      %dma_start3A_112 = arith.constant 0 : i32
      %dma_start3A_113 = tpu.memref_slice %arg7[%add3A_111, %dma_start3A_112] : memref<80x128xi32, #tpu.memory_space<vmem>> -> memref<1x128xi32, #tpu.memory_space<vmem>>
      %dma_start3A_114 = tpu.memref_squeeze %dma_start3A_113 : memref<1x128xi32, #tpu.memory_space<vmem>> -> memref<128xi32, #tpu.memory_space<vmem>>
      %dma_start3A_115 = arith.constant 0 : i32
      %dma_start3A_116 = arith.constant 0 : i32
      %dma_start3A_117 = tpu.memref_slice %arg6[%dma_start3A_115, %dma_start3A_116] : memref<10240x16xf32, #tpu.memory_space<vmem_shared>> -> memref<10240x16xf32, #tpu.memory_space<vmem_shared>>
      tpu.enqueue_indirect_dma source(%arg8 : memref<128x16xf32, #tpu.memory_space<vmem>>) target(%dma_start3A_117 : memref<10240x16xf32, #tpu.memory_space<vmem_shared>>) offsets(%dma_start3A_114 : memref<128xi32, #tpu.memory_space<vmem>>) semaphore(%arg10 : memref<!tpu.dma_semaphore, #tpu.memory_space<semaphore_mem>>) {add = true}
      %mul3A_118 = arith.constant 16 : i32
      %mul3A_119 = arith.muli %mul3A_118, %scan3A_18 : i32
      %add3A_120 = arith.constant 10 : i32
      %add3A_121 = arith.addi %mul3A_119, %add3A_120 : i32
      %dma_start3A_122 = arith.constant 0 : i32
      %dma_start3A_123 = tpu.memref_slice %arg7[%add3A_121, %dma_start3A_122] : memref<80x128xi32, #tpu.memory_space<vmem>> -> memref<1x128xi32, #tpu.memory_space<vmem>>
      %dma_start3A_124 = tpu.memref_squeeze %dma_start3A_123 : memref<1x128xi32, #tpu.memory_space<vmem>> -> memref<128xi32, #tpu.memory_space<vmem>>
      %dma_start3A_125 = arith.constant 0 : i32
      %dma_start3A_126 = arith.constant 0 : i32
      %dma_start3A_127 = tpu.memref_slice %arg6[%dma_start3A_125, %dma_start3A_126] : memref<10240x16xf32, #tpu.memory_space<vmem_shared>> -> memref<10240x16xf32, #tpu.memory_space<vmem_shared>>
      tpu.enqueue_indirect_dma source(%arg8 : memref<128x16xf32, #tpu.memory_space<vmem>>) target(%dma_start3A_127 : memref<10240x16xf32, #tpu.memory_space<vmem_shared>>) offsets(%dma_start3A_124 : memref<128xi32, #tpu.memory_space<vmem>>) semaphore(%arg10 : memref<!tpu.dma_semaphore, #tpu.memory_space<semaphore_mem>>) {add = true}
      %mul3A_128 = arith.constant 16 : i32
      %mul3A_129 = arith.muli %mul3A_128, %scan3A_18 : i32
      %add3A_130 = arith.constant 11 : i32
      %add3A_131 = arith.addi %mul3A_129, %add3A_130 : i32
      %dma_start3A_132 = arith.constant 0 : i32
      %dma_start3A_133 = tpu.memref_slice %arg7[%add3A_131, %dma_start3A_132] : memref<80x128xi32, #tpu.memory_space<vmem>> -> memref<1x128xi32, #tpu.memory_space<vmem>>
      %dma_start3A_134 = tpu.memref_squeeze %dma_start3A_133 : memref<1x128xi32, #tpu.memory_space<vmem>> -> memref<128xi32, #tpu.memory_space<vmem>>
      %dma_start3A_135 = arith.constant 0 : i32
      %dma_start3A_136 = arith.constant 0 : i32
      %dma_start3A_137 = tpu.memref_slice %arg6[%dma_start3A_135, %dma_start3A_136] : memref<10240x16xf32, #tpu.memory_space<vmem_shared>> -> memref<10240x16xf32, #tpu.memory_space<vmem_shared>>
      tpu.enqueue_indirect_dma source(%arg8 : memref<128x16xf32, #tpu.memory_space<vmem>>) target(%dma_start3A_137 : memref<10240x16xf32, #tpu.memory_space<vmem_shared>>) offsets(%dma_start3A_134 : memref<128xi32, #tpu.memory_space<vmem>>) semaphore(%arg10 : memref<!tpu.dma_semaphore, #tpu.memory_space<semaphore_mem>>) {add = true}
      %mul3A_138 = arith.constant 16 : i32
      %mul3A_139 = arith.muli %mul3A_138, %scan3A_18 : i32
      %add3A_140 = arith.constant 12 : i32
      %add3A_141 = arith.addi %mul3A_139, %add3A_140 : i32
      %dma_start3A_142 = arith.constant 0 : i32
      %dma_start3A_143 = tpu.memref_slice %arg7[%add3A_141, %dma_start3A_142] : memref<80x128xi32, #tpu.memory_space<vmem>> -> memref<1x128xi32, #tpu.memory_space<vmem>>
      %dma_start3A_144 = tpu.memref_squeeze %dma_start3A_143 : memref<1x128xi32, #tpu.memory_space<vmem>> -> memref<128xi32, #tpu.memory_space<vmem>>
      %dma_start3A_145 = arith.constant 0 : i32
      %dma_start3A_146 = arith.constant 0 : i32
      %dma_start3A_147 = tpu.memref_slice %arg6[%dma_start3A_145, %dma_start3A_146] : memref<10240x16xf32, #tpu.memory_space<vmem_shared>> -> memref<10240x16xf32, #tpu.memory_space<vmem_shared>>
      tpu.enqueue_indirect_dma source(%arg8 : memref<128x16xf32, #tpu.memory_space<vmem>>) target(%dma_start3A_147 : memref<10240x16xf32, #tpu.memory_space<vmem_shared>>) offsets(%dma_start3A_144 : memref<128xi32, #tpu.memory_space<vmem>>) semaphore(%arg10 : memref<!tpu.dma_semaphore, #tpu.memory_space<semaphore_mem>>) {add = true}
      %mul3A_148 = arith.constant 16 : i32
      %mul3A_149 = arith.muli %mul3A_148, %scan3A_18 : i32
      %add3A_150 = arith.constant 13 : i32
      %add3A_151 = arith.addi %mul3A_149, %add3A_150 : i32
      %dma_start3A_152 = arith.constant 0 : i32
      %dma_start3A_153 = tpu.memref_slice %arg7[%add3A_151, %dma_start3A_152] : memref<80x128xi32, #tpu.memory_space<vmem>> -> memref<1x128xi32, #tpu.memory_space<vmem>>
      %dma_start3A_154 = tpu.memref_squeeze %dma_start3A_153 : memref<1x128xi32, #tpu.memory_space<vmem>> -> memref<128xi32, #tpu.memory_space<vmem>>
      %dma_start3A_155 = arith.constant 0 : i32
      %dma_start3A_156 = arith.constant 0 : i32
      %dma_start3A_157 = tpu.memref_slice %arg6[%dma_start3A_155, %dma_start3A_156] : memref<10240x16xf32, #tpu.memory_space<vmem_shared>> -> memref<10240x16xf32, #tpu.memory_space<vmem_shared>>
      tpu.enqueue_indirect_dma source(%arg8 : memref<128x16xf32, #tpu.memory_space<vmem>>) target(%dma_start3A_157 : memref<10240x16xf32, #tpu.memory_space<vmem_shared>>) offsets(%dma_start3A_154 : memref<128xi32, #tpu.memory_space<vmem>>) semaphore(%arg10 : memref<!tpu.dma_semaphore, #tpu.memory_space<semaphore_mem>>) {add = true}
      %mul3A_158 = arith.constant 16 : i32
      %mul3A_159 = arith.muli %mul3A_158, %scan3A_18 : i32
      %add3A_160 = arith.constant 14 : i32
      %add3A_161 = arith.addi %mul3A_159, %add3A_160 : i32
      %dma_start3A_162 = arith.constant 0 : i32
      %dma_start3A_163 = tpu.memref_slice %arg7[%add3A_161, %dma_start3A_162] : memref<80x128xi32, #tpu.memory_space<vmem>> -> memref<1x128xi32, #tpu.memory_space<vmem>>
      %dma_start3A_164 = tpu.memref_squeeze %dma_start3A_163 : memref<1x128xi32, #tpu.memory_space<vmem>> -> memref<128xi32, #tpu.memory_space<vmem>>
      %dma_start3A_165 = arith.constant 0 : i32
      %dma_start3A_166 = arith.constant 0 : i32
      %dma_start3A_167 = tpu.memref_slice %arg6[%dma_start3A_165, %dma_start3A_166] : memref<10240x16xf32, #tpu.memory_space<vmem_shared>> -> memref<10240x16xf32, #tpu.memory_space<vmem_shared>>
      tpu.enqueue_indirect_dma source(%arg8 : memref<128x16xf32, #tpu.memory_space<vmem>>) target(%dma_start3A_167 : memref<10240x16xf32, #tpu.memory_space<vmem_shared>>) offsets(%dma_start3A_164 : memref<128xi32, #tpu.memory_space<vmem>>) semaphore(%arg10 : memref<!tpu.dma_semaphore, #tpu.memory_space<semaphore_mem>>) {add = true}
      %mul3A_168 = arith.constant 16 : i32
      %mul3A_169 = arith.muli %mul3A_168, %scan3A_18 : i32
      %add3A_170 = arith.constant 15 : i32
      %add3A_171 = arith.addi %mul3A_169, %add3A_170 : i32
      %dma_start3A_172 = arith.constant 0 : i32
      %dma_start3A_173 = tpu.memref_slice %arg7[%add3A_171, %dma_start3A_172] : memref<80x128xi32, #tpu.memory_space<vmem>> -> memref<1x128xi32, #tpu.memory_space<vmem>>
      %dma_start3A_174 = tpu.memref_squeeze %dma_start3A_173 : memref<1x128xi32, #tpu.memory_space<vmem>> -> memref<128xi32, #tpu.memory_space<vmem>>
      %dma_start3A_175 = arith.constant 0 : i32
      %dma_start3A_176 = arith.constant 0 : i32
      %dma_start3A_177 = tpu.memref_slice %arg6[%dma_start3A_175, %dma_start3A_176] : memref<10240x16xf32, #tpu.memory_space<vmem_shared>> -> memref<10240x16xf32, #tpu.memory_space<vmem_shared>>
      tpu.enqueue_indirect_dma source(%arg8 : memref<128x16xf32, #tpu.memory_space<vmem>>) target(%dma_start3A_177 : memref<10240x16xf32, #tpu.memory_space<vmem_shared>>) offsets(%dma_start3A_174 : memref<128xi32, #tpu.memory_space<vmem>>) semaphore(%arg10 : memref<!tpu.dma_semaphore, #tpu.memory_space<semaphore_mem>>) {add = true}
      %mul3A_178 = arith.constant 16 : i32
      %mul3A_179 = arith.muli %mul3A_178, %scan3A_18 : i32
      %add3A_180 = arith.constant 0 : i32
      %add3A_181 = arith.addi %mul3A_179, %add3A_180 : i32
      %dma_wait3A = arith.constant 0 : i32
      %dma_wait3A_182 = tpu.memref_slice %arg7[%add3A_181, %dma_wait3A] : memref<80x128xi32, #tpu.memory_space<vmem>> -> memref<1x128xi32, #tpu.memory_space<vmem>>
      %dma_wait3A_183 = tpu.memref_squeeze %dma_wait3A_182 : memref<1x128xi32, #tpu.memory_space<vmem>> -> memref<128xi32, #tpu.memory_space<vmem>>
      %dma_wait3A_184 = arith.constant 0 : i32
      %dma_wait3A_185 = arith.constant 0 : i32
      %dma_wait3A_186 = tpu.memref_slice %arg6[%dma_wait3A_184, %dma_wait3A_185] : memref<10240x16xf32, #tpu.memory_space<vmem_shared>> -> memref<10240x16xf32, #tpu.memory_space<vmem_shared>>
      tpu.wait_indirect_dma semaphore(%arg10 : memref<!tpu.dma_semaphore, #tpu.memory_space<semaphore_mem>>) src(%arg8 : memref<128x16xf32, #tpu.memory_space<vmem>>) dst(%dma_wait3A_186 : memref<10240x16xf32, #tpu.memory_space<vmem_shared>>)
      %mul3A_187 = arith.constant 16 : i32
      %mul3A_188 = arith.muli %mul3A_187, %scan3A_18 : i32
      %add3A_189 = arith.constant 1 : i32
      %add3A_190 = arith.addi %mul3A_188, %add3A_189 : i32
      %dma_wait3A_191 = arith.constant 0 : i32
      %dma_wait3A_192 = tpu.memref_slice %arg7[%add3A_190, %dma_wait3A_191] : memref<80x128xi32, #tpu.memory_space<vmem>> -> memref<1x128xi32, #tpu.memory_space<vmem>>
      %dma_wait3A_193 = tpu.memref_squeeze %dma_wait3A_192 : memref<1x128xi32, #tpu.memory_space<vmem>> -> memref<128xi32, #tpu.memory_space<vmem>>
      %dma_wait3A_194 = arith.constant 0 : i32
      %dma_wait3A_195 = arith.constant 0 : i32
      %dma_wait3A_196 = tpu.memref_slice %arg6[%dma_wait3A_194, %dma_wait3A_195] : memref<10240x16xf32, #tpu.memory_space<vmem_shared>> -> memref<10240x16xf32, #tpu.memory_space<vmem_shared>>
      tpu.wait_indirect_dma semaphore(%arg10 : memref<!tpu.dma_semaphore, #tpu.memory_space<semaphore_mem>>) src(%arg8 : memref<128x16xf32, #tpu.memory_space<vmem>>) dst(%dma_wait3A_196 : memref<10240x16xf32, #tpu.memory_space<vmem_shared>>)
      %mul3A_197 = arith.constant 16 : i32
      %mul3A_198 = arith.muli %mul3A_197, %scan3A_18 : i32
      %add3A_199 = arith.constant 2 : i32
      %add3A_200 = arith.addi %mul3A_198, %add3A_199 : i32
      %dma_wait3A_201 = arith.constant 0 : i32
      %dma_wait3A_202 = tpu.memref_slice %arg7[%add3A_200, %dma_wait3A_201] : memref<80x128xi32, #tpu.memory_space<vmem>> -> memref<1x128xi32, #tpu.memory_space<vmem>>
      %dma_wait3A_203 = tpu.memref_squeeze %dma_wait3A_202 : memref<1x128xi32, #tpu.memory_space<vmem>> -> memref<128xi32, #tpu.memory_space<vmem>>
      %dma_wait3A_204 = arith.constant 0 : i32
      %dma_wait3A_205 = arith.constant 0 : i32
      %dma_wait3A_206 = tpu.memref_slice %arg6[%dma_wait3A_204, %dma_wait3A_205] : memref<10240x16xf32, #tpu.memory_space<vmem_shared>> -> memref<10240x16xf32, #tpu.memory_space<vmem_shared>>
      tpu.wait_indirect_dma semaphore(%arg10 : memref<!tpu.dma_semaphore, #tpu.memory_space<semaphore_mem>>) src(%arg8 : memref<128x16xf32, #tpu.memory_space<vmem>>) dst(%dma_wait3A_206 : memref<10240x16xf32, #tpu.memory_space<vmem_shared>>)
      %mul3A_207 = arith.constant 16 : i32
      %mul3A_208 = arith.muli %mul3A_207, %scan3A_18 : i32
      %add3A_209 = arith.constant 3 : i32
      %add3A_210 = arith.addi %mul3A_208, %add3A_209 : i32
      %dma_wait3A_211 = arith.constant 0 : i32
      %dma_wait3A_212 = tpu.memref_slice %arg7[%add3A_210, %dma_wait3A_211] : memref<80x128xi32, #tpu.memory_space<vmem>> -> memref<1x128xi32, #tpu.memory_space<vmem>>
      %dma_wait3A_213 = tpu.memref_squeeze %dma_wait3A_212 : memref<1x128xi32, #tpu.memory_space<vmem>> -> memref<128xi32, #tpu.memory_space<vmem>>
      %dma_wait3A_214 = arith.constant 0 : i32
      %dma_wait3A_215 = arith.constant 0 : i32
      %dma_wait3A_216 = tpu.memref_slice %arg6[%dma_wait3A_214, %dma_wait3A_215] : memref<10240x16xf32, #tpu.memory_space<vmem_shared>> -> memref<10240x16xf32, #tpu.memory_space<vmem_shared>>
      tpu.wait_indirect_dma semaphore(%arg10 : memref<!tpu.dma_semaphore, #tpu.memory_space<semaphore_mem>>) src(%arg8 : memref<128x16xf32, #tpu.memory_space<vmem>>) dst(%dma_wait3A_216 : memref<10240x16xf32, #tpu.memory_space<vmem_shared>>)
      %mul3A_217 = arith.constant 16 : i32
      %mul3A_218 = arith.muli %mul3A_217, %scan3A_18 : i32
      %add3A_219 = arith.constant 4 : i32
      %add3A_220 = arith.addi %mul3A_218, %add3A_219 : i32
      %dma_wait3A_221 = arith.constant 0 : i32
      %dma_wait3A_222 = tpu.memref_slice %arg7[%add3A_220, %dma_wait3A_221] : memref<80x128xi32, #tpu.memory_space<vmem>> -> memref<1x128xi32, #tpu.memory_space<vmem>>
      %dma_wait3A_223 = tpu.memref_squeeze %dma_wait3A_222 : memref<1x128xi32, #tpu.memory_space<vmem>> -> memref<128xi32, #tpu.memory_space<vmem>>
      %dma_wait3A_224 = arith.constant 0 : i32
      %dma_wait3A_225 = arith.constant 0 : i32
      %dma_wait3A_226 = tpu.memref_slice %arg6[%dma_wait3A_224, %dma_wait3A_225] : memref<10240x16xf32, #tpu.memory_space<vmem_shared>> -> memref<10240x16xf32, #tpu.memory_space<vmem_shared>>
      tpu.wait_indirect_dma semaphore(%arg10 : memref<!tpu.dma_semaphore, #tpu.memory_space<semaphore_mem>>) src(%arg8 : memref<128x16xf32, #tpu.memory_space<vmem>>) dst(%dma_wait3A_226 : memref<10240x16xf32, #tpu.memory_space<vmem_shared>>)
      %mul3A_227 = arith.constant 16 : i32
      %mul3A_228 = arith.muli %mul3A_227, %scan3A_18 : i32
      %add3A_229 = arith.constant 5 : i32
      %add3A_230 = arith.addi %mul3A_228, %add3A_229 : i32
      %dma_wait3A_231 = arith.constant 0 : i32
      %dma_wait3A_232 = tpu.memref_slice %arg7[%add3A_230, %dma_wait3A_231] : memref<80x128xi32, #tpu.memory_space<vmem>> -> memref<1x128xi32, #tpu.memory_space<vmem>>
      %dma_wait3A_233 = tpu.memref_squeeze %dma_wait3A_232 : memref<1x128xi32, #tpu.memory_space<vmem>> -> memref<128xi32, #tpu.memory_space<vmem>>
      %dma_wait3A_234 = arith.constant 0 : i32
      %dma_wait3A_235 = arith.constant 0 : i32
      %dma_wait3A_236 = tpu.memref_slice %arg6[%dma_wait3A_234, %dma_wait3A_235] : memref<10240x16xf32, #tpu.memory_space<vmem_shared>> -> memref<10240x16xf32, #tpu.memory_space<vmem_shared>>
      tpu.wait_indirect_dma semaphore(%arg10 : memref<!tpu.dma_semaphore, #tpu.memory_space<semaphore_mem>>) src(%arg8 : memref<128x16xf32, #tpu.memory_space<vmem>>) dst(%dma_wait3A_236 : memref<10240x16xf32, #tpu.memory_space<vmem_shared>>)
      %mul3A_237 = arith.constant 16 : i32
      %mul3A_238 = arith.muli %mul3A_237, %scan3A_18 : i32
      %add3A_239 = arith.constant 6 : i32
      %add3A_240 = arith.addi %mul3A_238, %add3A_239 : i32
      %dma_wait3A_241 = arith.constant 0 : i32
      %dma_wait3A_242 = tpu.memref_slice %arg7[%add3A_240, %dma_wait3A_241] : memref<80x128xi32, #tpu.memory_space<vmem>> -> memref<1x128xi32, #tpu.memory_space<vmem>>
      %dma_wait3A_243 = tpu.memref_squeeze %dma_wait3A_242 : memref<1x128xi32, #tpu.memory_space<vmem>> -> memref<128xi32, #tpu.memory_space<vmem>>
      %dma_wait3A_244 = arith.constant 0 : i32
      %dma_wait3A_245 = arith.constant 0 : i32
      %dma_wait3A_246 = tpu.memref_slice %arg6[%dma_wait3A_244, %dma_wait3A_245] : memref<10240x16xf32, #tpu.memory_space<vmem_shared>> -> memref<10240x16xf32, #tpu.memory_space<vmem_shared>>
      tpu.wait_indirect_dma semaphore(%arg10 : memref<!tpu.dma_semaphore, #tpu.memory_space<semaphore_mem>>) src(%arg8 : memref<128x16xf32, #tpu.memory_space<vmem>>) dst(%dma_wait3A_246 : memref<10240x16xf32, #tpu.memory_space<vmem_shared>>)
      %mul3A_247 = arith.constant 16 : i32
      %mul3A_248 = arith.muli %mul3A_247, %scan3A_18 : i32
      %add3A_249 = arith.constant 7 : i32
      %add3A_250 = arith.addi %mul3A_248, %add3A_249 : i32
      %dma_wait3A_251 = arith.constant 0 : i32
      %dma_wait3A_252 = tpu.memref_slice %arg7[%add3A_250, %dma_wait3A_251] : memref<80x128xi32, #tpu.memory_space<vmem>> -> memref<1x128xi32, #tpu.memory_space<vmem>>
      %dma_wait3A_253 = tpu.memref_squeeze %dma_wait3A_252 : memref<1x128xi32, #tpu.memory_space<vmem>> -> memref<128xi32, #tpu.memory_space<vmem>>
      %dma_wait3A_254 = arith.constant 0 : i32
      %dma_wait3A_255 = arith.constant 0 : i32
      %dma_wait3A_256 = tpu.memref_slice %arg6[%dma_wait3A_254, %dma_wait3A_255] : memref<10240x16xf32, #tpu.memory_space<vmem_shared>> -> memref<10240x16xf32, #tpu.memory_space<vmem_shared>>
      tpu.wait_indirect_dma semaphore(%arg10 : memref<!tpu.dma_semaphore, #tpu.memory_space<semaphore_mem>>) src(%arg8 : memref<128x16xf32, #tpu.memory_space<vmem>>) dst(%dma_wait3A_256 : memref<10240x16xf32, #tpu.memory_space<vmem_shared>>)
      %mul3A_257 = arith.constant 16 : i32
      %mul3A_258 = arith.muli %mul3A_257, %scan3A_18 : i32
      %add3A_259 = arith.constant 8 : i32
      %add3A_260 = arith.addi %mul3A_258, %add3A_259 : i32
      %dma_wait3A_261 = arith.constant 0 : i32
      %dma_wait3A_262 = tpu.memref_slice %arg7[%add3A_260, %dma_wait3A_261] : memref<80x128xi32, #tpu.memory_space<vmem>> -> memref<1x128xi32, #tpu.memory_space<vmem>>
      %dma_wait3A_263 = tpu.memref_squeeze %dma_wait3A_262 : memref<1x128xi32, #tpu.memory_space<vmem>> -> memref<128xi32, #tpu.memory_space<vmem>>
      %dma_wait3A_264 = arith.constant 0 : i32
      %dma_wait3A_265 = arith.constant 0 : i32
      %dma_wait3A_266 = tpu.memref_slice %arg6[%dma_wait3A_264, %dma_wait3A_265] : memref<10240x16xf32, #tpu.memory_space<vmem_shared>> -> memref<10240x16xf32, #tpu.memory_space<vmem_shared>>
      tpu.wait_indirect_dma semaphore(%arg10 : memref<!tpu.dma_semaphore, #tpu.memory_space<semaphore_mem>>) src(%arg8 : memref<128x16xf32, #tpu.memory_space<vmem>>) dst(%dma_wait3A_266 : memref<10240x16xf32, #tpu.memory_space<vmem_shared>>)
      %mul3A_267 = arith.constant 16 : i32
      %mul3A_268 = arith.muli %mul3A_267, %scan3A_18 : i32
      %add3A_269 = arith.constant 9 : i32
      %add3A_270 = arith.addi %mul3A_268, %add3A_269 : i32
      %dma_wait3A_271 = arith.constant 0 : i32
      %dma_wait3A_272 = tpu.memref_slice %arg7[%add3A_270, %dma_wait3A_271] : memref<80x128xi32, #tpu.memory_space<vmem>> -> memref<1x128xi32, #tpu.memory_space<vmem>>
      %dma_wait3A_273 = tpu.memref_squeeze %dma_wait3A_272 : memref<1x128xi32, #tpu.memory_space<vmem>> -> memref<128xi32, #tpu.memory_space<vmem>>
      %dma_wait3A_274 = arith.constant 0 : i32
      %dma_wait3A_275 = arith.constant 0 : i32
      %dma_wait3A_276 = tpu.memref_slice %arg6[%dma_wait3A_274, %dma_wait3A_275] : memref<10240x16xf32, #tpu.memory_space<vmem_shared>> -> memref<10240x16xf32, #tpu.memory_space<vmem_shared>>
      tpu.wait_indirect_dma semaphore(%arg10 : memref<!tpu.dma_semaphore, #tpu.memory_space<semaphore_mem>>) src(%arg8 : memref<128x16xf32, #tpu.memory_space<vmem>>) dst(%dma_wait3A_276 : memref<10240x16xf32, #tpu.memory_space<vmem_shared>>)
      %mul3A_277 = arith.constant 16 : i32
      %mul3A_278 = arith.muli %mul3A_277, %scan3A_18 : i32
      %add3A_279 = arith.constant 10 : i32
      %add3A_280 = arith.addi %mul3A_278, %add3A_279 : i32
      %dma_wait3A_281 = arith.constant 0 : i32
      %dma_wait3A_282 = tpu.memref_slice %arg7[%add3A_280, %dma_wait3A_281] : memref<80x128xi32, #tpu.memory_space<vmem>> -> memref<1x128xi32, #tpu.memory_space<vmem>>
      %dma_wait3A_283 = tpu.memref_squeeze %dma_wait3A_282 : memref<1x128xi32, #tpu.memory_space<vmem>> -> memref<128xi32, #tpu.memory_space<vmem>>
      %dma_wait3A_284 = arith.constant 0 : i32
      %dma_wait3A_285 = arith.constant 0 : i32
      %dma_wait3A_286 = tpu.memref_slice %arg6[%dma_wait3A_284, %dma_wait3A_285] : memref<10240x16xf32, #tpu.memory_space<vmem_shared>> -> memref<10240x16xf32, #tpu.memory_space<vmem_shared>>
      tpu.wait_indirect_dma semaphore(%arg10 : memref<!tpu.dma_semaphore, #tpu.memory_space<semaphore_mem>>) src(%arg8 : memref<128x16xf32, #tpu.memory_space<vmem>>) dst(%dma_wait3A_286 : memref<10240x16xf32, #tpu.memory_space<vmem_shared>>)
      %mul3A_287 = arith.constant 16 : i32
      %mul3A_288 = arith.muli %mul3A_287, %scan3A_18 : i32
      %add3A_289 = arith.constant 11 : i32
      %add3A_290 = arith.addi %mul3A_288, %add3A_289 : i32
      %dma_wait3A_291 = arith.constant 0 : i32
      %dma_wait3A_292 = tpu.memref_slice %arg7[%add3A_290, %dma_wait3A_291] : memref<80x128xi32, #tpu.memory_space<vmem>> -> memref<1x128xi32, #tpu.memory_space<vmem>>
      %dma_wait3A_293 = tpu.memref_squeeze %dma_wait3A_292 : memref<1x128xi32, #tpu.memory_space<vmem>> -> memref<128xi32, #tpu.memory_space<vmem>>
      %dma_wait3A_294 = arith.constant 0 : i32
      %dma_wait3A_295 = arith.constant 0 : i32
      %dma_wait3A_296 = tpu.memref_slice %arg6[%dma_wait3A_294, %dma_wait3A_295] : memref<10240x16xf32, #tpu.memory_space<vmem_shared>> -> memref<10240x16xf32, #tpu.memory_space<vmem_shared>>
      tpu.wait_indirect_dma semaphore(%arg10 : memref<!tpu.dma_semaphore, #tpu.memory_space<semaphore_mem>>) src(%arg8 : memref<128x16xf32, #tpu.memory_space<vmem>>) dst(%dma_wait3A_296 : memref<10240x16xf32, #tpu.memory_space<vmem_shared>>)
      %mul3A_297 = arith.constant 16 : i32
      %mul3A_298 = arith.muli %mul3A_297, %scan3A_18 : i32
      %add3A_299 = arith.constant 12 : i32
      %add3A_300 = arith.addi %mul3A_298, %add3A_299 : i32
      %dma_wait3A_301 = arith.constant 0 : i32
      %dma_wait3A_302 = tpu.memref_slice %arg7[%add3A_300, %dma_wait3A_301] : memref<80x128xi32, #tpu.memory_space<vmem>> -> memref<1x128xi32, #tpu.memory_space<vmem>>
      %dma_wait3A_303 = tpu.memref_squeeze %dma_wait3A_302 : memref<1x128xi32, #tpu.memory_space<vmem>> -> memref<128xi32, #tpu.memory_space<vmem>>
      %dma_wait3A_304 = arith.constant 0 : i32
      %dma_wait3A_305 = arith.constant 0 : i32
      %dma_wait3A_306 = tpu.memref_slice %arg6[%dma_wait3A_304, %dma_wait3A_305] : memref<10240x16xf32, #tpu.memory_space<vmem_shared>> -> memref<10240x16xf32, #tpu.memory_space<vmem_shared>>
      tpu.wait_indirect_dma semaphore(%arg10 : memref<!tpu.dma_semaphore, #tpu.memory_space<semaphore_mem>>) src(%arg8 : memref<128x16xf32, #tpu.memory_space<vmem>>) dst(%dma_wait3A_306 : memref<10240x16xf32, #tpu.memory_space<vmem_shared>>)
      %mul3A_307 = arith.constant 16 : i32
      %mul3A_308 = arith.muli %mul3A_307, %scan3A_18 : i32
      %add3A_309 = arith.constant 13 : i32
      %add3A_310 = arith.addi %mul3A_308, %add3A_309 : i32
      %dma_wait3A_311 = arith.constant 0 : i32
      %dma_wait3A_312 = tpu.memref_slice %arg7[%add3A_310, %dma_wait3A_311] : memref<80x128xi32, #tpu.memory_space<vmem>> -> memref<1x128xi32, #tpu.memory_space<vmem>>
      %dma_wait3A_313 = tpu.memref_squeeze %dma_wait3A_312 : memref<1x128xi32, #tpu.memory_space<vmem>> -> memref<128xi32, #tpu.memory_space<vmem>>
      %dma_wait3A_314 = arith.constant 0 : i32
      %dma_wait3A_315 = arith.constant 0 : i32
      %dma_wait3A_316 = tpu.memref_slice %arg6[%dma_wait3A_314, %dma_wait3A_315] : memref<10240x16xf32, #tpu.memory_space<vmem_shared>> -> memref<10240x16xf32, #tpu.memory_space<vmem_shared>>
      tpu.wait_indirect_dma semaphore(%arg10 : memref<!tpu.dma_semaphore, #tpu.memory_space<semaphore_mem>>) src(%arg8 : memref<128x16xf32, #tpu.memory_space<vmem>>) dst(%dma_wait3A_316 : memref<10240x16xf32, #tpu.memory_space<vmem_shared>>)
      %mul3A_317 = arith.constant 16 : i32
      %mul3A_318 = arith.muli %mul3A_317, %scan3A_18 : i32
      %add3A_319 = arith.constant 14 : i32
      %add3A_320 = arith.addi %mul3A_318, %add3A_319 : i32
      %dma_wait3A_321 = arith.constant 0 : i32
      %dma_wait3A_322 = tpu.memref_slice %arg7[%add3A_320, %dma_wait3A_321] : memref<80x128xi32, #tpu.memory_space<vmem>> -> memref<1x128xi32, #tpu.memory_space<vmem>>
      %dma_wait3A_323 = tpu.memref_squeeze %dma_wait3A_322 : memref<1x128xi32, #tpu.memory_space<vmem>> -> memref<128xi32, #tpu.memory_space<vmem>>
      %dma_wait3A_324 = arith.constant 0 : i32
      %dma_wait3A_325 = arith.constant 0 : i32
      %dma_wait3A_326 = tpu.memref_slice %arg6[%dma_wait3A_324, %dma_wait3A_325] : memref<10240x16xf32, #tpu.memory_space<vmem_shared>> -> memref<10240x16xf32, #tpu.memory_space<vmem_shared>>
      tpu.wait_indirect_dma semaphore(%arg10 : memref<!tpu.dma_semaphore, #tpu.memory_space<semaphore_mem>>) src(%arg8 : memref<128x16xf32, #tpu.memory_space<vmem>>) dst(%dma_wait3A_326 : memref<10240x16xf32, #tpu.memory_space<vmem_shared>>)
      %mul3A_327 = arith.constant 16 : i32
      %mul3A_328 = arith.muli %mul3A_327, %scan3A_18 : i32
      %add3A_329 = arith.constant 15 : i32
      %add3A_330 = arith.addi %mul3A_328, %add3A_329 : i32
      %dma_wait3A_331 = arith.constant 0 : i32
      %dma_wait3A_332 = tpu.memref_slice %arg7[%add3A_330, %dma_wait3A_331] : memref<80x128xi32, #tpu.memory_space<vmem>> -> memref<1x128xi32, #tpu.memory_space<vmem>>
      %dma_wait3A_333 = tpu.memref_squeeze %dma_wait3A_332 : memref<1x128xi32, #tpu.memory_space<vmem>> -> memref<128xi32, #tpu.memory_space<vmem>>
      %dma_wait3A_334 = arith.constant 0 : i32
      %dma_wait3A_335 = arith.constant 0 : i32
      %dma_wait3A_336 = tpu.memref_slice %arg6[%dma_wait3A_334, %dma_wait3A_335] : memref<10240x16xf32, #tpu.memory_space<vmem_shared>> -> memref<10240x16xf32, #tpu.memory_space<vmem_shared>>
      tpu.wait_indirect_dma semaphore(%arg10 : memref<!tpu.dma_semaphore, #tpu.memory_space<semaphore_mem>>) src(%arg8 : memref<128x16xf32, #tpu.memory_space<vmem>>) dst(%dma_wait3A_336 : memref<10240x16xf32, #tpu.memory_space<vmem_shared>>)
    }
    %scan3A_9 = arith.constant 5 : i32
    %barrier3A_10 = arith.constant 0 : index
    tpu.barrier barrier_id(%barrier3A_10)
    %mul3A_11 = arith.constant 640 : i32
    %mul3A_12 = arith.muli %arg1, %mul3A_11 : i32
    "tpu.region"() ({
      %run_scoped3A = tpu.sem_alloc : memref<!tpu.dma_semaphore, #tpu.memory_space<semaphore_mem>>
      %dma_start3A = arith.constant 0 : i32
      %dma_start3A_18 = tpu.memref_slice %arg6[%mul3A_12, %dma_start3A] : memref<10240x16xf32, #tpu.memory_space<vmem_shared>> -> memref<640x16xf32, #tpu.memory_space<vmem_shared>>
      %dma_start3A_19 = arith.constant 0 : i32
      %dma_start3A_20 = tpu.memref_slice %arg6[%mul3A_12, %dma_start3A_19] : memref<10240x16xf32, #tpu.memory_space<vmem_shared>> -> memref<640x16xf32, #tpu.memory_space<vmem_shared>>
      tpu.enqueue_dma source(%dma_start3A_20 : memref<640x16xf32, #tpu.memory_space<vmem_shared>>) target(%arg9 : memref<640x16xf32, #tpu.memory_space<vmem>>) target_semaphore(%run_scoped3A : memref<!tpu.dma_semaphore, #tpu.memory_space<semaphore_mem>>)
      %dma_wait3A = arith.constant 0 : i32
      %dma_wait3A_21 = tpu.memref_slice %arg6[%mul3A_12, %dma_wait3A] : memref<10240x16xf32, #tpu.memory_space<vmem_shared>> -> memref<640x16xf32, #tpu.memory_space<vmem_shared>>
      %dma_wait3A_22 = arith.constant 0 : i32
      %dma_wait3A_23 = tpu.memref_slice %arg6[%mul3A_12, %dma_wait3A_22] : memref<10240x16xf32, #tpu.memory_space<vmem_shared>> -> memref<640x16xf32, #tpu.memory_space<vmem_shared>>
      tpu.wait_dma2 semaphore(%run_scoped3A : memref<!tpu.dma_semaphore, #tpu.memory_space<semaphore_mem>>) src(%dma_wait3A_23 : memref<640x16xf32, #tpu.memory_space<vmem_shared>>) dst(%arg9 : memref<640x16xf32, #tpu.memory_space<vmem>>)
      tpu.yield
    }) : () -> ()
    %mul3A_13 = arith.constant 10240 : i32
    %mul3A_14 = arith.muli %arg0, %mul3A_13 : i32
    %mul3A_15 = arith.constant 640 : i32
    %mul3A_16 = arith.muli %arg1, %mul3A_15 : i32
    %add3A_17 = arith.addi %mul3A_14, %mul3A_16 : i32
    "tpu.region"() ({
      %run_scoped3A = tpu.sem_alloc : memref<!tpu.dma_semaphore, #tpu.memory_space<semaphore_mem>>
      %dma_start3A = arith.constant 0 : i32
      %dma_start3A_18 = tpu.memref_slice %arg5[%add3A_17, %dma_start3A] : memref<20480x16xf32, #tpu.memory_space<hbm>> -> memref<640x16xf32, #tpu.memory_space<hbm>>
      %dma_start3A_19 = arith.constant 0 : i32
      %dma_start3A_20 = tpu.memref_slice %arg5[%add3A_17, %dma_start3A_19] : memref<20480x16xf32, #tpu.memory_space<hbm>> -> memref<640x16xf32, #tpu.memory_space<hbm>>
      tpu.enqueue_dma source(%arg9 : memref<640x16xf32, #tpu.memory_space<vmem>>) target(%dma_start3A_20 : memref<640x16xf32, #tpu.memory_space<hbm>>) target_semaphore(%run_scoped3A : memref<!tpu.dma_semaphore, #tpu.memory_space<semaphore_mem>>)
      %dma_wait3A = arith.constant 0 : i32
      %dma_wait3A_21 = tpu.memref_slice %arg5[%add3A_17, %dma_wait3A] : memref<20480x16xf32, #tpu.memory_space<hbm>> -> memref<640x16xf32, #tpu.memory_space<hbm>>
      %dma_wait3A_22 = arith.constant 0 : i32
      %dma_wait3A_23 = tpu.memref_slice %arg5[%add3A_17, %dma_wait3A_22] : memref<20480x16xf32, #tpu.memory_space<hbm>> -> memref<640x16xf32, #tpu.memory_space<hbm>>
      tpu.wait_dma2 semaphore(%run_scoped3A : memref<!tpu.dma_semaphore, #tpu.memory_space<semaphore_mem>>) src(%arg9 : memref<640x16xf32, #tpu.memory_space<vmem>>) dst(%dma_wait3A_23 : memref<640x16xf32, #tpu.memory_space<hbm>>)
      tpu.yield
    }) : () -> ()
    return
  }
}

#map = affine_map<(d0, d1) -> (0, 0)>
module attributes {stable_mosaic.version = 14 : i64} {
  func.func @_sc_agg_body(%arg0: i32, %arg1: i32, %arg2: memref<10000x64xf32, #tpu.memory_space<hbm>>, %arg3: memref<2560x128xi32, #tpu.memory_space<hbm>>, %arg4: memref<2560x128xi32, #tpu.memory_space<hbm>>, %arg5: memref<128x64xf32, #tpu.memory_space<hbm>>, %arg6: memref<20480x64xf32, #tpu.memory_space<hbm>>, %arg7: memref<10240x64xf32, #tpu.memory_space<vmem_shared>>, %arg8: memref<80x128xi32, #tpu.memory_space<vmem>>, %arg9: memref<80x128xi32, #tpu.memory_space<vmem>>, %arg10: memref<128x64xf32, #tpu.memory_space<vmem>>, %arg11: memref<128x64xf32, #tpu.memory_space<vmem>>, %arg12: memref<128x64xf32, #tpu.memory_space<vmem>>, %arg13: memref<128x64xf32, #tpu.memory_space<vmem>>, %arg14: memref<128x64xf32, #tpu.memory_space<vmem>>, %arg15: memref<128x64xf32, #tpu.memory_space<vmem>>, %arg16: memref<128x64xf32, #tpu.memory_space<vmem>>, %arg17: memref<128x64xf32, #tpu.memory_space<vmem>>, %arg18: memref<!tpu.dma_semaphore, #tpu.memory_space<semaphore_mem>>, %arg19: memref<!tpu.dma_semaphore, #tpu.memory_space<semaphore_mem>>, %arg20: memref<!tpu.dma_semaphore, #tpu.memory_space<semaphore_mem>>, %arg21: memref<!tpu.dma_semaphore, #tpu.memory_space<semaphore_mem>>, %arg22: memref<!tpu.dma_semaphore, #tpu.memory_space<semaphore_mem>>, %arg23: memref<!tpu.dma_semaphore, #tpu.memory_space<semaphore_mem>>, %arg24: memref<!tpu.dma_semaphore, #tpu.memory_space<semaphore_mem>>, %arg25: memref<!tpu.dma_semaphore, #tpu.memory_space<semaphore_mem>>, %arg26: memref<!tpu.dma_semaphore, #tpu.memory_space<semaphore_mem>>, %arg27: memref<!tpu.dma_semaphore, #tpu.memory_space<semaphore_mem>>, %arg28: memref<!tpu.dma_semaphore, #tpu.memory_space<semaphore_mem>>, %arg29: memref<!tpu.dma_semaphore, #tpu.memory_space<semaphore_mem>>, %arg30: memref<!tpu.dma_semaphore, #tpu.memory_space<semaphore_mem>>, %arg31: memref<!tpu.dma_semaphore, #tpu.memory_space<semaphore_mem>>, %arg32: memref<!tpu.dma_semaphore, #tpu.memory_space<semaphore_mem>>, %arg33: memref<!tpu.dma_semaphore, #tpu.memory_space<semaphore_mem>>) attributes {dimension_semantics = [#tpu.dimension_semantics<core_parallel>, #tpu.dimension_semantics<subcore_parallel>], iteration_bounds = array<i64: 2, 16>, scalar_prefetch = 0 : i64, scratch_operands = 27 : i64, tpu.core_type = #tpu.core_type<sc_vector_subcore>, window_params = [{transform_indices = #map}, {transform_indices = #map}, {transform_indices = #map}, {transform_indices = #map}, {transform_indices = #map}]} {
    %mul3A = arith.constant 16 : i32
    %mul3A_0 = arith.muli %arg0, %mul3A : i32
    %add3A = arith.addi %mul3A_0, %arg1 : i32
    "tpu.region"() ({
      %run_scoped3A = tpu.sem_alloc : memref<!tpu.dma_semaphore, #tpu.memory_space<semaphore_mem>>
      tpu.enqueue_dma source(%arg5 : memref<128x64xf32, #tpu.memory_space<hbm>>) target(%arg10 : memref<128x64xf32, #tpu.memory_space<vmem>>) target_semaphore(%run_scoped3A : memref<!tpu.dma_semaphore, #tpu.memory_space<semaphore_mem>>)
      tpu.wait_dma2 semaphore(%run_scoped3A : memref<!tpu.dma_semaphore, #tpu.memory_space<semaphore_mem>>) src(%arg5 : memref<128x64xf32, #tpu.memory_space<hbm>>) dst(%arg10 : memref<128x64xf32, #tpu.memory_space<vmem>>)
      tpu.yield
    }) : () -> ()
    %mul3A_1 = arith.constant 640 : i32
    %mul3A_2 = arith.muli %arg1, %mul3A_1 : i32
    %add3A_3 = arith.constant 0 : i32
    %add3A_4 = arith.addi %mul3A_2, %add3A_3 : i32
    %dma_start3A = arith.constant 0 : i32
    %dma_start3A_5 = tpu.memref_slice %arg7[%add3A_4, %dma_start3A] : memref<10240x64xf32, #tpu.memory_space<vmem_shared>> -> memref<128x64xf32, #tpu.memory_space<vmem_shared>>
    %dma_start3A_6 = arith.constant 0 : i32
    %dma_start3A_7 = tpu.memref_slice %arg7[%add3A_4, %dma_start3A_6] : memref<10240x64xf32, #tpu.memory_space<vmem_shared>> -> memref<128x64xf32, #tpu.memory_space<vmem_shared>>
    tpu.enqueue_dma source(%arg10 : memref<128x64xf32, #tpu.memory_space<vmem>>) target(%dma_start3A_7 : memref<128x64xf32, #tpu.memory_space<vmem_shared>>) target_semaphore(%arg18 : memref<!tpu.dma_semaphore, #tpu.memory_space<semaphore_mem>>)
    %mul3A_8 = arith.constant 640 : i32
    %mul3A_9 = arith.muli %arg1, %mul3A_8 : i32
    %add3A_10 = arith.constant 128 : i32
    %add3A_11 = arith.addi %mul3A_9, %add3A_10 : i32
    %dma_start3A_12 = arith.constant 0 : i32
    %dma_start3A_13 = tpu.memref_slice %arg7[%add3A_11, %dma_start3A_12] : memref<10240x64xf32, #tpu.memory_space<vmem_shared>> -> memref<128x64xf32, #tpu.memory_space<vmem_shared>>
    %dma_start3A_14 = arith.constant 0 : i32
    %dma_start3A_15 = tpu.memref_slice %arg7[%add3A_11, %dma_start3A_14] : memref<10240x64xf32, #tpu.memory_space<vmem_shared>> -> memref<128x64xf32, #tpu.memory_space<vmem_shared>>
    tpu.enqueue_dma source(%arg10 : memref<128x64xf32, #tpu.memory_space<vmem>>) target(%dma_start3A_15 : memref<128x64xf32, #tpu.memory_space<vmem_shared>>) target_semaphore(%arg18 : memref<!tpu.dma_semaphore, #tpu.memory_space<semaphore_mem>>)
    %mul3A_16 = arith.constant 640 : i32
    %mul3A_17 = arith.muli %arg1, %mul3A_16 : i32
    %add3A_18 = arith.constant 256 : i32
    %add3A_19 = arith.addi %mul3A_17, %add3A_18 : i32
    %dma_start3A_20 = arith.constant 0 : i32
    %dma_start3A_21 = tpu.memref_slice %arg7[%add3A_19, %dma_start3A_20] : memref<10240x64xf32, #tpu.memory_space<vmem_shared>> -> memref<128x64xf32, #tpu.memory_space<vmem_shared>>
    %dma_start3A_22 = arith.constant 0 : i32
    %dma_start3A_23 = tpu.memref_slice %arg7[%add3A_19, %dma_start3A_22] : memref<10240x64xf32, #tpu.memory_space<vmem_shared>> -> memref<128x64xf32, #tpu.memory_space<vmem_shared>>
    tpu.enqueue_dma source(%arg10 : memref<128x64xf32, #tpu.memory_space<vmem>>) target(%dma_start3A_23 : memref<128x64xf32, #tpu.memory_space<vmem_shared>>) target_semaphore(%arg18 : memref<!tpu.dma_semaphore, #tpu.memory_space<semaphore_mem>>)
    %mul3A_24 = arith.constant 640 : i32
    %mul3A_25 = arith.muli %arg1, %mul3A_24 : i32
    %add3A_26 = arith.constant 384 : i32
    %add3A_27 = arith.addi %mul3A_25, %add3A_26 : i32
    %dma_start3A_28 = arith.constant 0 : i32
    %dma_start3A_29 = tpu.memref_slice %arg7[%add3A_27, %dma_start3A_28] : memref<10240x64xf32, #tpu.memory_space<vmem_shared>> -> memref<128x64xf32, #tpu.memory_space<vmem_shared>>
    %dma_start3A_30 = arith.constant 0 : i32
    %dma_start3A_31 = tpu.memref_slice %arg7[%add3A_27, %dma_start3A_30] : memref<10240x64xf32, #tpu.memory_space<vmem_shared>> -> memref<128x64xf32, #tpu.memory_space<vmem_shared>>
    tpu.enqueue_dma source(%arg10 : memref<128x64xf32, #tpu.memory_space<vmem>>) target(%dma_start3A_31 : memref<128x64xf32, #tpu.memory_space<vmem_shared>>) target_semaphore(%arg18 : memref<!tpu.dma_semaphore, #tpu.memory_space<semaphore_mem>>)
    %mul3A_32 = arith.constant 640 : i32
    %mul3A_33 = arith.muli %arg1, %mul3A_32 : i32
    %add3A_34 = arith.constant 512 : i32
    %add3A_35 = arith.addi %mul3A_33, %add3A_34 : i32
    %dma_start3A_36 = arith.constant 0 : i32
    %dma_start3A_37 = tpu.memref_slice %arg7[%add3A_35, %dma_start3A_36] : memref<10240x64xf32, #tpu.memory_space<vmem_shared>> -> memref<128x64xf32, #tpu.memory_space<vmem_shared>>
    %dma_start3A_38 = arith.constant 0 : i32
    %dma_start3A_39 = tpu.memref_slice %arg7[%add3A_35, %dma_start3A_38] : memref<10240x64xf32, #tpu.memory_space<vmem_shared>> -> memref<128x64xf32, #tpu.memory_space<vmem_shared>>
    tpu.enqueue_dma source(%arg10 : memref<128x64xf32, #tpu.memory_space<vmem>>) target(%dma_start3A_39 : memref<128x64xf32, #tpu.memory_space<vmem_shared>>) target_semaphore(%arg18 : memref<!tpu.dma_semaphore, #tpu.memory_space<semaphore_mem>>)
    %mul3A_40 = arith.constant 80 : i32
    %mul3A_41 = arith.muli %add3A, %mul3A_40 : i32
    "tpu.region"() ({
      %run_scoped3A = tpu.sem_alloc : memref<!tpu.dma_semaphore, #tpu.memory_space<semaphore_mem>>
      %dma_start3A_443 = arith.constant 0 : i32
      %dma_start3A_444 = tpu.memref_slice %arg3[%mul3A_41, %dma_start3A_443] : memref<2560x128xi32, #tpu.memory_space<hbm>> -> memref<80x128xi32, #tpu.memory_space<hbm>>
      %dma_start3A_445 = arith.constant 0 : i32
      %dma_start3A_446 = tpu.memref_slice %arg3[%mul3A_41, %dma_start3A_445] : memref<2560x128xi32, #tpu.memory_space<hbm>> -> memref<80x128xi32, #tpu.memory_space<hbm>>
      tpu.enqueue_dma source(%dma_start3A_446 : memref<80x128xi32, #tpu.memory_space<hbm>>) target(%arg8 : memref<80x128xi32, #tpu.memory_space<vmem>>) target_semaphore(%run_scoped3A : memref<!tpu.dma_semaphore, #tpu.memory_space<semaphore_mem>>)
      %dma_wait3A_447 = arith.constant 0 : i32
      %dma_wait3A_448 = tpu.memref_slice %arg3[%mul3A_41, %dma_wait3A_447] : memref<2560x128xi32, #tpu.memory_space<hbm>> -> memref<80x128xi32, #tpu.memory_space<hbm>>
      %dma_wait3A_449 = arith.constant 0 : i32
      %dma_wait3A_450 = tpu.memref_slice %arg3[%mul3A_41, %dma_wait3A_449] : memref<2560x128xi32, #tpu.memory_space<hbm>> -> memref<80x128xi32, #tpu.memory_space<hbm>>
      tpu.wait_dma2 semaphore(%run_scoped3A : memref<!tpu.dma_semaphore, #tpu.memory_space<semaphore_mem>>) src(%dma_wait3A_450 : memref<80x128xi32, #tpu.memory_space<hbm>>) dst(%arg8 : memref<80x128xi32, #tpu.memory_space<vmem>>)
      tpu.yield
    }) : () -> ()
    %mul3A_42 = arith.constant 80 : i32
    %mul3A_43 = arith.muli %add3A, %mul3A_42 : i32
    "tpu.region"() ({
      %run_scoped3A = tpu.sem_alloc : memref<!tpu.dma_semaphore, #tpu.memory_space<semaphore_mem>>
      %dma_start3A_443 = arith.constant 0 : i32
      %dma_start3A_444 = tpu.memref_slice %arg4[%mul3A_43, %dma_start3A_443] : memref<2560x128xi32, #tpu.memory_space<hbm>> -> memref<80x128xi32, #tpu.memory_space<hbm>>
      %dma_start3A_445 = arith.constant 0 : i32
      %dma_start3A_446 = tpu.memref_slice %arg4[%mul3A_43, %dma_start3A_445] : memref<2560x128xi32, #tpu.memory_space<hbm>> -> memref<80x128xi32, #tpu.memory_space<hbm>>
      tpu.enqueue_dma source(%dma_start3A_446 : memref<80x128xi32, #tpu.memory_space<hbm>>) target(%arg9 : memref<80x128xi32, #tpu.memory_space<vmem>>) target_semaphore(%run_scoped3A : memref<!tpu.dma_semaphore, #tpu.memory_space<semaphore_mem>>)
      %dma_wait3A_447 = arith.constant 0 : i32
      %dma_wait3A_448 = tpu.memref_slice %arg4[%mul3A_43, %dma_wait3A_447] : memref<2560x128xi32, #tpu.memory_space<hbm>> -> memref<80x128xi32, #tpu.memory_space<hbm>>
      %dma_wait3A_449 = arith.constant 0 : i32
      %dma_wait3A_450 = tpu.memref_slice %arg4[%mul3A_43, %dma_wait3A_449] : memref<2560x128xi32, #tpu.memory_space<hbm>> -> memref<80x128xi32, #tpu.memory_space<hbm>>
      tpu.wait_dma2 semaphore(%run_scoped3A : memref<!tpu.dma_semaphore, #tpu.memory_space<semaphore_mem>>) src(%dma_wait3A_450 : memref<80x128xi32, #tpu.memory_space<hbm>>) dst(%arg9 : memref<80x128xi32, #tpu.memory_space<vmem>>)
      tpu.yield
    }) : () -> ()
    %mul3A_44 = arith.constant 640 : i32
    %mul3A_45 = arith.muli %arg1, %mul3A_44 : i32
    %add3A_46 = arith.constant 0 : i32
    %add3A_47 = arith.addi %mul3A_45, %add3A_46 : i32
    %dma_wait3A = arith.constant 0 : i32
    %dma_wait3A_48 = tpu.memref_slice %arg7[%add3A_47, %dma_wait3A] : memref<10240x64xf32, #tpu.memory_space<vmem_shared>> -> memref<128x64xf32, #tpu.memory_space<vmem_shared>>
    %dma_wait3A_49 = arith.constant 0 : i32
    %dma_wait3A_50 = tpu.memref_slice %arg7[%add3A_47, %dma_wait3A_49] : memref<10240x64xf32, #tpu.memory_space<vmem_shared>> -> memref<128x64xf32, #tpu.memory_space<vmem_shared>>
    tpu.wait_dma2 semaphore(%arg18 : memref<!tpu.dma_semaphore, #tpu.memory_space<semaphore_mem>>) src(%arg10 : memref<128x64xf32, #tpu.memory_space<vmem>>) dst(%dma_wait3A_50 : memref<128x64xf32, #tpu.memory_space<vmem_shared>>)
    %mul3A_51 = arith.constant 640 : i32
    %mul3A_52 = arith.muli %arg1, %mul3A_51 : i32
    %add3A_53 = arith.constant 128 : i32
    %add3A_54 = arith.addi %mul3A_52, %add3A_53 : i32
    %dma_wait3A_55 = arith.constant 0 : i32
    %dma_wait3A_56 = tpu.memref_slice %arg7[%add3A_54, %dma_wait3A_55] : memref<10240x64xf32, #tpu.memory_space<vmem_shared>> -> memref<128x64xf32, #tpu.memory_space<vmem_shared>>
    %dma_wait3A_57 = arith.constant 0 : i32
    %dma_wait3A_58 = tpu.memref_slice %arg7[%add3A_54, %dma_wait3A_57] : memref<10240x64xf32, #tpu.memory_space<vmem_shared>> -> memref<128x64xf32, #tpu.memory_space<vmem_shared>>
    tpu.wait_dma2 semaphore(%arg18 : memref<!tpu.dma_semaphore, #tpu.memory_space<semaphore_mem>>) src(%arg10 : memref<128x64xf32, #tpu.memory_space<vmem>>) dst(%dma_wait3A_58 : memref<128x64xf32, #tpu.memory_space<vmem_shared>>)
    %mul3A_59 = arith.constant 640 : i32
    %mul3A_60 = arith.muli %arg1, %mul3A_59 : i32
    %add3A_61 = arith.constant 256 : i32
    %add3A_62 = arith.addi %mul3A_60, %add3A_61 : i32
    %dma_wait3A_63 = arith.constant 0 : i32
    %dma_wait3A_64 = tpu.memref_slice %arg7[%add3A_62, %dma_wait3A_63] : memref<10240x64xf32, #tpu.memory_space<vmem_shared>> -> memref<128x64xf32, #tpu.memory_space<vmem_shared>>
    %dma_wait3A_65 = arith.constant 0 : i32
    %dma_wait3A_66 = tpu.memref_slice %arg7[%add3A_62, %dma_wait3A_65] : memref<10240x64xf32, #tpu.memory_space<vmem_shared>> -> memref<128x64xf32, #tpu.memory_space<vmem_shared>>
    tpu.wait_dma2 semaphore(%arg18 : memref<!tpu.dma_semaphore, #tpu.memory_space<semaphore_mem>>) src(%arg10 : memref<128x64xf32, #tpu.memory_space<vmem>>) dst(%dma_wait3A_66 : memref<128x64xf32, #tpu.memory_space<vmem_shared>>)
    %mul3A_67 = arith.constant 640 : i32
    %mul3A_68 = arith.muli %arg1, %mul3A_67 : i32
    %add3A_69 = arith.constant 384 : i32
    %add3A_70 = arith.addi %mul3A_68, %add3A_69 : i32
    %dma_wait3A_71 = arith.constant 0 : i32
    %dma_wait3A_72 = tpu.memref_slice %arg7[%add3A_70, %dma_wait3A_71] : memref<10240x64xf32, #tpu.memory_space<vmem_shared>> -> memref<128x64xf32, #tpu.memory_space<vmem_shared>>
    %dma_wait3A_73 = arith.constant 0 : i32
    %dma_wait3A_74 = tpu.memref_slice %arg7[%add3A_70, %dma_wait3A_73] : memref<10240x64xf32, #tpu.memory_space<vmem_shared>> -> memref<128x64xf32, #tpu.memory_space<vmem_shared>>
    tpu.wait_dma2 semaphore(%arg18 : memref<!tpu.dma_semaphore, #tpu.memory_space<semaphore_mem>>) src(%arg10 : memref<128x64xf32, #tpu.memory_space<vmem>>) dst(%dma_wait3A_74 : memref<128x64xf32, #tpu.memory_space<vmem_shared>>)
    %mul3A_75 = arith.constant 640 : i32
    %mul3A_76 = arith.muli %arg1, %mul3A_75 : i32
    %add3A_77 = arith.constant 512 : i32
    %add3A_78 = arith.addi %mul3A_76, %add3A_77 : i32
    %dma_wait3A_79 = arith.constant 0 : i32
    %dma_wait3A_80 = tpu.memref_slice %arg7[%add3A_78, %dma_wait3A_79] : memref<10240x64xf32, #tpu.memory_space<vmem_shared>> -> memref<128x64xf32, #tpu.memory_space<vmem_shared>>
    %dma_wait3A_81 = arith.constant 0 : i32
    %dma_wait3A_82 = tpu.memref_slice %arg7[%add3A_78, %dma_wait3A_81] : memref<10240x64xf32, #tpu.memory_space<vmem_shared>> -> memref<128x64xf32, #tpu.memory_space<vmem_shared>>
    tpu.wait_dma2 semaphore(%arg18 : memref<!tpu.dma_semaphore, #tpu.memory_space<semaphore_mem>>) src(%arg10 : memref<128x64xf32, #tpu.memory_space<vmem>>) dst(%dma_wait3A_82 : memref<128x64xf32, #tpu.memory_space<vmem_shared>>)
    %barrier3A = arith.constant 0 : index
    tpu.barrier barrier_id(%barrier3A)
    %dma_start3A_83 = arith.constant 0 : i32
    %dma_start3A_84 = arith.constant 0 : i32
    %dma_start3A_85 = tpu.memref_slice %arg8[%dma_start3A_83, %dma_start3A_84] : memref<80x128xi32, #tpu.memory_space<vmem>> -> memref<1x128xi32, #tpu.memory_space<vmem>>
    %dma_start3A_86 = tpu.memref_squeeze %dma_start3A_85 : memref<1x128xi32, #tpu.memory_space<vmem>> -> memref<128xi32, #tpu.memory_space<vmem>>
    %dma_start3A_87 = arith.constant 0 : i32
    %dma_start3A_88 = arith.constant 0 : i32
    %dma_start3A_89 = tpu.memref_slice %arg2[%dma_start3A_87, %dma_start3A_88] : memref<10000x64xf32, #tpu.memory_space<hbm>> -> memref<10000x64xf32, #tpu.memory_space<hbm>>
    tpu.enqueue_indirect_dma source(%dma_start3A_89 : memref<10000x64xf32, #tpu.memory_space<hbm>>) target(%arg10 : memref<128x64xf32, #tpu.memory_space<vmem>>) offsets(%dma_start3A_86 : memref<128xi32, #tpu.memory_space<vmem>>) semaphore(%arg18 : memref<!tpu.dma_semaphore, #tpu.memory_space<semaphore_mem>>)
    %dma_start3A_90 = arith.constant 1 : i32
    %dma_start3A_91 = arith.constant 0 : i32
    %dma_start3A_92 = tpu.memref_slice %arg8[%dma_start3A_90, %dma_start3A_91] : memref<80x128xi32, #tpu.memory_space<vmem>> -> memref<1x128xi32, #tpu.memory_space<vmem>>
    %dma_start3A_93 = tpu.memref_squeeze %dma_start3A_92 : memref<1x128xi32, #tpu.memory_space<vmem>> -> memref<128xi32, #tpu.memory_space<vmem>>
    %dma_start3A_94 = arith.constant 0 : i32
    %dma_start3A_95 = arith.constant 0 : i32
    %dma_start3A_96 = tpu.memref_slice %arg2[%dma_start3A_94, %dma_start3A_95] : memref<10000x64xf32, #tpu.memory_space<hbm>> -> memref<10000x64xf32, #tpu.memory_space<hbm>>
    tpu.enqueue_indirect_dma source(%dma_start3A_96 : memref<10000x64xf32, #tpu.memory_space<hbm>>) target(%arg11 : memref<128x64xf32, #tpu.memory_space<vmem>>) offsets(%dma_start3A_93 : memref<128xi32, #tpu.memory_space<vmem>>) semaphore(%arg19 : memref<!tpu.dma_semaphore, #tpu.memory_space<semaphore_mem>>)
    %dma_start3A_97 = arith.constant 2 : i32
    %dma_start3A_98 = arith.constant 0 : i32
    %dma_start3A_99 = tpu.memref_slice %arg8[%dma_start3A_97, %dma_start3A_98] : memref<80x128xi32, #tpu.memory_space<vmem>> -> memref<1x128xi32, #tpu.memory_space<vmem>>
    %dma_start3A_100 = tpu.memref_squeeze %dma_start3A_99 : memref<1x128xi32, #tpu.memory_space<vmem>> -> memref<128xi32, #tpu.memory_space<vmem>>
    %dma_start3A_101 = arith.constant 0 : i32
    %dma_start3A_102 = arith.constant 0 : i32
    %dma_start3A_103 = tpu.memref_slice %arg2[%dma_start3A_101, %dma_start3A_102] : memref<10000x64xf32, #tpu.memory_space<hbm>> -> memref<10000x64xf32, #tpu.memory_space<hbm>>
    tpu.enqueue_indirect_dma source(%dma_start3A_103 : memref<10000x64xf32, #tpu.memory_space<hbm>>) target(%arg12 : memref<128x64xf32, #tpu.memory_space<vmem>>) offsets(%dma_start3A_100 : memref<128xi32, #tpu.memory_space<vmem>>) semaphore(%arg20 : memref<!tpu.dma_semaphore, #tpu.memory_space<semaphore_mem>>)
    %dma_start3A_104 = arith.constant 3 : i32
    %dma_start3A_105 = arith.constant 0 : i32
    %dma_start3A_106 = tpu.memref_slice %arg8[%dma_start3A_104, %dma_start3A_105] : memref<80x128xi32, #tpu.memory_space<vmem>> -> memref<1x128xi32, #tpu.memory_space<vmem>>
    %dma_start3A_107 = tpu.memref_squeeze %dma_start3A_106 : memref<1x128xi32, #tpu.memory_space<vmem>> -> memref<128xi32, #tpu.memory_space<vmem>>
    %dma_start3A_108 = arith.constant 0 : i32
    %dma_start3A_109 = arith.constant 0 : i32
    %dma_start3A_110 = tpu.memref_slice %arg2[%dma_start3A_108, %dma_start3A_109] : memref<10000x64xf32, #tpu.memory_space<hbm>> -> memref<10000x64xf32, #tpu.memory_space<hbm>>
    tpu.enqueue_indirect_dma source(%dma_start3A_110 : memref<10000x64xf32, #tpu.memory_space<hbm>>) target(%arg13 : memref<128x64xf32, #tpu.memory_space<vmem>>) offsets(%dma_start3A_107 : memref<128xi32, #tpu.memory_space<vmem>>) semaphore(%arg21 : memref<!tpu.dma_semaphore, #tpu.memory_space<semaphore_mem>>)
    %dma_wait3A_111 = arith.constant 0 : i32
    %dma_wait3A_112 = arith.constant 0 : i32
    %dma_wait3A_113 = tpu.memref_slice %arg8[%dma_wait3A_111, %dma_wait3A_112] : memref<80x128xi32, #tpu.memory_space<vmem>> -> memref<1x128xi32, #tpu.memory_space<vmem>>
    %dma_wait3A_114 = tpu.memref_squeeze %dma_wait3A_113 : memref<1x128xi32, #tpu.memory_space<vmem>> -> memref<128xi32, #tpu.memory_space<vmem>>
    %dma_wait3A_115 = arith.constant 0 : i32
    %dma_wait3A_116 = arith.constant 0 : i32
    %dma_wait3A_117 = tpu.memref_slice %arg2[%dma_wait3A_115, %dma_wait3A_116] : memref<10000x64xf32, #tpu.memory_space<hbm>> -> memref<10000x64xf32, #tpu.memory_space<hbm>>
    tpu.wait_indirect_dma semaphore(%arg18 : memref<!tpu.dma_semaphore, #tpu.memory_space<semaphore_mem>>) src(%dma_wait3A_117 : memref<10000x64xf32, #tpu.memory_space<hbm>>) dst(%arg10 : memref<128x64xf32, #tpu.memory_space<vmem>>)
    %dma_start3A_118 = arith.constant 0 : i32
    %dma_start3A_119 = arith.constant 0 : i32
    %dma_start3A_120 = tpu.memref_slice %arg9[%dma_start3A_118, %dma_start3A_119] : memref<80x128xi32, #tpu.memory_space<vmem>> -> memref<1x128xi32, #tpu.memory_space<vmem>>
    %dma_start3A_121 = tpu.memref_squeeze %dma_start3A_120 : memref<1x128xi32, #tpu.memory_space<vmem>> -> memref<128xi32, #tpu.memory_space<vmem>>
    %dma_start3A_122 = arith.constant 0 : i32
    %dma_start3A_123 = arith.constant 0 : i32
    %dma_start3A_124 = tpu.memref_slice %arg7[%dma_start3A_122, %dma_start3A_123] : memref<10240x64xf32, #tpu.memory_space<vmem_shared>> -> memref<10240x64xf32, #tpu.memory_space<vmem_shared>>
    tpu.enqueue_indirect_dma source(%arg10 : memref<128x64xf32, #tpu.memory_space<vmem>>) target(%dma_start3A_124 : memref<10240x64xf32, #tpu.memory_space<vmem_shared>>) offsets(%dma_start3A_121 : memref<128xi32, #tpu.memory_space<vmem>>) semaphore(%arg26 : memref<!tpu.dma_semaphore, #tpu.memory_space<semaphore_mem>>) {add = true}
    %dma_start3A_125 = arith.constant 4 : i32
    %dma_start3A_126 = arith.constant 0 : i32
    %dma_start3A_127 = tpu.memref_slice %arg8[%dma_start3A_125, %dma_start3A_126] : memref<80x128xi32, #tpu.memory_space<vmem>> -> memref<1x128xi32, #tpu.memory_space<vmem>>
    %dma_start3A_128 = tpu.memref_squeeze %dma_start3A_127 : memref<1x128xi32, #tpu.memory_space<vmem>> -> memref<128xi32, #tpu.memory_space<vmem>>
    %dma_start3A_129 = arith.constant 0 : i32
    %dma_start3A_130 = arith.constant 0 : i32
    %dma_start3A_131 = tpu.memref_slice %arg2[%dma_start3A_129, %dma_start3A_130] : memref<10000x64xf32, #tpu.memory_space<hbm>> -> memref<10000x64xf32, #tpu.memory_space<hbm>>
    tpu.enqueue_indirect_dma source(%dma_start3A_131 : memref<10000x64xf32, #tpu.memory_space<hbm>>) target(%arg14 : memref<128x64xf32, #tpu.memory_space<vmem>>) offsets(%dma_start3A_128 : memref<128xi32, #tpu.memory_space<vmem>>) semaphore(%arg22 : memref<!tpu.dma_semaphore, #tpu.memory_space<semaphore_mem>>)
    %dma_wait3A_132 = arith.constant 1 : i32
    %dma_wait3A_133 = arith.constant 0 : i32
    %dma_wait3A_134 = tpu.memref_slice %arg8[%dma_wait3A_132, %dma_wait3A_133] : memref<80x128xi32, #tpu.memory_space<vmem>> -> memref<1x128xi32, #tpu.memory_space<vmem>>
    %dma_wait3A_135 = tpu.memref_squeeze %dma_wait3A_134 : memref<1x128xi32, #tpu.memory_space<vmem>> -> memref<128xi32, #tpu.memory_space<vmem>>
    %dma_wait3A_136 = arith.constant 0 : i32
    %dma_wait3A_137 = arith.constant 0 : i32
    %dma_wait3A_138 = tpu.memref_slice %arg2[%dma_wait3A_136, %dma_wait3A_137] : memref<10000x64xf32, #tpu.memory_space<hbm>> -> memref<10000x64xf32, #tpu.memory_space<hbm>>
    tpu.wait_indirect_dma semaphore(%arg19 : memref<!tpu.dma_semaphore, #tpu.memory_space<semaphore_mem>>) src(%dma_wait3A_138 : memref<10000x64xf32, #tpu.memory_space<hbm>>) dst(%arg11 : memref<128x64xf32, #tpu.memory_space<vmem>>)
    %dma_start3A_139 = arith.constant 1 : i32
    %dma_start3A_140 = arith.constant 0 : i32
    %dma_start3A_141 = tpu.memref_slice %arg9[%dma_start3A_139, %dma_start3A_140] : memref<80x128xi32, #tpu.memory_space<vmem>> -> memref<1x128xi32, #tpu.memory_space<vmem>>
    %dma_start3A_142 = tpu.memref_squeeze %dma_start3A_141 : memref<1x128xi32, #tpu.memory_space<vmem>> -> memref<128xi32, #tpu.memory_space<vmem>>
    %dma_start3A_143 = arith.constant 0 : i32
    %dma_start3A_144 = arith.constant 0 : i32
    %dma_start3A_145 = tpu.memref_slice %arg7[%dma_start3A_143, %dma_start3A_144] : memref<10240x64xf32, #tpu.memory_space<vmem_shared>> -> memref<10240x64xf32, #tpu.memory_space<vmem_shared>>
    tpu.enqueue_indirect_dma source(%arg11 : memref<128x64xf32, #tpu.memory_space<vmem>>) target(%dma_start3A_145 : memref<10240x64xf32, #tpu.memory_space<vmem_shared>>) offsets(%dma_start3A_142 : memref<128xi32, #tpu.memory_space<vmem>>) semaphore(%arg27 : memref<!tpu.dma_semaphore, #tpu.memory_space<semaphore_mem>>) {add = true}
    %dma_start3A_146 = arith.constant 5 : i32
    %dma_start3A_147 = arith.constant 0 : i32
    %dma_start3A_148 = tpu.memref_slice %arg8[%dma_start3A_146, %dma_start3A_147] : memref<80x128xi32, #tpu.memory_space<vmem>> -> memref<1x128xi32, #tpu.memory_space<vmem>>
    %dma_start3A_149 = tpu.memref_squeeze %dma_start3A_148 : memref<1x128xi32, #tpu.memory_space<vmem>> -> memref<128xi32, #tpu.memory_space<vmem>>
    %dma_start3A_150 = arith.constant 0 : i32
    %dma_start3A_151 = arith.constant 0 : i32
    %dma_start3A_152 = tpu.memref_slice %arg2[%dma_start3A_150, %dma_start3A_151] : memref<10000x64xf32, #tpu.memory_space<hbm>> -> memref<10000x64xf32, #tpu.memory_space<hbm>>
    tpu.enqueue_indirect_dma source(%dma_start3A_152 : memref<10000x64xf32, #tpu.memory_space<hbm>>) target(%arg15 : memref<128x64xf32, #tpu.memory_space<vmem>>) offsets(%dma_start3A_149 : memref<128xi32, #tpu.memory_space<vmem>>) semaphore(%arg23 : memref<!tpu.dma_semaphore, #tpu.memory_space<semaphore_mem>>)
    %dma_wait3A_153 = arith.constant 2 : i32
    %dma_wait3A_154 = arith.constant 0 : i32
    %dma_wait3A_155 = tpu.memref_slice %arg8[%dma_wait3A_153, %dma_wait3A_154] : memref<80x128xi32, #tpu.memory_space<vmem>> -> memref<1x128xi32, #tpu.memory_space<vmem>>
    %dma_wait3A_156 = tpu.memref_squeeze %dma_wait3A_155 : memref<1x128xi32, #tpu.memory_space<vmem>> -> memref<128xi32, #tpu.memory_space<vmem>>
    %dma_wait3A_157 = arith.constant 0 : i32
    %dma_wait3A_158 = arith.constant 0 : i32
    %dma_wait3A_159 = tpu.memref_slice %arg2[%dma_wait3A_157, %dma_wait3A_158] : memref<10000x64xf32, #tpu.memory_space<hbm>> -> memref<10000x64xf32, #tpu.memory_space<hbm>>
    tpu.wait_indirect_dma semaphore(%arg20 : memref<!tpu.dma_semaphore, #tpu.memory_space<semaphore_mem>>) src(%dma_wait3A_159 : memref<10000x64xf32, #tpu.memory_space<hbm>>) dst(%arg12 : memref<128x64xf32, #tpu.memory_space<vmem>>)
    %dma_start3A_160 = arith.constant 2 : i32
    %dma_start3A_161 = arith.constant 0 : i32
    %dma_start3A_162 = tpu.memref_slice %arg9[%dma_start3A_160, %dma_start3A_161] : memref<80x128xi32, #tpu.memory_space<vmem>> -> memref<1x128xi32, #tpu.memory_space<vmem>>
    %dma_start3A_163 = tpu.memref_squeeze %dma_start3A_162 : memref<1x128xi32, #tpu.memory_space<vmem>> -> memref<128xi32, #tpu.memory_space<vmem>>
    %dma_start3A_164 = arith.constant 0 : i32
    %dma_start3A_165 = arith.constant 0 : i32
    %dma_start3A_166 = tpu.memref_slice %arg7[%dma_start3A_164, %dma_start3A_165] : memref<10240x64xf32, #tpu.memory_space<vmem_shared>> -> memref<10240x64xf32, #tpu.memory_space<vmem_shared>>
    tpu.enqueue_indirect_dma source(%arg12 : memref<128x64xf32, #tpu.memory_space<vmem>>) target(%dma_start3A_166 : memref<10240x64xf32, #tpu.memory_space<vmem_shared>>) offsets(%dma_start3A_163 : memref<128xi32, #tpu.memory_space<vmem>>) semaphore(%arg28 : memref<!tpu.dma_semaphore, #tpu.memory_space<semaphore_mem>>) {add = true}
    %dma_start3A_167 = arith.constant 6 : i32
    %dma_start3A_168 = arith.constant 0 : i32
    %dma_start3A_169 = tpu.memref_slice %arg8[%dma_start3A_167, %dma_start3A_168] : memref<80x128xi32, #tpu.memory_space<vmem>> -> memref<1x128xi32, #tpu.memory_space<vmem>>
    %dma_start3A_170 = tpu.memref_squeeze %dma_start3A_169 : memref<1x128xi32, #tpu.memory_space<vmem>> -> memref<128xi32, #tpu.memory_space<vmem>>
    %dma_start3A_171 = arith.constant 0 : i32
    %dma_start3A_172 = arith.constant 0 : i32
    %dma_start3A_173 = tpu.memref_slice %arg2[%dma_start3A_171, %dma_start3A_172] : memref<10000x64xf32, #tpu.memory_space<hbm>> -> memref<10000x64xf32, #tpu.memory_space<hbm>>
    tpu.enqueue_indirect_dma source(%dma_start3A_173 : memref<10000x64xf32, #tpu.memory_space<hbm>>) target(%arg16 : memref<128x64xf32, #tpu.memory_space<vmem>>) offsets(%dma_start3A_170 : memref<128xi32, #tpu.memory_space<vmem>>) semaphore(%arg24 : memref<!tpu.dma_semaphore, #tpu.memory_space<semaphore_mem>>)
    %dma_wait3A_174 = arith.constant 3 : i32
    %dma_wait3A_175 = arith.constant 0 : i32
    %dma_wait3A_176 = tpu.memref_slice %arg8[%dma_wait3A_174, %dma_wait3A_175] : memref<80x128xi32, #tpu.memory_space<vmem>> -> memref<1x128xi32, #tpu.memory_space<vmem>>
    %dma_wait3A_177 = tpu.memref_squeeze %dma_wait3A_176 : memref<1x128xi32, #tpu.memory_space<vmem>> -> memref<128xi32, #tpu.memory_space<vmem>>
    %dma_wait3A_178 = arith.constant 0 : i32
    %dma_wait3A_179 = arith.constant 0 : i32
    %dma_wait3A_180 = tpu.memref_slice %arg2[%dma_wait3A_178, %dma_wait3A_179] : memref<10000x64xf32, #tpu.memory_space<hbm>> -> memref<10000x64xf32, #tpu.memory_space<hbm>>
    tpu.wait_indirect_dma semaphore(%arg21 : memref<!tpu.dma_semaphore, #tpu.memory_space<semaphore_mem>>) src(%dma_wait3A_180 : memref<10000x64xf32, #tpu.memory_space<hbm>>) dst(%arg13 : memref<128x64xf32, #tpu.memory_space<vmem>>)
    %dma_start3A_181 = arith.constant 3 : i32
    %dma_start3A_182 = arith.constant 0 : i32
    %dma_start3A_183 = tpu.memref_slice %arg9[%dma_start3A_181, %dma_start3A_182] : memref<80x128xi32, #tpu.memory_space<vmem>> -> memref<1x128xi32, #tpu.memory_space<vmem>>
    %dma_start3A_184 = tpu.memref_squeeze %dma_start3A_183 : memref<1x128xi32, #tpu.memory_space<vmem>> -> memref<128xi32, #tpu.memory_space<vmem>>
    %dma_start3A_185 = arith.constant 0 : i32
    %dma_start3A_186 = arith.constant 0 : i32
    %dma_start3A_187 = tpu.memref_slice %arg7[%dma_start3A_185, %dma_start3A_186] : memref<10240x64xf32, #tpu.memory_space<vmem_shared>> -> memref<10240x64xf32, #tpu.memory_space<vmem_shared>>
    tpu.enqueue_indirect_dma source(%arg13 : memref<128x64xf32, #tpu.memory_space<vmem>>) target(%dma_start3A_187 : memref<10240x64xf32, #tpu.memory_space<vmem_shared>>) offsets(%dma_start3A_184 : memref<128xi32, #tpu.memory_space<vmem>>) semaphore(%arg29 : memref<!tpu.dma_semaphore, #tpu.memory_space<semaphore_mem>>) {add = true}
    %dma_start3A_188 = arith.constant 7 : i32
    %dma_start3A_189 = arith.constant 0 : i32
    %dma_start3A_190 = tpu.memref_slice %arg8[%dma_start3A_188, %dma_start3A_189] : memref<80x128xi32, #tpu.memory_space<vmem>> -> memref<1x128xi32, #tpu.memory_space<vmem>>
    %dma_start3A_191 = tpu.memref_squeeze %dma_start3A_190 : memref<1x128xi32, #tpu.memory_space<vmem>> -> memref<128xi32, #tpu.memory_space<vmem>>
    %dma_start3A_192 = arith.constant 0 : i32
    %dma_start3A_193 = arith.constant 0 : i32
    %dma_start3A_194 = tpu.memref_slice %arg2[%dma_start3A_192, %dma_start3A_193] : memref<10000x64xf32, #tpu.memory_space<hbm>> -> memref<10000x64xf32, #tpu.memory_space<hbm>>
    tpu.enqueue_indirect_dma source(%dma_start3A_194 : memref<10000x64xf32, #tpu.memory_space<hbm>>) target(%arg17 : memref<128x64xf32, #tpu.memory_space<vmem>>) offsets(%dma_start3A_191 : memref<128xi32, #tpu.memory_space<vmem>>) semaphore(%arg25 : memref<!tpu.dma_semaphore, #tpu.memory_space<semaphore_mem>>)
    %scan3A = arith.constant 0 : i32
    %scan3A_195 = arith.constant 0 : i32
    %scan3A_196 = arith.constant 9 : i32
    %scan3A_197 = arith.addi %scan3A_195, %scan3A_196 : i32
    %scan3A_198 = arith.constant 1 : i32
    scf.for %scan3A_443 = %scan3A_195 to %scan3A_197 step %scan3A_198  : i32 {
      %mul3A_444 = arith.constant 8 : i32
      %mul3A_445 = arith.muli %mul3A_444, %scan3A_443 : i32
      %add3A_446 = arith.constant 4 : i32
      %add3A_447 = arith.addi %add3A_446, %mul3A_445 : i32
      %add3A_448 = arith.constant 0 : i32
      %add3A_449 = arith.addi %add3A_447, %add3A_448 : i32
      %dma_wait3A_450 = arith.constant 0 : i32
      %dma_wait3A_451 = tpu.memref_slice %arg8[%add3A_449, %dma_wait3A_450] : memref<80x128xi32, #tpu.memory_space<vmem>> -> memref<1x128xi32, #tpu.memory_space<vmem>>
      %dma_wait3A_452 = tpu.memref_squeeze %dma_wait3A_451 : memref<1x128xi32, #tpu.memory_space<vmem>> -> memref<128xi32, #tpu.memory_space<vmem>>
      %dma_wait3A_453 = arith.constant 0 : i32
      %dma_wait3A_454 = arith.constant 0 : i32
      %dma_wait3A_455 = tpu.memref_slice %arg2[%dma_wait3A_453, %dma_wait3A_454] : memref<10000x64xf32, #tpu.memory_space<hbm>> -> memref<10000x64xf32, #tpu.memory_space<hbm>>
      tpu.wait_indirect_dma semaphore(%arg22 : memref<!tpu.dma_semaphore, #tpu.memory_space<semaphore_mem>>) src(%dma_wait3A_455 : memref<10000x64xf32, #tpu.memory_space<hbm>>) dst(%arg14 : memref<128x64xf32, #tpu.memory_space<vmem>>)
      %dma_start3A_456 = arith.constant 0 : i32
      %dma_start3A_457 = tpu.memref_slice %arg9[%add3A_449, %dma_start3A_456] : memref<80x128xi32, #tpu.memory_space<vmem>> -> memref<1x128xi32, #tpu.memory_space<vmem>>
      %dma_start3A_458 = tpu.memref_squeeze %dma_start3A_457 : memref<1x128xi32, #tpu.memory_space<vmem>> -> memref<128xi32, #tpu.memory_space<vmem>>
      %dma_start3A_459 = arith.constant 0 : i32
      %dma_start3A_460 = arith.constant 0 : i32
      %dma_start3A_461 = tpu.memref_slice %arg7[%dma_start3A_459, %dma_start3A_460] : memref<10240x64xf32, #tpu.memory_space<vmem_shared>> -> memref<10240x64xf32, #tpu.memory_space<vmem_shared>>
      tpu.enqueue_indirect_dma source(%arg14 : memref<128x64xf32, #tpu.memory_space<vmem>>) target(%dma_start3A_461 : memref<10240x64xf32, #tpu.memory_space<vmem_shared>>) offsets(%dma_start3A_458 : memref<128xi32, #tpu.memory_space<vmem>>) semaphore(%arg30 : memref<!tpu.dma_semaphore, #tpu.memory_space<semaphore_mem>>) {add = true}
      %sub3A = arith.constant 4 : i32
      %sub3A_462 = arith.subi %add3A_449, %sub3A : i32
      %dma_wait3A_463 = arith.constant 0 : i32
      %dma_wait3A_464 = tpu.memref_slice %arg9[%sub3A_462, %dma_wait3A_463] : memref<80x128xi32, #tpu.memory_space<vmem>> -> memref<1x128xi32, #tpu.memory_space<vmem>>
      %dma_wait3A_465 = tpu.memref_squeeze %dma_wait3A_464 : memref<1x128xi32, #tpu.memory_space<vmem>> -> memref<128xi32, #tpu.memory_space<vmem>>
      %dma_wait3A_466 = arith.constant 0 : i32
      %dma_wait3A_467 = arith.constant 0 : i32
      %dma_wait3A_468 = tpu.memref_slice %arg7[%dma_wait3A_466, %dma_wait3A_467] : memref<10240x64xf32, #tpu.memory_space<vmem_shared>> -> memref<10240x64xf32, #tpu.memory_space<vmem_shared>>
      tpu.wait_indirect_dma semaphore(%arg26 : memref<!tpu.dma_semaphore, #tpu.memory_space<semaphore_mem>>) src(%arg10 : memref<128x64xf32, #tpu.memory_space<vmem>>) dst(%dma_wait3A_468 : memref<10240x64xf32, #tpu.memory_space<vmem_shared>>)
      %add3A_469 = arith.constant 4 : i32
      %add3A_470 = arith.addi %add3A_449, %add3A_469 : i32
      %dma_start3A_471 = arith.constant 0 : i32
      %dma_start3A_472 = tpu.memref_slice %arg8[%add3A_470, %dma_start3A_471] : memref<80x128xi32, #tpu.memory_space<vmem>> -> memref<1x128xi32, #tpu.memory_space<vmem>>
      %dma_start3A_473 = tpu.memref_squeeze %dma_start3A_472 : memref<1x128xi32, #tpu.memory_space<vmem>> -> memref<128xi32, #tpu.memory_space<vmem>>
      %dma_start3A_474 = arith.constant 0 : i32
      %dma_start3A_475 = arith.constant 0 : i32
      %dma_start3A_476 = tpu.memref_slice %arg2[%dma_start3A_474, %dma_start3A_475] : memref<10000x64xf32, #tpu.memory_space<hbm>> -> memref<10000x64xf32, #tpu.memory_space<hbm>>
      tpu.enqueue_indirect_dma source(%dma_start3A_476 : memref<10000x64xf32, #tpu.memory_space<hbm>>) target(%arg10 : memref<128x64xf32, #tpu.memory_space<vmem>>) offsets(%dma_start3A_473 : memref<128xi32, #tpu.memory_space<vmem>>) semaphore(%arg18 : memref<!tpu.dma_semaphore, #tpu.memory_space<semaphore_mem>>)
      %mul3A_477 = arith.constant 8 : i32
      %mul3A_478 = arith.muli %mul3A_477, %scan3A_443 : i32
      %add3A_479 = arith.constant 4 : i32
      %add3A_480 = arith.addi %add3A_479, %mul3A_478 : i32
      %add3A_481 = arith.constant 1 : i32
      %add3A_482 = arith.addi %add3A_480, %add3A_481 : i32
      %dma_wait3A_483 = arith.constant 0 : i32
      %dma_wait3A_484 = tpu.memref_slice %arg8[%add3A_482, %dma_wait3A_483] : memref<80x128xi32, #tpu.memory_space<vmem>> -> memref<1x128xi32, #tpu.memory_space<vmem>>
      %dma_wait3A_485 = tpu.memref_squeeze %dma_wait3A_484 : memref<1x128xi32, #tpu.memory_space<vmem>> -> memref<128xi32, #tpu.memory_space<vmem>>
      %dma_wait3A_486 = arith.constant 0 : i32
      %dma_wait3A_487 = arith.constant 0 : i32
      %dma_wait3A_488 = tpu.memref_slice %arg2[%dma_wait3A_486, %dma_wait3A_487] : memref<10000x64xf32, #tpu.memory_space<hbm>> -> memref<10000x64xf32, #tpu.memory_space<hbm>>
      tpu.wait_indirect_dma semaphore(%arg23 : memref<!tpu.dma_semaphore, #tpu.memory_space<semaphore_mem>>) src(%dma_wait3A_488 : memref<10000x64xf32, #tpu.memory_space<hbm>>) dst(%arg15 : memref<128x64xf32, #tpu.memory_space<vmem>>)
      %dma_start3A_489 = arith.constant 0 : i32
      %dma_start3A_490 = tpu.memref_slice %arg9[%add3A_482, %dma_start3A_489] : memref<80x128xi32, #tpu.memory_space<vmem>> -> memref<1x128xi32, #tpu.memory_space<vmem>>
      %dma_start3A_491 = tpu.memref_squeeze %dma_start3A_490 : memref<1x128xi32, #tpu.memory_space<vmem>> -> memref<128xi32, #tpu.memory_space<vmem>>
      %dma_start3A_492 = arith.constant 0 : i32
      %dma_start3A_493 = arith.constant 0 : i32
      %dma_start3A_494 = tpu.memref_slice %arg7[%dma_start3A_492, %dma_start3A_493] : memref<10240x64xf32, #tpu.memory_space<vmem_shared>> -> memref<10240x64xf32, #tpu.memory_space<vmem_shared>>
      tpu.enqueue_indirect_dma source(%arg15 : memref<128x64xf32, #tpu.memory_space<vmem>>) target(%dma_start3A_494 : memref<10240x64xf32, #tpu.memory_space<vmem_shared>>) offsets(%dma_start3A_491 : memref<128xi32, #tpu.memory_space<vmem>>) semaphore(%arg31 : memref<!tpu.dma_semaphore, #tpu.memory_space<semaphore_mem>>) {add = true}
      %sub3A_495 = arith.constant 4 : i32
      %sub3A_496 = arith.subi %add3A_482, %sub3A_495 : i32
      %dma_wait3A_497 = arith.constant 0 : i32
      %dma_wait3A_498 = tpu.memref_slice %arg9[%sub3A_496, %dma_wait3A_497] : memref<80x128xi32, #tpu.memory_space<vmem>> -> memref<1x128xi32, #tpu.memory_space<vmem>>
      %dma_wait3A_499 = tpu.memref_squeeze %dma_wait3A_498 : memref<1x128xi32, #tpu.memory_space<vmem>> -> memref<128xi32, #tpu.memory_space<vmem>>
      %dma_wait3A_500 = arith.constant 0 : i32
      %dma_wait3A_501 = arith.constant 0 : i32
      %dma_wait3A_502 = tpu.memref_slice %arg7[%dma_wait3A_500, %dma_wait3A_501] : memref<10240x64xf32, #tpu.memory_space<vmem_shared>> -> memref<10240x64xf32, #tpu.memory_space<vmem_shared>>
      tpu.wait_indirect_dma semaphore(%arg27 : memref<!tpu.dma_semaphore, #tpu.memory_space<semaphore_mem>>) src(%arg11 : memref<128x64xf32, #tpu.memory_space<vmem>>) dst(%dma_wait3A_502 : memref<10240x64xf32, #tpu.memory_space<vmem_shared>>)
      %add3A_503 = arith.constant 4 : i32
      %add3A_504 = arith.addi %add3A_482, %add3A_503 : i32
      %dma_start3A_505 = arith.constant 0 : i32
      %dma_start3A_506 = tpu.memref_slice %arg8[%add3A_504, %dma_start3A_505] : memref<80x128xi32, #tpu.memory_space<vmem>> -> memref<1x128xi32, #tpu.memory_space<vmem>>
      %dma_start3A_507 = tpu.memref_squeeze %dma_start3A_506 : memref<1x128xi32, #tpu.memory_space<vmem>> -> memref<128xi32, #tpu.memory_space<vmem>>
      %dma_start3A_508 = arith.constant 0 : i32
      %dma_start3A_509 = arith.constant 0 : i32
      %dma_start3A_510 = tpu.memref_slice %arg2[%dma_start3A_508, %dma_start3A_509] : memref<10000x64xf32, #tpu.memory_space<hbm>> -> memref<10000x64xf32, #tpu.memory_space<hbm>>
      tpu.enqueue_indirect_dma source(%dma_start3A_510 : memref<10000x64xf32, #tpu.memory_space<hbm>>) target(%arg11 : memref<128x64xf32, #tpu.memory_space<vmem>>) offsets(%dma_start3A_507 : memref<128xi32, #tpu.memory_space<vmem>>) semaphore(%arg19 : memref<!tpu.dma_semaphore, #tpu.memory_space<semaphore_mem>>)
      %mul3A_511 = arith.constant 8 : i32
      %mul3A_512 = arith.muli %mul3A_511, %scan3A_443 : i32
      %add3A_513 = arith.constant 4 : i32
      %add3A_514 = arith.addi %add3A_513, %mul3A_512 : i32
      %add3A_515 = arith.constant 2 : i32
      %add3A_516 = arith.addi %add3A_514, %add3A_515 : i32
      %dma_wait3A_517 = arith.constant 0 : i32
      %dma_wait3A_518 = tpu.memref_slice %arg8[%add3A_516, %dma_wait3A_517] : memref<80x128xi32, #tpu.memory_space<vmem>> -> memref<1x128xi32, #tpu.memory_space<vmem>>
      %dma_wait3A_519 = tpu.memref_squeeze %dma_wait3A_518 : memref<1x128xi32, #tpu.memory_space<vmem>> -> memref<128xi32, #tpu.memory_space<vmem>>
      %dma_wait3A_520 = arith.constant 0 : i32
      %dma_wait3A_521 = arith.constant 0 : i32
      %dma_wait3A_522 = tpu.memref_slice %arg2[%dma_wait3A_520, %dma_wait3A_521] : memref<10000x64xf32, #tpu.memory_space<hbm>> -> memref<10000x64xf32, #tpu.memory_space<hbm>>
      tpu.wait_indirect_dma semaphore(%arg24 : memref<!tpu.dma_semaphore, #tpu.memory_space<semaphore_mem>>) src(%dma_wait3A_522 : memref<10000x64xf32, #tpu.memory_space<hbm>>) dst(%arg16 : memref<128x64xf32, #tpu.memory_space<vmem>>)
      %dma_start3A_523 = arith.constant 0 : i32
      %dma_start3A_524 = tpu.memref_slice %arg9[%add3A_516, %dma_start3A_523] : memref<80x128xi32, #tpu.memory_space<vmem>> -> memref<1x128xi32, #tpu.memory_space<vmem>>
      %dma_start3A_525 = tpu.memref_squeeze %dma_start3A_524 : memref<1x128xi32, #tpu.memory_space<vmem>> -> memref<128xi32, #tpu.memory_space<vmem>>
      %dma_start3A_526 = arith.constant 0 : i32
      %dma_start3A_527 = arith.constant 0 : i32
      %dma_start3A_528 = tpu.memref_slice %arg7[%dma_start3A_526, %dma_start3A_527] : memref<10240x64xf32, #tpu.memory_space<vmem_shared>> -> memref<10240x64xf32, #tpu.memory_space<vmem_shared>>
      tpu.enqueue_indirect_dma source(%arg16 : memref<128x64xf32, #tpu.memory_space<vmem>>) target(%dma_start3A_528 : memref<10240x64xf32, #tpu.memory_space<vmem_shared>>) offsets(%dma_start3A_525 : memref<128xi32, #tpu.memory_space<vmem>>) semaphore(%arg32 : memref<!tpu.dma_semaphore, #tpu.memory_space<semaphore_mem>>) {add = true}
      %sub3A_529 = arith.constant 4 : i32
      %sub3A_530 = arith.subi %add3A_516, %sub3A_529 : i32
      %dma_wait3A_531 = arith.constant 0 : i32
      %dma_wait3A_532 = tpu.memref_slice %arg9[%sub3A_530, %dma_wait3A_531] : memref<80x128xi32, #tpu.memory_space<vmem>> -> memref<1x128xi32, #tpu.memory_space<vmem>>
      %dma_wait3A_533 = tpu.memref_squeeze %dma_wait3A_532 : memref<1x128xi32, #tpu.memory_space<vmem>> -> memref<128xi32, #tpu.memory_space<vmem>>
      %dma_wait3A_534 = arith.constant 0 : i32
      %dma_wait3A_535 = arith.constant 0 : i32
      %dma_wait3A_536 = tpu.memref_slice %arg7[%dma_wait3A_534, %dma_wait3A_535] : memref<10240x64xf32, #tpu.memory_space<vmem_shared>> -> memref<10240x64xf32, #tpu.memory_space<vmem_shared>>
      tpu.wait_indirect_dma semaphore(%arg28 : memref<!tpu.dma_semaphore, #tpu.memory_space<semaphore_mem>>) src(%arg12 : memref<128x64xf32, #tpu.memory_space<vmem>>) dst(%dma_wait3A_536 : memref<10240x64xf32, #tpu.memory_space<vmem_shared>>)
      %add3A_537 = arith.constant 4 : i32
      %add3A_538 = arith.addi %add3A_516, %add3A_537 : i32
      %dma_start3A_539 = arith.constant 0 : i32
      %dma_start3A_540 = tpu.memref_slice %arg8[%add3A_538, %dma_start3A_539] : memref<80x128xi32, #tpu.memory_space<vmem>> -> memref<1x128xi32, #tpu.memory_space<vmem>>
      %dma_start3A_541 = tpu.memref_squeeze %dma_start3A_540 : memref<1x128xi32, #tpu.memory_space<vmem>> -> memref<128xi32, #tpu.memory_space<vmem>>
      %dma_start3A_542 = arith.constant 0 : i32
      %dma_start3A_543 = arith.constant 0 : i32
      %dma_start3A_544 = tpu.memref_slice %arg2[%dma_start3A_542, %dma_start3A_543] : memref<10000x64xf32, #tpu.memory_space<hbm>> -> memref<10000x64xf32, #tpu.memory_space<hbm>>
      tpu.enqueue_indirect_dma source(%dma_start3A_544 : memref<10000x64xf32, #tpu.memory_space<hbm>>) target(%arg12 : memref<128x64xf32, #tpu.memory_space<vmem>>) offsets(%dma_start3A_541 : memref<128xi32, #tpu.memory_space<vmem>>) semaphore(%arg20 : memref<!tpu.dma_semaphore, #tpu.memory_space<semaphore_mem>>)
      %mul3A_545 = arith.constant 8 : i32
      %mul3A_546 = arith.muli %mul3A_545, %scan3A_443 : i32
      %add3A_547 = arith.constant 4 : i32
      %add3A_548 = arith.addi %add3A_547, %mul3A_546 : i32
      %add3A_549 = arith.constant 3 : i32
      %add3A_550 = arith.addi %add3A_548, %add3A_549 : i32
      %dma_wait3A_551 = arith.constant 0 : i32
      %dma_wait3A_552 = tpu.memref_slice %arg8[%add3A_550, %dma_wait3A_551] : memref<80x128xi32, #tpu.memory_space<vmem>> -> memref<1x128xi32, #tpu.memory_space<vmem>>
      %dma_wait3A_553 = tpu.memref_squeeze %dma_wait3A_552 : memref<1x128xi32, #tpu.memory_space<vmem>> -> memref<128xi32, #tpu.memory_space<vmem>>
      %dma_wait3A_554 = arith.constant 0 : i32
      %dma_wait3A_555 = arith.constant 0 : i32
      %dma_wait3A_556 = tpu.memref_slice %arg2[%dma_wait3A_554, %dma_wait3A_555] : memref<10000x64xf32, #tpu.memory_space<hbm>> -> memref<10000x64xf32, #tpu.memory_space<hbm>>
      tpu.wait_indirect_dma semaphore(%arg25 : memref<!tpu.dma_semaphore, #tpu.memory_space<semaphore_mem>>) src(%dma_wait3A_556 : memref<10000x64xf32, #tpu.memory_space<hbm>>) dst(%arg17 : memref<128x64xf32, #tpu.memory_space<vmem>>)
      %dma_start3A_557 = arith.constant 0 : i32
      %dma_start3A_558 = tpu.memref_slice %arg9[%add3A_550, %dma_start3A_557] : memref<80x128xi32, #tpu.memory_space<vmem>> -> memref<1x128xi32, #tpu.memory_space<vmem>>
      %dma_start3A_559 = tpu.memref_squeeze %dma_start3A_558 : memref<1x128xi32, #tpu.memory_space<vmem>> -> memref<128xi32, #tpu.memory_space<vmem>>
      %dma_start3A_560 = arith.constant 0 : i32
      %dma_start3A_561 = arith.constant 0 : i32
      %dma_start3A_562 = tpu.memref_slice %arg7[%dma_start3A_560, %dma_start3A_561] : memref<10240x64xf32, #tpu.memory_space<vmem_shared>> -> memref<10240x64xf32, #tpu.memory_space<vmem_shared>>
      tpu.enqueue_indirect_dma source(%arg17 : memref<128x64xf32, #tpu.memory_space<vmem>>) target(%dma_start3A_562 : memref<10240x64xf32, #tpu.memory_space<vmem_shared>>) offsets(%dma_start3A_559 : memref<128xi32, #tpu.memory_space<vmem>>) semaphore(%arg33 : memref<!tpu.dma_semaphore, #tpu.memory_space<semaphore_mem>>) {add = true}
      %sub3A_563 = arith.constant 4 : i32
      %sub3A_564 = arith.subi %add3A_550, %sub3A_563 : i32
      %dma_wait3A_565 = arith.constant 0 : i32
      %dma_wait3A_566 = tpu.memref_slice %arg9[%sub3A_564, %dma_wait3A_565] : memref<80x128xi32, #tpu.memory_space<vmem>> -> memref<1x128xi32, #tpu.memory_space<vmem>>
      %dma_wait3A_567 = tpu.memref_squeeze %dma_wait3A_566 : memref<1x128xi32, #tpu.memory_space<vmem>> -> memref<128xi32, #tpu.memory_space<vmem>>
      %dma_wait3A_568 = arith.constant 0 : i32
      %dma_wait3A_569 = arith.constant 0 : i32
      %dma_wait3A_570 = tpu.memref_slice %arg7[%dma_wait3A_568, %dma_wait3A_569] : memref<10240x64xf32, #tpu.memory_space<vmem_shared>> -> memref<10240x64xf32, #tpu.memory_space<vmem_shared>>
      tpu.wait_indirect_dma semaphore(%arg29 : memref<!tpu.dma_semaphore, #tpu.memory_space<semaphore_mem>>) src(%arg13 : memref<128x64xf32, #tpu.memory_space<vmem>>) dst(%dma_wait3A_570 : memref<10240x64xf32, #tpu.memory_space<vmem_shared>>)
      %add3A_571 = arith.constant 4 : i32
      %add3A_572 = arith.addi %add3A_550, %add3A_571 : i32
      %dma_start3A_573 = arith.constant 0 : i32
      %dma_start3A_574 = tpu.memref_slice %arg8[%add3A_572, %dma_start3A_573] : memref<80x128xi32, #tpu.memory_space<vmem>> -> memref<1x128xi32, #tpu.memory_space<vmem>>
      %dma_start3A_575 = tpu.memref_squeeze %dma_start3A_574 : memref<1x128xi32, #tpu.memory_space<vmem>> -> memref<128xi32, #tpu.memory_space<vmem>>
      %dma_start3A_576 = arith.constant 0 : i32
      %dma_start3A_577 = arith.constant 0 : i32
      %dma_start3A_578 = tpu.memref_slice %arg2[%dma_start3A_576, %dma_start3A_577] : memref<10000x64xf32, #tpu.memory_space<hbm>> -> memref<10000x64xf32, #tpu.memory_space<hbm>>
      tpu.enqueue_indirect_dma source(%dma_start3A_578 : memref<10000x64xf32, #tpu.memory_space<hbm>>) target(%arg13 : memref<128x64xf32, #tpu.memory_space<vmem>>) offsets(%dma_start3A_575 : memref<128xi32, #tpu.memory_space<vmem>>) semaphore(%arg21 : memref<!tpu.dma_semaphore, #tpu.memory_space<semaphore_mem>>)
      %mul3A_579 = arith.constant 8 : i32
      %mul3A_580 = arith.muli %mul3A_579, %scan3A_443 : i32
      %add3A_581 = arith.constant 4 : i32
      %add3A_582 = arith.addi %add3A_581, %mul3A_580 : i32
      %add3A_583 = arith.constant 4 : i32
      %add3A_584 = arith.addi %add3A_582, %add3A_583 : i32
      %dma_wait3A_585 = arith.constant 0 : i32
      %dma_wait3A_586 = tpu.memref_slice %arg8[%add3A_584, %dma_wait3A_585] : memref<80x128xi32, #tpu.memory_space<vmem>> -> memref<1x128xi32, #tpu.memory_space<vmem>>
      %dma_wait3A_587 = tpu.memref_squeeze %dma_wait3A_586 : memref<1x128xi32, #tpu.memory_space<vmem>> -> memref<128xi32, #tpu.memory_space<vmem>>
      %dma_wait3A_588 = arith.constant 0 : i32
      %dma_wait3A_589 = arith.constant 0 : i32
      %dma_wait3A_590 = tpu.memref_slice %arg2[%dma_wait3A_588, %dma_wait3A_589] : memref<10000x64xf32, #tpu.memory_space<hbm>> -> memref<10000x64xf32, #tpu.memory_space<hbm>>
      tpu.wait_indirect_dma semaphore(%arg18 : memref<!tpu.dma_semaphore, #tpu.memory_space<semaphore_mem>>) src(%dma_wait3A_590 : memref<10000x64xf32, #tpu.memory_space<hbm>>) dst(%arg10 : memref<128x64xf32, #tpu.memory_space<vmem>>)
      %dma_start3A_591 = arith.constant 0 : i32
      %dma_start3A_592 = tpu.memref_slice %arg9[%add3A_584, %dma_start3A_591] : memref<80x128xi32, #tpu.memory_space<vmem>> -> memref<1x128xi32, #tpu.memory_space<vmem>>
      %dma_start3A_593 = tpu.memref_squeeze %dma_start3A_592 : memref<1x128xi32, #tpu.memory_space<vmem>> -> memref<128xi32, #tpu.memory_space<vmem>>
      %dma_start3A_594 = arith.constant 0 : i32
      %dma_start3A_595 = arith.constant 0 : i32
      %dma_start3A_596 = tpu.memref_slice %arg7[%dma_start3A_594, %dma_start3A_595] : memref<10240x64xf32, #tpu.memory_space<vmem_shared>> -> memref<10240x64xf32, #tpu.memory_space<vmem_shared>>
      tpu.enqueue_indirect_dma source(%arg10 : memref<128x64xf32, #tpu.memory_space<vmem>>) target(%dma_start3A_596 : memref<10240x64xf32, #tpu.memory_space<vmem_shared>>) offsets(%dma_start3A_593 : memref<128xi32, #tpu.memory_space<vmem>>) semaphore(%arg26 : memref<!tpu.dma_semaphore, #tpu.memory_space<semaphore_mem>>) {add = true}
      %sub3A_597 = arith.constant 4 : i32
      %sub3A_598 = arith.subi %add3A_584, %sub3A_597 : i32
      %dma_wait3A_599 = arith.constant 0 : i32
      %dma_wait3A_600 = tpu.memref_slice %arg9[%sub3A_598, %dma_wait3A_599] : memref<80x128xi32, #tpu.memory_space<vmem>> -> memref<1x128xi32, #tpu.memory_space<vmem>>
      %dma_wait3A_601 = tpu.memref_squeeze %dma_wait3A_600 : memref<1x128xi32, #tpu.memory_space<vmem>> -> memref<128xi32, #tpu.memory_space<vmem>>
      %dma_wait3A_602 = arith.constant 0 : i32
      %dma_wait3A_603 = arith.constant 0 : i32
      %dma_wait3A_604 = tpu.memref_slice %arg7[%dma_wait3A_602, %dma_wait3A_603] : memref<10240x64xf32, #tpu.memory_space<vmem_shared>> -> memref<10240x64xf32, #tpu.memory_space<vmem_shared>>
      tpu.wait_indirect_dma semaphore(%arg30 : memref<!tpu.dma_semaphore, #tpu.memory_space<semaphore_mem>>) src(%arg14 : memref<128x64xf32, #tpu.memory_space<vmem>>) dst(%dma_wait3A_604 : memref<10240x64xf32, #tpu.memory_space<vmem_shared>>)
      %add3A_605 = arith.constant 4 : i32
      %add3A_606 = arith.addi %add3A_584, %add3A_605 : i32
      %dma_start3A_607 = arith.constant 0 : i32
      %dma_start3A_608 = tpu.memref_slice %arg8[%add3A_606, %dma_start3A_607] : memref<80x128xi32, #tpu.memory_space<vmem>> -> memref<1x128xi32, #tpu.memory_space<vmem>>
      %dma_start3A_609 = tpu.memref_squeeze %dma_start3A_608 : memref<1x128xi32, #tpu.memory_space<vmem>> -> memref<128xi32, #tpu.memory_space<vmem>>
      %dma_start3A_610 = arith.constant 0 : i32
      %dma_start3A_611 = arith.constant 0 : i32
      %dma_start3A_612 = tpu.memref_slice %arg2[%dma_start3A_610, %dma_start3A_611] : memref<10000x64xf32, #tpu.memory_space<hbm>> -> memref<10000x64xf32, #tpu.memory_space<hbm>>
      tpu.enqueue_indirect_dma source(%dma_start3A_612 : memref<10000x64xf32, #tpu.memory_space<hbm>>) target(%arg14 : memref<128x64xf32, #tpu.memory_space<vmem>>) offsets(%dma_start3A_609 : memref<128xi32, #tpu.memory_space<vmem>>) semaphore(%arg22 : memref<!tpu.dma_semaphore, #tpu.memory_space<semaphore_mem>>)
      %mul3A_613 = arith.constant 8 : i32
      %mul3A_614 = arith.muli %mul3A_613, %scan3A_443 : i32
      %add3A_615 = arith.constant 4 : i32
      %add3A_616 = arith.addi %add3A_615, %mul3A_614 : i32
      %add3A_617 = arith.constant 5 : i32
      %add3A_618 = arith.addi %add3A_616, %add3A_617 : i32
      %dma_wait3A_619 = arith.constant 0 : i32
      %dma_wait3A_620 = tpu.memref_slice %arg8[%add3A_618, %dma_wait3A_619] : memref<80x128xi32, #tpu.memory_space<vmem>> -> memref<1x128xi32, #tpu.memory_space<vmem>>
      %dma_wait3A_621 = tpu.memref_squeeze %dma_wait3A_620 : memref<1x128xi32, #tpu.memory_space<vmem>> -> memref<128xi32, #tpu.memory_space<vmem>>
      %dma_wait3A_622 = arith.constant 0 : i32
      %dma_wait3A_623 = arith.constant 0 : i32
      %dma_wait3A_624 = tpu.memref_slice %arg2[%dma_wait3A_622, %dma_wait3A_623] : memref<10000x64xf32, #tpu.memory_space<hbm>> -> memref<10000x64xf32, #tpu.memory_space<hbm>>
      tpu.wait_indirect_dma semaphore(%arg19 : memref<!tpu.dma_semaphore, #tpu.memory_space<semaphore_mem>>) src(%dma_wait3A_624 : memref<10000x64xf32, #tpu.memory_space<hbm>>) dst(%arg11 : memref<128x64xf32, #tpu.memory_space<vmem>>)
      %dma_start3A_625 = arith.constant 0 : i32
      %dma_start3A_626 = tpu.memref_slice %arg9[%add3A_618, %dma_start3A_625] : memref<80x128xi32, #tpu.memory_space<vmem>> -> memref<1x128xi32, #tpu.memory_space<vmem>>
      %dma_start3A_627 = tpu.memref_squeeze %dma_start3A_626 : memref<1x128xi32, #tpu.memory_space<vmem>> -> memref<128xi32, #tpu.memory_space<vmem>>
      %dma_start3A_628 = arith.constant 0 : i32
      %dma_start3A_629 = arith.constant 0 : i32
      %dma_start3A_630 = tpu.memref_slice %arg7[%dma_start3A_628, %dma_start3A_629] : memref<10240x64xf32, #tpu.memory_space<vmem_shared>> -> memref<10240x64xf32, #tpu.memory_space<vmem_shared>>
      tpu.enqueue_indirect_dma source(%arg11 : memref<128x64xf32, #tpu.memory_space<vmem>>) target(%dma_start3A_630 : memref<10240x64xf32, #tpu.memory_space<vmem_shared>>) offsets(%dma_start3A_627 : memref<128xi32, #tpu.memory_space<vmem>>) semaphore(%arg27 : memref<!tpu.dma_semaphore, #tpu.memory_space<semaphore_mem>>) {add = true}
      %sub3A_631 = arith.constant 4 : i32
      %sub3A_632 = arith.subi %add3A_618, %sub3A_631 : i32
      %dma_wait3A_633 = arith.constant 0 : i32
      %dma_wait3A_634 = tpu.memref_slice %arg9[%sub3A_632, %dma_wait3A_633] : memref<80x128xi32, #tpu.memory_space<vmem>> -> memref<1x128xi32, #tpu.memory_space<vmem>>
      %dma_wait3A_635 = tpu.memref_squeeze %dma_wait3A_634 : memref<1x128xi32, #tpu.memory_space<vmem>> -> memref<128xi32, #tpu.memory_space<vmem>>
      %dma_wait3A_636 = arith.constant 0 : i32
      %dma_wait3A_637 = arith.constant 0 : i32
      %dma_wait3A_638 = tpu.memref_slice %arg7[%dma_wait3A_636, %dma_wait3A_637] : memref<10240x64xf32, #tpu.memory_space<vmem_shared>> -> memref<10240x64xf32, #tpu.memory_space<vmem_shared>>
      tpu.wait_indirect_dma semaphore(%arg31 : memref<!tpu.dma_semaphore, #tpu.memory_space<semaphore_mem>>) src(%arg15 : memref<128x64xf32, #tpu.memory_space<vmem>>) dst(%dma_wait3A_638 : memref<10240x64xf32, #tpu.memory_space<vmem_shared>>)
      %add3A_639 = arith.constant 4 : i32
      %add3A_640 = arith.addi %add3A_618, %add3A_639 : i32
      %dma_start3A_641 = arith.constant 0 : i32
      %dma_start3A_642 = tpu.memref_slice %arg8[%add3A_640, %dma_start3A_641] : memref<80x128xi32, #tpu.memory_space<vmem>> -> memref<1x128xi32, #tpu.memory_space<vmem>>
      %dma_start3A_643 = tpu.memref_squeeze %dma_start3A_642 : memref<1x128xi32, #tpu.memory_space<vmem>> -> memref<128xi32, #tpu.memory_space<vmem>>
      %dma_start3A_644 = arith.constant 0 : i32
      %dma_start3A_645 = arith.constant 0 : i32
      %dma_start3A_646 = tpu.memref_slice %arg2[%dma_start3A_644, %dma_start3A_645] : memref<10000x64xf32, #tpu.memory_space<hbm>> -> memref<10000x64xf32, #tpu.memory_space<hbm>>
      tpu.enqueue_indirect_dma source(%dma_start3A_646 : memref<10000x64xf32, #tpu.memory_space<hbm>>) target(%arg15 : memref<128x64xf32, #tpu.memory_space<vmem>>) offsets(%dma_start3A_643 : memref<128xi32, #tpu.memory_space<vmem>>) semaphore(%arg23 : memref<!tpu.dma_semaphore, #tpu.memory_space<semaphore_mem>>)
      %mul3A_647 = arith.constant 8 : i32
      %mul3A_648 = arith.muli %mul3A_647, %scan3A_443 : i32
      %add3A_649 = arith.constant 4 : i32
      %add3A_650 = arith.addi %add3A_649, %mul3A_648 : i32
      %add3A_651 = arith.constant 6 : i32
      %add3A_652 = arith.addi %add3A_650, %add3A_651 : i32
      %dma_wait3A_653 = arith.constant 0 : i32
      %dma_wait3A_654 = tpu.memref_slice %arg8[%add3A_652, %dma_wait3A_653] : memref<80x128xi32, #tpu.memory_space<vmem>> -> memref<1x128xi32, #tpu.memory_space<vmem>>
      %dma_wait3A_655 = tpu.memref_squeeze %dma_wait3A_654 : memref<1x128xi32, #tpu.memory_space<vmem>> -> memref<128xi32, #tpu.memory_space<vmem>>
      %dma_wait3A_656 = arith.constant 0 : i32
      %dma_wait3A_657 = arith.constant 0 : i32
      %dma_wait3A_658 = tpu.memref_slice %arg2[%dma_wait3A_656, %dma_wait3A_657] : memref<10000x64xf32, #tpu.memory_space<hbm>> -> memref<10000x64xf32, #tpu.memory_space<hbm>>
      tpu.wait_indirect_dma semaphore(%arg20 : memref<!tpu.dma_semaphore, #tpu.memory_space<semaphore_mem>>) src(%dma_wait3A_658 : memref<10000x64xf32, #tpu.memory_space<hbm>>) dst(%arg12 : memref<128x64xf32, #tpu.memory_space<vmem>>)
      %dma_start3A_659 = arith.constant 0 : i32
      %dma_start3A_660 = tpu.memref_slice %arg9[%add3A_652, %dma_start3A_659] : memref<80x128xi32, #tpu.memory_space<vmem>> -> memref<1x128xi32, #tpu.memory_space<vmem>>
      %dma_start3A_661 = tpu.memref_squeeze %dma_start3A_660 : memref<1x128xi32, #tpu.memory_space<vmem>> -> memref<128xi32, #tpu.memory_space<vmem>>
      %dma_start3A_662 = arith.constant 0 : i32
      %dma_start3A_663 = arith.constant 0 : i32
      %dma_start3A_664 = tpu.memref_slice %arg7[%dma_start3A_662, %dma_start3A_663] : memref<10240x64xf32, #tpu.memory_space<vmem_shared>> -> memref<10240x64xf32, #tpu.memory_space<vmem_shared>>
      tpu.enqueue_indirect_dma source(%arg12 : memref<128x64xf32, #tpu.memory_space<vmem>>) target(%dma_start3A_664 : memref<10240x64xf32, #tpu.memory_space<vmem_shared>>) offsets(%dma_start3A_661 : memref<128xi32, #tpu.memory_space<vmem>>) semaphore(%arg28 : memref<!tpu.dma_semaphore, #tpu.memory_space<semaphore_mem>>) {add = true}
      %sub3A_665 = arith.constant 4 : i32
      %sub3A_666 = arith.subi %add3A_652, %sub3A_665 : i32
      %dma_wait3A_667 = arith.constant 0 : i32
      %dma_wait3A_668 = tpu.memref_slice %arg9[%sub3A_666, %dma_wait3A_667] : memref<80x128xi32, #tpu.memory_space<vmem>> -> memref<1x128xi32, #tpu.memory_space<vmem>>
      %dma_wait3A_669 = tpu.memref_squeeze %dma_wait3A_668 : memref<1x128xi32, #tpu.memory_space<vmem>> -> memref<128xi32, #tpu.memory_space<vmem>>
      %dma_wait3A_670 = arith.constant 0 : i32
      %dma_wait3A_671 = arith.constant 0 : i32
      %dma_wait3A_672 = tpu.memref_slice %arg7[%dma_wait3A_670, %dma_wait3A_671] : memref<10240x64xf32, #tpu.memory_space<vmem_shared>> -> memref<10240x64xf32, #tpu.memory_space<vmem_shared>>
      tpu.wait_indirect_dma semaphore(%arg32 : memref<!tpu.dma_semaphore, #tpu.memory_space<semaphore_mem>>) src(%arg16 : memref<128x64xf32, #tpu.memory_space<vmem>>) dst(%dma_wait3A_672 : memref<10240x64xf32, #tpu.memory_space<vmem_shared>>)
      %add3A_673 = arith.constant 4 : i32
      %add3A_674 = arith.addi %add3A_652, %add3A_673 : i32
      %dma_start3A_675 = arith.constant 0 : i32
      %dma_start3A_676 = tpu.memref_slice %arg8[%add3A_674, %dma_start3A_675] : memref<80x128xi32, #tpu.memory_space<vmem>> -> memref<1x128xi32, #tpu.memory_space<vmem>>
      %dma_start3A_677 = tpu.memref_squeeze %dma_start3A_676 : memref<1x128xi32, #tpu.memory_space<vmem>> -> memref<128xi32, #tpu.memory_space<vmem>>
      %dma_start3A_678 = arith.constant 0 : i32
      %dma_start3A_679 = arith.constant 0 : i32
      %dma_start3A_680 = tpu.memref_slice %arg2[%dma_start3A_678, %dma_start3A_679] : memref<10000x64xf32, #tpu.memory_space<hbm>> -> memref<10000x64xf32, #tpu.memory_space<hbm>>
      tpu.enqueue_indirect_dma source(%dma_start3A_680 : memref<10000x64xf32, #tpu.memory_space<hbm>>) target(%arg16 : memref<128x64xf32, #tpu.memory_space<vmem>>) offsets(%dma_start3A_677 : memref<128xi32, #tpu.memory_space<vmem>>) semaphore(%arg24 : memref<!tpu.dma_semaphore, #tpu.memory_space<semaphore_mem>>)
      %mul3A_681 = arith.constant 8 : i32
      %mul3A_682 = arith.muli %mul3A_681, %scan3A_443 : i32
      %add3A_683 = arith.constant 4 : i32
      %add3A_684 = arith.addi %add3A_683, %mul3A_682 : i32
      %add3A_685 = arith.constant 7 : i32
      %add3A_686 = arith.addi %add3A_684, %add3A_685 : i32
      %dma_wait3A_687 = arith.constant 0 : i32
      %dma_wait3A_688 = tpu.memref_slice %arg8[%add3A_686, %dma_wait3A_687] : memref<80x128xi32, #tpu.memory_space<vmem>> -> memref<1x128xi32, #tpu.memory_space<vmem>>
      %dma_wait3A_689 = tpu.memref_squeeze %dma_wait3A_688 : memref<1x128xi32, #tpu.memory_space<vmem>> -> memref<128xi32, #tpu.memory_space<vmem>>
      %dma_wait3A_690 = arith.constant 0 : i32
      %dma_wait3A_691 = arith.constant 0 : i32
      %dma_wait3A_692 = tpu.memref_slice %arg2[%dma_wait3A_690, %dma_wait3A_691] : memref<10000x64xf32, #tpu.memory_space<hbm>> -> memref<10000x64xf32, #tpu.memory_space<hbm>>
      tpu.wait_indirect_dma semaphore(%arg21 : memref<!tpu.dma_semaphore, #tpu.memory_space<semaphore_mem>>) src(%dma_wait3A_692 : memref<10000x64xf32, #tpu.memory_space<hbm>>) dst(%arg13 : memref<128x64xf32, #tpu.memory_space<vmem>>)
      %dma_start3A_693 = arith.constant 0 : i32
      %dma_start3A_694 = tpu.memref_slice %arg9[%add3A_686, %dma_start3A_693] : memref<80x128xi32, #tpu.memory_space<vmem>> -> memref<1x128xi32, #tpu.memory_space<vmem>>
      %dma_start3A_695 = tpu.memref_squeeze %dma_start3A_694 : memref<1x128xi32, #tpu.memory_space<vmem>> -> memref<128xi32, #tpu.memory_space<vmem>>
      %dma_start3A_696 = arith.constant 0 : i32
      %dma_start3A_697 = arith.constant 0 : i32
      %dma_start3A_698 = tpu.memref_slice %arg7[%dma_start3A_696, %dma_start3A_697] : memref<10240x64xf32, #tpu.memory_space<vmem_shared>> -> memref<10240x64xf32, #tpu.memory_space<vmem_shared>>
      tpu.enqueue_indirect_dma source(%arg13 : memref<128x64xf32, #tpu.memory_space<vmem>>) target(%dma_start3A_698 : memref<10240x64xf32, #tpu.memory_space<vmem_shared>>) offsets(%dma_start3A_695 : memref<128xi32, #tpu.memory_space<vmem>>) semaphore(%arg29 : memref<!tpu.dma_semaphore, #tpu.memory_space<semaphore_mem>>) {add = true}
      %sub3A_699 = arith.constant 4 : i32
      %sub3A_700 = arith.subi %add3A_686, %sub3A_699 : i32
      %dma_wait3A_701 = arith.constant 0 : i32
      %dma_wait3A_702 = tpu.memref_slice %arg9[%sub3A_700, %dma_wait3A_701] : memref<80x128xi32, #tpu.memory_space<vmem>> -> memref<1x128xi32, #tpu.memory_space<vmem>>
      %dma_wait3A_703 = tpu.memref_squeeze %dma_wait3A_702 : memref<1x128xi32, #tpu.memory_space<vmem>> -> memref<128xi32, #tpu.memory_space<vmem>>
      %dma_wait3A_704 = arith.constant 0 : i32
      %dma_wait3A_705 = arith.constant 0 : i32
      %dma_wait3A_706 = tpu.memref_slice %arg7[%dma_wait3A_704, %dma_wait3A_705] : memref<10240x64xf32, #tpu.memory_space<vmem_shared>> -> memref<10240x64xf32, #tpu.memory_space<vmem_shared>>
      tpu.wait_indirect_dma semaphore(%arg33 : memref<!tpu.dma_semaphore, #tpu.memory_space<semaphore_mem>>) src(%arg17 : memref<128x64xf32, #tpu.memory_space<vmem>>) dst(%dma_wait3A_706 : memref<10240x64xf32, #tpu.memory_space<vmem_shared>>)
      %add3A_707 = arith.constant 4 : i32
      %add3A_708 = arith.addi %add3A_686, %add3A_707 : i32
      %dma_start3A_709 = arith.constant 0 : i32
      %dma_start3A_710 = tpu.memref_slice %arg8[%add3A_708, %dma_start3A_709] : memref<80x128xi32, #tpu.memory_space<vmem>> -> memref<1x128xi32, #tpu.memory_space<vmem>>
      %dma_start3A_711 = tpu.memref_squeeze %dma_start3A_710 : memref<1x128xi32, #tpu.memory_space<vmem>> -> memref<128xi32, #tpu.memory_space<vmem>>
      %dma_start3A_712 = arith.constant 0 : i32
      %dma_start3A_713 = arith.constant 0 : i32
      %dma_start3A_714 = tpu.memref_slice %arg2[%dma_start3A_712, %dma_start3A_713] : memref<10000x64xf32, #tpu.memory_space<hbm>> -> memref<10000x64xf32, #tpu.memory_space<hbm>>
      tpu.enqueue_indirect_dma source(%dma_start3A_714 : memref<10000x64xf32, #tpu.memory_space<hbm>>) target(%arg17 : memref<128x64xf32, #tpu.memory_space<vmem>>) offsets(%dma_start3A_711 : memref<128xi32, #tpu.memory_space<vmem>>) semaphore(%arg25 : memref<!tpu.dma_semaphore, #tpu.memory_space<semaphore_mem>>)
    }
    %scan3A_199 = arith.constant 9 : i32
    %dma_wait3A_200 = arith.constant 76 : i32
    %dma_wait3A_201 = arith.constant 0 : i32
    %dma_wait3A_202 = tpu.memref_slice %arg8[%dma_wait3A_200, %dma_wait3A_201] : memref<80x128xi32, #tpu.memory_space<vmem>> -> memref<1x128xi32, #tpu.memory_space<vmem>>
    %dma_wait3A_203 = tpu.memref_squeeze %dma_wait3A_202 : memref<1x128xi32, #tpu.memory_space<vmem>> -> memref<128xi32, #tpu.memory_space<vmem>>
    %dma_wait3A_204 = arith.constant 0 : i32
    %dma_wait3A_205 = arith.constant 0 : i32
    %dma_wait3A_206 = tpu.memref_slice %arg2[%dma_wait3A_204, %dma_wait3A_205] : memref<10000x64xf32, #tpu.memory_space<hbm>> -> memref<10000x64xf32, #tpu.memory_space<hbm>>
    tpu.wait_indirect_dma semaphore(%arg22 : memref<!tpu.dma_semaphore, #tpu.memory_space<semaphore_mem>>) src(%dma_wait3A_206 : memref<10000x64xf32, #tpu.memory_space<hbm>>) dst(%arg14 : memref<128x64xf32, #tpu.memory_space<vmem>>)
    %dma_start3A_207 = arith.constant 76 : i32
    %dma_start3A_208 = arith.constant 0 : i32
    %dma_start3A_209 = tpu.memref_slice %arg9[%dma_start3A_207, %dma_start3A_208] : memref<80x128xi32, #tpu.memory_space<vmem>> -> memref<1x128xi32, #tpu.memory_space<vmem>>
    %dma_start3A_210 = tpu.memref_squeeze %dma_start3A_209 : memref<1x128xi32, #tpu.memory_space<vmem>> -> memref<128xi32, #tpu.memory_space<vmem>>
    %dma_start3A_211 = arith.constant 0 : i32
    %dma_start3A_212 = arith.constant 0 : i32
    %dma_start3A_213 = tpu.memref_slice %arg7[%dma_start3A_211, %dma_start3A_212] : memref<10240x64xf32, #tpu.memory_space<vmem_shared>> -> memref<10240x64xf32, #tpu.memory_space<vmem_shared>>
    tpu.enqueue_indirect_dma source(%arg14 : memref<128x64xf32, #tpu.memory_space<vmem>>) target(%dma_start3A_213 : memref<10240x64xf32, #tpu.memory_space<vmem_shared>>) offsets(%dma_start3A_210 : memref<128xi32, #tpu.memory_space<vmem>>) semaphore(%arg30 : memref<!tpu.dma_semaphore, #tpu.memory_space<semaphore_mem>>) {add = true}
    %dma_wait3A_214 = arith.constant 72 : i32
    %dma_wait3A_215 = arith.constant 0 : i32
    %dma_wait3A_216 = tpu.memref_slice %arg9[%dma_wait3A_214, %dma_wait3A_215] : memref<80x128xi32, #tpu.memory_space<vmem>> -> memref<1x128xi32, #tpu.memory_space<vmem>>
    %dma_wait3A_217 = tpu.memref_squeeze %dma_wait3A_216 : memref<1x128xi32, #tpu.memory_space<vmem>> -> memref<128xi32, #tpu.memory_space<vmem>>
    %dma_wait3A_218 = arith.constant 0 : i32
    %dma_wait3A_219 = arith.constant 0 : i32
    %dma_wait3A_220 = tpu.memref_slice %arg7[%dma_wait3A_218, %dma_wait3A_219] : memref<10240x64xf32, #tpu.memory_space<vmem_shared>> -> memref<10240x64xf32, #tpu.memory_space<vmem_shared>>
    tpu.wait_indirect_dma semaphore(%arg26 : memref<!tpu.dma_semaphore, #tpu.memory_space<semaphore_mem>>) src(%arg10 : memref<128x64xf32, #tpu.memory_space<vmem>>) dst(%dma_wait3A_220 : memref<10240x64xf32, #tpu.memory_space<vmem_shared>>)
    %dma_wait3A_221 = arith.constant 77 : i32
    %dma_wait3A_222 = arith.constant 0 : i32
    %dma_wait3A_223 = tpu.memref_slice %arg8[%dma_wait3A_221, %dma_wait3A_222] : memref<80x128xi32, #tpu.memory_space<vmem>> -> memref<1x128xi32, #tpu.memory_space<vmem>>
    %dma_wait3A_224 = tpu.memref_squeeze %dma_wait3A_223 : memref<1x128xi32, #tpu.memory_space<vmem>> -> memref<128xi32, #tpu.memory_space<vmem>>
    %dma_wait3A_225 = arith.constant 0 : i32
    %dma_wait3A_226 = arith.constant 0 : i32
    %dma_wait3A_227 = tpu.memref_slice %arg2[%dma_wait3A_225, %dma_wait3A_226] : memref<10000x64xf32, #tpu.memory_space<hbm>> -> memref<10000x64xf32, #tpu.memory_space<hbm>>
    tpu.wait_indirect_dma semaphore(%arg23 : memref<!tpu.dma_semaphore, #tpu.memory_space<semaphore_mem>>) src(%dma_wait3A_227 : memref<10000x64xf32, #tpu.memory_space<hbm>>) dst(%arg15 : memref<128x64xf32, #tpu.memory_space<vmem>>)
    %dma_start3A_228 = arith.constant 77 : i32
    %dma_start3A_229 = arith.constant 0 : i32
    %dma_start3A_230 = tpu.memref_slice %arg9[%dma_start3A_228, %dma_start3A_229] : memref<80x128xi32, #tpu.memory_space<vmem>> -> memref<1x128xi32, #tpu.memory_space<vmem>>
    %dma_start3A_231 = tpu.memref_squeeze %dma_start3A_230 : memref<1x128xi32, #tpu.memory_space<vmem>> -> memref<128xi32, #tpu.memory_space<vmem>>
    %dma_start3A_232 = arith.constant 0 : i32
    %dma_start3A_233 = arith.constant 0 : i32
    %dma_start3A_234 = tpu.memref_slice %arg7[%dma_start3A_232, %dma_start3A_233] : memref<10240x64xf32, #tpu.memory_space<vmem_shared>> -> memref<10240x64xf32, #tpu.memory_space<vmem_shared>>
    tpu.enqueue_indirect_dma source(%arg15 : memref<128x64xf32, #tpu.memory_space<vmem>>) target(%dma_start3A_234 : memref<10240x64xf32, #tpu.memory_space<vmem_shared>>) offsets(%dma_start3A_231 : memref<128xi32, #tpu.memory_space<vmem>>) semaphore(%arg31 : memref<!tpu.dma_semaphore, #tpu.memory_space<semaphore_mem>>) {add = true}
    %dma_wait3A_235 = arith.constant 73 : i32
    %dma_wait3A_236 = arith.constant 0 : i32
    %dma_wait3A_237 = tpu.memref_slice %arg9[%dma_wait3A_235, %dma_wait3A_236] : memref<80x128xi32, #tpu.memory_space<vmem>> -> memref<1x128xi32, #tpu.memory_space<vmem>>
    %dma_wait3A_238 = tpu.memref_squeeze %dma_wait3A_237 : memref<1x128xi32, #tpu.memory_space<vmem>> -> memref<128xi32, #tpu.memory_space<vmem>>
    %dma_wait3A_239 = arith.constant 0 : i32
    %dma_wait3A_240 = arith.constant 0 : i32
    %dma_wait3A_241 = tpu.memref_slice %arg7[%dma_wait3A_239, %dma_wait3A_240] : memref<10240x64xf32, #tpu.memory_space<vmem_shared>> -> memref<10240x64xf32, #tpu.memory_space<vmem_shared>>
    tpu.wait_indirect_dma semaphore(%arg27 : memref<!tpu.dma_semaphore, #tpu.memory_space<semaphore_mem>>) src(%arg11 : memref<128x64xf32, #tpu.memory_space<vmem>>) dst(%dma_wait3A_241 : memref<10240x64xf32, #tpu.memory_space<vmem_shared>>)
    %dma_wait3A_242 = arith.constant 78 : i32
    %dma_wait3A_243 = arith.constant 0 : i32
    %dma_wait3A_244 = tpu.memref_slice %arg8[%dma_wait3A_242, %dma_wait3A_243] : memref<80x128xi32, #tpu.memory_space<vmem>> -> memref<1x128xi32, #tpu.memory_space<vmem>>
    %dma_wait3A_245 = tpu.memref_squeeze %dma_wait3A_244 : memref<1x128xi32, #tpu.memory_space<vmem>> -> memref<128xi32, #tpu.memory_space<vmem>>
    %dma_wait3A_246 = arith.constant 0 : i32
    %dma_wait3A_247 = arith.constant 0 : i32
    %dma_wait3A_248 = tpu.memref_slice %arg2[%dma_wait3A_246, %dma_wait3A_247] : memref<10000x64xf32, #tpu.memory_space<hbm>> -> memref<10000x64xf32, #tpu.memory_space<hbm>>
    tpu.wait_indirect_dma semaphore(%arg24 : memref<!tpu.dma_semaphore, #tpu.memory_space<semaphore_mem>>) src(%dma_wait3A_248 : memref<10000x64xf32, #tpu.memory_space<hbm>>) dst(%arg16 : memref<128x64xf32, #tpu.memory_space<vmem>>)
    %dma_start3A_249 = arith.constant 78 : i32
    %dma_start3A_250 = arith.constant 0 : i32
    %dma_start3A_251 = tpu.memref_slice %arg9[%dma_start3A_249, %dma_start3A_250] : memref<80x128xi32, #tpu.memory_space<vmem>> -> memref<1x128xi32, #tpu.memory_space<vmem>>
    %dma_start3A_252 = tpu.memref_squeeze %dma_start3A_251 : memref<1x128xi32, #tpu.memory_space<vmem>> -> memref<128xi32, #tpu.memory_space<vmem>>
    %dma_start3A_253 = arith.constant 0 : i32
    %dma_start3A_254 = arith.constant 0 : i32
    %dma_start3A_255 = tpu.memref_slice %arg7[%dma_start3A_253, %dma_start3A_254] : memref<10240x64xf32, #tpu.memory_space<vmem_shared>> -> memref<10240x64xf32, #tpu.memory_space<vmem_shared>>
    tpu.enqueue_indirect_dma source(%arg16 : memref<128x64xf32, #tpu.memory_space<vmem>>) target(%dma_start3A_255 : memref<10240x64xf32, #tpu.memory_space<vmem_shared>>) offsets(%dma_start3A_252 : memref<128xi32, #tpu.memory_space<vmem>>) semaphore(%arg32 : memref<!tpu.dma_semaphore, #tpu.memory_space<semaphore_mem>>) {add = true}
    %dma_wait3A_256 = arith.constant 74 : i32
    %dma_wait3A_257 = arith.constant 0 : i32
    %dma_wait3A_258 = tpu.memref_slice %arg9[%dma_wait3A_256, %dma_wait3A_257] : memref<80x128xi32, #tpu.memory_space<vmem>> -> memref<1x128xi32, #tpu.memory_space<vmem>>
    %dma_wait3A_259 = tpu.memref_squeeze %dma_wait3A_258 : memref<1x128xi32, #tpu.memory_space<vmem>> -> memref<128xi32, #tpu.memory_space<vmem>>
    %dma_wait3A_260 = arith.constant 0 : i32
    %dma_wait3A_261 = arith.constant 0 : i32
    %dma_wait3A_262 = tpu.memref_slice %arg7[%dma_wait3A_260, %dma_wait3A_261] : memref<10240x64xf32, #tpu.memory_space<vmem_shared>> -> memref<10240x64xf32, #tpu.memory_space<vmem_shared>>
    tpu.wait_indirect_dma semaphore(%arg28 : memref<!tpu.dma_semaphore, #tpu.memory_space<semaphore_mem>>) src(%arg12 : memref<128x64xf32, #tpu.memory_space<vmem>>) dst(%dma_wait3A_262 : memref<10240x64xf32, #tpu.memory_space<vmem_shared>>)
    %dma_wait3A_263 = arith.constant 79 : i32
    %dma_wait3A_264 = arith.constant 0 : i32
    %dma_wait3A_265 = tpu.memref_slice %arg8[%dma_wait3A_263, %dma_wait3A_264] : memref<80x128xi32, #tpu.memory_space<vmem>> -> memref<1x128xi32, #tpu.memory_space<vmem>>
    %dma_wait3A_266 = tpu.memref_squeeze %dma_wait3A_265 : memref<1x128xi32, #tpu.memory_space<vmem>> -> memref<128xi32, #tpu.memory_space<vmem>>
    %dma_wait3A_267 = arith.constant 0 : i32
    %dma_wait3A_268 = arith.constant 0 : i32
    %dma_wait3A_269 = tpu.memref_slice %arg2[%dma_wait3A_267, %dma_wait3A_268] : memref<10000x64xf32, #tpu.memory_space<hbm>> -> memref<10000x64xf32, #tpu.memory_space<hbm>>
    tpu.wait_indirect_dma semaphore(%arg25 : memref<!tpu.dma_semaphore, #tpu.memory_space<semaphore_mem>>) src(%dma_wait3A_269 : memref<10000x64xf32, #tpu.memory_space<hbm>>) dst(%arg17 : memref<128x64xf32, #tpu.memory_space<vmem>>)
    %dma_start3A_270 = arith.constant 79 : i32
    %dma_start3A_271 = arith.constant 0 : i32
    %dma_start3A_272 = tpu.memref_slice %arg9[%dma_start3A_270, %dma_start3A_271] : memref<80x128xi32, #tpu.memory_space<vmem>> -> memref<1x128xi32, #tpu.memory_space<vmem>>
    %dma_start3A_273 = tpu.memref_squeeze %dma_start3A_272 : memref<1x128xi32, #tpu.memory_space<vmem>> -> memref<128xi32, #tpu.memory_space<vmem>>
    %dma_start3A_274 = arith.constant 0 : i32
    %dma_start3A_275 = arith.constant 0 : i32
    %dma_start3A_276 = tpu.memref_slice %arg7[%dma_start3A_274, %dma_start3A_275] : memref<10240x64xf32, #tpu.memory_space<vmem_shared>> -> memref<10240x64xf32, #tpu.memory_space<vmem_shared>>
    tpu.enqueue_indirect_dma source(%arg17 : memref<128x64xf32, #tpu.memory_space<vmem>>) target(%dma_start3A_276 : memref<10240x64xf32, #tpu.memory_space<vmem_shared>>) offsets(%dma_start3A_273 : memref<128xi32, #tpu.memory_space<vmem>>) semaphore(%arg33 : memref<!tpu.dma_semaphore, #tpu.memory_space<semaphore_mem>>) {add = true}
    %dma_wait3A_277 = arith.constant 75 : i32
    %dma_wait3A_278 = arith.constant 0 : i32
    %dma_wait3A_279 = tpu.memref_slice %arg9[%dma_wait3A_277, %dma_wait3A_278] : memref<80x128xi32, #tpu.memory_space<vmem>> -> memref<1x128xi32, #tpu.memory_space<vmem>>
    %dma_wait3A_280 = tpu.memref_squeeze %dma_wait3A_279 : memref<1x128xi32, #tpu.memory_space<vmem>> -> memref<128xi32, #tpu.memory_space<vmem>>
    %dma_wait3A_281 = arith.constant 0 : i32
    %dma_wait3A_282 = arith.constant 0 : i32
    %dma_wait3A_283 = tpu.memref_slice %arg7[%dma_wait3A_281, %dma_wait3A_282] : memref<10240x64xf32, #tpu.memory_space<vmem_shared>> -> memref<10240x64xf32, #tpu.memory_space<vmem_shared>>
    tpu.wait_indirect_dma semaphore(%arg29 : memref<!tpu.dma_semaphore, #tpu.memory_space<semaphore_mem>>) src(%arg13 : memref<128x64xf32, #tpu.memory_space<vmem>>) dst(%dma_wait3A_283 : memref<10240x64xf32, #tpu.memory_space<vmem_shared>>)
    %dma_wait3A_284 = arith.constant 76 : i32
    %dma_wait3A_285 = arith.constant 0 : i32
    %dma_wait3A_286 = tpu.memref_slice %arg9[%dma_wait3A_284, %dma_wait3A_285] : memref<80x128xi32, #tpu.memory_space<vmem>> -> memref<1x128xi32, #tpu.memory_space<vmem>>
    %dma_wait3A_287 = tpu.memref_squeeze %dma_wait3A_286 : memref<1x128xi32, #tpu.memory_space<vmem>> -> memref<128xi32, #tpu.memory_space<vmem>>
    %dma_wait3A_288 = arith.constant 0 : i32
    %dma_wait3A_289 = arith.constant 0 : i32
    %dma_wait3A_290 = tpu.memref_slice %arg7[%dma_wait3A_288, %dma_wait3A_289] : memref<10240x64xf32, #tpu.memory_space<vmem_shared>> -> memref<10240x64xf32, #tpu.memory_space<vmem_shared>>
    tpu.wait_indirect_dma semaphore(%arg30 : memref<!tpu.dma_semaphore, #tpu.memory_space<semaphore_mem>>) src(%arg14 : memref<128x64xf32, #tpu.memory_space<vmem>>) dst(%dma_wait3A_290 : memref<10240x64xf32, #tpu.memory_space<vmem_shared>>)
    %dma_wait3A_291 = arith.constant 77 : i32
    %dma_wait3A_292 = arith.constant 0 : i32
    %dma_wait3A_293 = tpu.memref_slice %arg9[%dma_wait3A_291, %dma_wait3A_292] : memref<80x128xi32, #tpu.memory_space<vmem>> -> memref<1x128xi32, #tpu.memory_space<vmem>>
    %dma_wait3A_294 = tpu.memref_squeeze %dma_wait3A_293 : memref<1x128xi32, #tpu.memory_space<vmem>> -> memref<128xi32, #tpu.memory_space<vmem>>
    %dma_wait3A_295 = arith.constant 0 : i32
    %dma_wait3A_296 = arith.constant 0 : i32
    %dma_wait3A_297 = tpu.memref_slice %arg7[%dma_wait3A_295, %dma_wait3A_296] : memref<10240x64xf32, #tpu.memory_space<vmem_shared>> -> memref<10240x64xf32, #tpu.memory_space<vmem_shared>>
    tpu.wait_indirect_dma semaphore(%arg31 : memref<!tpu.dma_semaphore, #tpu.memory_space<semaphore_mem>>) src(%arg15 : memref<128x64xf32, #tpu.memory_space<vmem>>) dst(%dma_wait3A_297 : memref<10240x64xf32, #tpu.memory_space<vmem_shared>>)
    %dma_wait3A_298 = arith.constant 78 : i32
    %dma_wait3A_299 = arith.constant 0 : i32
    %dma_wait3A_300 = tpu.memref_slice %arg9[%dma_wait3A_298, %dma_wait3A_299] : memref<80x128xi32, #tpu.memory_space<vmem>> -> memref<1x128xi32, #tpu.memory_space<vmem>>
    %dma_wait3A_301 = tpu.memref_squeeze %dma_wait3A_300 : memref<1x128xi32, #tpu.memory_space<vmem>> -> memref<128xi32, #tpu.memory_space<vmem>>
    %dma_wait3A_302 = arith.constant 0 : i32
    %dma_wait3A_303 = arith.constant 0 : i32
    %dma_wait3A_304 = tpu.memref_slice %arg7[%dma_wait3A_302, %dma_wait3A_303] : memref<10240x64xf32, #tpu.memory_space<vmem_shared>> -> memref<10240x64xf32, #tpu.memory_space<vmem_shared>>
    tpu.wait_indirect_dma semaphore(%arg32 : memref<!tpu.dma_semaphore, #tpu.memory_space<semaphore_mem>>) src(%arg16 : memref<128x64xf32, #tpu.memory_space<vmem>>) dst(%dma_wait3A_304 : memref<10240x64xf32, #tpu.memory_space<vmem_shared>>)
    %dma_wait3A_305 = arith.constant 79 : i32
    %dma_wait3A_306 = arith.constant 0 : i32
    %dma_wait3A_307 = tpu.memref_slice %arg9[%dma_wait3A_305, %dma_wait3A_306] : memref<80x128xi32, #tpu.memory_space<vmem>> -> memref<1x128xi32, #tpu.memory_space<vmem>>
    %dma_wait3A_308 = tpu.memref_squeeze %dma_wait3A_307 : memref<1x128xi32, #tpu.memory_space<vmem>> -> memref<128xi32, #tpu.memory_space<vmem>>
    %dma_wait3A_309 = arith.constant 0 : i32
    %dma_wait3A_310 = arith.constant 0 : i32
    %dma_wait3A_311 = tpu.memref_slice %arg7[%dma_wait3A_309, %dma_wait3A_310] : memref<10240x64xf32, #tpu.memory_space<vmem_shared>> -> memref<10240x64xf32, #tpu.memory_space<vmem_shared>>
    tpu.wait_indirect_dma semaphore(%arg33 : memref<!tpu.dma_semaphore, #tpu.memory_space<semaphore_mem>>) src(%arg17 : memref<128x64xf32, #tpu.memory_space<vmem>>) dst(%dma_wait3A_311 : memref<10240x64xf32, #tpu.memory_space<vmem_shared>>)
    %barrier3A_312 = arith.constant 0 : index
    tpu.barrier barrier_id(%barrier3A_312)
    %mul3A_313 = arith.constant 640 : i32
    %mul3A_314 = arith.muli %arg1, %mul3A_313 : i32
    %add3A_315 = arith.constant 0 : i32
    %add3A_316 = arith.addi %mul3A_314, %add3A_315 : i32
    "tpu.region"() ({
      %run_scoped3A = tpu.sem_alloc : memref<!tpu.dma_semaphore, #tpu.memory_space<semaphore_mem>>
      %dma_start3A_443 = arith.constant 0 : i32
      %dma_start3A_444 = tpu.memref_slice %arg7[%add3A_316, %dma_start3A_443] : memref<10240x64xf32, #tpu.memory_space<vmem_shared>> -> memref<128x64xf32, #tpu.memory_space<vmem_shared>>
      %dma_start3A_445 = arith.constant 0 : i32
      %dma_start3A_446 = tpu.memref_slice %arg7[%add3A_316, %dma_start3A_445] : memref<10240x64xf32, #tpu.memory_space<vmem_shared>> -> memref<128x64xf32, #tpu.memory_space<vmem_shared>>
      tpu.enqueue_dma source(%dma_start3A_446 : memref<128x64xf32, #tpu.memory_space<vmem_shared>>) target(%arg10 : memref<128x64xf32, #tpu.memory_space<vmem>>) target_semaphore(%run_scoped3A : memref<!tpu.dma_semaphore, #tpu.memory_space<semaphore_mem>>)
      %dma_wait3A_447 = arith.constant 0 : i32
      %dma_wait3A_448 = tpu.memref_slice %arg7[%add3A_316, %dma_wait3A_447] : memref<10240x64xf32, #tpu.memory_space<vmem_shared>> -> memref<128x64xf32, #tpu.memory_space<vmem_shared>>
      %dma_wait3A_449 = arith.constant 0 : i32
      %dma_wait3A_450 = tpu.memref_slice %arg7[%add3A_316, %dma_wait3A_449] : memref<10240x64xf32, #tpu.memory_space<vmem_shared>> -> memref<128x64xf32, #tpu.memory_space<vmem_shared>>
      tpu.wait_dma2 semaphore(%run_scoped3A : memref<!tpu.dma_semaphore, #tpu.memory_space<semaphore_mem>>) src(%dma_wait3A_450 : memref<128x64xf32, #tpu.memory_space<vmem_shared>>) dst(%arg10 : memref<128x64xf32, #tpu.memory_space<vmem>>)
      tpu.yield
    }) : () -> ()
    %mul3A_317 = arith.constant 10240 : i32
    %mul3A_318 = arith.muli %arg0, %mul3A_317 : i32
    %mul3A_319 = arith.constant 640 : i32
    %mul3A_320 = arith.muli %arg1, %mul3A_319 : i32
    %add3A_321 = arith.addi %mul3A_318, %mul3A_320 : i32
    %add3A_322 = arith.constant 0 : i32
    %add3A_323 = arith.addi %add3A_321, %add3A_322 : i32
    %dma_start3A_324 = arith.constant 0 : i32
    %dma_start3A_325 = tpu.memref_slice %arg6[%add3A_323, %dma_start3A_324] : memref<20480x64xf32, #tpu.memory_space<hbm>> -> memref<128x64xf32, #tpu.memory_space<hbm>>
    %dma_start3A_326 = arith.constant 0 : i32
    %dma_start3A_327 = tpu.memref_slice %arg6[%add3A_323, %dma_start3A_326] : memref<20480x64xf32, #tpu.memory_space<hbm>> -> memref<128x64xf32, #tpu.memory_space<hbm>>
    tpu.enqueue_dma source(%arg10 : memref<128x64xf32, #tpu.memory_space<vmem>>) target(%dma_start3A_327 : memref<128x64xf32, #tpu.memory_space<hbm>>) target_semaphore(%arg26 : memref<!tpu.dma_semaphore, #tpu.memory_space<semaphore_mem>>)
    %mul3A_328 = arith.constant 640 : i32
    %mul3A_329 = arith.muli %arg1, %mul3A_328 : i32
    %add3A_330 = arith.constant 128 : i32
    %add3A_331 = arith.addi %mul3A_329, %add3A_330 : i32
    "tpu.region"() ({
      %run_scoped3A = tpu.sem_alloc : memref<!tpu.dma_semaphore, #tpu.memory_space<semaphore_mem>>
      %dma_start3A_443 = arith.constant 0 : i32
      %dma_start3A_444 = tpu.memref_slice %arg7[%add3A_331, %dma_start3A_443] : memref<10240x64xf32, #tpu.memory_space<vmem_shared>> -> memref<128x64xf32, #tpu.memory_space<vmem_shared>>
      %dma_start3A_445 = arith.constant 0 : i32
      %dma_start3A_446 = tpu.memref_slice %arg7[%add3A_331, %dma_start3A_445] : memref<10240x64xf32, #tpu.memory_space<vmem_shared>> -> memref<128x64xf32, #tpu.memory_space<vmem_shared>>
      tpu.enqueue_dma source(%dma_start3A_446 : memref<128x64xf32, #tpu.memory_space<vmem_shared>>) target(%arg11 : memref<128x64xf32, #tpu.memory_space<vmem>>) target_semaphore(%run_scoped3A : memref<!tpu.dma_semaphore, #tpu.memory_space<semaphore_mem>>)
      %dma_wait3A_447 = arith.constant 0 : i32
      %dma_wait3A_448 = tpu.memref_slice %arg7[%add3A_331, %dma_wait3A_447] : memref<10240x64xf32, #tpu.memory_space<vmem_shared>> -> memref<128x64xf32, #tpu.memory_space<vmem_shared>>
      %dma_wait3A_449 = arith.constant 0 : i32
      %dma_wait3A_450 = tpu.memref_slice %arg7[%add3A_331, %dma_wait3A_449] : memref<10240x64xf32, #tpu.memory_space<vmem_shared>> -> memref<128x64xf32, #tpu.memory_space<vmem_shared>>
      tpu.wait_dma2 semaphore(%run_scoped3A : memref<!tpu.dma_semaphore, #tpu.memory_space<semaphore_mem>>) src(%dma_wait3A_450 : memref<128x64xf32, #tpu.memory_space<vmem_shared>>) dst(%arg11 : memref<128x64xf32, #tpu.memory_space<vmem>>)
      tpu.yield
    }) : () -> ()
    %mul3A_332 = arith.constant 10240 : i32
    %mul3A_333 = arith.muli %arg0, %mul3A_332 : i32
    %mul3A_334 = arith.constant 640 : i32
    %mul3A_335 = arith.muli %arg1, %mul3A_334 : i32
    %add3A_336 = arith.addi %mul3A_333, %mul3A_335 : i32
    %add3A_337 = arith.constant 128 : i32
    %add3A_338 = arith.addi %add3A_336, %add3A_337 : i32
    %dma_start3A_339 = arith.constant 0 : i32
    %dma_start3A_340 = tpu.memref_slice %arg6[%add3A_338, %dma_start3A_339] : memref<20480x64xf32, #tpu.memory_space<hbm>> -> memref<128x64xf32, #tpu.memory_space<hbm>>
    %dma_start3A_341 = arith.constant 0 : i32
    %dma_start3A_342 = tpu.memref_slice %arg6[%add3A_338, %dma_start3A_341] : memref<20480x64xf32, #tpu.memory_space<hbm>> -> memref<128x64xf32, #tpu.memory_space<hbm>>
    tpu.enqueue_dma source(%arg11 : memref<128x64xf32, #tpu.memory_space<vmem>>) target(%dma_start3A_342 : memref<128x64xf32, #tpu.memory_space<hbm>>) target_semaphore(%arg27 : memref<!tpu.dma_semaphore, #tpu.memory_space<semaphore_mem>>)
    %mul3A_343 = arith.constant 10240 : i32
    %mul3A_344 = arith.muli %arg0, %mul3A_343 : i32
    %mul3A_345 = arith.constant 640 : i32
    %mul3A_346 = arith.muli %arg1, %mul3A_345 : i32
    %add3A_347 = arith.addi %mul3A_344, %mul3A_346 : i32
    %add3A_348 = arith.constant 0 : i32
    %add3A_349 = arith.addi %add3A_347, %add3A_348 : i32
    %dma_wait3A_350 = arith.constant 0 : i32
    %dma_wait3A_351 = tpu.memref_slice %arg6[%add3A_349, %dma_wait3A_350] : memref<20480x64xf32, #tpu.memory_space<hbm>> -> memref<128x64xf32, #tpu.memory_space<hbm>>
    %dma_wait3A_352 = arith.constant 0 : i32
    %dma_wait3A_353 = tpu.memref_slice %arg6[%add3A_349, %dma_wait3A_352] : memref<20480x64xf32, #tpu.memory_space<hbm>> -> memref<128x64xf32, #tpu.memory_space<hbm>>
    tpu.wait_dma2 semaphore(%arg26 : memref<!tpu.dma_semaphore, #tpu.memory_space<semaphore_mem>>) src(%arg10 : memref<128x64xf32, #tpu.memory_space<vmem>>) dst(%dma_wait3A_353 : memref<128x64xf32, #tpu.memory_space<hbm>>)
    %mul3A_354 = arith.constant 640 : i32
    %mul3A_355 = arith.muli %arg1, %mul3A_354 : i32
    %add3A_356 = arith.constant 256 : i32
    %add3A_357 = arith.addi %mul3A_355, %add3A_356 : i32
    "tpu.region"() ({
      %run_scoped3A = tpu.sem_alloc : memref<!tpu.dma_semaphore, #tpu.memory_space<semaphore_mem>>
      %dma_start3A_443 = arith.constant 0 : i32
      %dma_start3A_444 = tpu.memref_slice %arg7[%add3A_357, %dma_start3A_443] : memref<10240x64xf32, #tpu.memory_space<vmem_shared>> -> memref<128x64xf32, #tpu.memory_space<vmem_shared>>
      %dma_start3A_445 = arith.constant 0 : i32
      %dma_start3A_446 = tpu.memref_slice %arg7[%add3A_357, %dma_start3A_445] : memref<10240x64xf32, #tpu.memory_space<vmem_shared>> -> memref<128x64xf32, #tpu.memory_space<vmem_shared>>
      tpu.enqueue_dma source(%dma_start3A_446 : memref<128x64xf32, #tpu.memory_space<vmem_shared>>) target(%arg10 : memref<128x64xf32, #tpu.memory_space<vmem>>) target_semaphore(%run_scoped3A : memref<!tpu.dma_semaphore, #tpu.memory_space<semaphore_mem>>)
      %dma_wait3A_447 = arith.constant 0 : i32
      %dma_wait3A_448 = tpu.memref_slice %arg7[%add3A_357, %dma_wait3A_447] : memref<10240x64xf32, #tpu.memory_space<vmem_shared>> -> memref<128x64xf32, #tpu.memory_space<vmem_shared>>
      %dma_wait3A_449 = arith.constant 0 : i32
      %dma_wait3A_450 = tpu.memref_slice %arg7[%add3A_357, %dma_wait3A_449] : memref<10240x64xf32, #tpu.memory_space<vmem_shared>> -> memref<128x64xf32, #tpu.memory_space<vmem_shared>>
      tpu.wait_dma2 semaphore(%run_scoped3A : memref<!tpu.dma_semaphore, #tpu.memory_space<semaphore_mem>>) src(%dma_wait3A_450 : memref<128x64xf32, #tpu.memory_space<vmem_shared>>) dst(%arg10 : memref<128x64xf32, #tpu.memory_space<vmem>>)
      tpu.yield
    }) : () -> ()
    %mul3A_358 = arith.constant 10240 : i32
    %mul3A_359 = arith.muli %arg0, %mul3A_358 : i32
    %mul3A_360 = arith.constant 640 : i32
    %mul3A_361 = arith.muli %arg1, %mul3A_360 : i32
    %add3A_362 = arith.addi %mul3A_359, %mul3A_361 : i32
    %add3A_363 = arith.constant 256 : i32
    %add3A_364 = arith.addi %add3A_362, %add3A_363 : i32
    %dma_start3A_365 = arith.constant 0 : i32
    %dma_start3A_366 = tpu.memref_slice %arg6[%add3A_364, %dma_start3A_365] : memref<20480x64xf32, #tpu.memory_space<hbm>> -> memref<128x64xf32, #tpu.memory_space<hbm>>
    %dma_start3A_367 = arith.constant 0 : i32
    %dma_start3A_368 = tpu.memref_slice %arg6[%add3A_364, %dma_start3A_367] : memref<20480x64xf32, #tpu.memory_space<hbm>> -> memref<128x64xf32, #tpu.memory_space<hbm>>
    tpu.enqueue_dma source(%arg10 : memref<128x64xf32, #tpu.memory_space<vmem>>) target(%dma_start3A_368 : memref<128x64xf32, #tpu.memory_space<hbm>>) target_semaphore(%arg26 : memref<!tpu.dma_semaphore, #tpu.memory_space<semaphore_mem>>)
    %mul3A_369 = arith.constant 10240 : i32
    %mul3A_370 = arith.muli %arg0, %mul3A_369 : i32
    %mul3A_371 = arith.constant 640 : i32
    %mul3A_372 = arith.muli %arg1, %mul3A_371 : i32
    %add3A_373 = arith.addi %mul3A_370, %mul3A_372 : i32
    %add3A_374 = arith.constant 128 : i32
    %add3A_375 = arith.addi %add3A_373, %add3A_374 : i32
    %dma_wait3A_376 = arith.constant 0 : i32
    %dma_wait3A_377 = tpu.memref_slice %arg6[%add3A_375, %dma_wait3A_376] : memref<20480x64xf32, #tpu.memory_space<hbm>> -> memref<128x64xf32, #tpu.memory_space<hbm>>
    %dma_wait3A_378 = arith.constant 0 : i32
    %dma_wait3A_379 = tpu.memref_slice %arg6[%add3A_375, %dma_wait3A_378] : memref<20480x64xf32, #tpu.memory_space<hbm>> -> memref<128x64xf32, #tpu.memory_space<hbm>>
    tpu.wait_dma2 semaphore(%arg27 : memref<!tpu.dma_semaphore, #tpu.memory_space<semaphore_mem>>) src(%arg11 : memref<128x64xf32, #tpu.memory_space<vmem>>) dst(%dma_wait3A_379 : memref<128x64xf32, #tpu.memory_space<hbm>>)
    %mul3A_380 = arith.constant 640 : i32
    %mul3A_381 = arith.muli %arg1, %mul3A_380 : i32
    %add3A_382 = arith.constant 384 : i32
    %add3A_383 = arith.addi %mul3A_381, %add3A_382 : i32
    "tpu.region"() ({
      %run_scoped3A = tpu.sem_alloc : memref<!tpu.dma_semaphore, #tpu.memory_space<semaphore_mem>>
      %dma_start3A_443 = arith.constant 0 : i32
      %dma_start3A_444 = tpu.memref_slice %arg7[%add3A_383, %dma_start3A_443] : memref<10240x64xf32, #tpu.memory_space<vmem_shared>> -> memref<128x64xf32, #tpu.memory_space<vmem_shared>>
      %dma_start3A_445 = arith.constant 0 : i32
      %dma_start3A_446 = tpu.memref_slice %arg7[%add3A_383, %dma_start3A_445] : memref<10240x64xf32, #tpu.memory_space<vmem_shared>> -> memref<128x64xf32, #tpu.memory_space<vmem_shared>>
      tpu.enqueue_dma source(%dma_start3A_446 : memref<128x64xf32, #tpu.memory_space<vmem_shared>>) target(%arg11 : memref<128x64xf32, #tpu.memory_space<vmem>>) target_semaphore(%run_scoped3A : memref<!tpu.dma_semaphore, #tpu.memory_space<semaphore_mem>>)
      %dma_wait3A_447 = arith.constant 0 : i32
      %dma_wait3A_448 = tpu.memref_slice %arg7[%add3A_383, %dma_wait3A_447] : memref<10240x64xf32, #tpu.memory_space<vmem_shared>> -> memref<128x64xf32, #tpu.memory_space<vmem_shared>>
      %dma_wait3A_449 = arith.constant 0 : i32
      %dma_wait3A_450 = tpu.memref_slice %arg7[%add3A_383, %dma_wait3A_449] : memref<10240x64xf32, #tpu.memory_space<vmem_shared>> -> memref<128x64xf32, #tpu.memory_space<vmem_shared>>
      tpu.wait_dma2 semaphore(%run_scoped3A : memref<!tpu.dma_semaphore, #tpu.memory_space<semaphore_mem>>) src(%dma_wait3A_450 : memref<128x64xf32, #tpu.memory_space<vmem_shared>>) dst(%arg11 : memref<128x64xf32, #tpu.memory_space<vmem>>)
      tpu.yield
    }) : () -> ()
    %mul3A_384 = arith.constant 10240 : i32
    %mul3A_385 = arith.muli %arg0, %mul3A_384 : i32
    %mul3A_386 = arith.constant 640 : i32
    %mul3A_387 = arith.muli %arg1, %mul3A_386 : i32
    %add3A_388 = arith.addi %mul3A_385, %mul3A_387 : i32
    %add3A_389 = arith.constant 384 : i32
    %add3A_390 = arith.addi %add3A_388, %add3A_389 : i32
    %dma_start3A_391 = arith.constant 0 : i32
    %dma_start3A_392 = tpu.memref_slice %arg6[%add3A_390, %dma_start3A_391] : memref<20480x64xf32, #tpu.memory_space<hbm>> -> memref<128x64xf32, #tpu.memory_space<hbm>>
    %dma_start3A_393 = arith.constant 0 : i32
    %dma_start3A_394 = tpu.memref_slice %arg6[%add3A_390, %dma_start3A_393] : memref<20480x64xf32, #tpu.memory_space<hbm>> -> memref<128x64xf32, #tpu.memory_space<hbm>>
    tpu.enqueue_dma source(%arg11 : memref<128x64xf32, #tpu.memory_space<vmem>>) target(%dma_start3A_394 : memref<128x64xf32, #tpu.memory_space<hbm>>) target_semaphore(%arg27 : memref<!tpu.dma_semaphore, #tpu.memory_space<semaphore_mem>>)
    %mul3A_395 = arith.constant 10240 : i32
    %mul3A_396 = arith.muli %arg0, %mul3A_395 : i32
    %mul3A_397 = arith.constant 640 : i32
    %mul3A_398 = arith.muli %arg1, %mul3A_397 : i32
    %add3A_399 = arith.addi %mul3A_396, %mul3A_398 : i32
    %add3A_400 = arith.constant 256 : i32
    %add3A_401 = arith.addi %add3A_399, %add3A_400 : i32
    %dma_wait3A_402 = arith.constant 0 : i32
    %dma_wait3A_403 = tpu.memref_slice %arg6[%add3A_401, %dma_wait3A_402] : memref<20480x64xf32, #tpu.memory_space<hbm>> -> memref<128x64xf32, #tpu.memory_space<hbm>>
    %dma_wait3A_404 = arith.constant 0 : i32
    %dma_wait3A_405 = tpu.memref_slice %arg6[%add3A_401, %dma_wait3A_404] : memref<20480x64xf32, #tpu.memory_space<hbm>> -> memref<128x64xf32, #tpu.memory_space<hbm>>
    tpu.wait_dma2 semaphore(%arg26 : memref<!tpu.dma_semaphore, #tpu.memory_space<semaphore_mem>>) src(%arg10 : memref<128x64xf32, #tpu.memory_space<vmem>>) dst(%dma_wait3A_405 : memref<128x64xf32, #tpu.memory_space<hbm>>)
    %mul3A_406 = arith.constant 640 : i32
    %mul3A_407 = arith.muli %arg1, %mul3A_406 : i32
    %add3A_408 = arith.constant 512 : i32
    %add3A_409 = arith.addi %mul3A_407, %add3A_408 : i32
    "tpu.region"() ({
      %run_scoped3A = tpu.sem_alloc : memref<!tpu.dma_semaphore, #tpu.memory_space<semaphore_mem>>
      %dma_start3A_443 = arith.constant 0 : i32
      %dma_start3A_444 = tpu.memref_slice %arg7[%add3A_409, %dma_start3A_443] : memref<10240x64xf32, #tpu.memory_space<vmem_shared>> -> memref<128x64xf32, #tpu.memory_space<vmem_shared>>
      %dma_start3A_445 = arith.constant 0 : i32
      %dma_start3A_446 = tpu.memref_slice %arg7[%add3A_409, %dma_start3A_445] : memref<10240x64xf32, #tpu.memory_space<vmem_shared>> -> memref<128x64xf32, #tpu.memory_space<vmem_shared>>
      tpu.enqueue_dma source(%dma_start3A_446 : memref<128x64xf32, #tpu.memory_space<vmem_shared>>) target(%arg10 : memref<128x64xf32, #tpu.memory_space<vmem>>) target_semaphore(%run_scoped3A : memref<!tpu.dma_semaphore, #tpu.memory_space<semaphore_mem>>)
      %dma_wait3A_447 = arith.constant 0 : i32
      %dma_wait3A_448 = tpu.memref_slice %arg7[%add3A_409, %dma_wait3A_447] : memref<10240x64xf32, #tpu.memory_space<vmem_shared>> -> memref<128x64xf32, #tpu.memory_space<vmem_shared>>
      %dma_wait3A_449 = arith.constant 0 : i32
      %dma_wait3A_450 = tpu.memref_slice %arg7[%add3A_409, %dma_wait3A_449] : memref<10240x64xf32, #tpu.memory_space<vmem_shared>> -> memref<128x64xf32, #tpu.memory_space<vmem_shared>>
      tpu.wait_dma2 semaphore(%run_scoped3A : memref<!tpu.dma_semaphore, #tpu.memory_space<semaphore_mem>>) src(%dma_wait3A_450 : memref<128x64xf32, #tpu.memory_space<vmem_shared>>) dst(%arg10 : memref<128x64xf32, #tpu.memory_space<vmem>>)
      tpu.yield
    }) : () -> ()
    %mul3A_410 = arith.constant 10240 : i32
    %mul3A_411 = arith.muli %arg0, %mul3A_410 : i32
    %mul3A_412 = arith.constant 640 : i32
    %mul3A_413 = arith.muli %arg1, %mul3A_412 : i32
    %add3A_414 = arith.addi %mul3A_411, %mul3A_413 : i32
    %add3A_415 = arith.constant 512 : i32
    %add3A_416 = arith.addi %add3A_414, %add3A_415 : i32
    %dma_start3A_417 = arith.constant 0 : i32
    %dma_start3A_418 = tpu.memref_slice %arg6[%add3A_416, %dma_start3A_417] : memref<20480x64xf32, #tpu.memory_space<hbm>> -> memref<128x64xf32, #tpu.memory_space<hbm>>
    %dma_start3A_419 = arith.constant 0 : i32
    %dma_start3A_420 = tpu.memref_slice %arg6[%add3A_416, %dma_start3A_419] : memref<20480x64xf32, #tpu.memory_space<hbm>> -> memref<128x64xf32, #tpu.memory_space<hbm>>
    tpu.enqueue_dma source(%arg10 : memref<128x64xf32, #tpu.memory_space<vmem>>) target(%dma_start3A_420 : memref<128x64xf32, #tpu.memory_space<hbm>>) target_semaphore(%arg26 : memref<!tpu.dma_semaphore, #tpu.memory_space<semaphore_mem>>)
    %mul3A_421 = arith.constant 10240 : i32
    %mul3A_422 = arith.muli %arg0, %mul3A_421 : i32
    %mul3A_423 = arith.constant 640 : i32
    %mul3A_424 = arith.muli %arg1, %mul3A_423 : i32
    %add3A_425 = arith.addi %mul3A_422, %mul3A_424 : i32
    %add3A_426 = arith.constant 384 : i32
    %add3A_427 = arith.addi %add3A_425, %add3A_426 : i32
    %dma_wait3A_428 = arith.constant 0 : i32
    %dma_wait3A_429 = tpu.memref_slice %arg6[%add3A_427, %dma_wait3A_428] : memref<20480x64xf32, #tpu.memory_space<hbm>> -> memref<128x64xf32, #tpu.memory_space<hbm>>
    %dma_wait3A_430 = arith.constant 0 : i32
    %dma_wait3A_431 = tpu.memref_slice %arg6[%add3A_427, %dma_wait3A_430] : memref<20480x64xf32, #tpu.memory_space<hbm>> -> memref<128x64xf32, #tpu.memory_space<hbm>>
    tpu.wait_dma2 semaphore(%arg27 : memref<!tpu.dma_semaphore, #tpu.memory_space<semaphore_mem>>) src(%arg11 : memref<128x64xf32, #tpu.memory_space<vmem>>) dst(%dma_wait3A_431 : memref<128x64xf32, #tpu.memory_space<hbm>>)
    %mul3A_432 = arith.constant 10240 : i32
    %mul3A_433 = arith.muli %arg0, %mul3A_432 : i32
    %mul3A_434 = arith.constant 640 : i32
    %mul3A_435 = arith.muli %arg1, %mul3A_434 : i32
    %add3A_436 = arith.addi %mul3A_433, %mul3A_435 : i32
    %add3A_437 = arith.constant 512 : i32
    %add3A_438 = arith.addi %add3A_436, %add3A_437 : i32
    %dma_wait3A_439 = arith.constant 0 : i32
    %dma_wait3A_440 = tpu.memref_slice %arg6[%add3A_438, %dma_wait3A_439] : memref<20480x64xf32, #tpu.memory_space<hbm>> -> memref<128x64xf32, #tpu.memory_space<hbm>>
    %dma_wait3A_441 = arith.constant 0 : i32
    %dma_wait3A_442 = tpu.memref_slice %arg6[%add3A_438, %dma_wait3A_441] : memref<20480x64xf32, #tpu.memory_space<hbm>> -> memref<128x64xf32, #tpu.memory_space<hbm>>
    tpu.wait_dma2 semaphore(%arg26 : memref<!tpu.dma_semaphore, #tpu.memory_space<semaphore_mem>>) src(%arg10 : memref<128x64xf32, #tpu.memory_space<vmem>>) dst(%dma_wait3A_442 : memref<128x64xf32, #tpu.memory_space<hbm>>)
    return
  }
}

module attributes {stable_mosaic.version = 14 : i64} {
  func.func @_tc_scale1_body(%arg0: memref<10000x128xf32, #tpu.memory_space<vmem>>, %arg1: memref<128x64xf32, #tpu.memory_space<vmem>>, %arg2: memref<20480x16xf32, #tpu.memory_space<vmem>>, %arg3: memref<10000x64xf32, #tpu.memory_space<vmem>>) attributes {dimension_semantics = [], scalar_prefetch = 0 : i64, scratch_operands = 0 : i64, tpu.core_type = #tpu.core_type<tc>} {
    %get3A = arith.constant 0 : index
    %get3A_0 = arith.constant 0 : index
    %get3A_1 = vector.load %arg0[%get3A, %get3A_0] : memref<10000x128xf32, #tpu.memory_space<vmem>>, vector<10000x128xf32>
    %get3A_2 = arith.constant 0 : index
    %get3A_3 = arith.constant 0 : index
    %get3A_4 = vector.load %arg1[%get3A_2, %get3A_3] : memref<128x64xf32, #tpu.memory_space<vmem>>, vector<128x64xf32>
    %dot_general3A = arith.constant dense<0.000000e+00> : vector<10000x64xf32>
    %dot_general3A_5 = tpu.matmul %get3A_1, %get3A_4, %dot_general3A {dimension_numbers = #tpu.dot_dimension_numbers<[1], [0], [0], [1], [0, 0, 1, 1], [], []>, transpose_lhs_hint = false} : vector<10000x128xf32>, vector<128x64xf32>, vector<10000x64xf32> -> vector<10000x64xf32>
    %get3A_6 = arith.constant 0 : index
    %get3A_7 = arith.constant 0 : index
    %get3A_8 = vector.load %arg2[%get3A_6, %get3A_7] : memref<20480x16xf32, #tpu.memory_space<vmem>>, vector<10000x1xf32>
    %get3A_9 = arith.constant 10240 : index
    %get3A_10 = arith.constant 0 : index
    %get3A_11 = vector.load %arg2[%get3A_9, %get3A_10] : memref<20480x16xf32, #tpu.memory_space<vmem>>, vector<10000x1xf32>
    %add3A = arith.addf %get3A_8, %get3A_11 : vector<10000x1xf32>
    %add3A_12 = arith.constant 1.000000e+00 : f32
    %add3A_13 = vector.broadcast %add3A_12 : f32 to vector<10000x1xf32>
    %add3A_14 = arith.addf %add3A, %add3A_13 : vector<10000x1xf32>
    %rsqrt3A = math.rsqrt %add3A_14 : vector<10000x1xf32>
    %mul3A = vector.broadcast %rsqrt3A : vector<10000x1xf32> to vector<10000x64xf32>
    %mul3A_15 = arith.mulf %dot_general3A_5, %mul3A : vector<10000x64xf32>
    %swap3A = arith.constant 0 : index
    %swap3A_16 = arith.constant 0 : index
    %swap3A_17 = vector.load %arg3[%swap3A, %swap3A_16] : memref<10000x64xf32, #tpu.memory_space<vmem>>, vector<10000x64xf32>
    tpu.vector_store %arg3[%swap3A, %swap3A_16], %mul3A_15 {strides = array<i32>} : memref<10000x64xf32, #tpu.memory_space<vmem>>, vector<10000x64xf32>,
    return
  }
}

module attributes {stable_mosaic.version = 14 : i64} {
  func.func @_tc_mid_body(%arg0: memref<20480x64xf32, #tpu.memory_space<vmem>>, %arg1: memref<10000x64xf32, #tpu.memory_space<vmem>>, %arg2: memref<20480x16xf32, #tpu.memory_space<vmem>>, %arg3: memref<1x64xf32, #tpu.memory_space<vmem>>, %arg4: memref<64x64xf32, #tpu.memory_space<vmem>>, %arg5: memref<10000x64xf32, #tpu.memory_space<vmem>>) attributes {dimension_semantics = [], scalar_prefetch = 0 : i64, scratch_operands = 0 : i64, tpu.core_type = #tpu.core_type<tc>} {
    %get3A = arith.constant 0 : index
    %get3A_0 = arith.constant 0 : index
    %get3A_1 = vector.load %arg2[%get3A, %get3A_0] : memref<20480x16xf32, #tpu.memory_space<vmem>>, vector<10000x1xf32>
    %get3A_2 = arith.constant 10240 : index
    %get3A_3 = arith.constant 0 : index
    %get3A_4 = vector.load %arg2[%get3A_2, %get3A_3] : memref<20480x16xf32, #tpu.memory_space<vmem>>, vector<10000x1xf32>
    %add3A = arith.addf %get3A_1, %get3A_4 : vector<10000x1xf32>
    %add3A_5 = arith.constant 1.000000e+00 : f32
    %add3A_6 = vector.broadcast %add3A_5 : f32 to vector<10000x1xf32>
    %add3A_7 = arith.addf %add3A, %add3A_6 : vector<10000x1xf32>
    %rsqrt3A = math.rsqrt %add3A_7 : vector<10000x1xf32>
    %get3A_8 = arith.constant 0 : index
    %get3A_9 = arith.constant 0 : index
    %get3A_10 = vector.load %arg0[%get3A_8, %get3A_9] : memref<20480x64xf32, #tpu.memory_space<vmem>>, vector<10000x64xf32>
    %get3A_11 = arith.constant 10240 : index
    %get3A_12 = arith.constant 0 : index
    %get3A_13 = vector.load %arg0[%get3A_11, %get3A_12] : memref<20480x64xf32, #tpu.memory_space<vmem>>, vector<10000x64xf32>
    %add3A_14 = arith.addf %get3A_10, %get3A_13 : vector<10000x64xf32>
    %get3A_15 = arith.constant 0 : index
    %get3A_16 = arith.constant 0 : index
    %get3A_17 = vector.load %arg1[%get3A_15, %get3A_16] : memref<10000x64xf32, #tpu.memory_space<vmem>>, vector<10000x64xf32>
    %add3A_18 = arith.addf %add3A_14, %get3A_17 : vector<10000x64xf32>
    %mul3A = vector.broadcast %rsqrt3A : vector<10000x1xf32> to vector<10000x64xf32>
    %mul3A_19 = arith.mulf %add3A_18, %mul3A : vector<10000x64xf32>
    %get3A_20 = arith.constant 0 : index
    %get3A_21 = arith.constant 0 : index
    %get3A_22 = vector.load %arg3[%get3A_20, %get3A_21] : memref<1x64xf32, #tpu.memory_space<vmem>>, vector<1x64xf32>
    %add3A_23 = vector.broadcast %get3A_22 : vector<1x64xf32> to vector<10000x64xf32>
    %add3A_24 = arith.addf %mul3A_19, %add3A_23 : vector<10000x64xf32>
    %max3A = arith.constant 0.000000e+00 : f32
    %max3A_25 = vector.broadcast %max3A : f32 to vector<10000x64xf32>
    %max3A_26 = arith.maximumf %add3A_24, %max3A_25 : vector<10000x64xf32>
    %get3A_27 = arith.constant 0 : index
    %get3A_28 = arith.constant 0 : index
    %get3A_29 = vector.load %arg4[%get3A_27, %get3A_28] : memref<64x64xf32, #tpu.memory_space<vmem>>, vector<64x64xf32>
    %dot_general3A = arith.constant dense<0.000000e+00> : vector<10000x64xf32>
    %dot_general3A_30 = tpu.matmul %max3A_26, %get3A_29, %dot_general3A {dimension_numbers = #tpu.dot_dimension_numbers<[1], [0], [0], [1], [0, 0, 1, 1], [], []>, transpose_lhs_hint = false} : vector<10000x64xf32>, vector<64x64xf32>, vector<10000x64xf32> -> vector<10000x64xf32>
    %mul3A_31 = vector.broadcast %rsqrt3A : vector<10000x1xf32> to vector<10000x64xf32>
    %mul3A_32 = arith.mulf %dot_general3A_30, %mul3A_31 : vector<10000x64xf32>
    %swap3A = arith.constant 0 : index
    %swap3A_33 = arith.constant 0 : index
    %swap3A_34 = vector.load %arg5[%swap3A, %swap3A_33] : memref<10000x64xf32, #tpu.memory_space<vmem>>, vector<10000x64xf32>
    tpu.vector_store %arg5[%swap3A, %swap3A_33], %mul3A_32 {strides = array<i32>} : memref<10000x64xf32, #tpu.memory_space<vmem>>, vector<10000x64xf32>,
    return
  }
}

module attributes {stable_mosaic.version = 14 : i64} {
  func.func @_tc_final_body(%arg0: memref<20480x64xf32, #tpu.memory_space<vmem>>, %arg1: memref<10000x64xf32, #tpu.memory_space<vmem>>, %arg2: memref<20480x16xf32, #tpu.memory_space<vmem>>, %arg3: memref<1x64xf32, #tpu.memory_space<vmem>>, %arg4: memref<1x10000xi32, #tpu.memory_space<vmem>>, %arg5: memref<64x6xf32, #tpu.memory_space<vmem>>, %arg6: memref<1x6xf32, #tpu.memory_space<vmem>>, %arg7: memref<16x6xf32, #tpu.memory_space<vmem>>) attributes {dimension_semantics = [], scalar_prefetch = 0 : i64, scratch_operands = 0 : i64, tpu.core_type = #tpu.core_type<tc>} {
    %get3A = arith.constant 0 : index
    %get3A_0 = arith.constant 0 : index
    %get3A_1 = vector.load %arg2[%get3A, %get3A_0] : memref<20480x16xf32, #tpu.memory_space<vmem>>, vector<10000x1xf32>
    %get3A_2 = arith.constant 10240 : index
    %get3A_3 = arith.constant 0 : index
    %get3A_4 = vector.load %arg2[%get3A_2, %get3A_3] : memref<20480x16xf32, #tpu.memory_space<vmem>>, vector<10000x1xf32>
    %add3A = arith.addf %get3A_1, %get3A_4 : vector<10000x1xf32>
    %add3A_5 = arith.constant 1.000000e+00 : f32
    %add3A_6 = vector.broadcast %add3A_5 : f32 to vector<10000x1xf32>
    %add3A_7 = arith.addf %add3A, %add3A_6 : vector<10000x1xf32>
    %rsqrt3A = math.rsqrt %add3A_7 : vector<10000x1xf32>
    %get3A_8 = arith.constant 0 : index
    %get3A_9 = arith.constant 0 : index
    %get3A_10 = vector.load %arg0[%get3A_8, %get3A_9] : memref<20480x64xf32, #tpu.memory_space<vmem>>, vector<10000x64xf32>
    %get3A_11 = arith.constant 10240 : index
    %get3A_12 = arith.constant 0 : index
    %get3A_13 = vector.load %arg0[%get3A_11, %get3A_12] : memref<20480x64xf32, #tpu.memory_space<vmem>>, vector<10000x64xf32>
    %add3A_14 = arith.addf %get3A_10, %get3A_13 : vector<10000x64xf32>
    %get3A_15 = arith.constant 0 : index
    %get3A_16 = arith.constant 0 : index
    %get3A_17 = vector.load %arg1[%get3A_15, %get3A_16] : memref<10000x64xf32, #tpu.memory_space<vmem>>, vector<10000x64xf32>
    %add3A_18 = arith.addf %add3A_14, %get3A_17 : vector<10000x64xf32>
    %mul3A = vector.broadcast %rsqrt3A : vector<10000x1xf32> to vector<10000x64xf32>
    %mul3A_19 = arith.mulf %add3A_18, %mul3A : vector<10000x64xf32>
    %get3A_20 = arith.constant 0 : index
    %get3A_21 = arith.constant 0 : index
    %get3A_22 = vector.load %arg3[%get3A_20, %get3A_21] : memref<1x64xf32, #tpu.memory_space<vmem>>, vector<1x64xf32>
    %add3A_23 = vector.broadcast %get3A_22 : vector<1x64xf32> to vector<10000x64xf32>
    %add3A_24 = arith.addf %mul3A_19, %add3A_23 : vector<10000x64xf32>
    %iota3A = tpu.iota {dimensions = array<i32: 0>} : vector<16x10000xi32>
    %get3A_25 = arith.constant 0 : index
    %get3A_26 = arith.constant 0 : index
    %get3A_27 = vector.load %arg4[%get3A_25, %get3A_26] : memref<1x10000xi32, #tpu.memory_space<vmem>>, vector<1x10000xi32>
    %eq3A = vector.broadcast %get3A_27 : vector<1x10000xi32> to vector<16x10000xi32>
    %eq3A_28 = arith.cmpi eq, %eq3A, %iota3A : vector<16x10000xi32>
    %jit3A = arith.constant 1.000000e+00 : f32
    %jit3A_29 = arith.constant 0.000000e+00 : f32
    %broadcast_in_dim3A = vector.broadcast %jit3A : f32 to vector<16x10000xf32>
    %broadcast_in_dim3A_30 = vector.broadcast %jit3A_29 : f32 to vector<16x10000xf32>
    %select_n3A = arith.select %eq3A_28, %broadcast_in_dim3A, %broadcast_in_dim3A_30 : vector<16x10000xi1>, vector<16x10000xf32>
    %dot_general3A = arith.constant dense<0.000000e+00> : vector<16x64xf32>
    %dot_general3A_31 = tpu.matmul %select_n3A, %add3A_24, %dot_general3A {dimension_numbers = #tpu.dot_dimension_numbers<[1], [0], [0], [1], [0, 0, 1, 1], [], []>, transpose_lhs_hint = false} : vector<16x10000xf32>, vector<10000x64xf32>, vector<16x64xf32> -> vector<16x64xf32>
    %reduce_sum3A = arith.constant dense<0.000000e+00> : vector<16xf32>
    %reduce_sum3A_32 = vector.multi_reduction <add>, %select_n3A, %reduce_sum3A [1] : vector<16x10000xf32> to vector<16xf32>
    %broadcast_in_dim3A_33 = vector.shape_cast %reduce_sum3A_32 : vector<16xf32> to vector<16x1xf32>
    %max3A = arith.constant 1.000000e+00 : f32
    %max3A_34 = vector.broadcast %max3A : f32 to vector<16x1xf32>
    %max3A_35 = arith.maximumf %broadcast_in_dim3A_33, %max3A_34 : vector<16x1xf32>
    %div3A = vector.broadcast %max3A_35 : vector<16x1xf32> to vector<16x64xf32>
    %div3A_36 = arith.divf %dot_general3A_31, %div3A : vector<16x64xf32>
    %get3A_37 = arith.constant 0 : index
    %get3A_38 = arith.constant 0 : index
    %get3A_39 = vector.load %arg5[%get3A_37, %get3A_38] : memref<64x6xf32, #tpu.memory_space<vmem>>, vector<64x6xf32>
    %dot_general3A_40 = arith.constant dense<0.000000e+00> : vector<16x6xf32>
    %dot_general3A_41 = tpu.matmul %div3A_36, %get3A_39, %dot_general3A_40 {dimension_numbers = #tpu.dot_dimension_numbers<[1], [0], [0], [1], [0, 0, 1, 1], [], []>, transpose_lhs_hint = false} : vector<16x64xf32>, vector<64x6xf32>, vector<16x6xf32> -> vector<16x6xf32>
    %get3A_42 = arith.constant 0 : index
    %get3A_43 = arith.constant 0 : index
    %get3A_44 = vector.load %arg6[%get3A_42, %get3A_43] : memref<1x6xf32, #tpu.memory_space<vmem>>, vector<1x6xf32>
    %add3A_45 = vector.broadcast %get3A_44 : vector<1x6xf32> to vector<16x6xf32>
    %add3A_46 = arith.addf %dot_general3A_41, %add3A_45 : vector<16x6xf32>
    %swap3A = arith.constant 0 : index
    %swap3A_47 = arith.constant 0 : index
    %swap3A_48 = vector.load %arg7[%swap3A, %swap3A_47] : memref<16x6xf32, #tpu.memory_space<vmem>>, vector<16x6xf32>
    tpu.vector_store %arg7[%swap3A, %swap3A_47], %add3A_46 {strides = array<i32>} : memref<16x6xf32, #tpu.memory_space<vmem>>, vector<16x6xf32>,
    return
  }
}

</mosaic_0001>

<sc_bundles>
// kernel: kernel.11.cloned.1.call-start
scs
__scs_entry_jumppad:
0x0: {  	(pc) =	sbr.rel $0x88, $3  }
0x1: {  	(tag) =	ssettag $0x0;
	lr =	simm.s32 $0x1  }
0x2: {  	[smem:$0x3F98] =	sst lr;
	_ =	strace $0xD0000000  }
0x3: {  	_ = 	snop  }
0x4: {  	_ = 	snop  }
0x5: {  	_ = 	snop  }
0x6: {  	_ = 	snop  }
0x7: {  	_ = 	snop  }
__scs_overlays_trampoline_lowered:
0x8: {  	[smem:$0x3FA7] =	sst s0  }
0x9: {  	[smem:$0x3FA8] =	sst s1  }
0xa: {  	[smem:$0x3FA9] =	sst s2  }
0xb: {  	[smem:$0x3FAA] =	sst s3  }
0xc: {  	[smem:$0x3FAB] =	sst s4  }
0xd: {  	[smem:$0x3FAC] =	sst s5  }
0xe: {  	[smem:$0x3FAD] =	sst s6  }
0xf: {  	[smem:$0x3FAE] =	sst s7  }
0x10: {  	[smem:$0x3FAF] =	sst s8  }
0x11: {  	[smem:$0x3FB0] =	sst s9;
	s0 =	simm.s32 @!p0 $0x0  }
0x12: {  	s1 =	sld [smem:$0x3F96];
	s0 =	simm.s32 @p0 $0x1  }
0x13: {  	[smem:$0x3FB1] =	sst s0;
	s0 =	simm.s32 @!p1 $0x0  }
0x14: {  	s2 =	sld [smem:$0x3F95];
	s0 =	simm.s32 @p1 $0x1  }
0x15: {  	[smem:$0x3FB2] =	sst s0;
	s0 =	simm.s32 @!p2 $0x0  }
0x16: {  	s3 =	sld [smem:$0x3FDB];
	s0 =	simm.s32 @p2 $0x1  }
0x17: {  	s4 =	simm.s32 $0x1BF5;
	[smem:$0x3FB4] =	sst s0  }
0x18: {  	s0 =	sld [smem:$0x3F97];
	_ =	swait.ge [sflag:s4], $0x0  }
0x19: {  	s7 =	sld [smem:$0x3F98]  }
0x1a: {  	s8 =	sadd.s32 $0xFFFFE003, lr  }
0x1b: {  	s9 =	sadd.s32 $0xFFFFFEF7, lr;
	s5 =	simm.s32 $0xFFFFFFFF;
	p2 =	slt.u32 s8, $0xFFFFF086  }
0x1c: {  	p1 =	slt.u32 s9, $0xF7A;
	s5 =	simm.s32 @!p2 $0x0  }
0x1d: {  	s5 =	simm.s32 @p1 $0x1;
	p0 =	seq.s32 s7, s2  }
0x1e: {  	s7 =	smul.u32 @!p0 $0xF7A, s2;
	p2 =	seq.s32 @!p0 s5, $0x0  }
0x1f: {  	s9 =	smul.u32 $0xF7A, s1;
	s8 =	simm.s32 @!p0 $0x1BF5;
	p2 =	por !p2, p0  }
0x20: {  	[sflag:s8] =	ssyncset.s32 @!p0 $0xFFFFF086;
	s6 =	sadd.s32 @!p0 s3, s7;
	s7 =	simm.s32 @!p0 $0x108  }
0x21: {  	s3 =	sadd.s32 s3, s9;
	s6 =	sadd.s32 @!p0 $0x88, s6;
	s7 =	simm.s32 @p2 $0x1082  }
0x22: {  	[simem:s7], [sflag:s8] =	dma.local @!p0 [hbm:s6], $0xF7A  }
0x23: {  	s9 =	sor.u32 $0xD0000000, s2;
	s6 =	simm.s32 $0x108;
	_ =	swait.ge @!p0 [sflag:s8], $0x0  }
0x24: {  	s3 =	sadd.s32 $0x88, s3;
	s6 =	simm.s32 @!p1 $0x1082;
	[sflag:s4] =	ssyncset.s32 $0xFFFFF086  }
0x25: {  	[simem:s6], [sflag:s4] =	dma.local [hbm:s3], $0xF7A  }
0x26: {  	[smem:$0x3F98] =	sst s1;
	(tag) =	ssettag s2;
	_ =	strace s9  }
0x27: {  	s1 =	sld [smem:$0x3FA8]  }
0x28: {  	s2 =	sld [smem:$0x3FA9]  }
0x29: {  	s4 =	sld [smem:$0x3FAB]  }
0x2a: {  	p0 =	seq.s32 s5, $0x0;
	s5 =	sld [smem:$0x3FAC]  }
0x2b: {  	s6 =	sld [smem:$0x3FAD]  }
0x2c: {  	s7 =	sld [smem:$0x3FAE]  }
0x2d: {  	s3 =	simm.s32 $0x108;
	s8 =	sld [smem:$0x3FAF]  }
0x2e: {  	s3 =	simm.s32 @!p0 $0x1082;
	s9 =	sld [smem:$0x3FB0]  }
0x2f: {  	lr =	sadd.s32 s0, s3;
	s0 =	sld [smem:$0x3FA7]  }
0x30: {  	s3 =	sld [smem:$0x3FAA]  }
0x31: {  	[smem:$0x3FB3] =	sst s10  }
0x32: {  	s10 =	sld [smem:$0x3FB1];
	_ =	sdelay $0x3  }
0x33: {  	p0 =	seq.s32 s10, $0x1;
	s10 =	sld [smem:$0x3FB3];
	_ =	sdelay $0x3  }
0x34: {  	[smem:$0x3FB3] =	sst s10  }
0x35: {  	s10 =	sld [smem:$0x3FB2];
	_ =	sdelay $0x3  }
0x36: {  	p1 =	seq.s32 s10, $0x1;
	s10 =	sld [smem:$0x3FB3];
	_ =	sdelay $0x3  }
0x37: {  	[smem:$0x3FB3] =	sst s10  }
0x38: {  	s10 =	sld [smem:$0x3FB4]  }
0x39: {  	_ = 	snop;
	(pc) =	sbr.ind lr, $3  }
0x3a: {  	_ = 	snop  }
0x3b: {  	_ = 	snop  }
0x3c: {  	p2 =	seq.s32 s10, $0x1;
	s10 =	sld [smem:$0x3FB3]  }
0x3d: {  	_ =	shalt  }
0x3e: {  	_ =	shalt  }
0x3f: {  	_ =	shalt  }
0x40: {  	_ =	shalt  }
0x41: {  	_ =	shalt  }
0x42: {  	_ =	shalt  }
0x43: {  	_ =	shalt  }
0x44: {  	_ =	shalt  }
0x45: {  	_ =	shalt  }
0x46: {  	_ =	shalt  }
0x47: {  	_ =	shalt  }
0x48: {  	_ =	shalt  }
0x49: {  	_ =	shalt  }
0x4a: {  	_ =	shalt  }
0x4b: {  	_ =	shalt  }
0x4c: {  	_ =	shalt  }
0x4d: {  	_ =	shalt  }
0x4e: {  	_ =	shalt  }
0x4f: {  	_ =	shalt  }
0x50: {  	_ =	shalt  }
0x51: {  	_ =	shalt  }
0x52: {  	_ =	shalt  }
0x53: {  	_ =	shalt  }
0x54: {  	_ =	shalt  }
0x55: {  	_ =	shalt  }
0x56: {  	_ =	shalt  }
0x57: {  	_ =	shalt  }
0x58: {  	_ =	shalt  }
0x59: {  	_ =	shalt  }
0x5a: {  	_ =	shalt  }
0x5b: {  	_ =	shalt  }
0x5c: {  	_ =	shalt  }
0x5d: {  	_ =	shalt  }
0x5e: {  	_ =	shalt  }
0x5f: {  	_ =	shalt  }
0x60: {  	_ =	shalt  }
0x61: {  	_ =	shalt  }
0x62: {  	_ =	shalt  }
0x63: {  	_ =	shalt  }
0x64: {  	_ =	shalt  }
0x65: {  	_ =	shalt  }
0x66: {  	_ =	shalt  }
0x67: {  	_ =	shalt  }
0x68: {  	_ =	shalt  }
0x69: {  	_ =	shalt  }
0x6a: {  	_ =	shalt  }
0x6b: {  	_ =	shalt  }
0x6c: {  	_ =	shalt  }
0x6d: {  	_ =	shalt  }
0x6e: {  	_ =	shalt  }
0x6f: {  	_ =	shalt  }
0x70: {  	_ =	shalt  }
0x71: {  	_ =	shalt  }
0x72: {  	_ =	shalt  }
0x73: {  	_ =	shalt  }
0x74: {  	_ =	shalt  }
0x75: {  	_ =	shalt  }
0x76: {  	_ =	shalt  }
0x77: {  	_ =	shalt  }
0x78: {  	_ =	shalt  }
0x79: {  	_ =	shalt  }
0x7a: {  	_ =	shalt  }
0x7b: {  	_ =	shalt  }
0x7c: {  	_ =	shalt  }
0x7d: {  	_ =	shalt  }
0x7e: {  	_ =	shalt  }
0x7f: {  	_ =	shalt  }
0x80: {  	_ =	shalt  }
0x81: {  	_ =	shalt  }
0x82: {  	_ =	shalt  }
0x83: {  	_ =	shalt  }
0x84: {  	_ =	shalt  }
0x85: {  	_ =	shalt  }
0x86: {  	_ =	shalt  }
0x87: {  	_ =	shalt  }
.Lfunc_end0:
.L_simem_size_0:
called_computation.1_lowered:
.L_overlay_start_0:
0x88: {  	s2 =	sld [smem:$0x3FD9]  }
0x89: {  	s3 =	sld [smem:$0x3FFE];
	_ =	sdelay $0x1  }
0x8a: {  	s1 =	srdreg.scid  }
0x8b: {  	s0 =	sand.u32 $0x1, s1  }
0x8c: {  	s16 =	sshll.u32 s0, $0xA;
	s2 =	sadd.s32 s3, s2  }
0x8d: {  	s2 =	sadd.s32 s2, s16  }
0x8e: {  	[smem:$0x3FBF] =	sst s2  }
0x8f: {  	_ = 	snop  }
0x90: {  	(tm) =	ssettm $0x1  }
0x91: {  	s17 =	sld [smem:$0x3FFB];
	_ =	sdelay $0x3  }
0x92: {  	_ =	strace s17  }
0x93: {  	s2 =	sld [smem:$0x3FFC];
	_ =	sdelay $0x3  }
0x94: {  	_ =	strace s2  }
0x95: {  	s2 =	sld [smem:$0x3FFD];
	_ =	sdelay $0x3  }
0x96: {  	_ =	strace s2  }
0x97: {  	_ =	strace $0x8FFFFFFF  }
0x98: {  	s18 =	sld [smem:$0x3FDB];
	_ =	sdelay $0x1  }
0x99: {  	s19 =	simm.s32 $_scs_section_size  }
0x9a: {  	s4 =	simm.s32 $_size__tile_overlayer_lowered;
	s5 =	simm.s32 $_tile_overlayer_lowered  }
0x9b: {  	s22 =	simm.s32 $0x1BFF;
	s21 =	sshll.u32 s5, $0x1;
	s2 =	sadd.s32 s19, s18  }
0x9c: {  	s6 =	simm.s32 $0x0;
	s20 =	sshll.u32 s4, $0x1;
	s4 =	sadd.s32 s21, s2  }
0x9d: {  	[timem:s6], [sflag:s22] =	dma.local [hbm:s4], s20  }
0x9e: {  	_ =	swait.ge [sflag:s22], s20  }
0x9f: {  	s3 =	ssub.s32 $0x0, s20;
	[sflag:s22] =	ssyncset.done $0x0  }
0xa0: {  	[sflag:s22] =	ssyncadd.s32 s3;
	_ =	sdelay $0x1  }
0xa1: {  	s23 =	simm.s32 $0x1B8B  }
0xa2: {  	_ =	swait.ge [sflag:s23], $0x1  }
0xa3: {  	[sflag:s23] =	ssyncset.done $0x0  }
0xa4: {  	s25 =	simm.s32 $0x1B8E;
	s24 =	sld [smem:$0x3FFE];
	[sflag:s23] =	ssyncadd.s32 $0xFFFFFFFF  }
0xa5: {  	s26 =	simm.s32 $execute0_lowered;
	[smem:$0x3FD2] =	sst s25  }
0xa6: {  	s4 =	sshll.u32 s26, $0x1;
	_ =	strace $0x80000049;
	[dreg:$0x1] =	wrdreg $0xFFFFFFFF  }
0xa7: {  	s28 =	simm.s32 $_size_execute0_lowered;
	s2 =	sadd.s32 s2, s4;
	[dreg:$0x0] =	wrdreg $0x0  }
0xa8: {  	s4 =	sshll.u32 s28, $0x1;
	[dreg:$0x2] =	wrdreg s2  }
0xa9: {  	[dreg:$0x3] =	wrdreg s4  }
0xaa: {  	[dreg:$0x4] =	wrdreg $0xC0  }
0xab: {  	_ =	task [dreg:s6], $0x5FFFF  }
0xac: {  	[dreg:$0x1] =	wrdreg $0xFFFFFFFF  }
0xad: {  	[dreg:$0x0] =	wrdreg $0x60  }
0xae: {  	[dreg:$0x2] =	wrdreg s24  }
0xaf: {  	[dreg:$0x3] =	wrdreg $0x0  }
0xb0: {  	[dreg:$0x4] =	wrdreg $0x9  }
0xb1: {  	_ =	task.clear_ibuf [dreg:s6], $0x5FFFF;
	_ =	strace $0x90000049  }
0xb2: {  	s29 =	simm.s32 $0x9;
	_ =	strace $0x8000004B  }
0xb3: {  	_ =	swait.ge [sflag:s29], $0x1  }
0xb4: {  	[sflag:s29] =	ssyncadd.s32 $0xFFFFFFFF  }
0xb5: {  	_ =	strace $0x9000004B  }
0xb6: {  	_ =	sfence  }
0xb7: {  	s30 =	sld [smem:$0x0];
	_ =	sdelay $0x2  }
0xb8: {  	s31 =	sshll.u32 s1, $0xD;
	s1 =	sshrl.u32 s1, $0x2  }
0xb9: {  	s3 =	sand.u32 $0x4000, s31;
	s1 =	sadd.s32 s1, s30  }
0xba: {  	s0 =	sor.u32 s3, s0;
	s1 =	sshll.u32 s1, $0x11  }
0xbb: {  	s0 =	sor.u32 s1, s0  }
0xbc: {  	s0 =	sadd.s32 $0x8F2B, s0  }
0xbd: {  	[sflag:s0] =	ssyncadd.remote.s32 $0x1  }
0xbe: {  	_ =	sfence.sel $0xFFFF  }
0xbf: {  	[dreg:$0x0] =	wrdreg $0xFFFFFFFF;
	(pc) =	sbr.abs _section_cstart, $3  }
0xc0: {  	[dreg:$0x1] =	wrdreg $0xFFFFFFFF  }
0xc1: {  	_ =	task.clear_ibuf [dreg:s6], $0x2FFFF;
	_ =	strace $0x9FFFFFFF  }
0xc2: {  	(tm) =	ssettm $0x7FFFFFFF  }
0xc3: {  	_ =	shalt  }
tec
execute0_lowered:
.L_overlay_start_1:
0x0: {  	(tag) =	ssettag $0x1  }
0x1: {  	s0 =	srdreg.scid;
	s3 =	rddreg [dreg:$0x0]  }
0x2: {  	s4 =	stileid.u32;
	s2 =	rddreg [dreg:$0x1]  }
0x3: {  	s10 =	simm.s32 $0x0;
	s29 =	simm.s32 $0x13000;
	s31 =	simm.s32 $0x15000  }
0x4: {  	s28 =	simm.s32 $0x3;
	s30 =	simm.s32 $0x1B000;
	s11 =	simm.s32 $0x1D000  }
0x5: {  	s12 =	simm.s32 $0x5;
	s13 =	simm.s32 $0x9;
	s14 =	simm.s32 $0x6  }
0x6: {  	s9 =	simm.s32 $0x10;
	s0 =	sand.u32 $0x1, s0;
	s5 =	smul.u32 $0x280, s4  }
0x7: {  	[smem:$0x7FF] =	sst s10;
	s7 =	smul.u32 $0x28000, s4;
	s8 =	sadd.s32 $0xA0E00, s3  }
0x8: {  	s1 =	sshll.u32 s0, $0x4;
	s6 =	smul.u32 $0x2800, s0;
	_ =	strace $0x8000004A  }
0x9: {  	[dreg:$0x3] =	wrdreg s8;
	s0 =	ssub.s32 $0x2, s0;
	s8 =	simm.s32 $0xF  }
0xa: {  	s1 =	sor.u32 s4, s1;
	s4 =	sadd.s32 $0x8D400, s3;
	s15 =	sshrl.u32 s7, $0x2  }
0xb: {  	s16 =	sshrl.u32 s0, $0x1;
	s7 =	simm.s32 $0xE;
	s1 =	smul.u32 $0x500, s1  }
0xc: {  	s5 =	sadd.s32 s5, s6;
	s6 =	sadd.s32 s15, s2;
	s0 =	ssub.s32 s0, s16  }
0xd: {  	s15 =	simm.s32 $0x7;
	s17 =	sadd.s32 $0x2000, s6;
	[dreg:$0x4] =	wrdreg s6  }
0xe: {  	s16 =	simm.s32 $0x8;
	s18 =	sadd.s32 $0x4000, s6;
	[dreg:$0x5] =	wrdreg s17  }
0xf: {  	s5 =	sshll.u32 s5, $0x3;
	s19 =	sadd.s32 $0x6000, s6;
	[dreg:$0x6] =	wrdreg s18  }
0x10: {  	s20 =	sadd.s32 $0x8000, s6;
	s0 =	smax.u32 s0, $0x1;
	[dreg:$0x7] =	wrdreg s19  }
0x11: {  	s1 =	sadd.s32 s1, s3;
	s3 =	sadd.s32 s5, s3;
	[dreg:$0x8] =	wrdreg s20  }
0x12: {  	[dreg:$0x10] =	wrdreg s0;
	s19 =	simm.s32 $0xF000;
	s21 =	sadd.s32 $0xC200, s1  }
0x13: {  	s20 =	simm.s32 $0x11;
	s1 =	sadd.s32 $0x2200, s1;
	[dreg:$0x9] =	wrdreg s21  }
0x14: {  	s0 =	simm.s32 $0x17000;
	s22 =	sadd.s32 $0xA1200, s3;
	[dreg:$0xa] =	wrdreg s1  }
0x15: {  	s5 =	simm.s32 $0x4;
	s23 =	sadd.s32 $0xA1600, s3;
	[dreg:$0xb] =	wrdreg s22  }
0x16: {  	s17 =	simm.s32 $0xC;
	s24 =	sadd.s32 $0xA1A00, s3;
	[dreg:$0xc] =	wrdreg s23  }
0x17: {  	s18 =	simm.s32 $0xD;
	s25 =	sadd.s32 $0xA1E00, s3;
	[dreg:$0xd] =	wrdreg s24  }
0x18: {  	s26 =	sadd.s32 $0xA2200, s3;
	s3 =	simm.s32 $0x0;
	[dreg:$0xe] =	wrdreg s25  }
0x19: {  	[dreg:$0xf] =	wrdreg s26;
	s23 =	simm.s32 $0x1;
	s24 =	simm.s32 $0x80  }
0x1a: {  	s26 =	simm.s32 $0x11000;
	s25 =	simm.s32 $0x2;
	s1 =	simm.s32 $0x19000  }
0x1b: {  	s21 =	simm.s32 $0xA;
	s22 =	simm.s32 $0xB;
	[dreg:$0x11] =	wrdreg s3  }
.LBB2_1:
0x1c: {  	s3 =	rddreg [dreg:$0x3]  }
0x1d: {  	[tilespmem:s19], [sflag:$0x11] =	stream.linear.gather [hbm4b:s3+s10], $0x2000, $0x38;
	[tilespmem:$0x1F000] =	vst v63  }
0x1e: {  	_ =	swait.ge [sflag:s20], $0x2000  }
0x1f: {  	[sflag:s20] =	ssyncset.done $0x0  }
0x20: {  	[sflag:s20] =	ssyncadd.s32 $0xFFFFE000  }
0x21: {  	[spmem:s6] =	stream.linear.scatter [tilespmem:s19], [sflag:$0x1], $0x2000, $0x38;
	[tilespmem:$0x1F000] =	vst v63  }
0x22: {  	s6 =	rddreg [dreg:$0x5]  }
0x23: {  	[spmem:s6] =	stream.linear.scatter [tilespmem:s19], [sflag:$0x1], $0x2000, $0x38;
	[tilespmem:$0x1F000] =	vst v63  }
0x24: {  	s6 =	rddreg [dreg:$0x6]  }
0x25: {  	[spmem:s6] =	stream.linear.scatter [tilespmem:s19], [sflag:$0x1], $0x2000, $0x38;
	[tilespmem:$0x1F000] =	vst v63  }
0x26: {  	s6 =	rddreg [dreg:$0x7]  }
0x27: {  	[spmem:s6] =	stream.linear.scatter [tilespmem:s19], [sflag:$0x1], $0x2000, $0x38;
	[tilespmem:$0x1F000] =	vst v63  }
0x28: {  	s6 =	rddreg [dreg:$0x8]  }
0x29: {  	[spmem:s6] =	stream.linear.scatter [tilespmem:s19], [sflag:$0x1], $0x2000, $0x38;
	[tilespmem:$0x1F000] =	vst v63  }
0x2a: {  	s3 =	rddreg [dreg:$0x9];
	s6 =	simm.s32 $0xA000  }
0x2b: {  	[tilespmem:s6], [sflag:$0x11] =	stream.linear.gather [hbm4b:s3+s10], $0x2800, $0x38;
	[tilespmem:$0x1F000] =	vst v63  }
0x2c: {  	_ =	swait.ge [sflag:s20], $0x2800  }
0x2d: {  	[sflag:s20] =	ssyncset.done $0x0  }
0x2e: {  	s6 =	simm.s32 $0xC800;
	s3 =	rddreg [dreg:$0xa];
	[sflag:s20] =	ssyncadd.s32 $0xFFFFD800  }
0x2f: {  	[tilespmem:s6], [sflag:$0x11] =	stream.linear.gather [hbm4b:s3+s10], $0x2800, $0x38;
	[tilespmem:$0x1F000] =	vst v63  }
0x30: {  	_ =	swait.ge [sflag:s20], $0x2800  }
0x31: {  	[sflag:s20] =	ssyncset.done $0x0  }
0x32: {  	[sflag:s20] =	ssyncadd.s32 $0xFFFFD800  }
0x33: {  	_ =	swait.ge [sflag:s23], $0x2000  }
0x34: {  	[sflag:s23] =	ssyncset.done $0x0  }
0x35: {  	[sflag:s23] =	ssyncadd.s32 $0xFFFFE000  }
0x36: {  	_ =	swait.ge [sflag:s23], $0x2000  }
0x37: {  	[sflag:s23] =	ssyncset.done $0x0  }
0x38: {  	[sflag:s23] =	ssyncadd.s32 $0xFFFFE000  }
0x39: {  	_ =	swait.ge [sflag:s23], $0x2000  }
0x3a: {  	[sflag:s23] =	ssyncset.done $0x0  }
0x3b: {  	[sflag:s23] =	ssyncadd.s32 $0xFFFFE000  }
0x3c: {  	_ =	swait.ge [sflag:s23], $0x2000  }
0x3d: {  	[sflag:s23] =	ssyncset.done $0x0  }
0x3e: {  	[sflag:s23] =	ssyncadd.s32 $0xFFFFE000  }
0x3f: {  	_ =	swait.ge [sflag:s23], $0x2000  }
0x40: {  	[sflag:s23] =	ssyncset.done $0x0  }
0x41: {  	[sflag:s23] =	ssyncadd.s32 $0xFFFFE000  }
0x42: {  	s20 =	simm.s32 $0xA000;
	[bflag:$0x0] =	sbarrier.arrive $0xFFFF  }
0x43: {  	[tilespmem:s19], [sflag:$0x1] =	stream.indirect.gather [hbm4b:s4+s24], $0x40, s20, s24, $0xb8;
	[tilespmem:$0x1F000] =	vst v63  }
0x44: {  	s10 =	simm.s32 $0xA080  }
0x45: {  	[tilespmem:s26], [sflag:$0x2] =	stream.indirect.gather [hbm4b:s4+s24], $0x40, s10, s24, $0xb8;
	[tilespmem:$0x1F000] =	vst v63  }
0x46: {  	s20 =	simm.s32 $0xA100  }
0x47: {  	[tilespmem:s29], [sflag:$0x3] =	stream.indirect.gather [hbm4b:s4+s24], $0x40, s20, s24, $0xb8;
	[tilespmem:$0x1F000] =	vst v63  }
0x48: {  	s10 =	simm.s32 $0xA180  }
0x49: {  	[tilespmem:s31], [sflag:$0x4] =	stream.indirect.gather [hbm4b:s4+s24], $0x40, s10, s24, $0xb8;
	[tilespmem:$0x1F000] =	vst v63  }
0x4a: {  	_ =	swait.ge [sflag:s23], $0x2000  }
0x4b: {  	[sflag:s23] =	ssyncset.done $0x0  }
0x4c: {  	s6 =	simm.s32 $0xC800;
	[sflag:s23] =	ssyncadd.s32 $0xFFFFE000  }
0x4d: {  	[spmem:s2] =	stream.indirect.scatter.add.f32 [tilespmem:s19], [sflag:$0x9], $0x40, s6, s24, $0xb8;
	[tilespmem:$0x1F000] =	vst v63  }
0x4e: {  	s20 =	simm.s32 $0xA200  }
0x4f: {  	[tilespmem:s0], [sflag:$0x5] =	stream.indirect.gather [hbm4b:s4+s24], $0x40, s20, s24, $0xb8;
	[tilespmem:$0x1F000] =	vst v63  }
0x50: {  	_ =	swait.ge [sflag:s25], $0x2000  }
0x51: {  	[sflag:s25] =	ssyncset.done $0x0  }
0x52: {  	s6 =	simm.s32 $0xC880;
	[sflag:s25] =	ssyncadd.s32 $0xFFFFE000  }
0x53: {  	[spmem:s2] =	stream.indirect.scatter.add.f32 [tilespmem:s26], [sflag:$0xA], $0x40, s6, s24, $0xb8;
	[tilespmem:$0x1F000] =	vst v63  }
0x54: {  	s10 =	simm.s32 $0xA280  }
0x55: {  	[tilespmem:s1], [sflag:$0x6] =	stream.indirect.gather [hbm4b:s4+s24], $0x40, s10, s24, $0xb8;
	[tilespmem:$0x1F000] =	vst v63  }
0x56: {  	_ =	swait.ge [sflag:s28], $0x2000  }
0x57: {  	[sflag:s28] =	ssyncset.done $0x0  }
0x58: {  	s20 =	simm.s32 $0xC900;
	[sflag:s28] =	ssyncadd.s32 $0xFFFFE000  }
0x59: {  	[spmem:s2] =	stream.indirect.scatter.add.f32 [tilespmem:s29], [sflag:$0xB], $0x40, s20, s24, $0xb8;
	[tilespmem:$0x1F000] =	vst v63  }
0x5a: {  	s6 =	simm.s32 $0xA300  }
0x5b: {  	[tilespmem:s30], [sflag:$0x7] =	stream.indirect.gather [hbm4b:s4+s24], $0x40, s6, s24, $0xb8;
	[tilespmem:$0x1F000] =	vst v63  }
0x5c: {  	_ =	swait.ge [sflag:s5], $0x2000  }
0x5d: {  	[sflag:s5] =	ssyncset.done $0x0  }
0x5e: {  	s10 =	simm.s32 $0xC980;
	[sflag:s5] =	ssyncadd.s32 $0xFFFFE000  }
0x5f: {  	[spmem:s2] =	stream.indirect.scatter.add.f32 [tilespmem:s31], [sflag:$0xC], $0x40, s10, s24, $0xb8;
	[tilespmem:$0x1F000] =	vst v63  }
0x60: {  	s20 =	simm.s32 $0xA380  }
0x61: {  	[tilespmem:s11], [sflag:$0x8] =	stream.indirect.gather [hbm4b:s4+s24], $0x40, s20, s24, $0xb8;
	[tilespmem:$0x1F000] =	vst v63  }
0x62: {  	_ =	swait.ge [sflag:s12], $0x2000  }
0x63: {  	[sflag:s12] =	ssyncset.done $0x0  }
0x64: {  	s6 =	simm.s32 $0xCA00;
	[sflag:s12] =	ssyncadd.s32 $0xFFFFE000  }
0x65: {  	[spmem:s2] =	stream.indirect.scatter.add.f32 [tilespmem:s0], [sflag:$0xD], $0x40, s6, s24, $0xb8;
	[tilespmem:$0x1F000] =	vst v63  }
0x66: {  	_ =	swait.ge [sflag:s13], $0x2000  }
0x67: {  	[sflag:s13] =	ssyncset.done $0x0  }
0x68: {  	s10 =	simm.s32 $0xA400;
	[sflag:s13] =	ssyncadd.s32 $0xFFFFE000  }
0x69: {  	[tilespmem:s19], [sflag:$0x1] =	stream.indirect.gather [hbm4b:s4+s24], $0x40, s10, s24, $0xb8;
	[tilespmem:$0x1F000] =	vst v63  }
0x6a: {  	_ =	swait.ge [sflag:s14], $0x2000  }
0x6b: {  	[sflag:s14] =	ssyncset.done $0x0  }
0x6c: {  	s20 =	simm.s32 $0xCA80;
	[sflag:s14] =	ssyncadd.s32 $0xFFFFE000  }
0x6d: {  	[spmem:s2] =	stream.indirect.scatter.add.f32 [tilespmem:s1], [sflag:$0xE], $0x40, s20, s24, $0xb8;
	[tilespmem:$0x1F000] =	vst v63  }
0x6e: {  	_ =	swait.ge [sflag:s21], $0x2000  }
0x6f: {  	[sflag:s21] =	ssyncset.done $0x0  }
0x70: {  	s6 =	simm.s32 $0xA480;
	[sflag:s21] =	ssyncadd.s32 $0xFFFFE000  }
0x71: {  	[tilespmem:s26], [sflag:$0x2] =	stream.indirect.gather [hbm4b:s4+s24], $0x40, s6, s24, $0xb8;
	[tilespmem:$0x1F000] =	vst v63  }
0x72: {  	_ =	swait.ge [sflag:s15], $0x2000  }
0x73: {  	[sflag:s15] =	ssyncset.done $0x0  }
0x74: {  	s10 =	simm.s32 $0xCB00;
	[sflag:s15] =	ssyncadd.s32 $0xFFFFE000  }
0x75: {  	[spmem:s2] =	stream.indirect.scatter.add.f32 [tilespmem:s30], [sflag:$0xF], $0x40, s10, s24, $0xb8;
	[tilespmem:$0x1F000] =	vst v63  }
0x76: {  	_ =	swait.ge [sflag:s22], $0x2000  }
0x77: {  	[sflag:s22] =	ssyncset.done $0x0  }
0x78: {  	s20 =	simm.s32 $0xA500;
	[sflag:s22] =	ssyncadd.s32 $0xFFFFE000  }
0x79: {  	[tilespmem:s29], [sflag:$0x3] =	stream.indirect.gather [hbm4b:s4+s24], $0x40, s20, s24, $0xb8;
	[tilespmem:$0x1F000] =	vst v63  }
0x7a: {  	_ =	swait.ge [sflag:s16], $0x2000  }
0x7b: {  	[sflag:s16] =	ssyncset.done $0x0  }
0x7c: {  	s6 =	simm.s32 $0xCB80;
	[sflag:s16] =	ssyncadd.s32 $0xFFFFE000  }
0x7d: {  	[spmem:s2] =	stream.indirect.scatter.add.f32 [tilespmem:s11], [sflag:$0x10], $0x40, s6, s24, $0xb8;
	[tilespmem:$0x1F000] =	vst v63  }
0x7e: {  	_ =	swait.ge [sflag:s17], $0x2000  }
0x7f: {  	[sflag:s17] =	ssyncset.done $0x0  }
0x80: {  	s10 =	simm.s32 $0xA580;
	[sflag:s17] =	ssyncadd.s32 $0xFFFFE000  }
0x81: {  	[tilespmem:s31], [sflag:$0x4] =	stream.indirect.gather [hbm4b:s4+s24], $0x40, s10, s24, $0xb8;
	[tilespmem:$0x1F000] =	vst v63  }
0x82: {  	_ =	swait.ge [sflag:s23], $0x2000  }
0x83: {  	[sflag:s23] =	ssyncset.done $0x0  }
0x84: {  	s20 =	simm.s32 $0xCC00;
	[sflag:s23] =	ssyncadd.s32 $0xFFFFE000  }
0x85: {  	[spmem:s2] =	stream.indirect.scatter.add.f32 [tilespmem:s19], [sflag:$0x9], $0x40, s20, s24, $0xb8;
	[tilespmem:$0x1F000] =	vst v63  }
0x86: {  	_ =	swait.ge [sflag:s18], $0x2000  }
0x87: {  	[sflag:s18] =	ssyncset.done $0x0  }
0x88: {  	s6 =	simm.s32 $0xA600;
	[sflag:s18] =	ssyncadd.s32 $0xFFFFE000  }
0x89: {  	[tilespmem:s0], [sflag:$0x5] =	stream.indirect.gather [hbm4b:s4+s24], $0x40, s6, s24, $0xb8;
	[tilespmem:$0x1F000] =	vst v63  }
0x8a: {  	_ =	swait.ge [sflag:s25], $0x2000  }
0x8b: {  	[sflag:s25] =	ssyncset.done $0x0  }
0x8c: {  	s10 =	simm.s32 $0xCC80;
	[sflag:s25] =	ssyncadd.s32 $0xFFFFE000  }
0x8d: {  	[spmem:s2] =	stream.indirect.scatter.add.f32 [tilespmem:s26], [sflag:$0xA], $0x40, s10, s24, $0xb8;
	[tilespmem:$0x1F000] =	vst v63  }
0x8e: {  	_ =	swait.ge [sflag:s7], $0x2000  }
0x8f: {  	[sflag:s7] =	ssyncset.done $0x0  }
0x90: {  	s20 =	simm.s32 $0xA680;
	[sflag:s7] =	ssyncadd.s32 $0xFFFFE000  }
0x91: {  	[tilespmem:s1], [sflag:$0x6] =	stream.indirect.gather [hbm4b:s4+s24], $0x40, s20, s24, $0xb8;
	[tilespmem:$0x1F000] =	vst v63  }
0x92: {  	_ =	swait.ge [sflag:s28], $0x2000  }
0x93: {  	[sflag:s28] =	ssyncset.done $0x0  }
0x94: {  	s6 =	simm.s32 $0xCD00;
	[sflag:s28] =	ssyncadd.s32 $0xFFFFE000  }
0x95: {  	[spmem:s2] =	stream.indirect.scatter.add.f32 [tilespmem:s29], [sflag:$0xB], $0x40, s6, s24, $0xb8;
	[tilespmem:$0x1F000] =	vst v63  }
0x96: {  	_ =	swait.ge [sflag:s8], $0x2000  }
0x97: {  	[sflag:s8] =	ssyncset.done $0x0  }
0x98: {  	s10 =	simm.s32 $0xA700;
	[sflag:s8] =	ssyncadd.s32 $0xFFFFE000  }
0x99: {  	[tilespmem:s30], [sflag:$0x7] =	stream.indirect.gather [hbm4b:s4+s24], $0x40, s10, s24, $0xb8;
	[tilespmem:$0x1F000] =	vst v63  }
0x9a: {  	_ =	swait.ge [sflag:s5], $0x2000  }
0x9b: {  	[sflag:s5] =	ssyncset.done $0x0  }
0x9c: {  	s20 =	simm.s32 $0xCD80;
	[sflag:s5] =	ssyncadd.s32 $0xFFFFE000  }
0x9d: {  	[spmem:s2] =	stream.indirect.scatter.add.f32 [tilespmem:s31], [sflag:$0xC], $0x40, s20, s24, $0xb8;
	[tilespmem:$0x1F000] =	vst v63  }
0x9e: {  	_ =	swait.ge [sflag:s9], $0x2000  }
0x9f: {  	s3 =	simm.s32 $0xA780;
	[sflag:s9] =	ssyncset.done $0x0  }
0xa0: {  	s6 =	simm.s32 $0x1000;
	s20 =	simm.s32 $0x11;
	[sflag:s9] =	ssyncadd.s32 $0xFFFFE000  }
.LBB2_2:
0xa1: {  	[tilespmem:s11], [sflag:$0x8] =	stream.indirect.gather [hbm4b:s4+s24], $0x40, s3, s24, $0xb8;
	[tilespmem:$0x1F000] =	vst v63  }
0xa2: {  	s3 =	smov.u32 s6  }
0xa3: {  	p0 =	sne.s32 s6, $0x8000;
	s6 =	sadd.s32 $0x1000, s6;
	_ =	swait.ge [sflag:s12], $0x2000  }
0xa4: {  	s3 =	sshra.s32 s3, $0x2;
	[sflag:s12] =	ssyncset.done $0x0  }
0xa5: {  	s10 =	sadd.s32 $0xCA00, s3;
	[sflag:s12] =	ssyncadd.s32 $0xFFFFE000  }
0xa6: {  	[spmem:s2] =	stream.indirect.scatter.add.f32 [tilespmem:s0], [sflag:$0xD], $0x40, s10, s24, $0xb8;
	[tilespmem:$0x1F000] =	vst v63  }
0xa7: {  	_ =	swait.ge [sflag:s13], $0x2000  }
0xa8: {  	[sflag:s13] =	ssyncset.done $0x0  }
0xa9: {  	s10 =	sadd.s32 $0xA400, s3;
	[sflag:s13] =	ssyncadd.s32 $0xFFFFE000  }
0xaa: {  	[tilespmem:s19], [sflag:$0x1] =	stream.indirect.gather [hbm4b:s4+s24], $0x40, s10, s24, $0xb8;
	[tilespmem:$0x1F000] =	vst v63  }
0xab: {  	_ =	swait.ge [sflag:s14], $0x2000  }
0xac: {  	[sflag:s14] =	ssyncset.done $0x0  }
0xad: {  	s10 =	sadd.s32 $0xCA80, s3;
	[sflag:s14] =	ssyncadd.s32 $0xFFFFE000  }
0xae: {  	[spmem:s2] =	stream.indirect.scatter.add.f32 [tilespmem:s1], [sflag:$0xE], $0x40, s10, s24, $0xb8;
	[tilespmem:$0x1F000] =	vst v63  }
0xaf: {  	_ =	swait.ge [sflag:s21], $0x2000  }
0xb0: {  	[sflag:s21] =	ssyncset.done $0x0  }
0xb1: {  	s10 =	sadd.s32 $0xA480, s3;
	[sflag:s21] =	ssyncadd.s32 $0xFFFFE000  }
0xb2: {  	[tilespmem:s26], [sflag:$0x2] =	stream.indirect.gather [hbm4b:s4+s24], $0x40, s10, s24, $0xb8;
	[tilespmem:$0x1F000] =	vst v63  }
0xb3: {  	_ =	swait.ge [sflag:s15], $0x2000  }
0xb4: {  	[sflag:s15] =	ssyncset.done $0x0  }
0xb5: {  	s10 =	sadd.s32 $0xCB00, s3;
	[sflag:s15] =	ssyncadd.s32 $0xFFFFE000  }
0xb6: {  	[spmem:s2] =	stream.indirect.scatter.add.f32 [tilespmem:s30], [sflag:$0xF], $0x40, s10, s24, $0xb8;
	[tilespmem:$0x1F000] =	vst v63  }
0xb7: {  	_ =	swait.ge [sflag:s22], $0x2000  }
0xb8: {  	[sflag:s22] =	ssyncset.done $0x0  }
0xb9: {  	s10 =	sadd.s32 $0xA500, s3;
	[sflag:s22] =	ssyncadd.s32 $0xFFFFE000  }
0xba: {  	[tilespmem:s29], [sflag:$0x3] =	stream.indirect.gather [hbm4b:s4+s24], $0x40, s10, s24, $0xb8;
	[tilespmem:$0x1F000] =	vst v63  }
0xbb: {  	_ =	swait.ge [sflag:s16], $0x2000  }
0xbc: {  	[sflag:s16] =	ssyncset.done $0x0  }
0xbd: {  	s10 =	sadd.s32 $0xCB80, s3;
	[sflag:s16] =	ssyncadd.s32 $0xFFFFE000  }
0xbe: {  	[spmem:s2] =	stream.indirect.scatter.add.f32 [tilespmem:s11], [sflag:$0x10], $0x40, s10, s24, $0xb8;
	[tilespmem:$0x1F000] =	vst v63  }
0xbf: {  	_ =	swait.ge [sflag:s17], $0x2000  }
0xc0: {  	[sflag:s17] =	ssyncset.done $0x0  }
0xc1: {  	s10 =	sadd.s32 $0xA580, s3;
	[sflag:s17] =	ssyncadd.s32 $0xFFFFE000  }
0xc2: {  	[tilespmem:s31], [sflag:$0x4] =	stream.indirect.gather [hbm4b:s4+s24], $0x40, s10, s24, $0xb8;
	[tilespmem:$0x1F000] =	vst v63  }
0xc3: {  	_ =	swait.ge [sflag:s23], $0x2000  }
0xc4: {  	[sflag:s23] =	ssyncset.done $0x0  }
0xc5: {  	s10 =	sadd.s32 $0xCC00, s3;
	[sflag:s23] =	ssyncadd.s32 $0xFFFFE000  }
0xc6: {  	[spmem:s2] =	stream.indirect.scatter.add.f32 [tilespmem:s19], [sflag:$0x9], $0x40, s10, s24, $0xb8;
	[tilespmem:$0x1F000] =	vst v63  }
0xc7: {  	_ =	swait.ge [sflag:s18], $0x2000  }
0xc8: {  	[sflag:s18] =	ssyncset.done $0x0  }
0xc9: {  	s10 =	sadd.s32 $0xA600, s3;
	[sflag:s18] =	ssyncadd.s32 $0xFFFFE000  }
0xca: {  	[tilespmem:s0], [sflag:$0x5] =	stream.indirect.gather [hbm4b:s4+s24], $0x40, s10, s24, $0xb8;
	[tilespmem:$0x1F000] =	vst v63  }
0xcb: {  	_ =	swait.ge [sflag:s25], $0x2000  }
0xcc: {  	[sflag:s25] =	ssyncset.done $0x0  }
0xcd: {  	s10 =	sadd.s32 $0xCC80, s3;
	[sflag:s25] =	ssyncadd.s32 $0xFFFFE000  }
0xce: {  	[spmem:s2] =	stream.indirect.scatter.add.f32 [tilespmem:s26], [sflag:$0xA], $0x40, s10, s24, $0xb8;
	[tilespmem:$0x1F000] =	vst v63  }
0xcf: {  	_ =	swait.ge [sflag:s7], $0x2000  }
0xd0: {  	[sflag:s7] =	ssyncset.done $0x0  }
0xd1: {  	s10 =	sadd.s32 $0xA680, s3;
	[sflag:s7] =	ssyncadd.s32 $0xFFFFE000  }
0xd2: {  	[tilespmem:s1], [sflag:$0x6] =	stream.indirect.gather [hbm4b:s4+s24], $0x40, s10, s24, $0xb8;
	[tilespmem:$0x1F000] =	vst v63  }
0xd3: {  	_ =	swait.ge [sflag:s28], $0x2000  }
0xd4: {  	[sflag:s28] =	ssyncset.done $0x0  }
0xd5: {  	s10 =	sadd.s32 $0xCD00, s3;
	[sflag:s28] =	ssyncadd.s32 $0xFFFFE000  }
0xd6: {  	[spmem:s2] =	stream.indirect.scatter.add.f32 [tilespmem:s29], [sflag:$0xB], $0x40, s10, s24, $0xb8;
	[tilespmem:$0x1F000] =	vst v63  }
0xd7: {  	_ =	swait.ge [sflag:s8], $0x2000  }
0xd8: {  	[sflag:s8] =	ssyncset.done $0x0  }
0xd9: {  	s10 =	sadd.s32 $0xA700, s3;
	[sflag:s8] =	ssyncadd.s32 $0xFFFFE000  }
0xda: {  	[tilespmem:s30], [sflag:$0x7] =	stream.indirect.gather [hbm4b:s4+s24], $0x40, s10, s24, $0xb8;
	[tilespmem:$0x1F000] =	vst v63  }
0xdb: {  	_ =	swait.ge [sflag:s5], $0x2000  }
0xdc: {  	[sflag:s5] =	ssyncset.done $0x0  }
.Ltmp0:
0xdd: {  	s10 =	sadd.s32 $0xCD80, s3;
	[sflag:s5] =	ssyncadd.s32 $0xFFFFE000;
	(pc) =	sbr.rel @p0 .LBB2_2-.Ltmp0, $4  }
0xde: {  	[spmem:s2] =	stream.indirect.scatter.add.f32 [tilespmem:s31], [sflag:$0xC], $0x40, s10, s24, $0xb8;
	[tilespmem:$0x1F000] =	vst v63  }
0xdf: {  	_ =	swait.ge [sflag:s9], $0x2000  }
0xe0: {  	[sflag:s9] =	ssyncset.done $0x0  }
0xe1: {  	s3 =	sadd.s32 $0xA780, s3;
	[sflag:s9] =	ssyncadd.s32 $0xFFFFE000  }
0xe2: {  	[tilespmem:s11], [sflag:$0x8] =	stream.indirect.gather [hbm4b:s4+s24], $0x40, s3, s24, $0xb8;
	[tilespmem:$0x1F000] =	vst v63  }
0xe3: {  	_ =	swait.ge [sflag:s12], $0x2000  }
0xe4: {  	[sflag:s12] =	ssyncset.done $0x0  }
0xe5: {  	s10 =	simm.s32 $0xEE00;
	[sflag:s12] =	ssyncadd.s32 $0xFFFFE000  }
0xe6: {  	[spmem:s2] =	stream.indirect.scatter.add.f32 [tilespmem:s0], [sflag:$0xD], $0x40, s10, s24, $0xb8;
	[tilespmem:$0x1F000] =	vst v63  }
0xe7: {  	_ =	swait.ge [sflag:s13], $0x2000  }
0xe8: {  	[sflag:s13] =	ssyncset.done $0x0  }
0xe9: {  	[sflag:s13] =	ssyncadd.s32 $0xFFFFE000  }
0xea: {  	_ =	swait.ge [sflag:s14], $0x2000  }
0xeb: {  	[sflag:s14] =	ssyncset.done $0x0  }
0xec: {  	s6 =	simm.s32 $0xEE80;
	[sflag:s14] =	ssyncadd.s32 $0xFFFFE000  }
0xed: {  	[spmem:s2] =	stream.indirect.scatter.add.f32 [tilespmem:s1], [sflag:$0xE], $0x40, s6, s24, $0xb8;
	[tilespmem:$0x1F000] =	vst v63  }
0xee: {  	_ =	swait.ge [sflag:s21], $0x2000  }
0xef: {  	[sflag:s21] =	ssyncset.done $0x0  }
0xf0: {  	[sflag:s21] =	ssyncadd.s32 $0xFFFFE000  }
0xf1: {  	_ =	swait.ge [sflag:s15], $0x2000  }
0xf2: {  	[sflag:s15] =	ssyncset.done $0x0  }
0xf3: {  	s10 =	simm.s32 $0xEF00;
	[sflag:s15] =	ssyncadd.s32 $0xFFFFE000  }
0xf4: {  	[spmem:s2] =	stream.indirect.scatter.add.f32 [tilespmem:s30], [sflag:$0xF], $0x40, s10, s24, $0xb8;
	[tilespmem:$0x1F000] =	vst v63  }
0xf5: {  	_ =	swait.ge [sflag:s22], $0x2000  }
0xf6: {  	[sflag:s22] =	ssyncset.done $0x0  }
0xf7: {  	[sflag:s22] =	ssyncadd.s32 $0xFFFFE000  }
0xf8: {  	_ =	swait.ge [sflag:s16], $0x2000  }
0xf9: {  	[sflag:s16] =	ssyncset.done $0x0  }
0xfa: {  	s6 =	simm.s32 $0xEF80;
	[sflag:s16] =	ssyncadd.s32 $0xFFFFE000  }
0xfb: {  	[spmem:s2] =	stream.indirect.scatter.add.f32 [tilespmem:s11], [sflag:$0x10], $0x40, s6, s24, $0xb8;
	[tilespmem:$0x1F000] =	vst v63  }
0xfc: {  	_ =	swait.ge [sflag:s17], $0x2000  }
0xfd: {  	[sflag:s17] =	ssyncset.done $0x0  }
0xfe: {  	[sflag:s17] =	ssyncadd.s32 $0xFFFFE000  }
0xff: {  	_ =	swait.ge [sflag:s18], $0x2000  }
0x100: {  	[sflag:s18] =	ssyncset.done $0x0  }
0x101: {  	[sflag:s18] =	ssyncadd.s32 $0xFFFFE000  }
0x102: {  	_ =	swait.ge [sflag:s7], $0x2000  }
0x103: {  	[sflag:s7] =	ssyncset.done $0x0  }
0x104: {  	[sflag:s7] =	ssyncadd.s32 $0xFFFFE000  }
0x105: {  	_ =	swait.ge [sflag:s8], $0x2000  }
0x106: {  	[sflag:s8] =	ssyncset.done $0x0  }
0x107: {  	[sflag:s8] =	ssyncadd.s32 $0xFFFFE000  }
0x108: {  	_ =	swait.ge [sflag:s9], $0x2000  }
0x109: {  	[sflag:s9] =	ssyncset.done $0x0  }
0x10a: {  	[sflag:s9] =	ssyncadd.s32 $0xFFFFE000  }
0x10b: {  	[bflag:$0x0] =	sbarrier.arrive $0xFFFF  }
0x10c: {  	s10 =	rddreg [dreg:$0x4]  }
0x10d: {  	[tilespmem:s19], [sflag:$0x11] =	stream.linear.gather [spmem:s10], $0x2000, $0x38;
	[tilespmem:$0x1F000] =	vst v63  }
0x10e: {  	_ =	swait.ge [sflag:s20], $0x2000  }
0x10f: {  	[sflag:s20] =	ssyncset.done $0x0  }
0x110: {  	s10 =	simm.s32 $0x0;
	s6 =	rddreg [dreg:$0xb];
	[sflag:s20] =	ssyncadd.s32 $0xFFFFE000  }
0x111: {  	[hbm4b:s6+s10] =	stream.linear.scatter [tilespmem:s19], [sflag:$0x9], $0x2000, $0x38;
	[tilespmem:$0x1F000] =	vst v63  }
0x112: {  	s6 =	rddreg [dreg:$0x5]  }
0x113: {  	[tilespmem:s26], [sflag:$0x11] =	stream.linear.gather [spmem:s6], $0x2000, $0x38;
	[tilespmem:$0x1F000] =	vst v63  }
0x114: {  	_ =	swait.ge [sflag:s20], $0x2000  }
0x115: {  	[sflag:s20] =	ssyncset.done $0x0  }
0x116: {  	s6 =	rddreg [dreg:$0xc];
	[sflag:s20] =	ssyncadd.s32 $0xFFFFE000  }
0x117: {  	[hbm4b:s6+s10] =	stream.linear.scatter [tilespmem:s26], [sflag:$0xA], $0x2000, $0x38;
	[tilespmem:$0x1F000] =	vst v63  }
0x118: {  	_ =	swait.ge [sflag:s13], $0x2000  }
0x119: {  	[sflag:s13] =	ssyncset.done $0x0  }
0x11a: {  	s6 =	rddreg [dreg:$0x6];
	[sflag:s13] =	ssyncadd.s32 $0xFFFFE000  }
0x11b: {  	[tilespmem:s19], [sflag:$0x11] =	stream.linear.gather [spmem:s6], $0x2000, $0x38;
	[tilespmem:$0x1F000] =	vst v63  }
0x11c: {  	_ =	swait.ge [sflag:s20], $0x2000  }
0x11d: {  	[sflag:s20] =	ssyncset.done $0x0  }
0x11e: {  	[sflag:s20] =	ssyncadd.s32 $0xFFFFE000;
	s20 =	rddreg [dreg:$0xd]  }
0x11f: {  	[hbm4b:s20+s10] =	stream.linear.scatter [tilespmem:s19], [sflag:$0x9], $0x2000, $0x38;
	[tilespmem:$0x1F000] =	vst v63  }
0x120: {  	_ =	swait.ge [sflag:s21], $0x2000  }
0x121: {  	[sflag:s21] =	ssyncset.done $0x0  }
0x122: {  	s20 =	simm.s32 $0x11;
	s6 =	rddreg [dreg:$0x7];
	[sflag:s21] =	ssyncadd.s32 $0xFFFFE000  }
0x123: {  	[tilespmem:s26], [sflag:$0x11] =	stream.linear.gather [spmem:s6], $0x2000, $0x38;
	[tilespmem:$0x1F000] =	vst v63  }
0x124: {  	_ =	swait.ge [sflag:s20], $0x2000  }
0x125: {  	[sflag:s20] =	ssyncset.done $0x0  }
0x126: {  	s6 =	rddreg [dreg:$0xe];
	[sflag:s20] =	ssyncadd.s32 $0xFFFFE000  }
0x127: {  	[hbm4b:s6+s10] =	stream.linear.scatter [tilespmem:s26], [sflag:$0xA], $0x2000, $0x38;
	[tilespmem:$0x1F000] =	vst v63  }
0x128: {  	_ =	swait.ge [sflag:s13], $0x2000  }
0x129: {  	[sflag:s13] =	ssyncset.done $0x0  }
0x12a: {  	s6 =	rddreg [dreg:$0x8];
	[sflag:s13] =	ssyncadd.s32 $0xFFFFE000  }
0x12b: {  	[tilespmem:s19], [sflag:$0x11] =	stream.linear.gather [spmem:s6], $0x2000, $0x38;
	[tilespmem:$0x1F000] =	vst v63  }
0x12c: {  	_ =	swait.ge [sflag:s20], $0x2000  }
0x12d: {  	[sflag:s20] =	ssyncset.done $0x0  }
0x12e: {  	s6 =	rddreg [dreg:$0xf];
	[sflag:s20] =	ssyncadd.s32 $0xFFFFE000  }
0x12f: {  	[hbm4b:s6+s10] =	stream.linear.scatter [tilespmem:s19], [sflag:$0x9], $0x2000, $0x38;
	[tilespmem:$0x1F000] =	vst v63  }
0x130: {  	_ =	swait.ge [sflag:s21], $0x2000  }
0x131: {  	[sflag:s21] =	ssyncset.done $0x0  }
0x132: {  	[sflag:s21] =	ssyncadd.s32 $0xFFFFE000  }
0x133: {  	_ =	swait.ge [sflag:s13], $0x2000  }
0x134: {  	s6 =	rddreg [dreg:$0x11]  }
0x135: {  	s3 =	rddreg [dreg:$0x10];
	s6 =	sadd.s32 $0x1, s6  }
0x136: {  	p0 =	sne.s32 s6, s3  }
.Ltmp1:
0x137: {  	_ = 	snop;
	(pc) =	sbr.rel @p0 .LBB2_1-.Ltmp1, $3  }
0x138: {  	_ =	sdelay $0x1  }
0x139: {  	[sflag:s13] =	ssyncset.done $0x0;
	[dreg:$0x11] =	wrdreg s6  }
0x13a: {  	[sflag:s13] =	ssyncadd.s32 $0xFFFFE000;
	s6 =	rddreg [dreg:$0x4]  }
0x13b: {  	_ =	sfence.sel $0x180000  }
0x13c: {  	[bflag:$0x0] =	sbarrier.arrive $0xFFFF  }
0x13d: {  	_ =	strace $0x9000004A  }
0x13e: {  	s0 =	stileid.u32;
	[bflag:$0x2] =	sbarrier.arrive $0xFFFF  }
0x13f: {  	p0 =	sne.s32 s0, $0x0;
	s0 =	rddreg [dreg:$0x2]  }
0x140: {  	s0 =	sadd.s32 @!p0 $0x100000, s0  }
0x141: {  	[sflag:s0] =	ssyncadd.tile.s32 @!p0 $0x1;
	_ =	shalt  }
.Lfunc_end2:
_tile_overlayer_lowered:
.L_overlay_start_2:
0x142: {  	(tag) =	ssettag $0x2  }
0x143: {  	s0 =	rddreg [dreg:$0x0];
	s2 =	stileid.u32  }
0x144: {  	s1 =	rddreg [dreg:$0x1];
	p0 =	sne.s32 s2, $0x0  }
0x145: {  	s3 =	rddreg [dreg:$0x2];
	[bflag:$0x3] =	sbarrier.arrive $0xFFFF;
	s2 =	simm.s32 @!p0 $0x1C11  }
0x146: {  	[timem:s3], [sflag:s2] =	dma.local @!p0 [hbm:s0], s1  }
0x147: {  	s0 =	simm.s32 @!p0 $0x11  }
0x148: {  	_ =	swait.ge @!p0 [sflag:s0], s1  }
0x149: {  	s1 =	ssub.s32 @!p0 $0x0, s1;
	[sflag:s0] =	ssyncset.done @!p0 $0x0  }
0x14a: {  	[sflag:s0] =	ssyncadd.s32 @!p0 s1  }
0x14b: {  	[bflag:$0x3] =	sbarrier.arrive $0xFFFF  }
0x14c: {  	_ =	shalt  }

// kernel: kernel.14.cloned.1.call-start
scs
__scs_entry_jumppad:
0x0: {  	(pc) =	sbr.rel $0x88, $3  }
0x1: {  	(tag) =	ssettag $0x0;
	lr =	simm.s32 $0x1  }
0x2: {  	[smem:$0x3F98] =	sst lr;
	_ =	strace $0xD0000000  }
0x3: {  	_ = 	snop  }
0x4: {  	_ = 	snop  }
0x5: {  	_ = 	snop  }
0x6: {  	_ = 	snop  }
0x7: {  	_ = 	snop  }
__scs_overlays_trampoline_lowered:
0x8: {  	[smem:$0x3FA7] =	sst s0  }
0x9: {  	[smem:$0x3FA8] =	sst s1  }
0xa: {  	[smem:$0x3FA9] =	sst s2  }
0xb: {  	[smem:$0x3FAA] =	sst s3  }
0xc: {  	[smem:$0x3FAB] =	sst s4  }
0xd: {  	[smem:$0x3FAC] =	sst s5  }
0xe: {  	[smem:$0x3FAD] =	sst s6  }
0xf: {  	[smem:$0x3FAE] =	sst s7  }
0x10: {  	[smem:$0x3FAF] =	sst s8  }
0x11: {  	[smem:$0x3FB0] =	sst s9;
	s0 =	simm.s32 @!p0 $0x0  }
0x12: {  	s1 =	sld [smem:$0x3F96];
	s0 =	simm.s32 @p0 $0x1  }
0x13: {  	[smem:$0x3FB1] =	sst s0;
	s0 =	simm.s32 @!p1 $0x0  }
0x14: {  	s2 =	sld [smem:$0x3F95];
	s0 =	simm.s32 @p1 $0x1  }
0x15: {  	[smem:$0x3FB2] =	sst s0;
	s0 =	simm.s32 @!p2 $0x0  }
0x16: {  	s3 =	sld [smem:$0x3FDB];
	s0 =	simm.s32 @p2 $0x1  }
0x17: {  	s4 =	simm.s32 $0x1BF5;
	[smem:$0x3FB4] =	sst s0  }
0x18: {  	s0 =	sld [smem:$0x3F97];
	_ =	swait.ge [sflag:s4], $0x0  }
0x19: {  	s7 =	sld [smem:$0x3F98]  }
0x1a: {  	s8 =	sadd.s32 $0xFFFFE003, lr  }
0x1b: {  	s9 =	sadd.s32 $0xFFFFFEF7, lr;
	s5 =	simm.s32 $0xFFFFFFFF;
	p2 =	slt.u32 s8, $0xFFFFF086  }
0x1c: {  	p1 =	slt.u32 s9, $0xF7A;
	s5 =	simm.s32 @!p2 $0x0  }
0x1d: {  	s5 =	simm.s32 @p1 $0x1;
	p0 =	seq.s32 s7, s2  }
0x1e: {  	s7 =	smul.u32 @!p0 $0xF7A, s2;
	p2 =	seq.s32 @!p0 s5, $0x0  }
0x1f: {  	s9 =	smul.u32 $0xF7A, s1;
	s8 =	simm.s32 @!p0 $0x1BF5;
	p2 =	por !p2, p0  }
0x20: {  	[sflag:s8] =	ssyncset.s32 @!p0 $0xFFFFF086;
	s6 =	sadd.s32 @!p0 s3, s7;
	s7 =	simm.s32 @!p0 $0x108  }
0x21: {  	s3 =	sadd.s32 s3, s9;
	s6 =	sadd.s32 @!p0 $0x88, s6;
	s7 =	simm.s32 @p2 $0x1082  }
0x22: {  	[simem:s7], [sflag:s8] =	dma.local @!p0 [hbm:s6], $0xF7A  }
0x23: {  	s9 =	sor.u32 $0xD0000000, s2;
	s6 =	simm.s32 $0x108;
	_ =	swait.ge @!p0 [sflag:s8], $0x0  }
0x24: {  	s3 =	sadd.s32 $0x88, s3;
	s6 =	simm.s32 @!p1 $0x1082;
	[sflag:s4] =	ssyncset.s32 $0xFFFFF086  }
0x25: {  	[simem:s6], [sflag:s4] =	dma.local [hbm:s3], $0xF7A  }
0x26: {  	[smem:$0x3F98] =	sst s1;
	(tag) =	ssettag s2;
	_ =	strace s9  }
0x27: {  	s1 =	sld [smem:$0x3FA8]  }
0x28: {  	s2 =	sld [smem:$0x3FA9]  }
0x29: {  	s4 =	sld [smem:$0x3FAB]  }
0x2a: {  	p0 =	seq.s32 s5, $0x0;
	s5 =	sld [smem:$0x3FAC]  }
0x2b: {  	s6 =	sld [smem:$0x3FAD]  }
0x2c: {  	s7 =	sld [smem:$0x3FAE]  }
0x2d: {  	s3 =	simm.s32 $0x108;
	s8 =	sld [smem:$0x3FAF]  }
0x2e: {  	s3 =	simm.s32 @!p0 $0x1082;
	s9 =	sld [smem:$0x3FB0]  }
0x2f: {  	lr =	sadd.s32 s0, s3;
	s0 =	sld [smem:$0x3FA7]  }
0x30: {  	s3 =	sld [smem:$0x3FAA]  }
0x31: {  	[smem:$0x3FB3] =	sst s10  }
0x32: {  	s10 =	sld [smem:$0x3FB1];
	_ =	sdelay $0x3  }
0x33: {  	p0 =	seq.s32 s10, $0x1;
	s10 =	sld [smem:$0x3FB3];
	_ =	sdelay $0x3  }
0x34: {  	[smem:$0x3FB3] =	sst s10  }
0x35: {  	s10 =	sld [smem:$0x3FB2];
	_ =	sdelay $0x3  }
0x36: {  	p1 =	seq.s32 s10, $0x1;
	s10 =	sld [smem:$0x3FB3];
	_ =	sdelay $0x3  }
0x37: {  	[smem:$0x3FB3] =	sst s10  }
0x38: {  	s10 =	sld [smem:$0x3FB4]  }
0x39: {  	_ = 	snop;
	(pc) =	sbr.ind lr, $3  }
0x3a: {  	_ = 	snop  }
0x3b: {  	_ = 	snop  }
0x3c: {  	p2 =	seq.s32 s10, $0x1;
	s10 =	sld [smem:$0x3FB3]  }
0x3d: {  	_ =	shalt  }
0x3e: {  	_ =	shalt  }
0x3f: {  	_ =	shalt  }
0x40: {  	_ =	shalt  }
0x41: {  	_ =	shalt  }
0x42: {  	_ =	shalt  }
0x43: {  	_ =	shalt  }
0x44: {  	_ =	shalt  }
0x45: {  	_ =	shalt  }
0x46: {  	_ =	shalt  }
0x47: {  	_ =	shalt  }
0x48: {  	_ =	shalt  }
0x49: {  	_ =	shalt  }
0x4a: {  	_ =	shalt  }
0x4b: {  	_ =	shalt  }
0x4c: {  	_ =	shalt  }
0x4d: {  	_ =	shalt  }
0x4e: {  	_ =	shalt  }
0x4f: {  	_ =	shalt  }
0x50: {  	_ =	shalt  }
0x51: {  	_ =	shalt  }
0x52: {  	_ =	shalt  }
0x53: {  	_ =	shalt  }
0x54: {  	_ =	shalt  }
0x55: {  	_ =	shalt  }
0x56: {  	_ =	shalt  }
0x57: {  	_ =	shalt  }
0x58: {  	_ =	shalt  }
0x59: {  	_ =	shalt  }
0x5a: {  	_ =	shalt  }
0x5b: {  	_ =	shalt  }
0x5c: {  	_ =	shalt  }
0x5d: {  	_ =	shalt  }
0x5e: {  	_ =	shalt  }
0x5f: {  	_ =	shalt  }
0x60: {  	_ =	shalt  }
0x61: {  	_ =	shalt  }
0x62: {  	_ =	shalt  }
0x63: {  	_ =	shalt  }
0x64: {  	_ =	shalt  }
0x65: {  	_ =	shalt  }
0x66: {  	_ =	shalt  }
0x67: {  	_ =	shalt  }
0x68: {  	_ =	shalt  }
0x69: {  	_ =	shalt  }
0x6a: {  	_ =	shalt  }
0x6b: {  	_ =	shalt  }
0x6c: {  	_ =	shalt  }
0x6d: {  	_ =	shalt  }
0x6e: {  	_ =	shalt  }
0x6f: {  	_ =	shalt  }
0x70: {  	_ =	shalt  }
0x71: {  	_ =	shalt  }
0x72: {  	_ =	shalt  }
0x73: {  	_ =	shalt  }
0x74: {  	_ =	shalt  }
0x75: {  	_ =	shalt  }
0x76: {  	_ =	shalt  }
0x77: {  	_ =	shalt  }
0x78: {  	_ =	shalt  }
0x79: {  	_ =	shalt  }
0x7a: {  	_ =	shalt  }
0x7b: {  	_ =	shalt  }
0x7c: {  	_ =	shalt  }
0x7d: {  	_ =	shalt  }
0x7e: {  	_ =	shalt  }
0x7f: {  	_ =	shalt  }
0x80: {  	_ =	shalt  }
0x81: {  	_ =	shalt  }
0x82: {  	_ =	shalt  }
0x83: {  	_ =	shalt  }
0x84: {  	_ =	shalt  }
0x85: {  	_ =	shalt  }
0x86: {  	_ =	shalt  }
0x87: {  	_ =	shalt  }
.Lfunc_end0:
.L_simem_size_0:
called_computation.2_lowered:
.L_overlay_start_0:
0x88: {  	s2 =	sld [smem:$0x3FD9]  }
0x89: {  	s3 =	sld [smem:$0x3FFE];
	_ =	sdelay $0x1  }
0x8a: {  	s1 =	srdreg.scid  }
0x8b: {  	s0 =	sand.u32 $0x1, s1  }
0x8c: {  	s16 =	sshll.u32 s0, $0xA;
	s2 =	sadd.s32 s3, s2  }
0x8d: {  	s2 =	sadd.s32 s2, s16  }
0x8e: {  	[smem:$0x3FBF] =	sst s2  }
0x8f: {  	_ = 	snop  }
0x90: {  	(tm) =	ssettm $0x1  }
0x91: {  	s17 =	sld [smem:$0x3FFB];
	_ =	sdelay $0x3  }
0x92: {  	_ =	strace s17  }
0x93: {  	s2 =	sld [smem:$0x3FFC];
	_ =	sdelay $0x3  }
0x94: {  	_ =	strace s2  }
0x95: {  	s2 =	sld [smem:$0x3FFD];
	_ =	sdelay $0x3  }
0x96: {  	_ =	strace s2  }
0x97: {  	_ =	strace $0x8FFFFFFF  }
0x98: {  	s18 =	sld [smem:$0x3FDB];
	_ =	sdelay $0x1  }
0x99: {  	s19 =	simm.s32 $_scs_section_size  }
0x9a: {  	s4 =	simm.s32 $_size__tile_overlayer_lowered;
	s5 =	simm.s32 $_tile_overlayer_lowered  }
0x9b: {  	s22 =	simm.s32 $0x1BFF;
	s21 =	sshll.u32 s5, $0x1;
	s2 =	sadd.s32 s19, s18  }
0x9c: {  	s6 =	simm.s32 $0x0;
	s20 =	sshll.u32 s4, $0x1;
	s4 =	sadd.s32 s21, s2  }
0x9d: {  	[timem:s6], [sflag:s22] =	dma.local [hbm:s4], s20  }
0x9e: {  	_ =	swait.ge [sflag:s22], s20  }
0x9f: {  	s3 =	ssub.s32 $0x0, s20;
	[sflag:s22] =	ssyncset.done $0x0  }
0xa0: {  	[sflag:s22] =	ssyncadd.s32 s3;
	_ =	sdelay $0x1  }
0xa1: {  	s23 =	simm.s32 $0x1B8B  }
0xa2: {  	_ =	swait.ge [sflag:s23], $0x1  }
0xa3: {  	[sflag:s23] =	ssyncset.done $0x0  }
0xa4: {  	s25 =	simm.s32 $0x1B8E;
	s24 =	sld [smem:$0x3FFE];
	[sflag:s23] =	ssyncadd.s32 $0xFFFFFFFF  }
0xa5: {  	s26 =	simm.s32 $execute0_lowered;
	[smem:$0x3FD2] =	sst s25  }
0xa6: {  	s4 =	sshll.u32 s26, $0x1;
	_ =	strace $0x8000004C;
	[dreg:$0x1] =	wrdreg $0xFFFFFFFF  }
0xa7: {  	s28 =	simm.s32 $_size_execute0_lowered;
	s2 =	sadd.s32 s2, s4;
	[dreg:$0x0] =	wrdreg $0x0  }
0xa8: {  	s4 =	sshll.u32 s28, $0x1;
	[dreg:$0x2] =	wrdreg s2  }
0xa9: {  	[dreg:$0x3] =	wrdreg s4  }
0xaa: {  	[dreg:$0x4] =	wrdreg $0xC0  }
0xab: {  	_ =	task [dreg:s6], $0x5FFFF  }
0xac: {  	[dreg:$0x1] =	wrdreg $0xFFFFFFFF  }
0xad: {  	[dreg:$0x0] =	wrdreg $0x60  }
0xae: {  	[dreg:$0x2] =	wrdreg s24  }
0xaf: {  	[dreg:$0x3] =	wrdreg $0x0  }
0xb0: {  	[dreg:$0x4] =	wrdreg $0x9  }
0xb1: {  	_ =	task.clear_ibuf [dreg:s6], $0x5FFFF;
	_ =	strace $0x9000004C  }
0xb2: {  	s29 =	simm.s32 $0x9;
	_ =	strace $0x8000004E  }
0xb3: {  	_ =	swait.ge [sflag:s29], $0x1  }
0xb4: {  	[sflag:s29] =	ssyncadd.s32 $0xFFFFFFFF  }
0xb5: {  	_ =	strace $0x9000004E  }
0xb6: {  	_ =	sfence  }
0xb7: {  	s30 =	sld [smem:$0x0];
	_ =	sdelay $0x2  }
0xb8: {  	s31 =	sshll.u32 s1, $0xD;
	s1 =	sshrl.u32 s1, $0x2  }
0xb9: {  	s3 =	sand.u32 $0x4000, s31;
	s1 =	sadd.s32 s1, s30  }
0xba: {  	s0 =	sor.u32 s3, s0;
	s1 =	sshll.u32 s1, $0x11  }
0xbb: {  	s0 =	sor.u32 s1, s0  }
0xbc: {  	s0 =	sadd.s32 $0x8F2B, s0  }
0xbd: {  	[sflag:s0] =	ssyncadd.remote.s32 $0x1  }
0xbe: {  	_ =	sfence.sel $0xFFFF  }
0xbf: {  	[dreg:$0x0] =	wrdreg $0xFFFFFFFF;
	(pc) =	sbr.abs _section_cstart, $3  }
0xc0: {  	[dreg:$0x1] =	wrdreg $0xFFFFFFFF  }
0xc1: {  	_ =	task.clear_ibuf [dreg:s6], $0x2FFFF;
	_ =	strace $0x9FFFFFFF  }
0xc2: {  	(tm) =	ssettm $0x7FFFFFFF  }
0xc3: {  	_ =	shalt  }
tec
execute0_lowered:
.L_overlay_start_1:
0x0: {  	(tag) =	ssettag $0x1  }
0x1: {  	s0 =	srdreg.scid;
	s3 =	rddreg [dreg:$0x0]  }
0x2: {  	s4 =	stileid.u32;
	s2 =	rddreg [dreg:$0x1]  }
0x3: {  	s10 =	simm.s32 $0x0;
	s29 =	simm.s32 $0x13000;
	s31 =	simm.s32 $0x15000  }
0x4: {  	s28 =	simm.s32 $0x3;
	s30 =	simm.s32 $0x1B000;
	s11 =	simm.s32 $0x1D000  }
0x5: {  	s12 =	simm.s32 $0x5;
	s13 =	simm.s32 $0x9;
	s14 =	simm.s32 $0x6  }
0x6: {  	s9 =	simm.s32 $0x10;
	s0 =	sand.u32 $0x1, s0;
	s5 =	smul.u32 $0x280, s4  }
0x7: {  	[smem:$0x7FF] =	sst s10;
	s7 =	smul.u32 $0x28000, s4;
	s8 =	sadd.s32 $0xA0E00, s3  }
0x8: {  	s1 =	sshll.u32 s0, $0x4;
	s6 =	smul.u32 $0x2800, s0;
	_ =	strace $0x8000004D  }
0x9: {  	[dreg:$0x3] =	wrdreg s8;
	s0 =	ssub.s32 $0x2, s0;
	s8 =	simm.s32 $0xF  }
0xa: {  	s1 =	sor.u32 s4, s1;
	s4 =	sadd.s32 $0x66200, s3;
	s15 =	sshrl.u32 s7, $0x2  }
0xb: {  	s16 =	sshrl.u32 s0, $0x1;
	s7 =	simm.s32 $0xE;
	s1 =	smul.u32 $0x500, s1  }
0xc: {  	s5 =	sadd.s32 s5, s6;
	s6 =	sadd.s32 s15, s2;
	s0 =	ssub.s32 s0, s16  }
0xd: {  	s15 =	simm.s32 $0x7;
	s17 =	sadd.s32 $0x2000, s6;
	[dreg:$0x4] =	wrdreg s6  }
0xe: {  	s16 =	simm.s32 $0x8;
	s18 =	sadd.s32 $0x4000, s6;
	[dreg:$0x5] =	wrdreg s17  }
0xf: {  	s5 =	sshll.u32 s5, $0x3;
	s19 =	sadd.s32 $0x6000, s6;
	[dreg:$0x6] =	wrdreg s18  }
0x10: {  	s20 =	sadd.s32 $0x8000, s6;
	s0 =	smax.u32 s0, $0x1;
	[dreg:$0x7] =	wrdreg s19  }
0x11: {  	s1 =	sadd.s32 s1, s3;
	s3 =	sadd.s32 s5, s3;
	[dreg:$0x8] =	wrdreg s20  }
0x12: {  	[dreg:$0x10] =	wrdreg s0;
	s19 =	simm.s32 $0xF000;
	s21 =	sadd.s32 $0xC200, s1  }
0x13: {  	s20 =	simm.s32 $0x11;
	s1 =	sadd.s32 $0x2200, s1;
	[dreg:$0x9] =	wrdreg s21  }
0x14: {  	s0 =	simm.s32 $0x17000;
	s22 =	sadd.s32 $0xA1200, s3;
	[dreg:$0xa] =	wrdreg s1  }
0x15: {  	s5 =	simm.s32 $0x4;
	s23 =	sadd.s32 $0xA1600, s3;
	[dreg:$0xb] =	wrdreg s22  }
0x16: {  	s17 =	simm.s32 $0xC;
	s24 =	sadd.s32 $0xA1A00, s3;
	[dreg:$0xc] =	wrdreg s23  }
0x17: {  	s18 =	simm.s32 $0xD;
	s25 =	sadd.s32 $0xA1E00, s3;
	[dreg:$0xd] =	wrdreg s24  }
0x18: {  	s26 =	sadd.s32 $0xA2200, s3;
	s3 =	simm.s32 $0x0;
	[dreg:$0xe] =	wrdreg s25  }
0x19: {  	[dreg:$0xf] =	wrdreg s26;
	s23 =	simm.s32 $0x1;
	s24 =	simm.s32 $0x80  }
0x1a: {  	s26 =	simm.s32 $0x11000;
	s25 =	simm.s32 $0x2;
	s1 =	simm.s32 $0x19000  }
0x1b: {  	s21 =	simm.s32 $0xA;
	s22 =	simm.s32 $0xB;
	[dreg:$0x11] =	wrdreg s3  }
.LBB2_1:
0x1c: {  	s3 =	rddreg [dreg:$0x3]  }
0x1d: {  	[tilespmem:s19], [sflag:$0x11] =	stream.linear.gather [hbm4b:s3+s10], $0x2000, $0x38;
	[tilespmem:$0x1F000] =	vst v63  }
0x1e: {  	_ =	swait.ge [sflag:s20], $0x2000  }
0x1f: {  	[sflag:s20] =	ssyncset.done $0x0  }
0x20: {  	[sflag:s20] =	ssyncadd.s32 $0xFFFFE000  }
0x21: {  	[spmem:s6] =	stream.linear.scatter [tilespmem:s19], [sflag:$0x1], $0x2000, $0x38;
	[tilespmem:$0x1F000] =	vst v63  }
0x22: {  	s6 =	rddreg [dreg:$0x5]  }
0x23: {  	[spmem:s6] =	stream.linear.scatter [tilespmem:s19], [sflag:$0x1], $0x2000, $0x38;
	[tilespmem:$0x1F000] =	vst v63  }
0x24: {  	s6 =	rddreg [dreg:$0x6]  }
0x25: {  	[spmem:s6] =	stream.linear.scatter [tilespmem:s19], [sflag:$0x1], $0x2000, $0x38;
	[tilespmem:$0x1F000] =	vst v63  }
0x26: {  	s6 =	rddreg [dreg:$0x7]  }
0x27: {  	[spmem:s6] =	stream.linear.scatter [tilespmem:s19], [sflag:$0x1], $0x2000, $0x38;
	[tilespmem:$0x1F000] =	vst v63  }
0x28: {  	s6 =	rddreg [dreg:$0x8]  }
0x29: {  	[spmem:s6] =	stream.linear.scatter [tilespmem:s19], [sflag:$0x1], $0x2000, $0x38;
	[tilespmem:$0x1F000] =	vst v63  }
0x2a: {  	s3 =	rddreg [dreg:$0x9];
	s6 =	simm.s32 $0xA000  }
0x2b: {  	[tilespmem:s6], [sflag:$0x11] =	stream.linear.gather [hbm4b:s3+s10], $0x2800, $0x38;
	[tilespmem:$0x1F000] =	vst v63  }
0x2c: {  	_ =	swait.ge [sflag:s20], $0x2800  }
0x2d: {  	[sflag:s20] =	ssyncset.done $0x0  }
0x2e: {  	s6 =	simm.s32 $0xC800;
	s3 =	rddreg [dreg:$0xa];
	[sflag:s20] =	ssyncadd.s32 $0xFFFFD800  }
0x2f: {  	[tilespmem:s6], [sflag:$0x11] =	stream.linear.gather [hbm4b:s3+s10], $0x2800, $0x38;
	[tilespmem:$0x1F000] =	vst v63  }
0x30: {  	_ =	swait.ge [sflag:s20], $0x2800  }
0x31: {  	[sflag:s20] =	ssyncset.done $0x0  }
0x32: {  	[sflag:s20] =	ssyncadd.s32 $0xFFFFD800  }
0x33: {  	_ =	swait.ge [sflag:s23], $0x2000  }
0x34: {  	[sflag:s23] =	ssyncset.done $0x0  }
0x35: {  	[sflag:s23] =	ssyncadd.s32 $0xFFFFE000  }
0x36: {  	_ =	swait.ge [sflag:s23], $0x2000  }
0x37: {  	[sflag:s23] =	ssyncset.done $0x0  }
0x38: {  	[sflag:s23] =	ssyncadd.s32 $0xFFFFE000  }
0x39: {  	_ =	swait.ge [sflag:s23], $0x2000  }
0x3a: {  	[sflag:s23] =	ssyncset.done $0x0  }
0x3b: {  	[sflag:s23] =	ssyncadd.s32 $0xFFFFE000  }
0x3c: {  	_ =	swait.ge [sflag:s23], $0x2000  }
0x3d: {  	[sflag:s23] =	ssyncset.done $0x0  }
0x3e: {  	[sflag:s23] =	ssyncadd.s32 $0xFFFFE000  }
0x3f: {  	_ =	swait.ge [sflag:s23], $0x2000  }
0x40: {  	[sflag:s23] =	ssyncset.done $0x0  }
0x41: {  	[sflag:s23] =	ssyncadd.s32 $0xFFFFE000  }
0x42: {  	s20 =	simm.s32 $0xA000;
	[bflag:$0x0] =	sbarrier.arrive $0xFFFF  }
0x43: {  	[tilespmem:s19], [sflag:$0x1] =	stream.indirect.gather [hbm4b:s4+s24], $0x40, s20, s24, $0xb8;
	[tilespmem:$0x1F000] =	vst v63  }
0x44: {  	s10 =	simm.s32 $0xA080  }
0x45: {  	[tilespmem:s26], [sflag:$0x2] =	stream.indirect.gather [hbm4b:s4+s24], $0x40, s10, s24, $0xb8;
	[tilespmem:$0x1F000] =	vst v63  }
0x46: {  	s20 =	simm.s32 $0xA100  }
0x47: {  	[tilespmem:s29], [sflag:$0x3] =	stream.indirect.gather [hbm4b:s4+s24], $0x40, s20, s24, $0xb8;
	[tilespmem:$0x1F000] =	vst v63  }
0x48: {  	s10 =	simm.s32 $0xA180  }
0x49: {  	[tilespmem:s31], [sflag:$0x4] =	stream.indirect.gather [hbm4b:s4+s24], $0x40, s10, s24, $0xb8;
	[tilespmem:$0x1F000] =	vst v63  }
0x4a: {  	_ =	swait.ge [sflag:s23], $0x2000  }
0x4b: {  	[sflag:s23] =	ssyncset.done $0x0  }
0x4c: {  	s6 =	simm.s32 $0xC800;
	[sflag:s23] =	ssyncadd.s32 $0xFFFFE000  }
0x4d: {  	[spmem:s2] =	stream.indirect.scatter.add.f32 [tilespmem:s19], [sflag:$0x9], $0x40, s6, s24, $0xb8;
	[tilespmem:$0x1F000] =	vst v63  }
0x4e: {  	s20 =	simm.s32 $0xA200  }
0x4f: {  	[tilespmem:s0], [sflag:$0x5] =	stream.indirect.gather [hbm4b:s4+s24], $0x40, s20, s24, $0xb8;
	[tilespmem:$0x1F000] =	vst v63  }
0x50: {  	_ =	swait.ge [sflag:s25], $0x2000  }
0x51: {  	[sflag:s25] =	ssyncset.done $0x0  }
0x52: {  	s6 =	simm.s32 $0xC880;
	[sflag:s25] =	ssyncadd.s32 $0xFFFFE000  }
0x53: {  	[spmem:s2] =	stream.indirect.scatter.add.f32 [tilespmem:s26], [sflag:$0xA], $0x40, s6, s24, $0xb8;
	[tilespmem:$0x1F000] =	vst v63  }
0x54: {  	s10 =	simm.s32 $0xA280  }
0x55: {  	[tilespmem:s1], [sflag:$0x6] =	stream.indirect.gather [hbm4b:s4+s24], $0x40, s10, s24, $0xb8;
	[tilespmem:$0x1F000] =	vst v63  }
0x56: {  	_ =	swait.ge [sflag:s28], $0x2000  }
0x57: {  	[sflag:s28] =	ssyncset.done $0x0  }
0x58: {  	s20 =	simm.s32 $0xC900;
	[sflag:s28] =	ssyncadd.s32 $0xFFFFE000  }
0x59: {  	[spmem:s2] =	stream.indirect.scatter.add.f32 [tilespmem:s29], [sflag:$0xB], $0x40, s20, s24, $0xb8;
	[tilespmem:$0x1F000] =	vst v63  }
0x5a: {  	s6 =	simm.s32 $0xA300  }
0x5b: {  	[tilespmem:s30], [sflag:$0x7] =	stream.indirect.gather [hbm4b:s4+s24], $0x40, s6, s24, $0xb8;
	[tilespmem:$0x1F000] =	vst v63  }
0x5c: {  	_ =	swait.ge [sflag:s5], $0x2000  }
0x5d: {  	[sflag:s5] =	ssyncset.done $0x0  }
0x5e: {  	s10 =	simm.s32 $0xC980;
	[sflag:s5] =	ssyncadd.s32 $0xFFFFE000  }
0x5f: {  	[spmem:s2] =	stream.indirect.scatter.add.f32 [tilespmem:s31], [sflag:$0xC], $0x40, s10, s24, $0xb8;
	[tilespmem:$0x1F000] =	vst v63  }
0x60: {  	s20 =	simm.s32 $0xA380  }
0x61: {  	[tilespmem:s11], [sflag:$0x8] =	stream.indirect.gather [hbm4b:s4+s24], $0x40, s20, s24, $0xb8;
	[tilespmem:$0x1F000] =	vst v63  }
0x62: {  	_ =	swait.ge [sflag:s12], $0x2000  }
0x63: {  	[sflag:s12] =	ssyncset.done $0x0  }
0x64: {  	s6 =	simm.s32 $0xCA00;
	[sflag:s12] =	ssyncadd.s32 $0xFFFFE000  }
0x65: {  	[spmem:s2] =	stream.indirect.scatter.add.f32 [tilespmem:s0], [sflag:$0xD], $0x40, s6, s24, $0xb8;
	[tilespmem:$0x1F000] =	vst v63  }
0x66: {  	_ =	swait.ge [sflag:s13], $0x2000  }
0x67: {  	[sflag:s13] =	ssyncset.done $0x0  }
0x68: {  	s10 =	simm.s32 $0xA400;
	[sflag:s13] =	ssyncadd.s32 $0xFFFFE000  }
0x69: {  	[tilespmem:s19], [sflag:$0x1] =	stream.indirect.gather [hbm4b:s4+s24], $0x40, s10, s24, $0xb8;
	[tilespmem:$0x1F000] =	vst v63  }
0x6a: {  	_ =	swait.ge [sflag:s14], $0x2000  }
0x6b: {  	[sflag:s14] =	ssyncset.done $0x0  }
0x6c: {  	s20 =	simm.s32 $0xCA80;
	[sflag:s14] =	ssyncadd.s32 $0xFFFFE000  }
0x6d: {  	[spmem:s2] =	stream.indirect.scatter.add.f32 [tilespmem:s1], [sflag:$0xE], $0x40, s20, s24, $0xb8;
	[tilespmem:$0x1F000] =	vst v63  }
0x6e: {  	_ =	swait.ge [sflag:s21], $0x2000  }
0x6f: {  	[sflag:s21] =	ssyncset.done $0x0  }
0x70: {  	s6 =	simm.s32 $0xA480;
	[sflag:s21] =	ssyncadd.s32 $0xFFFFE000  }
0x71: {  	[tilespmem:s26], [sflag:$0x2] =	stream.indirect.gather [hbm4b:s4+s24], $0x40, s6, s24, $0xb8;
	[tilespmem:$0x1F000] =	vst v63  }
0x72: {  	_ =	swait.ge [sflag:s15], $0x2000  }
0x73: {  	[sflag:s15] =	ssyncset.done $0x0  }
0x74: {  	s10 =	simm.s32 $0xCB00;
	[sflag:s15] =	ssyncadd.s32 $0xFFFFE000  }
0x75: {  	[spmem:s2] =	stream.indirect.scatter.add.f32 [tilespmem:s30], [sflag:$0xF], $0x40, s10, s24, $0xb8;
	[tilespmem:$0x1F000] =	vst v63  }
0x76: {  	_ =	swait.ge [sflag:s22], $0x2000  }
0x77: {  	[sflag:s22] =	ssyncset.done $0x0  }
0x78: {  	s20 =	simm.s32 $0xA500;
	[sflag:s22] =	ssyncadd.s32 $0xFFFFE000  }
0x79: {  	[tilespmem:s29], [sflag:$0x3] =	stream.indirect.gather [hbm4b:s4+s24], $0x40, s20, s24, $0xb8;
	[tilespmem:$0x1F000] =	vst v63  }
0x7a: {  	_ =	swait.ge [sflag:s16], $0x2000  }
0x7b: {  	[sflag:s16] =	ssyncset.done $0x0  }
0x7c: {  	s6 =	simm.s32 $0xCB80;
	[sflag:s16] =	ssyncadd.s32 $0xFFFFE000  }
0x7d: {  	[spmem:s2] =	stream.indirect.scatter.add.f32 [tilespmem:s11], [sflag:$0x10], $0x40, s6, s24, $0xb8;
	[tilespmem:$0x1F000] =	vst v63  }
0x7e: {  	_ =	swait.ge [sflag:s17], $0x2000  }
0x7f: {  	[sflag:s17] =	ssyncset.done $0x0  }
0x80: {  	s10 =	simm.s32 $0xA580;
	[sflag:s17] =	ssyncadd.s32 $0xFFFFE000  }
0x81: {  	[tilespmem:s31], [sflag:$0x4] =	stream.indirect.gather [hbm4b:s4+s24], $0x40, s10, s24, $0xb8;
	[tilespmem:$0x1F000] =	vst v63  }
0x82: {  	_ =	swait.ge [sflag:s23], $0x2000  }
0x83: {  	[sflag:s23] =	ssyncset.done $0x0  }
0x84: {  	s20 =	simm.s32 $0xCC00;
	[sflag:s23] =	ssyncadd.s32 $0xFFFFE000  }
0x85: {  	[spmem:s2] =	stream.indirect.scatter.add.f32 [tilespmem:s19], [sflag:$0x9], $0x40, s20, s24, $0xb8;
	[tilespmem:$0x1F000] =	vst v63  }
0x86: {  	_ =	swait.ge [sflag:s18], $0x2000  }
0x87: {  	[sflag:s18] =	ssyncset.done $0x0  }
0x88: {  	s6 =	simm.s32 $0xA600;
	[sflag:s18] =	ssyncadd.s32 $0xFFFFE000  }
0x89: {  	[tilespmem:s0], [sflag:$0x5] =	stream.indirect.gather [hbm4b:s4+s24], $0x40, s6, s24, $0xb8;
	[tilespmem:$0x1F000] =	vst v63  }
0x8a: {  	_ =	swait.ge [sflag:s25], $0x2000  }
0x8b: {  	[sflag:s25] =	ssyncset.done $0x0  }
0x8c: {  	s10 =	simm.s32 $0xCC80;
	[sflag:s25] =	ssyncadd.s32 $0xFFFFE000  }
0x8d: {  	[spmem:s2] =	stream.indirect.scatter.add.f32 [tilespmem:s26], [sflag:$0xA], $0x40, s10, s24, $0xb8;
	[tilespmem:$0x1F000] =	vst v63  }
0x8e: {  	_ =	swait.ge [sflag:s7], $0x2000  }
0x8f: {  	[sflag:s7] =	ssyncset.done $0x0  }
0x90: {  	s20 =	simm.s32 $0xA680;
	[sflag:s7] =	ssyncadd.s32 $0xFFFFE000  }
0x91: {  	[tilespmem:s1], [sflag:$0x6] =	stream.indirect.gather [hbm4b:s4+s24], $0x40, s20, s24, $0xb8;
	[tilespmem:$0x1F000] =	vst v63  }
0x92: {  	_ =	swait.ge [sflag:s28], $0x2000  }
0x93: {  	[sflag:s28] =	ssyncset.done $0x0  }
0x94: {  	s6 =	simm.s32 $0xCD00;
	[sflag:s28] =	ssyncadd.s32 $0xFFFFE000  }
0x95: {  	[spmem:s2] =	stream.indirect.scatter.add.f32 [tilespmem:s29], [sflag:$0xB], $0x40, s6, s24, $0xb8;
	[tilespmem:$0x1F000] =	vst v63  }
0x96: {  	_ =	swait.ge [sflag:s8], $0x2000  }
0x97: {  	[sflag:s8] =	ssyncset.done $0x0  }
0x98: {  	s10 =	simm.s32 $0xA700;
	[sflag:s8] =	ssyncadd.s32 $0xFFFFE000  }
0x99: {  	[tilespmem:s30], [sflag:$0x7] =	stream.indirect.gather [hbm4b:s4+s24], $0x40, s10, s24, $0xb8;
	[tilespmem:$0x1F000] =	vst v63  }
0x9a: {  	_ =	swait.ge [sflag:s5], $0x2000  }
0x9b: {  	[sflag:s5] =	ssyncset.done $0x0  }
0x9c: {  	s20 =	simm.s32 $0xCD80;
	[sflag:s5] =	ssyncadd.s32 $0xFFFFE000  }
0x9d: {  	[spmem:s2] =	stream.indirect.scatter.add.f32 [tilespmem:s31], [sflag:$0xC], $0x40, s20, s24, $0xb8;
	[tilespmem:$0x1F000] =	vst v63  }
0x9e: {  	_ =	swait.ge [sflag:s9], $0x2000  }
0x9f: {  	s3 =	simm.s32 $0xA780;
	[sflag:s9] =	ssyncset.done $0x0  }
0xa0: {  	s6 =	simm.s32 $0x1000;
	s20 =	simm.s32 $0x11;
	[sflag:s9] =	ssyncadd.s32 $0xFFFFE000  }
.LBB2_2:
0xa1: {  	[tilespmem:s11], [sflag:$0x8] =	stream.indirect.gather [hbm4b:s4+s24], $0x40, s3, s24, $0xb8;
	[tilespmem:$0x1F000] =	vst v63  }
0xa2: {  	s3 =	smov.u32 s6  }
0xa3: {  	p0 =	sne.s32 s6, $0x8000;
	s6 =	sadd.s32 $0x1000, s6;
	_ =	swait.ge [sflag:s12], $0x2000  }
0xa4: {  	s3 =	sshra.s32 s3, $0x2;
	[sflag:s12] =	ssyncset.done $0x0  }
0xa5: {  	s10 =	sadd.s32 $0xCA00, s3;
	[sflag:s12] =	ssyncadd.s32 $0xFFFFE000  }
0xa6: {  	[spmem:s2] =	stream.indirect.scatter.add.f32 [tilespmem:s0], [sflag:$0xD], $0x40, s10, s24, $0xb8;
	[tilespmem:$0x1F000] =	vst v63  }
0xa7: {  	_ =	swait.ge [sflag:s13], $0x2000  }
0xa8: {  	[sflag:s13] =	ssyncset.done $0x0  }
0xa9: {  	s10 =	sadd.s32 $0xA400, s3;
	[sflag:s13] =	ssyncadd.s32 $0xFFFFE000  }
0xaa: {  	[tilespmem:s19], [sflag:$0x1] =	stream.indirect.gather [hbm4b:s4+s24], $0x40, s10, s24, $0xb8;
	[tilespmem:$0x1F000] =	vst v63  }
0xab: {  	_ =	swait.ge [sflag:s14], $0x2000  }
0xac: {  	[sflag:s14] =	ssyncset.done $0x0  }
0xad: {  	s10 =	sadd.s32 $0xCA80, s3;
	[sflag:s14] =	ssyncadd.s32 $0xFFFFE000  }
0xae: {  	[spmem:s2] =	stream.indirect.scatter.add.f32 [tilespmem:s1], [sflag:$0xE], $0x40, s10, s24, $0xb8;
	[tilespmem:$0x1F000] =	vst v63  }
0xaf: {  	_ =	swait.ge [sflag:s21], $0x2000  }
0xb0: {  	[sflag:s21] =	ssyncset.done $0x0  }
0xb1: {  	s10 =	sadd.s32 $0xA480, s3;
	[sflag:s21] =	ssyncadd.s32 $0xFFFFE000  }
0xb2: {  	[tilespmem:s26], [sflag:$0x2] =	stream.indirect.gather [hbm4b:s4+s24], $0x40, s10, s24, $0xb8;
	[tilespmem:$0x1F000] =	vst v63  }
0xb3: {  	_ =	swait.ge [sflag:s15], $0x2000  }
0xb4: {  	[sflag:s15] =	ssyncset.done $0x0  }
0xb5: {  	s10 =	sadd.s32 $0xCB00, s3;
	[sflag:s15] =	ssyncadd.s32 $0xFFFFE000  }
0xb6: {  	[spmem:s2] =	stream.indirect.scatter.add.f32 [tilespmem:s30], [sflag:$0xF], $0x40, s10, s24, $0xb8;
	[tilespmem:$0x1F000] =	vst v63  }
0xb7: {  	_ =	swait.ge [sflag:s22], $0x2000  }
0xb8: {  	[sflag:s22] =	ssyncset.done $0x0  }
0xb9: {  	s10 =	sadd.s32 $0xA500, s3;
	[sflag:s22] =	ssyncadd.s32 $0xFFFFE000  }
0xba: {  	[tilespmem:s29], [sflag:$0x3] =	stream.indirect.gather [hbm4b:s4+s24], $0x40, s10, s24, $0xb8;
	[tilespmem:$0x1F000] =	vst v63  }
0xbb: {  	_ =	swait.ge [sflag:s16], $0x2000  }
0xbc: {  	[sflag:s16] =	ssyncset.done $0x0  }
0xbd: {  	s10 =	sadd.s32 $0xCB80, s3;
	[sflag:s16] =	ssyncadd.s32 $0xFFFFE000  }
0xbe: {  	[spmem:s2] =	stream.indirect.scatter.add.f32 [tilespmem:s11], [sflag:$0x10], $0x40, s10, s24, $0xb8;
	[tilespmem:$0x1F000] =	vst v63  }
0xbf: {  	_ =	swait.ge [sflag:s17], $0x2000  }
0xc0: {  	[sflag:s17] =	ssyncset.done $0x0  }
0xc1: {  	s10 =	sadd.s32 $0xA580, s3;
	[sflag:s17] =	ssyncadd.s32 $0xFFFFE000  }
0xc2: {  	[tilespmem:s31], [sflag:$0x4] =	stream.indirect.gather [hbm4b:s4+s24], $0x40, s10, s24, $0xb8;
	[tilespmem:$0x1F000] =	vst v63  }
0xc3: {  	_ =	swait.ge [sflag:s23], $0x2000  }
0xc4: {  	[sflag:s23] =	ssyncset.done $0x0  }
0xc5: {  	s10 =	sadd.s32 $0xCC00, s3;
	[sflag:s23] =	ssyncadd.s32 $0xFFFFE000  }
0xc6: {  	[spmem:s2] =	stream.indirect.scatter.add.f32 [tilespmem:s19], [sflag:$0x9], $0x40, s10, s24, $0xb8;
	[tilespmem:$0x1F000] =	vst v63  }
0xc7: {  	_ =	swait.ge [sflag:s18], $0x2000  }
0xc8: {  	[sflag:s18] =	ssyncset.done $0x0  }
0xc9: {  	s10 =	sadd.s32 $0xA600, s3;
	[sflag:s18] =	ssyncadd.s32 $0xFFFFE000  }
0xca: {  	[tilespmem:s0], [sflag:$0x5] =	stream.indirect.gather [hbm4b:s4+s24], $0x40, s10, s24, $0xb8;
	[tilespmem:$0x1F000] =	vst v63  }
0xcb: {  	_ =	swait.ge [sflag:s25], $0x2000  }
0xcc: {  	[sflag:s25] =	ssyncset.done $0x0  }
0xcd: {  	s10 =	sadd.s32 $0xCC80, s3;
	[sflag:s25] =	ssyncadd.s32 $0xFFFFE000  }
0xce: {  	[spmem:s2] =	stream.indirect.scatter.add.f32 [tilespmem:s26], [sflag:$0xA], $0x40, s10, s24, $0xb8;
	[tilespmem:$0x1F000] =	vst v63  }
0xcf: {  	_ =	swait.ge [sflag:s7], $0x2000  }
0xd0: {  	[sflag:s7] =	ssyncset.done $0x0  }
0xd1: {  	s10 =	sadd.s32 $0xA680, s3;
	[sflag:s7] =	ssyncadd.s32 $0xFFFFE000  }
0xd2: {  	[tilespmem:s1], [sflag:$0x6] =	stream.indirect.gather [hbm4b:s4+s24], $0x40, s10, s24, $0xb8;
	[tilespmem:$0x1F000] =	vst v63  }
0xd3: {  	_ =	swait.ge [sflag:s28], $0x2000  }
0xd4: {  	[sflag:s28] =	ssyncset.done $0x0  }
0xd5: {  	s10 =	sadd.s32 $0xCD00, s3;
	[sflag:s28] =	ssyncadd.s32 $0xFFFFE000  }
0xd6: {  	[spmem:s2] =	stream.indirect.scatter.add.f32 [tilespmem:s29], [sflag:$0xB], $0x40, s10, s24, $0xb8;
	[tilespmem:$0x1F000] =	vst v63  }
0xd7: {  	_ =	swait.ge [sflag:s8], $0x2000  }
0xd8: {  	[sflag:s8] =	ssyncset.done $0x0  }
0xd9: {  	s10 =	sadd.s32 $0xA700, s3;
	[sflag:s8] =	ssyncadd.s32 $0xFFFFE000  }
0xda: {  	[tilespmem:s30], [sflag:$0x7] =	stream.indirect.gather [hbm4b:s4+s24], $0x40, s10, s24, $0xb8;
	[tilespmem:$0x1F000] =	vst v63  }
0xdb: {  	_ =	swait.ge [sflag:s5], $0x2000  }
0xdc: {  	[sflag:s5] =	ssyncset.done $0x0  }
.Ltmp0:
0xdd: {  	s10 =	sadd.s32 $0xCD80, s3;
	[sflag:s5] =	ssyncadd.s32 $0xFFFFE000;
	(pc) =	sbr.rel @p0 .LBB2_2-.Ltmp0, $4  }
0xde: {  	[spmem:s2] =	stream.indirect.scatter.add.f32 [tilespmem:s31], [sflag:$0xC], $0x40, s10, s24, $0xb8;
	[tilespmem:$0x1F000] =	vst v63  }
0xdf: {  	_ =	swait.ge [sflag:s9], $0x2000  }
0xe0: {  	[sflag:s9] =	ssyncset.done $0x0  }
0xe1: {  	s3 =	sadd.s32 $0xA780, s3;
	[sflag:s9] =	ssyncadd.s32 $0xFFFFE000  }
0xe2: {  	[tilespmem:s11], [sflag:$0x8] =	stream.indirect.gather [hbm4b:s4+s24], $0x40, s3, s24, $0xb8;
	[tilespmem:$0x1F000] =	vst v63  }
0xe3: {  	_ =	swait.ge [sflag:s12], $0x2000  }
0xe4: {  	[sflag:s12] =	ssyncset.done $0x0  }
0xe5: {  	s10 =	simm.s32 $0xEE00;
	[sflag:s12] =	ssyncadd.s32 $0xFFFFE000  }
0xe6: {  	[spmem:s2] =	stream.indirect.scatter.add.f32 [tilespmem:s0], [sflag:$0xD], $0x40, s10, s24, $0xb8;
	[tilespmem:$0x1F000] =	vst v63  }
0xe7: {  	_ =	swait.ge [sflag:s13], $0x2000  }
0xe8: {  	[sflag:s13] =	ssyncset.done $0x0  }
0xe9: {  	[sflag:s13] =	ssyncadd.s32 $0xFFFFE000  }
0xea: {  	_ =	swait.ge [sflag:s14], $0x2000  }
0xeb: {  	[sflag:s14] =	ssyncset.done $0x0  }
0xec: {  	s6 =	simm.s32 $0xEE80;
	[sflag:s14] =	ssyncadd.s32 $0xFFFFE000  }
0xed: {  	[spmem:s2] =	stream.indirect.scatter.add.f32 [tilespmem:s1], [sflag:$0xE], $0x40, s6, s24, $0xb8;
	[tilespmem:$0x1F000] =	vst v63  }
0xee: {  	_ =	swait.ge [sflag:s21], $0x2000  }
0xef: {  	[sflag:s21] =	ssyncset.done $0x0  }
0xf0: {  	[sflag:s21] =	ssyncadd.s32 $0xFFFFE000  }
0xf1: {  	_ =	swait.ge [sflag:s15], $0x2000  }
0xf2: {  	[sflag:s15] =	ssyncset.done $0x0  }
0xf3: {  	s10 =	simm.s32 $0xEF00;
	[sflag:s15] =	ssyncadd.s32 $0xFFFFE000  }
0xf4: {  	[spmem:s2] =	stream.indirect.scatter.add.f32 [tilespmem:s30], [sflag:$0xF], $0x40, s10, s24, $0xb8;
	[tilespmem:$0x1F000] =	vst v63  }
0xf5: {  	_ =	swait.ge [sflag:s22], $0x2000  }
0xf6: {  	[sflag:s22] =	ssyncset.done $0x0  }
0xf7: {  	[sflag:s22] =	ssyncadd.s32 $0xFFFFE000  }
0xf8: {  	_ =	swait.ge [sflag:s16], $0x2000  }
0xf9: {  	[sflag:s16] =	ssyncset.done $0x0  }
0xfa: {  	s6 =	simm.s32 $0xEF80;
	[sflag:s16] =	ssyncadd.s32 $0xFFFFE000  }
0xfb: {  	[spmem:s2] =	stream.indirect.scatter.add.f32 [tilespmem:s11], [sflag:$0x10], $0x40, s6, s24, $0xb8;
	[tilespmem:$0x1F000] =	vst v63  }
0xfc: {  	_ =	swait.ge [sflag:s17], $0x2000  }
0xfd: {  	[sflag:s17] =	ssyncset.done $0x0  }
0xfe: {  	[sflag:s17] =	ssyncadd.s32 $0xFFFFE000  }
0xff: {  	_ =	swait.ge [sflag:s18], $0x2000  }
0x100: {  	[sflag:s18] =	ssyncset.done $0x0  }
0x101: {  	[sflag:s18] =	ssyncadd.s32 $0xFFFFE000  }
0x102: {  	_ =	swait.ge [sflag:s7], $0x2000  }
0x103: {  	[sflag:s7] =	ssyncset.done $0x0  }
0x104: {  	[sflag:s7] =	ssyncadd.s32 $0xFFFFE000  }
0x105: {  	_ =	swait.ge [sflag:s8], $0x2000  }
0x106: {  	[sflag:s8] =	ssyncset.done $0x0  }
0x107: {  	[sflag:s8] =	ssyncadd.s32 $0xFFFFE000  }
0x108: {  	_ =	swait.ge [sflag:s9], $0x2000  }
0x109: {  	[sflag:s9] =	ssyncset.done $0x0  }
0x10a: {  	[sflag:s9] =	ssyncadd.s32 $0xFFFFE000  }
0x10b: {  	[bflag:$0x0] =	sbarrier.arrive $0xFFFF  }
0x10c: {  	s10 =	rddreg [dreg:$0x4]  }
0x10d: {  	[tilespmem:s19], [sflag:$0x11] =	stream.linear.gather [spmem:s10], $0x2000, $0x38;
	[tilespmem:$0x1F000] =	vst v63  }
0x10e: {  	_ =	swait.ge [sflag:s20], $0x2000  }
0x10f: {  	[sflag:s20] =	ssyncset.done $0x0  }
0x110: {  	s10 =	simm.s32 $0x0;
	s6 =	rddreg [dreg:$0xb];
	[sflag:s20] =	ssyncadd.s32 $0xFFFFE000  }
0x111: {  	[hbm4b:s6+s10] =	stream.linear.scatter [tilespmem:s19], [sflag:$0x9], $0x2000, $0x38;
	[tilespmem:$0x1F000] =	vst v63  }
0x112: {  	s6 =	rddreg [dreg:$0x5]  }
0x113: {  	[tilespmem:s26], [sflag:$0x11] =	stream.linear.gather [spmem:s6], $0x2000, $0x38;
	[tilespmem:$0x1F000] =	vst v63  }
0x114: {  	_ =	swait.ge [sflag:s20], $0x2000  }
0x115: {  	[sflag:s20] =	ssyncset.done $0x0  }
0x116: {  	s6 =	rddreg [dreg:$0xc];
	[sflag:s20] =	ssyncadd.s32 $0xFFFFE000  }
0x117: {  	[hbm4b:s6+s10] =	stream.linear.scatter [tilespmem:s26], [sflag:$0xA], $0x2000, $0x38;
	[tilespmem:$0x1F000] =	vst v63  }
0x118: {  	_ =	swait.ge [sflag:s13], $0x2000  }
0x119: {  	[sflag:s13] =	ssyncset.done $0x0  }
0x11a: {  	s6 =	rddreg [dreg:$0x6];
	[sflag:s13] =	ssyncadd.s32 $0xFFFFE000  }
0x11b: {  	[tilespmem:s19], [sflag:$0x11] =	stream.linear.gather [spmem:s6], $0x2000, $0x38;
	[tilespmem:$0x1F000] =	vst v63  }
0x11c: {  	_ =	swait.ge [sflag:s20], $0x2000  }
0x11d: {  	[sflag:s20] =	ssyncset.done $0x0  }
0x11e: {  	[sflag:s20] =	ssyncadd.s32 $0xFFFFE000;
	s20 =	rddreg [dreg:$0xd]  }
0x11f: {  	[hbm4b:s20+s10] =	stream.linear.scatter [tilespmem:s19], [sflag:$0x9], $0x2000, $0x38;
	[tilespmem:$0x1F000] =	vst v63  }
0x120: {  	_ =	swait.ge [sflag:s21], $0x2000  }
0x121: {  	[sflag:s21] =	ssyncset.done $0x0  }
0x122: {  	s20 =	simm.s32 $0x11;
	s6 =	rddreg [dreg:$0x7];
	[sflag:s21] =	ssyncadd.s32 $0xFFFFE000  }
0x123: {  	[tilespmem:s26], [sflag:$0x11] =	stream.linear.gather [spmem:s6], $0x2000, $0x38;
	[tilespmem:$0x1F000] =	vst v63  }
0x124: {  	_ =	swait.ge [sflag:s20], $0x2000  }
0x125: {  	[sflag:s20] =	ssyncset.done $0x0  }
0x126: {  	s6 =	rddreg [dreg:$0xe];
	[sflag:s20] =	ssyncadd.s32 $0xFFFFE000  }
0x127: {  	[hbm4b:s6+s10] =	stream.linear.scatter [tilespmem:s26], [sflag:$0xA], $0x2000, $0x38;
	[tilespmem:$0x1F000] =	vst v63  }
0x128: {  	_ =	swait.ge [sflag:s13], $0x2000  }
0x129: {  	[sflag:s13] =	ssyncset.done $0x0  }
0x12a: {  	s6 =	rddreg [dreg:$0x8];
	[sflag:s13] =	ssyncadd.s32 $0xFFFFE000  }
0x12b: {  	[tilespmem:s19], [sflag:$0x11] =	stream.linear.gather [spmem:s6], $0x2000, $0x38;
	[tilespmem:$0x1F000] =	vst v63  }
0x12c: {  	_ =	swait.ge [sflag:s20], $0x2000  }
0x12d: {  	[sflag:s20] =	ssyncset.done $0x0  }
0x12e: {  	s6 =	rddreg [dreg:$0xf];
	[sflag:s20] =	ssyncadd.s32 $0xFFFFE000  }
0x12f: {  	[hbm4b:s6+s10] =	stream.linear.scatter [tilespmem:s19], [sflag:$0x9], $0x2000, $0x38;
	[tilespmem:$0x1F000] =	vst v63  }
0x130: {  	_ =	swait.ge [sflag:s21], $0x2000  }
0x131: {  	[sflag:s21] =	ssyncset.done $0x0  }
0x132: {  	[sflag:s21] =	ssyncadd.s32 $0xFFFFE000  }
0x133: {  	_ =	swait.ge [sflag:s13], $0x2000  }
0x134: {  	s6 =	rddreg [dreg:$0x11]  }
0x135: {  	s3 =	rddreg [dreg:$0x10];
	s6 =	sadd.s32 $0x1, s6  }
0x136: {  	p0 =	sne.s32 s6, s3  }
.Ltmp1:
0x137: {  	_ = 	snop;
	(pc) =	sbr.rel @p0 .LBB2_1-.Ltmp1, $3  }
0x138: {  	_ =	sdelay $0x1  }
0x139: {  	[sflag:s13] =	ssyncset.done $0x0;
	[dreg:$0x11] =	wrdreg s6  }
0x13a: {  	[sflag:s13] =	ssyncadd.s32 $0xFFFFE000;
	s6 =	rddreg [dreg:$0x4]  }
0x13b: {  	_ =	sfence.sel $0x180000  }
0x13c: {  	[bflag:$0x0] =	sbarrier.arrive $0xFFFF  }
0x13d: {  	_ =	strace $0x9000004D  }
0x13e: {  	s0 =	stileid.u32;
	[bflag:$0x2] =	sbarrier.arrive $0xFFFF  }
0x13f: {  	p0 =	sne.s32 s0, $0x0;
	s0 =	rddreg [dreg:$0x2]  }
0x140: {  	s0 =	sadd.s32 @!p0 $0x100000, s0  }
0x141: {  	[sflag:s0] =	ssyncadd.tile.s32 @!p0 $0x1;
	_ =	shalt  }
.Lfunc_end2:
_tile_overlayer_lowered:
.L_overlay_start_2:
0x142: {  	(tag) =	ssettag $0x2  }
0x143: {  	s0 =	rddreg [dreg:$0x0];
	s2 =	stileid.u32  }
0x144: {  	s1 =	rddreg [dreg:$0x1];
	p0 =	sne.s32 s2, $0x0  }
0x145: {  	s3 =	rddreg [dreg:$0x2];
	[bflag:$0x3] =	sbarrier.arrive $0xFFFF;
	s2 =	simm.s32 @!p0 $0x1C11  }
0x146: {  	[timem:s3], [sflag:s2] =	dma.local @!p0 [hbm:s0], s1  }
0x147: {  	s0 =	simm.s32 @!p0 $0x11  }
0x148: {  	_ =	swait.ge @!p0 [sflag:s0], s1  }
0x149: {  	s1 =	ssub.s32 @!p0 $0x0, s1;
	[sflag:s0] =	ssyncset.done @!p0 $0x0  }
0x14a: {  	[sflag:s0] =	ssyncadd.s32 @!p0 s1  }
0x14b: {  	[bflag:$0x3] =	sbarrier.arrive $0xFFFF  }
0x14c: {  	_ =	shalt  }

// kernel: kernel.8.cloned.1.call-start
scs
__scs_entry_jumppad:
0x0: {  	(pc) =	sbr.rel $0x88, $3  }
0x1: {  	(tag) =	ssettag $0x0;
	lr =	simm.s32 $0x1  }
0x2: {  	[smem:$0x3F98] =	sst lr;
	_ =	strace $0xD0000000  }
0x3: {  	_ = 	snop  }
0x4: {  	_ = 	snop  }
0x5: {  	_ = 	snop  }
0x6: {  	_ = 	snop  }
0x7: {  	_ = 	snop  }
__scs_overlays_trampoline_lowered:
0x8: {  	[smem:$0x3FA7] =	sst s0  }
0x9: {  	[smem:$0x3FA8] =	sst s1  }
0xa: {  	[smem:$0x3FA9] =	sst s2  }
0xb: {  	[smem:$0x3FAA] =	sst s3  }
0xc: {  	[smem:$0x3FAB] =	sst s4  }
0xd: {  	[smem:$0x3FAC] =	sst s5  }
0xe: {  	[smem:$0x3FAD] =	sst s6  }
0xf: {  	[smem:$0x3FAE] =	sst s7  }
0x10: {  	[smem:$0x3FAF] =	sst s8  }
0x11: {  	[smem:$0x3FB0] =	sst s9;
	s0 =	simm.s32 @!p0 $0x0  }
0x12: {  	s1 =	sld [smem:$0x3F96];
	s0 =	simm.s32 @p0 $0x1  }
0x13: {  	[smem:$0x3FB1] =	sst s0;
	s0 =	simm.s32 @!p1 $0x0  }
0x14: {  	s2 =	sld [smem:$0x3F95];
	s0 =	simm.s32 @p1 $0x1  }
0x15: {  	[smem:$0x3FB2] =	sst s0;
	s0 =	simm.s32 @!p2 $0x0  }
0x16: {  	s3 =	sld [smem:$0x3FDB];
	s0 =	simm.s32 @p2 $0x1  }
0x17: {  	s4 =	simm.s32 $0x1BF5;
	[smem:$0x3FB4] =	sst s0  }
0x18: {  	s0 =	sld [smem:$0x3F97];
	_ =	swait.ge [sflag:s4], $0x0  }
0x19: {  	s7 =	sld [smem:$0x3F98]  }
0x1a: {  	s8 =	sadd.s32 $0xFFFFE003, lr  }
0x1b: {  	s9 =	sadd.s32 $0xFFFFFEF7, lr;
	s5 =	simm.s32 $0xFFFFFFFF;
	p2 =	slt.u32 s8, $0xFFFFF086  }
0x1c: {  	p1 =	slt.u32 s9, $0xF7A;
	s5 =	simm.s32 @!p2 $0x0  }
0x1d: {  	s5 =	simm.s32 @p1 $0x1;
	p0 =	seq.s32 s7, s2  }
0x1e: {  	s7 =	smul.u32 @!p0 $0xF7A, s2;
	p2 =	seq.s32 @!p0 s5, $0x0  }
0x1f: {  	s9 =	smul.u32 $0xF7A, s1;
	s8 =	simm.s32 @!p0 $0x1BF5;
	p2 =	por !p2, p0  }
0x20: {  	[sflag:s8] =	ssyncset.s32 @!p0 $0xFFFFF086;
	s6 =	sadd.s32 @!p0 s3, s7;
	s7 =	simm.s32 @!p0 $0x108  }
0x21: {  	s3 =	sadd.s32 s3, s9;
	s6 =	sadd.s32 @!p0 $0x88, s6;
	s7 =	simm.s32 @p2 $0x1082  }
0x22: {  	[simem:s7], [sflag:s8] =	dma.local @!p0 [hbm:s6], $0xF7A  }
0x23: {  	s9 =	sor.u32 $0xD0000000, s2;
	s6 =	simm.s32 $0x108;
	_ =	swait.ge @!p0 [sflag:s8], $0x0  }
0x24: {  	s3 =	sadd.s32 $0x88, s3;
	s6 =	simm.s32 @!p1 $0x1082;
	[sflag:s4] =	ssyncset.s32 $0xFFFFF086  }
0x25: {  	[simem:s6], [sflag:s4] =	dma.local [hbm:s3], $0xF7A  }
0x26: {  	[smem:$0x3F98] =	sst s1;
	(tag) =	ssettag s2;
	_ =	strace s9  }
0x27: {  	s1 =	sld [smem:$0x3FA8]  }
0x28: {  	s2 =	sld [smem:$0x3FA9]  }
0x29: {  	s4 =	sld [smem:$0x3FAB]  }
0x2a: {  	p0 =	seq.s32 s5, $0x0;
	s5 =	sld [smem:$0x3FAC]  }
0x2b: {  	s6 =	sld [smem:$0x3FAD]  }
0x2c: {  	s7 =	sld [smem:$0x3FAE]  }
0x2d: {  	s3 =	simm.s32 $0x108;
	s8 =	sld [smem:$0x3FAF]  }
0x2e: {  	s3 =	simm.s32 @!p0 $0x1082;
	s9 =	sld [smem:$0x3FB0]  }
0x2f: {  	lr =	sadd.s32 s0, s3;
	s0 =	sld [smem:$0x3FA7]  }
0x30: {  	s3 =	sld [smem:$0x3FAA]  }
0x31: {  	[smem:$0x3FB3] =	sst s10  }
0x32: {  	s10 =	sld [smem:$0x3FB1];
	_ =	sdelay $0x3  }
0x33: {  	p0 =	seq.s32 s10, $0x1;
	s10 =	sld [smem:$0x3FB3];
	_ =	sdelay $0x3  }
0x34: {  	[smem:$0x3FB3] =	sst s10  }
0x35: {  	s10 =	sld [smem:$0x3FB2];
	_ =	sdelay $0x3  }
0x36: {  	p1 =	seq.s32 s10, $0x1;
	s10 =	sld [smem:$0x3FB3];
	_ =	sdelay $0x3  }
0x37: {  	[smem:$0x3FB3] =	sst s10  }
0x38: {  	s10 =	sld [smem:$0x3FB4]  }
0x39: {  	_ = 	snop;
	(pc) =	sbr.ind lr, $3  }
0x3a: {  	_ = 	snop  }
0x3b: {  	_ = 	snop  }
0x3c: {  	p2 =	seq.s32 s10, $0x1;
	s10 =	sld [smem:$0x3FB3]  }
0x3d: {  	_ =	shalt  }
0x3e: {  	_ =	shalt  }
0x3f: {  	_ =	shalt  }
0x40: {  	_ =	shalt  }
0x41: {  	_ =	shalt  }
0x42: {  	_ =	shalt  }
0x43: {  	_ =	shalt  }
0x44: {  	_ =	shalt  }
0x45: {  	_ =	shalt  }
0x46: {  	_ =	shalt  }
0x47: {  	_ =	shalt  }
0x48: {  	_ =	shalt  }
0x49: {  	_ =	shalt  }
0x4a: {  	_ =	shalt  }
0x4b: {  	_ =	shalt  }
0x4c: {  	_ =	shalt  }
0x4d: {  	_ =	shalt  }
0x4e: {  	_ =	shalt  }
0x4f: {  	_ =	shalt  }
0x50: {  	_ =	shalt  }
0x51: {  	_ =	shalt  }
0x52: {  	_ =	shalt  }
0x53: {  	_ =	shalt  }
0x54: {  	_ =	shalt  }
0x55: {  	_ =	shalt  }
0x56: {  	_ =	shalt  }
0x57: {  	_ =	shalt  }
0x58: {  	_ =	shalt  }
0x59: {  	_ =	shalt  }
0x5a: {  	_ =	shalt  }
0x5b: {  	_ =	shalt  }
0x5c: {  	_ =	shalt  }
0x5d: {  	_ =	shalt  }
0x5e: {  	_ =	shalt  }
0x5f: {  	_ =	shalt  }
0x60: {  	_ =	shalt  }
0x61: {  	_ =	shalt  }
0x62: {  	_ =	shalt  }
0x63: {  	_ =	shalt  }
0x64: {  	_ =	shalt  }
0x65: {  	_ =	shalt  }
0x66: {  	_ =	shalt  }
0x67: {  	_ =	shalt  }
0x68: {  	_ =	shalt  }
0x69: {  	_ =	shalt  }
0x6a: {  	_ =	shalt  }
0x6b: {  	_ =	shalt  }
0x6c: {  	_ =	shalt  }
0x6d: {  	_ =	shalt  }
0x6e: {  	_ =	shalt  }
0x6f: {  	_ =	shalt  }
0x70: {  	_ =	shalt  }
0x71: {  	_ =	shalt  }
0x72: {  	_ =	shalt  }
0x73: {  	_ =	shalt  }
0x74: {  	_ =	shalt  }
0x75: {  	_ =	shalt  }
0x76: {  	_ =	shalt  }
0x77: {  	_ =	shalt  }
0x78: {  	_ =	shalt  }
0x79: {  	_ =	shalt  }
0x7a: {  	_ =	shalt  }
0x7b: {  	_ =	shalt  }
0x7c: {  	_ =	shalt  }
0x7d: {  	_ =	shalt  }
0x7e: {  	_ =	shalt  }
0x7f: {  	_ =	shalt  }
0x80: {  	_ =	shalt  }
0x81: {  	_ =	shalt  }
0x82: {  	_ =	shalt  }
0x83: {  	_ =	shalt  }
0x84: {  	_ =	shalt  }
0x85: {  	_ =	shalt  }
0x86: {  	_ =	shalt  }
0x87: {  	_ =	shalt  }
.Lfunc_end0:
.L_simem_size_0:
called_computation_lowered:
.L_overlay_start_0:
0x88: {  	s2 =	sld [smem:$0x3FD9]  }
0x89: {  	s3 =	sld [smem:$0x3FFE];
	_ =	sdelay $0x1  }
0x8a: {  	s1 =	srdreg.scid  }
0x8b: {  	s0 =	sand.u32 $0x1, s1  }
0x8c: {  	s16 =	sshll.u32 s0, $0xA;
	s2 =	sadd.s32 s3, s2  }
0x8d: {  	s2 =	sadd.s32 s2, s16  }
0x8e: {  	[smem:$0x3FBF] =	sst s2  }
0x8f: {  	_ = 	snop  }
0x90: {  	(tm) =	ssettm $0x1  }
0x91: {  	s17 =	sld [smem:$0x3FFB];
	_ =	sdelay $0x3  }
0x92: {  	_ =	strace s17  }
0x93: {  	s2 =	sld [smem:$0x3FFC];
	_ =	sdelay $0x3  }
0x94: {  	_ =	strace s2  }
0x95: {  	s2 =	sld [smem:$0x3FFD];
	_ =	sdelay $0x3  }
0x96: {  	_ =	strace s2  }
0x97: {  	_ =	strace $0x8FFFFFFF  }
0x98: {  	s18 =	sld [smem:$0x3FDB];
	_ =	sdelay $0x1  }
0x99: {  	s19 =	simm.s32 $_scs_section_size  }
0x9a: {  	s4 =	simm.s32 $_size__tile_overlayer_lowered;
	s5 =	simm.s32 $_tile_overlayer_lowered  }
0x9b: {  	s22 =	simm.s32 $0x1BFF;
	s21 =	sshll.u32 s5, $0x1;
	s2 =	sadd.s32 s19, s18  }
0x9c: {  	s6 =	simm.s32 $0x0;
	s20 =	sshll.u32 s4, $0x1;
	s4 =	sadd.s32 s21, s2  }
0x9d: {  	[timem:s6], [sflag:s22] =	dma.local [hbm:s4], s20  }
0x9e: {  	_ =	swait.ge [sflag:s22], s20  }
0x9f: {  	s3 =	ssub.s32 $0x0, s20;
	[sflag:s22] =	ssyncset.done $0x0  }
0xa0: {  	[sflag:s22] =	ssyncadd.s32 s3;
	_ =	sdelay $0x1  }
0xa1: {  	s23 =	simm.s32 $0x1B8B  }
0xa2: {  	_ =	swait.ge [sflag:s23], $0x1  }
0xa3: {  	[sflag:s23] =	ssyncset.done $0x0  }
0xa4: {  	s25 =	simm.s32 $0x1B8E;
	s24 =	sld [smem:$0x3FFE];
	[sflag:s23] =	ssyncadd.s32 $0xFFFFFFFF  }
0xa5: {  	s26 =	simm.s32 $execute0_lowered;
	[smem:$0x3FD2] =	sst s25  }
0xa6: {  	s4 =	sshll.u32 s26, $0x1;
	_ =	strace $0x80000046;
	[dreg:$0x1] =	wrdreg $0xFFFFFFFF  }
0xa7: {  	s28 =	simm.s32 $_size_execute0_lowered;
	s2 =	sadd.s32 s2, s4;
	[dreg:$0x0] =	wrdreg $0x0  }
0xa8: {  	s4 =	sshll.u32 s28, $0x1;
	[dreg:$0x2] =	wrdreg s2  }
0xa9: {  	[dreg:$0x3] =	wrdreg s4  }
0xaa: {  	[dreg:$0x4] =	wrdreg $0xC0  }
0xab: {  	_ =	task [dreg:s6], $0x5FFFF  }
0xac: {  	[dreg:$0x1] =	wrdreg $0xFFFFFFFF  }
0xad: {  	[dreg:$0x0] =	wrdreg $0x60  }
0xae: {  	[dreg:$0x2] =	wrdreg s24  }
0xaf: {  	[dreg:$0x3] =	wrdreg $0x0  }
0xb0: {  	[dreg:$0x4] =	wrdreg $0x9  }
0xb1: {  	_ =	task.clear_ibuf [dreg:s6], $0x5FFFF;
	_ =	strace $0x90000046  }
0xb2: {  	s29 =	simm.s32 $0x9;
	_ =	strace $0x80000048  }
0xb3: {  	_ =	swait.ge [sflag:s29], $0x1  }
0xb4: {  	[sflag:s29] =	ssyncadd.s32 $0xFFFFFFFF  }
0xb5: {  	_ =	strace $0x90000048  }
0xb6: {  	_ =	sfence  }
0xb7: {  	s30 =	sld [smem:$0x0];
	_ =	sdelay $0x2  }
0xb8: {  	s31 =	sshll.u32 s1, $0xD;
	s1 =	sshrl.u32 s1, $0x2  }
0xb9: {  	s3 =	sand.u32 $0x4000, s31;
	s1 =	sadd.s32 s1, s30  }
0xba: {  	s0 =	sor.u32 s3, s0;
	s1 =	sshll.u32 s1, $0x11  }
0xbb: {  	s0 =	sor.u32 s1, s0  }
0xbc: {  	s0 =	sadd.s32 $0x8F2B, s0  }
0xbd: {  	[sflag:s0] =	ssyncadd.remote.s32 $0x1  }
0xbe: {  	_ =	sfence.sel $0xFFFF  }
0xbf: {  	[dreg:$0x0] =	wrdreg $0xFFFFFFFF;
	(pc) =	sbr.abs _section_cstart, $3  }
0xc0: {  	[dreg:$0x1] =	wrdreg $0xFFFFFFFF  }
0xc1: {  	_ =	task.clear_ibuf [dreg:s6], $0x2FFFF;
	_ =	strace $0x9FFFFFFF  }
0xc2: {  	(tm) =	ssettm $0x7FFFFFFF  }
0xc3: {  	_ =	shalt  }
tec
execute0_lowered:
.L_overlay_start_1:
0x0: {  	(tag) =	ssettag $0x1  }
0x1: {  	s0 =	srdreg.scid;
	s7 =	rddreg [dreg:$0x0]  }
0x2: {  	s2 =	rddreg [dreg:$0x1];
	s3 =	simm.s32 $0x0;
	s12 =	simm.s32 $0x2800  }
0x3: {  	s13 =	simm.s32 $0x5000;
	s6 =	sand.u32 $0x1, s0;
	s0 =	stileid.u32  }
0x4: {  	s14 =	simm.s32 $0x80;
	s15 =	simm.s32 $0x1;
	s8 =	smul.u32 $0x500, s0  }
0x5: {  	s16 =	simm.s32 $0x0;
	[smem:$0x7FF] =	sst s3;
	s9 =	smul.u32 $0x5000, s6  }
0x6: {  	s5 =	sadd.s32 $0x16200, s7;
	s1 =	sshll.u32 s6, $0x4;
	s11 =	smul.u32 $0xA000, s0  }
0x7: {  	s6 =	ssub.s32 $0x2, s6;
	s4 =	sor.u32 s0, s1;
	s1 =	rddreg [dreg:$0x2]  }
0x8: {  	_ =	strace $0x80000047;
	s29 =	sshrl.u32 s6, $0x1;
	s4 =	smul.u32 $0x500, s4  }
0x9: {  	s8 =	sadd.s32 s8, s9;
	s30 =	sshrl.u32 s11, $0x2;
	s31 =	ssub.s32 s6, s29  }
0xa: {  	s11 =	simm.s32 $0x2;
	s8 =	sadd.s32 s8, s7;
	s6 =	sadd.s32 s30, s2  }
0xb: {  	s9 =	smax.u32 s31, $0x1;
	s10 =	sadd.s32 s4, s7;
	s4 =	sadd.s32 $0x16800, s7  }
0xc: {  	s8 =	sadd.s32 $0x16A00, s8;
	s7 =	sadd.s32 $0x2200, s10;
	s10 =	simm.s32 $0x5800  }
.LBB2_1:
0xd: {  	[tilespmem:s10], [sflag:$0x2] =	stream.linear.gather [hbm4b:s5+s3], $0x2800, $0x38;
	[tilespmem:$0x8000] =	vst v63  }
0xe: {  	_ =	swait.ge [sflag:s11], $0x2800  }
0xf: {  	[sflag:s11] =	ssyncset.done $0x0  }
0x10: {  	[sflag:s11] =	ssyncadd.s32 $0xFFFFD800  }
0x11: {  	[spmem:s6] =	stream.linear.scatter [tilespmem:s10], [sflag:$0x2], $0x2800, $0x38;
	[tilespmem:$0x8000] =	vst v63  }
0x12: {  	_ =	swait.ge [sflag:s11], $0x2800  }
0x13: {  	[sflag:s11] =	ssyncset.done $0x0  }
0x14: {  	[sflag:s11] =	ssyncadd.s32 $0xFFFFD800  }
0x15: {  	[tilespmem:s12], [sflag:$0x2] =	stream.linear.gather [hbm4b:s7+s3], $0x2800, $0x38;
	[tilespmem:$0x8000] =	vst v63  }
0x16: {  	_ =	swait.ge [sflag:s11], $0x2800  }
0x17: {  	[sflag:s11] =	ssyncset.done $0x0  }
0x18: {  	[sflag:s11] =	ssyncadd.s32 $0xFFFFD800  }
0x19: {  	[tilespmem:s13], [sflag:$0x2] =	stream.linear.gather [hbm4b:s4+s3], $0x800, $0x38;
	[tilespmem:$0x8000] =	vst v63  }
0x1a: {  	_ =	swait.ge [sflag:s11], $0x800  }
0x1b: {  	[sflag:s11] =	ssyncset.done $0x0  }
0x1c: {  	[sflag:s11] =	ssyncadd.s32 $0xFFFFF800  }
0x1d: {  	s17 =	simm.s32 $0x2800;
	[bflag:$0x0] =	sbarrier.arrive $0xFFFF  }
0x1e: {  	[spmem:s2] =	stream.indirect.scatter.add.f32 [tilespmem:s13], [sflag:$0x1], $0x10, s17, s14, $0xb8;
	[tilespmem:$0x8000] =	vst v63  }
0x1f: {  	s30 =	simm.s32 $0x2880  }
0x20: {  	[spmem:s2] =	stream.indirect.scatter.add.f32 [tilespmem:s13], [sflag:$0x1], $0x10, s30, s14, $0xb8;
	[tilespmem:$0x8000] =	vst v63  }
0x21: {  	s31 =	simm.s32 $0x2900  }
0x22: {  	[spmem:s2] =	stream.indirect.scatter.add.f32 [tilespmem:s13], [sflag:$0x1], $0x10, s31, s14, $0xb8;
	[tilespmem:$0x8000] =	vst v63  }
0x23: {  	s18 =	simm.s32 $0x2980  }
0x24: {  	[spmem:s2] =	stream.indirect.scatter.add.f32 [tilespmem:s13], [sflag:$0x1], $0x10, s18, s14, $0xb8;
	[tilespmem:$0x8000] =	vst v63  }
0x25: {  	s19 =	simm.s32 $0x2A00  }
0x26: {  	[spmem:s2] =	stream.indirect.scatter.add.f32 [tilespmem:s13], [sflag:$0x1], $0x10, s19, s14, $0xb8;
	[tilespmem:$0x8000] =	vst v63  }
0x27: {  	s20 =	simm.s32 $0x2A80  }
0x28: {  	[spmem:s2] =	stream.indirect.scatter.add.f32 [tilespmem:s13], [sflag:$0x1], $0x10, s20, s14, $0xb8;
	[tilespmem:$0x8000] =	vst v63  }
0x29: {  	s21 =	simm.s32 $0x2B00  }
0x2a: {  	[spmem:s2] =	stream.indirect.scatter.add.f32 [tilespmem:s13], [sflag:$0x1], $0x10, s21, s14, $0xb8;
	[tilespmem:$0x8000] =	vst v63  }
0x2b: {  	s22 =	simm.s32 $0x2B80  }
0x2c: {  	[spmem:s2] =	stream.indirect.scatter.add.f32 [tilespmem:s13], [sflag:$0x1], $0x10, s22, s14, $0xb8;
	[tilespmem:$0x8000] =	vst v63  }
0x2d: {  	s23 =	simm.s32 $0x2C00  }
0x2e: {  	[spmem:s2] =	stream.indirect.scatter.add.f32 [tilespmem:s13], [sflag:$0x1], $0x10, s23, s14, $0xb8;
	[tilespmem:$0x8000] =	vst v63  }
0x2f: {  	s24 =	simm.s32 $0x2C80  }
0x30: {  	[spmem:s2] =	stream.indirect.scatter.add.f32 [tilespmem:s13], [sflag:$0x1], $0x10, s24, s14, $0xb8;
	[tilespmem:$0x8000] =	vst v63  }
0x31: {  	s25 =	simm.s32 $0x2D00  }
0x32: {  	[spmem:s2] =	stream.indirect.scatter.add.f32 [tilespmem:s13], [sflag:$0x1], $0x10, s25, s14, $0xb8;
	[tilespmem:$0x8000] =	vst v63  }
0x33: {  	s26 =	simm.s32 $0x2D80  }
0x34: {  	[spmem:s2] =	stream.indirect.scatter.add.f32 [tilespmem:s13], [sflag:$0x1], $0x10, s26, s14, $0xb8;
	[tilespmem:$0x8000] =	vst v63  }
0x35: {  	s28 =	simm.s32 $0x2E00  }
0x36: {  	[spmem:s2] =	stream.indirect.scatter.add.f32 [tilespmem:s13], [sflag:$0x1], $0x10, s28, s14, $0xb8;
	[tilespmem:$0x8000] =	vst v63  }
0x37: {  	s29 =	simm.s32 $0x2E80  }
0x38: {  	[spmem:s2] =	stream.indirect.scatter.add.f32 [tilespmem:s13], [sflag:$0x1], $0x10, s29, s14, $0xb8;
	[tilespmem:$0x8000] =	vst v63  }
0x39: {  	s30 =	simm.s32 $0x2F00  }
0x3a: {  	[spmem:s2] =	stream.indirect.scatter.add.f32 [tilespmem:s13], [sflag:$0x1], $0x10, s30, s14, $0xb8;
	[tilespmem:$0x8000] =	vst v63  }
0x3b: {  	s31 =	simm.s32 $0x2F80  }
0x3c: {  	[spmem:s2] =	stream.indirect.scatter.add.f32 [tilespmem:s13], [sflag:$0x1], $0x10, s31, s14, $0xb8;
	[tilespmem:$0x8000] =	vst v63  }
0x3d: {  	_ =	swait.ge [sflag:s15], $0x800  }
0x3e: {  	[sflag:s15] =	ssyncset.done $0x0  }
0x3f: {  	[sflag:s15] =	ssyncadd.s32 $0xFFFFF800  }
0x40: {  	_ =	swait.ge [sflag:s15], $0x800  }
0x41: {  	[sflag:s15] =	ssyncset.done $0x0  }
0x42: {  	[sflag:s15] =	ssyncadd.s32 $0xFFFFF800  }
0x43: {  	_ =	swait.ge [sflag:s15], $0x800  }
0x44: {  	[sflag:s15] =	ssyncset.done $0x0  }
0x45: {  	[sflag:s15] =	ssyncadd.s32 $0xFFFFF800  }
0x46: {  	_ =	swait.ge [sflag:s15], $0x800  }
0x47: {  	[sflag:s15] =	ssyncset.done $0x0  }
0x48: {  	[sflag:s15] =	ssyncadd.s32 $0xFFFFF800  }
0x49: {  	_ =	swait.ge [sflag:s15], $0x800  }
0x4a: {  	[sflag:s15] =	ssyncset.done $0x0  }
0x4b: {  	[sflag:s15] =	ssyncadd.s32 $0xFFFFF800  }
0x4c: {  	_ =	swait.ge [sflag:s15], $0x800  }
0x4d: {  	[sflag:s15] =	ssyncset.done $0x0  }
0x4e: {  	[sflag:s15] =	ssyncadd.s32 $0xFFFFF800  }
0x4f: {  	_ =	swait.ge [sflag:s15], $0x800  }
0x50: {  	[sflag:s15] =	ssyncset.done $0x0  }
0x51: {  	[sflag:s15] =	ssyncadd.s32 $0xFFFFF800  }
0x52: {  	_ =	swait.ge [sflag:s15], $0x800  }
0x53: {  	[sflag:s15] =	ssyncset.done $0x0  }
0x54: {  	[sflag:s15] =	ssyncadd.s32 $0xFFFFF800  }
0x55: {  	_ =	swait.ge [sflag:s15], $0x800  }
0x56: {  	[sflag:s15] =	ssyncset.done $0x0  }
0x57: {  	[sflag:s15] =	ssyncadd.s32 $0xFFFFF800  }
0x58: {  	_ =	swait.ge [sflag:s15], $0x800  }
0x59: {  	[sflag:s15] =	ssyncset.done $0x0  }
0x5a: {  	[sflag:s15] =	ssyncadd.s32 $0xFFFFF800  }
0x5b: {  	_ =	swait.ge [sflag:s15], $0x800  }
0x5c: {  	[sflag:s15] =	ssyncset.done $0x0  }
0x5d: {  	[sflag:s15] =	ssyncadd.s32 $0xFFFFF800  }
0x5e: {  	_ =	swait.ge [sflag:s15], $0x800  }
0x5f: {  	[sflag:s15] =	ssyncset.done $0x0  }
0x60: {  	[sflag:s15] =	ssyncadd.s32 $0xFFFFF800  }
0x61: {  	_ =	swait.ge [sflag:s15], $0x800  }
0x62: {  	[sflag:s15] =	ssyncset.done $0x0  }
0x63: {  	[sflag:s15] =	ssyncadd.s32 $0xFFFFF800  }
0x64: {  	_ =	swait.ge [sflag:s15], $0x800  }
0x65: {  	[sflag:s15] =	ssyncset.done $0x0  }
0x66: {  	[sflag:s15] =	ssyncadd.s32 $0xFFFFF800  }
0x67: {  	_ =	swait.ge [sflag:s15], $0x800  }
0x68: {  	[sflag:s15] =	ssyncset.done $0x0  }
0x69: {  	[sflag:s15] =	ssyncadd.s32 $0xFFFFF800  }
0x6a: {  	_ =	swait.ge [sflag:s15], $0x800  }
0x6b: {  	s19 =	simm.s32 $0x800;
	s20 =	simm.s32 $0x4000;
	[sflag:s15] =	ssyncset.done $0x0  }
.LBB2_2:
0x6c: {  	s21 =	sadd.s32 $0x2800, s19  }
0x6d: {  	[sflag:s15] =	ssyncadd.s32 $0xFFFFF800;
	s18 =	smov.u32 s20;
	s17 =	sadd.s32 $0x2000, s20  }
0x6e: {  	[spmem:s2] =	stream.indirect.scatter.add.f32 [tilespmem:s13], [sflag:$0x1], $0x10, s21, s14, $0xb8;
	[tilespmem:$0x8000] =	vst v63  }
0x6f: {  	p0 =	sne.s32 s20, $0x8000;
	s20 =	sadd.s32 $0x2880, s19  }
0x70: {  	[spmem:s2] =	stream.indirect.scatter.add.f32 [tilespmem:s13], [sflag:$0x1], $0x10, s20, s14, $0xb8;
	[tilespmem:$0x8000] =	vst v63  }
0x71: {  	s20 =	sadd.s32 $0x2900, s19  }
0x72: {  	[spmem:s2] =	stream.indirect.scatter.add.f32 [tilespmem:s13], [sflag:$0x1], $0x10, s20, s14, $0xb8;
	[tilespmem:$0x8000] =	vst v63  }
0x73: {  	s20 =	sadd.s32 $0x2980, s19  }
0x74: {  	[spmem:s2] =	stream.indirect.scatter.add.f32 [tilespmem:s13], [sflag:$0x1], $0x10, s20, s14, $0xb8;
	[tilespmem:$0x8000] =	vst v63  }
0x75: {  	s20 =	sadd.s32 $0x2A00, s19  }
0x76: {  	[spmem:s2] =	stream.indirect.scatter.add.f32 [tilespmem:s13], [sflag:$0x1], $0x10, s20, s14, $0xb8;
	[tilespmem:$0x8000] =	vst v63  }
0x77: {  	s20 =	sadd.s32 $0x2A80, s19  }
0x78: {  	[spmem:s2] =	stream.indirect.scatter.add.f32 [tilespmem:s13], [sflag:$0x1], $0x10, s20, s14, $0xb8;
	[tilespmem:$0x8000] =	vst v63  }
0x79: {  	s20 =	sadd.s32 $0x2B00, s19  }
0x7a: {  	[spmem:s2] =	stream.indirect.scatter.add.f32 [tilespmem:s13], [sflag:$0x1], $0x10, s20, s14, $0xb8;
	[tilespmem:$0x8000] =	vst v63  }
0x7b: {  	s20 =	sadd.s32 $0x2B80, s19  }
0x7c: {  	[spmem:s2] =	stream.indirect.scatter.add.f32 [tilespmem:s13], [sflag:$0x1], $0x10, s20, s14, $0xb8;
	[tilespmem:$0x8000] =	vst v63  }
0x7d: {  	s20 =	sadd.s32 $0x2C00, s19  }
0x7e: {  	[spmem:s2] =	stream.indirect.scatter.add.f32 [tilespmem:s13], [sflag:$0x1], $0x10, s20, s14, $0xb8;
	[tilespmem:$0x8000] =	vst v63  }
0x7f: {  	s20 =	sadd.s32 $0x2C80, s19  }
0x80: {  	[spmem:s2] =	stream.indirect.scatter.add.f32 [tilespmem:s13], [sflag:$0x1], $0x10, s20, s14, $0xb8;
	[tilespmem:$0x8000] =	vst v63  }
0x81: {  	s20 =	sadd.s32 $0x2D00, s19  }
0x82: {  	[spmem:s2] =	stream.indirect.scatter.add.f32 [tilespmem:s13], [sflag:$0x1], $0x10, s20, s14, $0xb8;
	[tilespmem:$0x8000] =	vst v63  }
0x83: {  	s20 =	sadd.s32 $0x2D80, s19  }
0x84: {  	[spmem:s2] =	stream.indirect.scatter.add.f32 [tilespmem:s13], [sflag:$0x1], $0x10, s20, s14, $0xb8;
	[tilespmem:$0x8000] =	vst v63  }
0x85: {  	s20 =	sadd.s32 $0x2E00, s19  }
0x86: {  	[spmem:s2] =	stream.indirect.scatter.add.f32 [tilespmem:s13], [sflag:$0x1], $0x10, s20, s14, $0xb8;
	[tilespmem:$0x8000] =	vst v63  }
0x87: {  	s20 =	sadd.s32 $0x2E80, s19  }
0x88: {  	[spmem:s2] =	stream.indirect.scatter.add.f32 [tilespmem:s13], [sflag:$0x1], $0x10, s20, s14, $0xb8;
	[tilespmem:$0x8000] =	vst v63  }
0x89: {  	s20 =	sadd.s32 $0x2F00, s19  }
0x8a: {  	[spmem:s2] =	stream.indirect.scatter.add.f32 [tilespmem:s13], [sflag:$0x1], $0x10, s20, s14, $0xb8;
	[tilespmem:$0x8000] =	vst v63  }
0x8b: {  	s19 =	sadd.s32 $0x2F80, s19  }
0x8c: {  	[spmem:s2] =	stream.indirect.scatter.add.f32 [tilespmem:s13], [sflag:$0x1], $0x10, s19, s14, $0xb8;
	[tilespmem:$0x8000] =	vst v63  }
0x8d: {  	_ =	swait.ge [sflag:s15], $0x800  }
0x8e: {  	[sflag:s15] =	ssyncset.done $0x0  }
0x8f: {  	[sflag:s15] =	ssyncadd.s32 $0xFFFFF800  }
0x90: {  	_ =	swait.ge [sflag:s15], $0x800  }
0x91: {  	[sflag:s15] =	ssyncset.done $0x0  }
0x92: {  	[sflag:s15] =	ssyncadd.s32 $0xFFFFF800  }
0x93: {  	_ =	swait.ge [sflag:s15], $0x800  }
0x94: {  	[sflag:s15] =	ssyncset.done $0x0  }
0x95: {  	[sflag:s15] =	ssyncadd.s32 $0xFFFFF800  }
0x96: {  	_ =	swait.ge [sflag:s15], $0x800  }
0x97: {  	[sflag:s15] =	ssyncset.done $0x0  }
0x98: {  	[sflag:s15] =	ssyncadd.s32 $0xFFFFF800  }
0x99: {  	_ =	swait.ge [sflag:s15], $0x800  }
0x9a: {  	[sflag:s15] =	ssyncset.done $0x0  }
0x9b: {  	[sflag:s15] =	ssyncadd.s32 $0xFFFFF800  }
0x9c: {  	_ =	swait.ge [sflag:s15], $0x800  }
0x9d: {  	[sflag:s15] =	ssyncset.done $0x0  }
0x9e: {  	[sflag:s15] =	ssyncadd.s32 $0xFFFFF800  }
0x9f: {  	_ =	swait.ge [sflag:s15], $0x800  }
0xa0: {  	[sflag:s15] =	ssyncset.done $0x0  }
0xa1: {  	[sflag:s15] =	ssyncadd.s32 $0xFFFFF800  }
0xa2: {  	_ =	swait.ge [sflag:s15], $0x800  }
0xa3: {  	[sflag:s15] =	ssyncset.done $0x0  }
0xa4: {  	[sflag:s15] =	ssyncadd.s32 $0xFFFFF800  }
0xa5: {  	_ =	swait.ge [sflag:s15], $0x800  }
0xa6: {  	[sflag:s15] =	ssyncset.done $0x0  }
0xa7: {  	[sflag:s15] =	ssyncadd.s32 $0xFFFFF800  }
0xa8: {  	_ =	swait.ge [sflag:s15], $0x800  }
0xa9: {  	[sflag:s15] =	ssyncset.done $0x0  }
0xaa: {  	[sflag:s15] =	ssyncadd.s32 $0xFFFFF800  }
0xab: {  	_ =	swait.ge [sflag:s15], $0x800  }
0xac: {  	[sflag:s15] =	ssyncset.done $0x0  }
0xad: {  	[sflag:s15] =	ssyncadd.s32 $0xFFFFF800  }
0xae: {  	_ =	swait.ge [sflag:s15], $0x800  }
0xaf: {  	[sflag:s15] =	ssyncset.done $0x0  }
0xb0: {  	[sflag:s15] =	ssyncadd.s32 $0xFFFFF800  }
0xb1: {  	_ =	swait.ge [sflag:s15], $0x800  }
0xb2: {  	[sflag:s15] =	ssyncset.done $0x0  }
0xb3: {  	[sflag:s15] =	ssyncadd.s32 $0xFFFFF800  }
0xb4: {  	_ =	swait.ge [sflag:s15], $0x800  }
0xb5: {  	[sflag:s15] =	ssyncset.done $0x0  }
0xb6: {  	[sflag:s15] =	ssyncadd.s32 $0xFFFFF800  }
.Ltmp0:
0xb7: {  	_ =	swait.ge [sflag:s15], $0x800;
	(pc) =	sbr.rel @p0 .LBB2_2-.Ltmp0, $4  }
0xb8: {  	[sflag:s15] =	ssyncset.done $0x0  }
0xb9: {  	[sflag:s15] =	ssyncadd.s32 $0xFFFFF800  }
0xba: {  	_ =	swait.ge [sflag:s15], $0x800  }
0xbb: {  	s20 =	smov.u32 s17;
	s19 =	sshra.s32 s18, $0x2;
	[sflag:s15] =	ssyncset.done $0x0  }
0xbc: {  	s17 =	sadd.s32 $0x2800, s19;
	[sflag:s15] =	ssyncadd.s32 $0xFFFFF800  }
0xbd: {  	[spmem:s2] =	stream.indirect.scatter.add.f32 [tilespmem:s13], [sflag:$0x1], $0x10, s17, s14, $0xb8;
	[tilespmem:$0x8000] =	vst v63  }
0xbe: {  	s29 =	sadd.s32 $0x2880, s19  }
0xbf: {  	[spmem:s2] =	stream.indirect.scatter.add.f32 [tilespmem:s13], [sflag:$0x1], $0x10, s29, s14, $0xb8;
	[tilespmem:$0x8000] =	vst v63  }
0xc0: {  	s30 =	sadd.s32 $0x2900, s19  }
0xc1: {  	[spmem:s2] =	stream.indirect.scatter.add.f32 [tilespmem:s13], [sflag:$0x1], $0x10, s30, s14, $0xb8;
	[tilespmem:$0x8000] =	vst v63  }
0xc2: {  	s31 =	sadd.s32 $0x2980, s19  }
0xc3: {  	[spmem:s2] =	stream.indirect.scatter.add.f32 [tilespmem:s13], [sflag:$0x1], $0x10, s31, s14, $0xb8;
	[tilespmem:$0x8000] =	vst v63  }
0xc4: {  	s18 =	sadd.s32 $0x2A00, s19  }
0xc5: {  	[spmem:s2] =	stream.indirect.scatter.add.f32 [tilespmem:s13], [sflag:$0x1], $0x10, s18, s14, $0xb8;
	[tilespmem:$0x8000] =	vst v63  }
0xc6: {  	s20 =	sadd.s32 $0x2A80, s19  }
0xc7: {  	[spmem:s2] =	stream.indirect.scatter.add.f32 [tilespmem:s13], [sflag:$0x1], $0x10, s20, s14, $0xb8;
	[tilespmem:$0x8000] =	vst v63  }
0xc8: {  	s21 =	sadd.s32 $0x2B00, s19  }
0xc9: {  	[spmem:s2] =	stream.indirect.scatter.add.f32 [tilespmem:s13], [sflag:$0x1], $0x10, s21, s14, $0xb8;
	[tilespmem:$0x8000] =	vst v63  }
0xca: {  	s22 =	sadd.s32 $0x2B80, s19  }
0xcb: {  	[spmem:s2] =	stream.indirect.scatter.add.f32 [tilespmem:s13], [sflag:$0x1], $0x10, s22, s14, $0xb8;
	[tilespmem:$0x8000] =	vst v63  }
0xcc: {  	s23 =	sadd.s32 $0x2C00, s19  }
0xcd: {  	[spmem:s2] =	stream.indirect.scatter.add.f32 [tilespmem:s13], [sflag:$0x1], $0x10, s23, s14, $0xb8;
	[tilespmem:$0x8000] =	vst v63  }
0xce: {  	s24 =	sadd.s32 $0x2C80, s19  }
0xcf: {  	[spmem:s2] =	stream.indirect.scatter.add.f32 [tilespmem:s13], [sflag:$0x1], $0x10, s24, s14, $0xb8;
	[tilespmem:$0x8000] =	vst v63  }
0xd0: {  	s25 =	sadd.s32 $0x2D00, s19  }
0xd1: {  	[spmem:s2] =	stream.indirect.scatter.add.f32 [tilespmem:s13], [sflag:$0x1], $0x10, s25, s14, $0xb8;
	[tilespmem:$0x8000] =	vst v63  }
0xd2: {  	s26 =	sadd.s32 $0x2D80, s19  }
0xd3: {  	[spmem:s2] =	stream.indirect.scatter.add.f32 [tilespmem:s13], [sflag:$0x1], $0x10, s26, s14, $0xb8;
	[tilespmem:$0x8000] =	vst v63  }
0xd4: {  	s28 =	sadd.s32 $0x2E00, s19  }
0xd5: {  	[spmem:s2] =	stream.indirect.scatter.add.f32 [tilespmem:s13], [sflag:$0x1], $0x10, s28, s14, $0xb8;
	[tilespmem:$0x8000] =	vst v63  }
0xd6: {  	s29 =	sadd.s32 $0x2E80, s19  }
0xd7: {  	[spmem:s2] =	stream.indirect.scatter.add.f32 [tilespmem:s13], [sflag:$0x1], $0x10, s29, s14, $0xb8;
	[tilespmem:$0x8000] =	vst v63  }
0xd8: {  	s30 =	sadd.s32 $0x2F00, s19  }
0xd9: {  	[spmem:s2] =	stream.indirect.scatter.add.f32 [tilespmem:s13], [sflag:$0x1], $0x10, s30, s14, $0xb8;
	[tilespmem:$0x8000] =	vst v63  }
0xda: {  	s31 =	sadd.s32 $0x2F80, s19  }
0xdb: {  	[spmem:s2] =	stream.indirect.scatter.add.f32 [tilespmem:s13], [sflag:$0x1], $0x10, s31, s14, $0xb8;
	[tilespmem:$0x8000] =	vst v63  }
0xdc: {  	_ =	swait.ge [sflag:s15], $0x800  }
0xdd: {  	[sflag:s15] =	ssyncset.done $0x0  }
0xde: {  	[sflag:s15] =	ssyncadd.s32 $0xFFFFF800  }
0xdf: {  	_ =	swait.ge [sflag:s15], $0x800  }
0xe0: {  	[sflag:s15] =	ssyncset.done $0x0  }
0xe1: {  	[sflag:s15] =	ssyncadd.s32 $0xFFFFF800  }
0xe2: {  	_ =	swait.ge [sflag:s15], $0x800  }
0xe3: {  	[sflag:s15] =	ssyncset.done $0x0  }
0xe4: {  	[sflag:s15] =	ssyncadd.s32 $0xFFFFF800  }
0xe5: {  	_ =	swait.ge [sflag:s15], $0x800  }
0xe6: {  	[sflag:s15] =	ssyncset.done $0x0  }
0xe7: {  	[sflag:s15] =	ssyncadd.s32 $0xFFFFF800  }
0xe8: {  	_ =	swait.ge [sflag:s15], $0x800  }
0xe9: {  	[sflag:s15] =	ssyncset.done $0x0  }
0xea: {  	[sflag:s15] =	ssyncadd.s32 $0xFFFFF800  }
0xeb: {  	_ =	swait.ge [sflag:s15], $0x800  }
0xec: {  	[sflag:s15] =	ssyncset.done $0x0  }
0xed: {  	[sflag:s15] =	ssyncadd.s32 $0xFFFFF800  }
0xee: {  	_ =	swait.ge [sflag:s15], $0x800  }
0xef: {  	[sflag:s15] =	ssyncset.done $0x0  }
0xf0: {  	[sflag:s15] =	ssyncadd.s32 $0xFFFFF800  }
0xf1: {  	_ =	swait.ge [sflag:s15], $0x800  }
0xf2: {  	[sflag:s15] =	ssyncset.done $0x0  }
0xf3: {  	[sflag:s15] =	ssyncadd.s32 $0xFFFFF800  }
0xf4: {  	_ =	swait.ge [sflag:s15], $0x800  }
0xf5: {  	[sflag:s15] =	ssyncset.done $0x0  }
0xf6: {  	[sflag:s15] =	ssyncadd.s32 $0xFFFFF800  }
0xf7: {  	_ =	swait.ge [sflag:s15], $0x800  }
0xf8: {  	[sflag:s15] =	ssyncset.done $0x0  }
0xf9: {  	[sflag:s15] =	ssyncadd.s32 $0xFFFFF800  }
0xfa: {  	_ =	swait.ge [sflag:s15], $0x800  }
0xfb: {  	[sflag:s15] =	ssyncset.done $0x0  }
0xfc: {  	[sflag:s15] =	ssyncadd.s32 $0xFFFFF800  }
0xfd: {  	_ =	swait.ge [sflag:s15], $0x800  }
0xfe: {  	[sflag:s15] =	ssyncset.done $0x0  }
0xff: {  	[sflag:s15] =	ssyncadd.s32 $0xFFFFF800  }
0x100: {  	_ =	swait.ge [sflag:s15], $0x800  }
0x101: {  	[sflag:s15] =	ssyncset.done $0x0  }
0x102: {  	[sflag:s15] =	ssyncadd.s32 $0xFFFFF800  }
0x103: {  	_ =	swait.ge [sflag:s15], $0x800  }
0x104: {  	[sflag:s15] =	ssyncset.done $0x0  }
0x105: {  	[sflag:s15] =	ssyncadd.s32 $0xFFFFF800  }
0x106: {  	_ =	swait.ge [sflag:s15], $0x800  }
0x107: {  	[sflag:s15] =	ssyncset.done $0x0  }
0x108: {  	[sflag:s15] =	ssyncadd.s32 $0xFFFFF800  }
0x109: {  	_ =	swait.ge [sflag:s15], $0x800  }
0x10a: {  	[sflag:s15] =	ssyncset.done $0x0  }
0x10b: {  	[sflag:s15] =	ssyncadd.s32 $0xFFFFF800  }
0x10c: {  	[bflag:$0x0] =	sbarrier.arrive $0xFFFF  }
0x10d: {  	[tilespmem:s10], [sflag:$0x2] =	stream.linear.gather [spmem:s6], $0x2800, $0x38;
	[tilespmem:$0x8000] =	vst v63  }
0x10e: {  	s16 =	sadd.s32 $0x1, s16;
	_ =	swait.ge [sflag:s11], $0x2800  }
0x10f: {  	p0 =	sne.s32 s16, s9;
	[sflag:s11] =	ssyncset.done $0x0  }
.Ltmp1:
0x110: {  	[sflag:s11] =	ssyncadd.s32 $0xFFFFD800;
	(pc) =	sbr.rel @p0 .LBB2_1-.Ltmp1, $4  }
0x111: {  	[hbm4b:s8+s3] =	stream.linear.scatter [tilespmem:s10], [sflag:$0x2], $0x2800, $0x38;
	[tilespmem:$0x8000] =	vst v63  }
0x112: {  	_ =	swait.ge [sflag:s11], $0x2800  }
0x113: {  	[sflag:s11] =	ssyncset.done $0x0  }
0x114: {  	[sflag:s11] =	ssyncadd.s32 $0xFFFFD800  }
0x115: {  	_ =	sfence.sel $0x180000  }
0x116: {  	[bflag:$0x0] =	sbarrier.arrive $0xFFFF  }
0x117: {  	p0 =	sne.s32 s0, $0x0;
	_ =	strace $0x90000047  }
0x118: {  	s0 =	sadd.s32 @!p0 $0x100000, s1;
	[bflag:$0x2] =	sbarrier.arrive $0xFFFF  }
0x119: {  	[sflag:s0] =	ssyncadd.tile.s32 @!p0 $0x1;
	_ =	shalt  }
.Lfunc_end2:
_tile_overlayer_lowered:
.L_overlay_start_2:
0x11a: {  	(tag) =	ssettag $0x2  }
0x11b: {  	s0 =	rddreg [dreg:$0x0];
	s2 =	stileid.u32  }
0x11c: {  	s1 =	rddreg [dreg:$0x1];
	p0 =	sne.s32 s2, $0x0  }
0x11d: {  	s3 =	rddreg [dreg:$0x2];
	[bflag:$0x3] =	sbarrier.arrive $0xFFFF;
	s2 =	simm.s32 @!p0 $0x1C02  }
0x11e: {  	[timem:s3], [sflag:s2] =	dma.local @!p0 [hbm:s0], s1  }
0x11f: {  	s0 =	simm.s32 @!p0 $0x2  }
0x120: {  	_ =	swait.ge @!p0 [sflag:s0], s1  }
0x121: {  	s1 =	ssub.s32 @!p0 $0x0, s1;
	[sflag:s0] =	ssyncset.done @!p0 $0x0  }
0x122: {  	[sflag:s0] =	ssyncadd.s32 @!p0 s1  }
0x123: {  	[bflag:$0x3] =	sbarrier.arrive $0xFFFF  }
0x124: {  	_ =	shalt  }

</sc_bundles>
